<compile_context>
chip_gen: v7x
topology: tpu7x:2x2x1
jax: 0.10.2.dev20260603
libtpu: 0.0.44.dev20260713+nightly
codegen_flags: <defaults>
</compile_context>

<pallas_src>
import functools

import jax
import jax.numpy as jnp
from jax import lax
from jax.experimental import pallas as pl
from jax.experimental.pallas import tpu as pltpu
from jax.experimental.pallas import tpu_sc as plsc

K_NN = 9
BIG = 1e30
SEG_W = 256
TILE = 4096
QBLK = 256


def _phase1_kernel(patch_ref, bank_ref, dist_ref, segmin_ref, b2_ref, *,
                   n_rows, tile):
    i = pl.program_id(0)
    j = pl.program_id(1)
    q = patch_ref[...]
    b = bank_ref[...]

    @pl.when(j == 0)
    def _b2():
        ones = jnp.ones((1, b.shape[1]), jnp.float32)
        b2_ref[...] = lax.dot_general(ones, b * b, (((1,), (1,)), ((), ())),
                                      preferred_element_type=jnp.float32)

    b2 = b2_ref[...]
    q2 = jnp.sum(q * q, axis=1, keepdims=True)
    dot = lax.dot_general(q, b, (((1,), (1,)), ((), ())),
                          preferred_element_type=jnp.float32)
    d2 = q2 + (b2 - 2.0 * dot)
    n_full = n_rows // tile

    @pl.when(i >= n_full)
    def _mask():
        col = lax.broadcasted_iota(jnp.int32, d2.shape, 1) + i * tile
        dist_ref[...] = jnp.where(col < n_rows, d2, BIG)

    @pl.when(i < n_full)
    def _store():
        dist_ref[...] = d2

    d = dist_ref[...]
    segs = [jnp.min(d[:, g * SEG_W:(g + 1) * SEG_W], axis=1, keepdims=True)
            for g in range(tile // SEG_W)]
    segmin_ref[...] = jnp.concatenate(segs, axis=1)[None]


def _phase2_kernel(dist_flat, segmin_flat, out_hbm, seg_v, gath_v, out_v,
                   r2_v, sem, *, n_seg, n_q):
    seg_c = n_seg // 16
    wid = lax.axis_index("s") * 2 + lax.axis_index("c")
    q0 = wid * 16
    iota16 = lax.iota(jnp.int32, 16)

    seg_copies = [
        pltpu.async_copy(
            segmin_flat.at[pl.ds((c * n_q + q0) * 16, 256)],
            seg_v.at[pl.ds(c * 256, 256)], sem)
        for c in range(seg_c)
    ]
    for cp in seg_copies:
        cp.wait()

    def one_query(qi, _):
        def merge2(a, b):
            ak, av = a
            bk, bv = b
            bkr = lax.rev(bk, (0,))
            bvr = lax.rev(bv, (0,))
            mk = jnp.minimum(ak, bkr)
            mv = jnp.where(bkr < ak, bvr, av)
            return tuple(plsc.sort_key_val(mk, mv))

        runs = [tuple(plsc.sort_key_val(seg_v[pl.ds(c * 256 + qi * 16, 16)],
                                        iota16 + c * 16))
                for c in range(seg_c)]
        while len(runs) > 1:
            nxt = [merge2(runs[t], runs[t + 1])
                   for t in range(0, len(runs) - 1, 2)]
            if len(runs) % 2:
                nxt.append(runs[-1])
            runs = nxt
        rk, rv = runs[0]
        thr = jnp.max(jnp.where(iota16 == 8, rk, -BIG), axis=0)

        copies = []
        for j in range(K_NN):
            seg_j = jnp.max(jnp.where(iota16 == j, rv, -1), axis=0)
            copies.append(pltpu.async_copy(
                dist_flat.at[q0 + qi, pl.ds(seg_j * SEG_W, SEG_W)],
                gath_v.at[pl.ds(j * SEG_W, SEG_W)], sem))
        for c in copies:
            c.wait()

        r2_v[...] = jnp.full((16,), BIG, jnp.float32)
        for j in range(K_NN):
            for w4 in range(SEG_W // 128):
                ks4 = [gath_v[pl.ds(j * SEG_W + w4 * 128 + u * 16, 16)]
                       for u in range(8)]
                gmin = ks4[0]
                for u in range(1, 8):
                    gmin = jnp.minimum(gmin, ks4[u])
                cnt = jnp.sum((gmin <= thr).astype(jnp.int32), axis=0)

                @pl.when(cnt > 0)
                def _merge():
                    for k in ks4:
                        kd, _ = plsc.sort_key_val(k, iota16, descending=True)
                        mk = jnp.minimum(r2_v[...], kd)
                        ks, _ = plsc.sort_key_val(mk, iota16)
                        r2_v[...] = ks

        x = jnp.maximum(r2_v[...], 1e-12)
        yi = 0x5F3759DF - lax.shift_right_logical(plsc.bitcast(x, jnp.int32),
                                                  1)
        y = plsc.bitcast(yi, jnp.float32)
        for _ in range(3):
            y = y * (1.5 - 0.5 * x * y * y)
        out_v[pl.ds(qi * 16, 16)] = x * y
        return 0

    lax.fori_loop(0, 16, one_query, 0)
    pltpu.sync_copy(out_v, out_hbm.at[pl.ds(q0 * 16, 256)])


@jax.jit
def kernel(patch, memory_bank):
    q_n, d = patch.shape
    n_rows = memory_bank.shape[0]
    n_tiles = pl.cdiv(n_rows, TILE)
    n_cols = n_tiles * TILE
    n_seg = n_cols // SEG_W
    n_qblk = q_n // QBLK

    dist, segmin = pl.pallas_call(
        functools.partial(_phase1_kernel, n_rows=n_rows, tile=TILE),
        grid=(n_tiles, n_qblk),
        in_specs=[
            pl.BlockSpec((QBLK, d), lambda i, j: (j, 0)),
            pl.BlockSpec((TILE, d), lambda i, j: (i, 0)),
        ],
        out_specs=[
            pl.BlockSpec((QBLK, TILE), lambda i, j: (j, i)),
            pl.BlockSpec((1, QBLK, TILE // SEG_W), lambda i, j: (i, j, 0)),
        ],
        out_shape=[
            jax.ShapeDtypeStruct((q_n, n_cols), jnp.float32),
            jax.ShapeDtypeStruct((n_tiles, q_n, TILE // SEG_W), jnp.float32),
        ],
        scratch_shapes=[pltpu.VMEM((1, TILE), jnp.float32)],
        compiler_params=pltpu.CompilerParams(
            dimension_semantics=("parallel", "parallel")),
    )(patch, memory_bank)

    segmin_flat = segmin.reshape(-1)

    mesh = plsc.VectorSubcoreMesh(core_axis_name="c", subcore_axis_name="s")
    out = pl.kernel(
        functools.partial(_phase2_kernel, n_seg=n_seg, n_q=q_n),
        mesh=mesh,
        out_type=jax.ShapeDtypeStruct((q_n * 16,), jnp.float32),
        scratch_types=[
            pltpu.VMEM((16 * n_seg,), jnp.float32),
            pltpu.VMEM((K_NN * SEG_W,), jnp.float32),
            pltpu.VMEM((16 * 16,), jnp.float32),
            pltpu.VMEM((16,), jnp.float32),
            pltpu.SemaphoreType.DMA,
        ],
        compiler_params=pltpu.CompilerParams(needs_layout_passes=False),
    )(dist, segmin_flat)
    return out.reshape(q_n, 16)[:, :K_NN]

# --- scband reference (transcript-rebuilt; emitter-appended) ---
"""Pipeline reference for scband-patch-core-13400297963803 (READ-ONLY COPY).

The authoritative reference and input builder live on the scoring server;
editing this copy changes nothing except your own understanding.
"""

import jax, jax.numpy as jnp
import numpy as np

K_NEAREST = 9


def _cdist(a, b):
    # torch.cdist(a, b, p=2.0) equivalent
    a2 = jnp.sum(a * a, axis=1, keepdims=True)
    b2 = jnp.sum(b * b, axis=1)[None, :]
    d2 = a2 + b2 - 2.0 * (a @ b.T)
    return jnp.sqrt(jnp.maximum(d2, 1e-12))


def setup_inputs(seed: int = 0) -> dict:
    key = jax.random.key(seed)
    k1, k2 = jax.random.split(key)
    patch = jax.random.normal(k1, (512, 128), dtype=jnp.float32)
    memory_bank = jax.random.normal(k2, (100000, 128), dtype=jnp.float32)
    return {"patch": patch, "memory_bank": memory_bank}


def reference(patch, memory_bank):
    # PatchCore kNN scoring: pairwise L2 distances from each query patch
    # embedding to every memory-bank entry, then the k_nearest smallest
    # distances per patch (used for anomaly score reweighting).
    dist = _cdist(patch, memory_bank)          # [Q, K]
    neg_top, _ = jax.lax.top_k(-dist, K_NEAREST)
    knn_dists = -neg_top                       # [Q, k_nearest], ascending-ish nearest distances
    return knn_dists

if __name__ == "__main__":
    import jax
    _d = setup_inputs()
    print(jax.jit(kernel)(*tuple(_d.values())))

</pallas_src>

<mosaic_0001>
#map = affine_map<(d0, d1) -> (0, 0)>
#map1 = affine_map<(d0, d1) -> (0)>
module attributes {stable_mosaic.version = 14 : i64} {
  func.func @_phase2_kernel(%arg0: i32, %arg1: i32, %arg2: memref<512x102400xf32, #tpu.memory_space<hbm>>, %arg3: memref<204800xf32, #tpu.memory_space<hbm>>, %arg4: memref<8192xf32, #tpu.memory_space<hbm>>, %arg5: memref<6400xf32, #tpu.memory_space<vmem>>, %arg6: memref<2304xf32, #tpu.memory_space<vmem>>, %arg7: memref<256xf32, #tpu.memory_space<vmem>>, %arg8: memref<16xf32, #tpu.memory_space<vmem>>, %arg9: memref<!tpu.dma_semaphore, #tpu.memory_space<semaphore_mem>>) attributes {dimension_semantics = [#tpu.dimension_semantics<core_parallel>, #tpu.dimension_semantics<subcore_parallel>], iteration_bounds = array<i64: 2, 16>, scalar_prefetch = 0 : i64, scratch_operands = 5 : i64, tpu.core_type = #tpu.core_type<sc_vector_subcore>, window_params = [{transform_indices = #map}, {transform_indices = #map1}, {transform_indices = #map1}]} {
    %mul3A = arith.constant 2 : i32
    %mul3A_0 = arith.muli %arg1, %mul3A : i32
    %add3A = arith.addi %mul3A_0, %arg0 : i32
    %mul3A_1 = arith.constant 16 : i32
    %mul3A_2 = arith.muli %add3A, %mul3A_1 : i32
    %iota3A = tpu.iota {dimensions = array<i32: 0>} : vector<16xi32>
    %add3A_3 = arith.constant 0 : i32
    %add3A_4 = arith.addi %add3A_3, %mul3A_2 : i32
    %mul3A_5 = arith.constant 16 : i32
    %mul3A_6 = arith.muli %add3A_4, %mul3A_5 : i32
    %dma_start3A = arith.constant 0 : i32
    %dma_start3A_7 = tpu.memref_slice %arg5[%dma_start3A] : memref<6400xf32, #tpu.memory_space<vmem>> -> memref<256xf32, #tpu.memory_space<vmem>>
    %dma_start3A_8 = tpu.memref_slice %arg3[%mul3A_6] : memref<204800xf32, #tpu.memory_space<hbm>> -> memref<256xf32, #tpu.memory_space<hbm>>
    %dma_start3A_9 = arith.constant 0 : i32
    %dma_start3A_10 = tpu.memref_slice %arg5[%dma_start3A_9] : memref<6400xf32, #tpu.memory_space<vmem>> -> memref<256xf32, #tpu.memory_space<vmem>>
    %dma_start3A_11 = tpu.memref_slice %arg3[%mul3A_6] : memref<204800xf32, #tpu.memory_space<hbm>> -> memref<256xf32, #tpu.memory_space<hbm>>
    tpu.enqueue_dma source(%dma_start3A_11 : memref<256xf32, #tpu.memory_space<hbm>>) target(%dma_start3A_10 : memref<256xf32, #tpu.memory_space<vmem>>) target_semaphore(%arg9 : memref<!tpu.dma_semaphore, #tpu.memory_space<semaphore_mem>>)
    %add3A_12 = arith.constant 512 : i32
    %add3A_13 = arith.addi %add3A_12, %mul3A_2 : i32
    %mul3A_14 = arith.constant 16 : i32
    %mul3A_15 = arith.muli %add3A_13, %mul3A_14 : i32
    %dma_start3A_16 = arith.constant 256 : i32
    %dma_start3A_17 = tpu.memref_slice %arg5[%dma_start3A_16] : memref<6400xf32, #tpu.memory_space<vmem>> -> memref<256xf32, #tpu.memory_space<vmem>>
    %dma_start3A_18 = tpu.memref_slice %arg3[%mul3A_15] : memref<204800xf32, #tpu.memory_space<hbm>> -> memref<256xf32, #tpu.memory_space<hbm>>
    %dma_start3A_19 = arith.constant 256 : i32
    %dma_start3A_20 = tpu.memref_slice %arg5[%dma_start3A_19] : memref<6400xf32, #tpu.memory_space<vmem>> -> memref<256xf32, #tpu.memory_space<vmem>>
    %dma_start3A_21 = tpu.memref_slice %arg3[%mul3A_15] : memref<204800xf32, #tpu.memory_space<hbm>> -> memref<256xf32, #tpu.memory_space<hbm>>
    tpu.enqueue_dma source(%dma_start3A_21 : memref<256xf32, #tpu.memory_space<hbm>>) target(%dma_start3A_20 : memref<256xf32, #tpu.memory_space<vmem>>) target_semaphore(%arg9 : memref<!tpu.dma_semaphore, #tpu.memory_space<semaphore_mem>>)
    %add3A_22 = arith.constant 1024 : i32
    %add3A_23 = arith.addi %add3A_22, %mul3A_2 : i32
    %mul3A_24 = arith.constant 16 : i32
    %mul3A_25 = arith.muli %add3A_23, %mul3A_24 : i32
    %dma_start3A_26 = arith.constant 512 : i32
    %dma_start3A_27 = tpu.memref_slice %arg5[%dma_start3A_26] : memref<6400xf32, #tpu.memory_space<vmem>> -> memref<256xf32, #tpu.memory_space<vmem>>
    %dma_start3A_28 = tpu.memref_slice %arg3[%mul3A_25] : memref<204800xf32, #tpu.memory_space<hbm>> -> memref<256xf32, #tpu.memory_space<hbm>>
    %dma_start3A_29 = arith.constant 512 : i32
    %dma_start3A_30 = tpu.memref_slice %arg5[%dma_start3A_29] : memref<6400xf32, #tpu.memory_space<vmem>> -> memref<256xf32, #tpu.memory_space<vmem>>
    %dma_start3A_31 = tpu.memref_slice %arg3[%mul3A_25] : memref<204800xf32, #tpu.memory_space<hbm>> -> memref<256xf32, #tpu.memory_space<hbm>>
    tpu.enqueue_dma source(%dma_start3A_31 : memref<256xf32, #tpu.memory_space<hbm>>) target(%dma_start3A_30 : memref<256xf32, #tpu.memory_space<vmem>>) target_semaphore(%arg9 : memref<!tpu.dma_semaphore, #tpu.memory_space<semaphore_mem>>)
    %add3A_32 = arith.constant 1536 : i32
    %add3A_33 = arith.addi %add3A_32, %mul3A_2 : i32
    %mul3A_34 = arith.constant 16 : i32
    %mul3A_35 = arith.muli %add3A_33, %mul3A_34 : i32
    %dma_start3A_36 = arith.constant 768 : i32
    %dma_start3A_37 = tpu.memref_slice %arg5[%dma_start3A_36] : memref<6400xf32, #tpu.memory_space<vmem>> -> memref<256xf32, #tpu.memory_space<vmem>>
    %dma_start3A_38 = tpu.memref_slice %arg3[%mul3A_35] : memref<204800xf32, #tpu.memory_space<hbm>> -> memref<256xf32, #tpu.memory_space<hbm>>
    %dma_start3A_39 = arith.constant 768 : i32
    %dma_start3A_40 = tpu.memref_slice %arg5[%dma_start3A_39] : memref<6400xf32, #tpu.memory_space<vmem>> -> memref<256xf32, #tpu.memory_space<vmem>>
    %dma_start3A_41 = tpu.memref_slice %arg3[%mul3A_35] : memref<204800xf32, #tpu.memory_space<hbm>> -> memref<256xf32, #tpu.memory_space<hbm>>
    tpu.enqueue_dma source(%dma_start3A_41 : memref<256xf32, #tpu.memory_space<hbm>>) target(%dma_start3A_40 : memref<256xf32, #tpu.memory_space<vmem>>) target_semaphore(%arg9 : memref<!tpu.dma_semaphore, #tpu.memory_space<semaphore_mem>>)
    %add3A_42 = arith.constant 2048 : i32
    %add3A_43 = arith.addi %add3A_42, %mul3A_2 : i32
    %mul3A_44 = arith.constant 16 : i32
    %mul3A_45 = arith.muli %add3A_43, %mul3A_44 : i32
    %dma_start3A_46 = arith.constant 1024 : i32
    %dma_start3A_47 = tpu.memref_slice %arg5[%dma_start3A_46] : memref<6400xf32, #tpu.memory_space<vmem>> -> memref<256xf32, #tpu.memory_space<vmem>>
    %dma_start3A_48 = tpu.memref_slice %arg3[%mul3A_45] : memref<204800xf32, #tpu.memory_space<hbm>> -> memref<256xf32, #tpu.memory_space<hbm>>
    %dma_start3A_49 = arith.constant 1024 : i32
    %dma_start3A_50 = tpu.memref_slice %arg5[%dma_start3A_49] : memref<6400xf32, #tpu.memory_space<vmem>> -> memref<256xf32, #tpu.memory_space<vmem>>
    %dma_start3A_51 = tpu.memref_slice %arg3[%mul3A_45] : memref<204800xf32, #tpu.memory_space<hbm>> -> memref<256xf32, #tpu.memory_space<hbm>>
    tpu.enqueue_dma source(%dma_start3A_51 : memref<256xf32, #tpu.memory_space<hbm>>) target(%dma_start3A_50 : memref<256xf32, #tpu.memory_space<vmem>>) target_semaphore(%arg9 : memref<!tpu.dma_semaphore, #tpu.memory_space<semaphore_mem>>)
    %add3A_52 = arith.constant 2560 : i32
    %add3A_53 = arith.addi %add3A_52, %mul3A_2 : i32
    %mul3A_54 = arith.constant 16 : i32
    %mul3A_55 = arith.muli %add3A_53, %mul3A_54 : i32
    %dma_start3A_56 = arith.constant 1280 : i32
    %dma_start3A_57 = tpu.memref_slice %arg5[%dma_start3A_56] : memref<6400xf32, #tpu.memory_space<vmem>> -> memref<256xf32, #tpu.memory_space<vmem>>
    %dma_start3A_58 = tpu.memref_slice %arg3[%mul3A_55] : memref<204800xf32, #tpu.memory_space<hbm>> -> memref<256xf32, #tpu.memory_space<hbm>>
    %dma_start3A_59 = arith.constant 1280 : i32
    %dma_start3A_60 = tpu.memref_slice %arg5[%dma_start3A_59] : memref<6400xf32, #tpu.memory_space<vmem>> -> memref<256xf32, #tpu.memory_space<vmem>>
    %dma_start3A_61 = tpu.memref_slice %arg3[%mul3A_55] : memref<204800xf32, #tpu.memory_space<hbm>> -> memref<256xf32, #tpu.memory_space<hbm>>
    tpu.enqueue_dma source(%dma_start3A_61 : memref<256xf32, #tpu.memory_space<hbm>>) target(%dma_start3A_60 : memref<256xf32, #tpu.memory_space<vmem>>) target_semaphore(%arg9 : memref<!tpu.dma_semaphore, #tpu.memory_space<semaphore_mem>>)
    %add3A_62 = arith.constant 3072 : i32
    %add3A_63 = arith.addi %add3A_62, %mul3A_2 : i32
    %mul3A_64 = arith.constant 16 : i32
    %mul3A_65 = arith.muli %add3A_63, %mul3A_64 : i32
    %dma_start3A_66 = arith.constant 1536 : i32
    %dma_start3A_67 = tpu.memref_slice %arg5[%dma_start3A_66] : memref<6400xf32, #tpu.memory_space<vmem>> -> memref<256xf32, #tpu.memory_space<vmem>>
    %dma_start3A_68 = tpu.memref_slice %arg3[%mul3A_65] : memref<204800xf32, #tpu.memory_space<hbm>> -> memref<256xf32, #tpu.memory_space<hbm>>
    %dma_start3A_69 = arith.constant 1536 : i32
    %dma_start3A_70 = tpu.memref_slice %arg5[%dma_start3A_69] : memref<6400xf32, #tpu.memory_space<vmem>> -> memref<256xf32, #tpu.memory_space<vmem>>
    %dma_start3A_71 = tpu.memref_slice %arg3[%mul3A_65] : memref<204800xf32, #tpu.memory_space<hbm>> -> memref<256xf32, #tpu.memory_space<hbm>>
    tpu.enqueue_dma source(%dma_start3A_71 : memref<256xf32, #tpu.memory_space<hbm>>) target(%dma_start3A_70 : memref<256xf32, #tpu.memory_space<vmem>>) target_semaphore(%arg9 : memref<!tpu.dma_semaphore, #tpu.memory_space<semaphore_mem>>)
    %add3A_72 = arith.constant 3584 : i32
    %add3A_73 = arith.addi %add3A_72, %mul3A_2 : i32
    %mul3A_74 = arith.constant 16 : i32
    %mul3A_75 = arith.muli %add3A_73, %mul3A_74 : i32
    %dma_start3A_76 = arith.constant 1792 : i32
    %dma_start3A_77 = tpu.memref_slice %arg5[%dma_start3A_76] : memref<6400xf32, #tpu.memory_space<vmem>> -> memref<256xf32, #tpu.memory_space<vmem>>
    %dma_start3A_78 = tpu.memref_slice %arg3[%mul3A_75] : memref<204800xf32, #tpu.memory_space<hbm>> -> memref<256xf32, #tpu.memory_space<hbm>>
    %dma_start3A_79 = arith.constant 1792 : i32
    %dma_start3A_80 = tpu.memref_slice %arg5[%dma_start3A_79] : memref<6400xf32, #tpu.memory_space<vmem>> -> memref<256xf32, #tpu.memory_space<vmem>>
    %dma_start3A_81 = tpu.memref_slice %arg3[%mul3A_75] : memref<204800xf32, #tpu.memory_space<hbm>> -> memref<256xf32, #tpu.memory_space<hbm>>
    tpu.enqueue_dma source(%dma_start3A_81 : memref<256xf32, #tpu.memory_space<hbm>>) target(%dma_start3A_80 : memref<256xf32, #tpu.memory_space<vmem>>) target_semaphore(%arg9 : memref<!tpu.dma_semaphore, #tpu.memory_space<semaphore_mem>>)
    %add3A_82 = arith.constant 4096 : i32
    %add3A_83 = arith.addi %add3A_82, %mul3A_2 : i32
    %mul3A_84 = arith.constant 16 : i32
    %mul3A_85 = arith.muli %add3A_83, %mul3A_84 : i32
    %dma_start3A_86 = arith.constant 2048 : i32
    %dma_start3A_87 = tpu.memref_slice %arg5[%dma_start3A_86] : memref<6400xf32, #tpu.memory_space<vmem>> -> memref<256xf32, #tpu.memory_space<vmem>>
    %dma_start3A_88 = tpu.memref_slice %arg3[%mul3A_85] : memref<204800xf32, #tpu.memory_space<hbm>> -> memref<256xf32, #tpu.memory_space<hbm>>
    %dma_start3A_89 = arith.constant 2048 : i32
    %dma_start3A_90 = tpu.memref_slice %arg5[%dma_start3A_89] : memref<6400xf32, #tpu.memory_space<vmem>> -> memref<256xf32, #tpu.memory_space<vmem>>
    %dma_start3A_91 = tpu.memref_slice %arg3[%mul3A_85] : memref<204800xf32, #tpu.memory_space<hbm>> -> memref<256xf32, #tpu.memory_space<hbm>>
    tpu.enqueue_dma source(%dma_start3A_91 : memref<256xf32, #tpu.memory_space<hbm>>) target(%dma_start3A_90 : memref<256xf32, #tpu.memory_space<vmem>>) target_semaphore(%arg9 : memref<!tpu.dma_semaphore, #tpu.memory_space<semaphore_mem>>)
    %add3A_92 = arith.constant 4608 : i32
    %add3A_93 = arith.addi %add3A_92, %mul3A_2 : i32
    %mul3A_94 = arith.constant 16 : i32
    %mul3A_95 = arith.muli %add3A_93, %mul3A_94 : i32
    %dma_start3A_96 = arith.constant 2304 : i32
    %dma_start3A_97 = tpu.memref_slice %arg5[%dma_start3A_96] : memref<6400xf32, #tpu.memory_space<vmem>> -> memref<256xf32, #tpu.memory_space<vmem>>
    %dma_start3A_98 = tpu.memref_slice %arg3[%mul3A_95] : memref<204800xf32, #tpu.memory_space<hbm>> -> memref<256xf32, #tpu.memory_space<hbm>>
    %dma_start3A_99 = arith.constant 2304 : i32
    %dma_start3A_100 = tpu.memref_slice %arg5[%dma_start3A_99] : memref<6400xf32, #tpu.memory_space<vmem>> -> memref<256xf32, #tpu.memory_space<vmem>>
    %dma_start3A_101 = tpu.memref_slice %arg3[%mul3A_95] : memref<204800xf32, #tpu.memory_space<hbm>> -> memref<256xf32, #tpu.memory_space<hbm>>
    tpu.enqueue_dma source(%dma_start3A_101 : memref<256xf32, #tpu.memory_space<hbm>>) target(%dma_start3A_100 : memref<256xf32, #tpu.memory_space<vmem>>) target_semaphore(%arg9 : memref<!tpu.dma_semaphore, #tpu.memory_space<semaphore_mem>>)
    %add3A_102 = arith.constant 5120 : i32
    %add3A_103 = arith.addi %add3A_102, %mul3A_2 : i32
    %mul3A_104 = arith.constant 16 : i32
    %mul3A_105 = arith.muli %add3A_103, %mul3A_104 : i32
    %dma_start3A_106 = arith.constant 2560 : i32
    %dma_start3A_107 = tpu.memref_slice %arg5[%dma_start3A_106] : memref<6400xf32, #tpu.memory_space<vmem>> -> memref<256xf32, #tpu.memory_space<vmem>>
    %dma_start3A_108 = tpu.memref_slice %arg3[%mul3A_105] : memref<204800xf32, #tpu.memory_space<hbm>> -> memref<256xf32, #tpu.memory_space<hbm>>
    %dma_start3A_109 = arith.constant 2560 : i32
    %dma_start3A_110 = tpu.memref_slice %arg5[%dma_start3A_109] : memref<6400xf32, #tpu.memory_space<vmem>> -> memref<256xf32, #tpu.memory_space<vmem>>
    %dma_start3A_111 = tpu.memref_slice %arg3[%mul3A_105] : memref<204800xf32, #tpu.memory_space<hbm>> -> memref<256xf32, #tpu.memory_space<hbm>>
    tpu.enqueue_dma source(%dma_start3A_111 : memref<256xf32, #tpu.memory_space<hbm>>) target(%dma_start3A_110 : memref<256xf32, #tpu.memory_space<vmem>>) target_semaphore(%arg9 : memref<!tpu.dma_semaphore, #tpu.memory_space<semaphore_mem>>)
    %add3A_112 = arith.constant 5632 : i32
    %add3A_113 = arith.addi %add3A_112, %mul3A_2 : i32
    %mul3A_114 = arith.constant 16 : i32
    %mul3A_115 = arith.muli %add3A_113, %mul3A_114 : i32
    %dma_start3A_116 = arith.constant 2816 : i32
    %dma_start3A_117 = tpu.memref_slice %arg5[%dma_start3A_116] : memref<6400xf32, #tpu.memory_space<vmem>> -> memref<256xf32, #tpu.memory_space<vmem>>
    %dma_start3A_118 = tpu.memref_slice %arg3[%mul3A_115] : memref<204800xf32, #tpu.memory_space<hbm>> -> memref<256xf32, #tpu.memory_space<hbm>>
    %dma_start3A_119 = arith.constant 2816 : i32
    %dma_start3A_120 = tpu.memref_slice %arg5[%dma_start3A_119] : memref<6400xf32, #tpu.memory_space<vmem>> -> memref<256xf32, #tpu.memory_space<vmem>>
    %dma_start3A_121 = tpu.memref_slice %arg3[%mul3A_115] : memref<204800xf32, #tpu.memory_space<hbm>> -> memref<256xf32, #tpu.memory_space<hbm>>
    tpu.enqueue_dma source(%dma_start3A_121 : memref<256xf32, #tpu.memory_space<hbm>>) target(%dma_start3A_120 : memref<256xf32, #tpu.memory_space<vmem>>) target_semaphore(%arg9 : memref<!tpu.dma_semaphore, #tpu.memory_space<semaphore_mem>>)
    %add3A_122 = arith.constant 6144 : i32
    %add3A_123 = arith.addi %add3A_122, %mul3A_2 : i32
    %mul3A_124 = arith.constant 16 : i32
    %mul3A_125 = arith.muli %add3A_123, %mul3A_124 : i32
    %dma_start3A_126 = arith.constant 3072 : i32
    %dma_start3A_127 = tpu.memref_slice %arg5[%dma_start3A_126] : memref<6400xf32, #tpu.memory_space<vmem>> -> memref<256xf32, #tpu.memory_space<vmem>>
    %dma_start3A_128 = tpu.memref_slice %arg3[%mul3A_125] : memref<204800xf32, #tpu.memory_space<hbm>> -> memref<256xf32, #tpu.memory_space<hbm>>
    %dma_start3A_129 = arith.constant 3072 : i32
    %dma_start3A_130 = tpu.memref_slice %arg5[%dma_start3A_129] : memref<6400xf32, #tpu.memory_space<vmem>> -> memref<256xf32, #tpu.memory_space<vmem>>
    %dma_start3A_131 = tpu.memref_slice %arg3[%mul3A_125] : memref<204800xf32, #tpu.memory_space<hbm>> -> memref<256xf32, #tpu.memory_space<hbm>>
    tpu.enqueue_dma source(%dma_start3A_131 : memref<256xf32, #tpu.memory_space<hbm>>) target(%dma_start3A_130 : memref<256xf32, #tpu.memory_space<vmem>>) target_semaphore(%arg9 : memref<!tpu.dma_semaphore, #tpu.memory_space<semaphore_mem>>)
    %add3A_132 = arith.constant 6656 : i32
    %add3A_133 = arith.addi %add3A_132, %mul3A_2 : i32
    %mul3A_134 = arith.constant 16 : i32
    %mul3A_135 = arith.muli %add3A_133, %mul3A_134 : i32
    %dma_start3A_136 = arith.constant 3328 : i32
    %dma_start3A_137 = tpu.memref_slice %arg5[%dma_start3A_136] : memref<6400xf32, #tpu.memory_space<vmem>> -> memref<256xf32, #tpu.memory_space<vmem>>
    %dma_start3A_138 = tpu.memref_slice %arg3[%mul3A_135] : memref<204800xf32, #tpu.memory_space<hbm>> -> memref<256xf32, #tpu.memory_space<hbm>>
    %dma_start3A_139 = arith.constant 3328 : i32
    %dma_start3A_140 = tpu.memref_slice %arg5[%dma_start3A_139] : memref<6400xf32, #tpu.memory_space<vmem>> -> memref<256xf32, #tpu.memory_space<vmem>>
    %dma_start3A_141 = tpu.memref_slice %arg3[%mul3A_135] : memref<204800xf32, #tpu.memory_space<hbm>> -> memref<256xf32, #tpu.memory_space<hbm>>
    tpu.enqueue_dma source(%dma_start3A_141 : memref<256xf32, #tpu.memory_space<hbm>>) target(%dma_start3A_140 : memref<256xf32, #tpu.memory_space<vmem>>) target_semaphore(%arg9 : memref<!tpu.dma_semaphore, #tpu.memory_space<semaphore_mem>>)
    %add3A_142 = arith.constant 7168 : i32
    %add3A_143 = arith.addi %add3A_142, %mul3A_2 : i32
    %mul3A_144 = arith.constant 16 : i32
    %mul3A_145 = arith.muli %add3A_143, %mul3A_144 : i32
    %dma_start3A_146 = arith.constant 3584 : i32
    %dma_start3A_147 = tpu.memref_slice %arg5[%dma_start3A_146] : memref<6400xf32, #tpu.memory_space<vmem>> -> memref<256xf32, #tpu.memory_space<vmem>>
    %dma_start3A_148 = tpu.memref_slice %arg3[%mul3A_145] : memref<204800xf32, #tpu.memory_space<hbm>> -> memref<256xf32, #tpu.memory_space<hbm>>
    %dma_start3A_149 = arith.constant 3584 : i32
    %dma_start3A_150 = tpu.memref_slice %arg5[%dma_start3A_149] : memref<6400xf32, #tpu.memory_space<vmem>> -> memref<256xf32, #tpu.memory_space<vmem>>
    %dma_start3A_151 = tpu.memref_slice %arg3[%mul3A_145] : memref<204800xf32, #tpu.memory_space<hbm>> -> memref<256xf32, #tpu.memory_space<hbm>>
    tpu.enqueue_dma source(%dma_start3A_151 : memref<256xf32, #tpu.memory_space<hbm>>) target(%dma_start3A_150 : memref<256xf32, #tpu.memory_space<vmem>>) target_semaphore(%arg9 : memref<!tpu.dma_semaphore, #tpu.memory_space<semaphore_mem>>)
    %add3A_152 = arith.constant 7680 : i32
    %add3A_153 = arith.addi %add3A_152, %mul3A_2 : i32
    %mul3A_154 = arith.constant 16 : i32
    %mul3A_155 = arith.muli %add3A_153, %mul3A_154 : i32
    %dma_start3A_156 = arith.constant 3840 : i32
    %dma_start3A_157 = tpu.memref_slice %arg5[%dma_start3A_156] : memref<6400xf32, #tpu.memory_space<vmem>> -> memref<256xf32, #tpu.memory_space<vmem>>
    %dma_start3A_158 = tpu.memref_slice %arg3[%mul3A_155] : memref<204800xf32, #tpu.memory_space<hbm>> -> memref<256xf32, #tpu.memory_space<hbm>>
    %dma_start3A_159 = arith.constant 3840 : i32
    %dma_start3A_160 = tpu.memref_slice %arg5[%dma_start3A_159] : memref<6400xf32, #tpu.memory_space<vmem>> -> memref<256xf32, #tpu.memory_space<vmem>>
    %dma_start3A_161 = tpu.memref_slice %arg3[%mul3A_155] : memref<204800xf32, #tpu.memory_space<hbm>> -> memref<256xf32, #tpu.memory_space<hbm>>
    tpu.enqueue_dma source(%dma_start3A_161 : memref<256xf32, #tpu.memory_space<hbm>>) target(%dma_start3A_160 : memref<256xf32, #tpu.memory_space<vmem>>) target_semaphore(%arg9 : memref<!tpu.dma_semaphore, #tpu.memory_space<semaphore_mem>>)
    %add3A_162 = arith.constant 8192 : i32
    %add3A_163 = arith.addi %add3A_162, %mul3A_2 : i32
    %mul3A_164 = arith.constant 16 : i32
    %mul3A_165 = arith.muli %add3A_163, %mul3A_164 : i32
    %dma_start3A_166 = arith.constant 4096 : i32
    %dma_start3A_167 = tpu.memref_slice %arg5[%dma_start3A_166] : memref<6400xf32, #tpu.memory_space<vmem>> -> memref<256xf32, #tpu.memory_space<vmem>>
    %dma_start3A_168 = tpu.memref_slice %arg3[%mul3A_165] : memref<204800xf32, #tpu.memory_space<hbm>> -> memref<256xf32, #tpu.memory_space<hbm>>
    %dma_start3A_169 = arith.constant 4096 : i32
    %dma_start3A_170 = tpu.memref_slice %arg5[%dma_start3A_169] : memref<6400xf32, #tpu.memory_space<vmem>> -> memref<256xf32, #tpu.memory_space<vmem>>
    %dma_start3A_171 = tpu.memref_slice %arg3[%mul3A_165] : memref<204800xf32, #tpu.memory_space<hbm>> -> memref<256xf32, #tpu.memory_space<hbm>>
    tpu.enqueue_dma source(%dma_start3A_171 : memref<256xf32, #tpu.memory_space<hbm>>) target(%dma_start3A_170 : memref<256xf32, #tpu.memory_space<vmem>>) target_semaphore(%arg9 : memref<!tpu.dma_semaphore, #tpu.memory_space<semaphore_mem>>)
    %add3A_172 = arith.constant 8704 : i32
    %add3A_173 = arith.addi %add3A_172, %mul3A_2 : i32
    %mul3A_174 = arith.constant 16 : i32
    %mul3A_175 = arith.muli %add3A_173, %mul3A_174 : i32
    %dma_start3A_176 = arith.constant 4352 : i32
    %dma_start3A_177 = tpu.memref_slice %arg5[%dma_start3A_176] : memref<6400xf32, #tpu.memory_space<vmem>> -> memref<256xf32, #tpu.memory_space<vmem>>
    %dma_start3A_178 = tpu.memref_slice %arg3[%mul3A_175] : memref<204800xf32, #tpu.memory_space<hbm>> -> memref<256xf32, #tpu.memory_space<hbm>>
    %dma_start3A_179 = arith.constant 4352 : i32
    %dma_start3A_180 = tpu.memref_slice %arg5[%dma_start3A_179] : memref<6400xf32, #tpu.memory_space<vmem>> -> memref<256xf32, #tpu.memory_space<vmem>>
    %dma_start3A_181 = tpu.memref_slice %arg3[%mul3A_175] : memref<204800xf32, #tpu.memory_space<hbm>> -> memref<256xf32, #tpu.memory_space<hbm>>
    tpu.enqueue_dma source(%dma_start3A_181 : memref<256xf32, #tpu.memory_space<hbm>>) target(%dma_start3A_180 : memref<256xf32, #tpu.memory_space<vmem>>) target_semaphore(%arg9 : memref<!tpu.dma_semaphore, #tpu.memory_space<semaphore_mem>>)
    %add3A_182 = arith.constant 9216 : i32
    %add3A_183 = arith.addi %add3A_182, %mul3A_2 : i32
    %mul3A_184 = arith.constant 16 : i32
    %mul3A_185 = arith.muli %add3A_183, %mul3A_184 : i32
    %dma_start3A_186 = arith.constant 4608 : i32
    %dma_start3A_187 = tpu.memref_slice %arg5[%dma_start3A_186] : memref<6400xf32, #tpu.memory_space<vmem>> -> memref<256xf32, #tpu.memory_space<vmem>>
    %dma_start3A_188 = tpu.memref_slice %arg3[%mul3A_185] : memref<204800xf32, #tpu.memory_space<hbm>> -> memref<256xf32, #tpu.memory_space<hbm>>
    %dma_start3A_189 = arith.constant 4608 : i32
    %dma_start3A_190 = tpu.memref_slice %arg5[%dma_start3A_189] : memref<6400xf32, #tpu.memory_space<vmem>> -> memref<256xf32, #tpu.memory_space<vmem>>
    %dma_start3A_191 = tpu.memref_slice %arg3[%mul3A_185] : memref<204800xf32, #tpu.memory_space<hbm>> -> memref<256xf32, #tpu.memory_space<hbm>>
    tpu.enqueue_dma source(%dma_start3A_191 : memref<256xf32, #tpu.memory_space<hbm>>) target(%dma_start3A_190 : memref<256xf32, #tpu.memory_space<vmem>>) target_semaphore(%arg9 : memref<!tpu.dma_semaphore, #tpu.memory_space<semaphore_mem>>)
    %add3A_192 = arith.constant 9728 : i32
    %add3A_193 = arith.addi %add3A_192, %mul3A_2 : i32
    %mul3A_194 = arith.constant 16 : i32
    %mul3A_195 = arith.muli %add3A_193, %mul3A_194 : i32
    %dma_start3A_196 = arith.constant 4864 : i32
    %dma_start3A_197 = tpu.memref_slice %arg5[%dma_start3A_196] : memref<6400xf32, #tpu.memory_space<vmem>> -> memref<256xf32, #tpu.memory_space<vmem>>
    %dma_start3A_198 = tpu.memref_slice %arg3[%mul3A_195] : memref<204800xf32, #tpu.memory_space<hbm>> -> memref<256xf32, #tpu.memory_space<hbm>>
    %dma_start3A_199 = arith.constant 4864 : i32
    %dma_start3A_200 = tpu.memref_slice %arg5[%dma_start3A_199] : memref<6400xf32, #tpu.memory_space<vmem>> -> memref<256xf32, #tpu.memory_space<vmem>>
    %dma_start3A_201 = tpu.memref_slice %arg3[%mul3A_195] : memref<204800xf32, #tpu.memory_space<hbm>> -> memref<256xf32, #tpu.memory_space<hbm>>
    tpu.enqueue_dma source(%dma_start3A_201 : memref<256xf32, #tpu.memory_space<hbm>>) target(%dma_start3A_200 : memref<256xf32, #tpu.memory_space<vmem>>) target_semaphore(%arg9 : memref<!tpu.dma_semaphore, #tpu.memory_space<semaphore_mem>>)
    %add3A_202 = arith.constant 10240 : i32
    %add3A_203 = arith.addi %add3A_202, %mul3A_2 : i32
    %mul3A_204 = arith.constant 16 : i32
    %mul3A_205 = arith.muli %add3A_203, %mul3A_204 : i32
    %dma_start3A_206 = arith.constant 5120 : i32
    %dma_start3A_207 = tpu.memref_slice %arg5[%dma_start3A_206] : memref<6400xf32, #tpu.memory_space<vmem>> -> memref<256xf32, #tpu.memory_space<vmem>>
    %dma_start3A_208 = tpu.memref_slice %arg3[%mul3A_205] : memref<204800xf32, #tpu.memory_space<hbm>> -> memref<256xf32, #tpu.memory_space<hbm>>
    %dma_start3A_209 = arith.constant 5120 : i32
    %dma_start3A_210 = tpu.memref_slice %arg5[%dma_start3A_209] : memref<6400xf32, #tpu.memory_space<vmem>> -> memref<256xf32, #tpu.memory_space<vmem>>
    %dma_start3A_211 = tpu.memref_slice %arg3[%mul3A_205] : memref<204800xf32, #tpu.memory_space<hbm>> -> memref<256xf32, #tpu.memory_space<hbm>>
    tpu.enqueue_dma source(%dma_start3A_211 : memref<256xf32, #tpu.memory_space<hbm>>) target(%dma_start3A_210 : memref<256xf32, #tpu.memory_space<vmem>>) target_semaphore(%arg9 : memref<!tpu.dma_semaphore, #tpu.memory_space<semaphore_mem>>)
    %add3A_212 = arith.constant 10752 : i32
    %add3A_213 = arith.addi %add3A_212, %mul3A_2 : i32
    %mul3A_214 = arith.constant 16 : i32
    %mul3A_215 = arith.muli %add3A_213, %mul3A_214 : i32
    %dma_start3A_216 = arith.constant 5376 : i32
    %dma_start3A_217 = tpu.memref_slice %arg5[%dma_start3A_216] : memref<6400xf32, #tpu.memory_space<vmem>> -> memref<256xf32, #tpu.memory_space<vmem>>
    %dma_start3A_218 = tpu.memref_slice %arg3[%mul3A_215] : memref<204800xf32, #tpu.memory_space<hbm>> -> memref<256xf32, #tpu.memory_space<hbm>>
    %dma_start3A_219 = arith.constant 5376 : i32
    %dma_start3A_220 = tpu.memref_slice %arg5[%dma_start3A_219] : memref<6400xf32, #tpu.memory_space<vmem>> -> memref<256xf32, #tpu.memory_space<vmem>>
    %dma_start3A_221 = tpu.memref_slice %arg3[%mul3A_215] : memref<204800xf32, #tpu.memory_space<hbm>> -> memref<256xf32, #tpu.memory_space<hbm>>
    tpu.enqueue_dma source(%dma_start3A_221 : memref<256xf32, #tpu.memory_space<hbm>>) target(%dma_start3A_220 : memref<256xf32, #tpu.memory_space<vmem>>) target_semaphore(%arg9 : memref<!tpu.dma_semaphore, #tpu.memory_space<semaphore_mem>>)
    %add3A_222 = arith.constant 11264 : i32
    %add3A_223 = arith.addi %add3A_222, %mul3A_2 : i32
    %mul3A_224 = arith.constant 16 : i32
    %mul3A_225 = arith.muli %add3A_223, %mul3A_224 : i32
    %dma_start3A_226 = arith.constant 5632 : i32
    %dma_start3A_227 = tpu.memref_slice %arg5[%dma_start3A_226] : memref<6400xf32, #tpu.memory_space<vmem>> -> memref<256xf32, #tpu.memory_space<vmem>>
    %dma_start3A_228 = tpu.memref_slice %arg3[%mul3A_225] : memref<204800xf32, #tpu.memory_space<hbm>> -> memref<256xf32, #tpu.memory_space<hbm>>
    %dma_start3A_229 = arith.constant 5632 : i32
    %dma_start3A_230 = tpu.memref_slice %arg5[%dma_start3A_229] : memref<6400xf32, #tpu.memory_space<vmem>> -> memref<256xf32, #tpu.memory_space<vmem>>
    %dma_start3A_231 = tpu.memref_slice %arg3[%mul3A_225] : memref<204800xf32, #tpu.memory_space<hbm>> -> memref<256xf32, #tpu.memory_space<hbm>>
    tpu.enqueue_dma source(%dma_start3A_231 : memref<256xf32, #tpu.memory_space<hbm>>) target(%dma_start3A_230 : memref<256xf32, #tpu.memory_space<vmem>>) target_semaphore(%arg9 : memref<!tpu.dma_semaphore, #tpu.memory_space<semaphore_mem>>)
    %add3A_232 = arith.constant 11776 : i32
    %add3A_233 = arith.addi %add3A_232, %mul3A_2 : i32
    %mul3A_234 = arith.constant 16 : i32
    %mul3A_235 = arith.muli %add3A_233, %mul3A_234 : i32
    %dma_start3A_236 = arith.constant 5888 : i32
    %dma_start3A_237 = tpu.memref_slice %arg5[%dma_start3A_236] : memref<6400xf32, #tpu.memory_space<vmem>> -> memref<256xf32, #tpu.memory_space<vmem>>
    %dma_start3A_238 = tpu.memref_slice %arg3[%mul3A_235] : memref<204800xf32, #tpu.memory_space<hbm>> -> memref<256xf32, #tpu.memory_space<hbm>>
    %dma_start3A_239 = arith.constant 5888 : i32
    %dma_start3A_240 = tpu.memref_slice %arg5[%dma_start3A_239] : memref<6400xf32, #tpu.memory_space<vmem>> -> memref<256xf32, #tpu.memory_space<vmem>>
    %dma_start3A_241 = tpu.memref_slice %arg3[%mul3A_235] : memref<204800xf32, #tpu.memory_space<hbm>> -> memref<256xf32, #tpu.memory_space<hbm>>
    tpu.enqueue_dma source(%dma_start3A_241 : memref<256xf32, #tpu.memory_space<hbm>>) target(%dma_start3A_240 : memref<256xf32, #tpu.memory_space<vmem>>) target_semaphore(%arg9 : memref<!tpu.dma_semaphore, #tpu.memory_space<semaphore_mem>>)
    %add3A_242 = arith.constant 12288 : i32
    %add3A_243 = arith.addi %add3A_242, %mul3A_2 : i32
    %mul3A_244 = arith.constant 16 : i32
    %mul3A_245 = arith.muli %add3A_243, %mul3A_244 : i32
    %dma_start3A_246 = arith.constant 6144 : i32
    %dma_start3A_247 = tpu.memref_slice %arg5[%dma_start3A_246] : memref<6400xf32, #tpu.memory_space<vmem>> -> memref<256xf32, #tpu.memory_space<vmem>>
    %dma_start3A_248 = tpu.memref_slice %arg3[%mul3A_245] : memref<204800xf32, #tpu.memory_space<hbm>> -> memref<256xf32, #tpu.memory_space<hbm>>
    %dma_start3A_249 = arith.constant 6144 : i32
    %dma_start3A_250 = tpu.memref_slice %arg5[%dma_start3A_249] : memref<6400xf32, #tpu.memory_space<vmem>> -> memref<256xf32, #tpu.memory_space<vmem>>
    %dma_start3A_251 = tpu.memref_slice %arg3[%mul3A_245] : memref<204800xf32, #tpu.memory_space<hbm>> -> memref<256xf32, #tpu.memory_space<hbm>>
    tpu.enqueue_dma source(%dma_start3A_251 : memref<256xf32, #tpu.memory_space<hbm>>) target(%dma_start3A_250 : memref<256xf32, #tpu.memory_space<vmem>>) target_semaphore(%arg9 : memref<!tpu.dma_semaphore, #tpu.memory_space<semaphore_mem>>)
    %dma_wait3A = arith.constant 0 : i32
    %dma_wait3A_252 = tpu.memref_slice %arg5[%dma_wait3A] : memref<6400xf32, #tpu.memory_space<vmem>> -> memref<256xf32, #tpu.memory_space<vmem>>
    %dma_wait3A_253 = tpu.memref_slice %arg3[%mul3A_6] : memref<204800xf32, #tpu.memory_space<hbm>> -> memref<256xf32, #tpu.memory_space<hbm>>
    %dma_wait3A_254 = arith.constant 0 : i32
    %dma_wait3A_255 = tpu.memref_slice %arg5[%dma_wait3A_254] : memref<6400xf32, #tpu.memory_space<vmem>> -> memref<256xf32, #tpu.memory_space<vmem>>
    %dma_wait3A_256 = tpu.memref_slice %arg3[%mul3A_6] : memref<204800xf32, #tpu.memory_space<hbm>> -> memref<256xf32, #tpu.memory_space<hbm>>
    tpu.wait_dma2 semaphore(%arg9 : memref<!tpu.dma_semaphore, #tpu.memory_space<semaphore_mem>>) src(%dma_wait3A_256 : memref<256xf32, #tpu.memory_space<hbm>>) dst(%dma_wait3A_255 : memref<256xf32, #tpu.memory_space<vmem>>)
    %dma_wait3A_257 = arith.constant 256 : i32
    %dma_wait3A_258 = tpu.memref_slice %arg5[%dma_wait3A_257] : memref<6400xf32, #tpu.memory_space<vmem>> -> memref<256xf32, #tpu.memory_space<vmem>>
    %dma_wait3A_259 = tpu.memref_slice %arg3[%mul3A_15] : memref<204800xf32, #tpu.memory_space<hbm>> -> memref<256xf32, #tpu.memory_space<hbm>>
    %dma_wait3A_260 = arith.constant 256 : i32
    %dma_wait3A_261 = tpu.memref_slice %arg5[%dma_wait3A_260] : memref<6400xf32, #tpu.memory_space<vmem>> -> memref<256xf32, #tpu.memory_space<vmem>>
    %dma_wait3A_262 = tpu.memref_slice %arg3[%mul3A_15] : memref<204800xf32, #tpu.memory_space<hbm>> -> memref<256xf32, #tpu.memory_space<hbm>>
    tpu.wait_dma2 semaphore(%arg9 : memref<!tpu.dma_semaphore, #tpu.memory_space<semaphore_mem>>) src(%dma_wait3A_262 : memref<256xf32, #tpu.memory_space<hbm>>) dst(%dma_wait3A_261 : memref<256xf32, #tpu.memory_space<vmem>>)
    %dma_wait3A_263 = arith.constant 512 : i32
    %dma_wait3A_264 = tpu.memref_slice %arg5[%dma_wait3A_263] : memref<6400xf32, #tpu.memory_space<vmem>> -> memref<256xf32, #tpu.memory_space<vmem>>
    %dma_wait3A_265 = tpu.memref_slice %arg3[%mul3A_25] : memref<204800xf32, #tpu.memory_space<hbm>> -> memref<256xf32, #tpu.memory_space<hbm>>
    %dma_wait3A_266 = arith.constant 512 : i32
    %dma_wait3A_267 = tpu.memref_slice %arg5[%dma_wait3A_266] : memref<6400xf32, #tpu.memory_space<vmem>> -> memref<256xf32, #tpu.memory_space<vmem>>
    %dma_wait3A_268 = tpu.memref_slice %arg3[%mul3A_25] : memref<204800xf32, #tpu.memory_space<hbm>> -> memref<256xf32, #tpu.memory_space<hbm>>
    tpu.wait_dma2 semaphore(%arg9 : memref<!tpu.dma_semaphore, #tpu.memory_space<semaphore_mem>>) src(%dma_wait3A_268 : memref<256xf32, #tpu.memory_space<hbm>>) dst(%dma_wait3A_267 : memref<256xf32, #tpu.memory_space<vmem>>)
    %dma_wait3A_269 = arith.constant 768 : i32
    %dma_wait3A_270 = tpu.memref_slice %arg5[%dma_wait3A_269] : memref<6400xf32, #tpu.memory_space<vmem>> -> memref<256xf32, #tpu.memory_space<vmem>>
    %dma_wait3A_271 = tpu.memref_slice %arg3[%mul3A_35] : memref<204800xf32, #tpu.memory_space<hbm>> -> memref<256xf32, #tpu.memory_space<hbm>>
    %dma_wait3A_272 = arith.constant 768 : i32
    %dma_wait3A_273 = tpu.memref_slice %arg5[%dma_wait3A_272] : memref<6400xf32, #tpu.memory_space<vmem>> -> memref<256xf32, #tpu.memory_space<vmem>>
    %dma_wait3A_274 = tpu.memref_slice %arg3[%mul3A_35] : memref<204800xf32, #tpu.memory_space<hbm>> -> memref<256xf32, #tpu.memory_space<hbm>>
    tpu.wait_dma2 semaphore(%arg9 : memref<!tpu.dma_semaphore, #tpu.memory_space<semaphore_mem>>) src(%dma_wait3A_274 : memref<256xf32, #tpu.memory_space<hbm>>) dst(%dma_wait3A_273 : memref<256xf32, #tpu.memory_space<vmem>>)
    %dma_wait3A_275 = arith.constant 1024 : i32
    %dma_wait3A_276 = tpu.memref_slice %arg5[%dma_wait3A_275] : memref<6400xf32, #tpu.memory_space<vmem>> -> memref<256xf32, #tpu.memory_space<vmem>>
    %dma_wait3A_277 = tpu.memref_slice %arg3[%mul3A_45] : memref<204800xf32, #tpu.memory_space<hbm>> -> memref<256xf32, #tpu.memory_space<hbm>>
    %dma_wait3A_278 = arith.constant 1024 : i32
    %dma_wait3A_279 = tpu.memref_slice %arg5[%dma_wait3A_278] : memref<6400xf32, #tpu.memory_space<vmem>> -> memref<256xf32, #tpu.memory_space<vmem>>
    %dma_wait3A_280 = tpu.memref_slice %arg3[%mul3A_45] : memref<204800xf32, #tpu.memory_space<hbm>> -> memref<256xf32, #tpu.memory_space<hbm>>
    tpu.wait_dma2 semaphore(%arg9 : memref<!tpu.dma_semaphore, #tpu.memory_space<semaphore_mem>>) src(%dma_wait3A_280 : memref<256xf32, #tpu.memory_space<hbm>>) dst(%dma_wait3A_279 : memref<256xf32, #tpu.memory_space<vmem>>)
    %dma_wait3A_281 = arith.constant 1280 : i32
    %dma_wait3A_282 = tpu.memref_slice %arg5[%dma_wait3A_281] : memref<6400xf32, #tpu.memory_space<vmem>> -> memref<256xf32, #tpu.memory_space<vmem>>
    %dma_wait3A_283 = tpu.memref_slice %arg3[%mul3A_55] : memref<204800xf32, #tpu.memory_space<hbm>> -> memref<256xf32, #tpu.memory_space<hbm>>
    %dma_wait3A_284 = arith.constant 1280 : i32
    %dma_wait3A_285 = tpu.memref_slice %arg5[%dma_wait3A_284] : memref<6400xf32, #tpu.memory_space<vmem>> -> memref<256xf32, #tpu.memory_space<vmem>>
    %dma_wait3A_286 = tpu.memref_slice %arg3[%mul3A_55] : memref<204800xf32, #tpu.memory_space<hbm>> -> memref<256xf32, #tpu.memory_space<hbm>>
    tpu.wait_dma2 semaphore(%arg9 : memref<!tpu.dma_semaphore, #tpu.memory_space<semaphore_mem>>) src(%dma_wait3A_286 : memref<256xf32, #tpu.memory_space<hbm>>) dst(%dma_wait3A_285 : memref<256xf32, #tpu.memory_space<vmem>>)
    %dma_wait3A_287 = arith.constant 1536 : i32
    %dma_wait3A_288 = tpu.memref_slice %arg5[%dma_wait3A_287] : memref<6400xf32, #tpu.memory_space<vmem>> -> memref<256xf32, #tpu.memory_space<vmem>>
    %dma_wait3A_289 = tpu.memref_slice %arg3[%mul3A_65] : memref<204800xf32, #tpu.memory_space<hbm>> -> memref<256xf32, #tpu.memory_space<hbm>>
    %dma_wait3A_290 = arith.constant 1536 : i32
    %dma_wait3A_291 = tpu.memref_slice %arg5[%dma_wait3A_290] : memref<6400xf32, #tpu.memory_space<vmem>> -> memref<256xf32, #tpu.memory_space<vmem>>
    %dma_wait3A_292 = tpu.memref_slice %arg3[%mul3A_65] : memref<204800xf32, #tpu.memory_space<hbm>> -> memref<256xf32, #tpu.memory_space<hbm>>
    tpu.wait_dma2 semaphore(%arg9 : memref<!tpu.dma_semaphore, #tpu.memory_space<semaphore_mem>>) src(%dma_wait3A_292 : memref<256xf32, #tpu.memory_space<hbm>>) dst(%dma_wait3A_291 : memref<256xf32, #tpu.memory_space<vmem>>)
    %dma_wait3A_293 = arith.constant 1792 : i32
    %dma_wait3A_294 = tpu.memref_slice %arg5[%dma_wait3A_293] : memref<6400xf32, #tpu.memory_space<vmem>> -> memref<256xf32, #tpu.memory_space<vmem>>
    %dma_wait3A_295 = tpu.memref_slice %arg3[%mul3A_75] : memref<204800xf32, #tpu.memory_space<hbm>> -> memref<256xf32, #tpu.memory_space<hbm>>
    %dma_wait3A_296 = arith.constant 1792 : i32
    %dma_wait3A_297 = tpu.memref_slice %arg5[%dma_wait3A_296] : memref<6400xf32, #tpu.memory_space<vmem>> -> memref<256xf32, #tpu.memory_space<vmem>>
    %dma_wait3A_298 = tpu.memref_slice %arg3[%mul3A_75] : memref<204800xf32, #tpu.memory_space<hbm>> -> memref<256xf32, #tpu.memory_space<hbm>>
    tpu.wait_dma2 semaphore(%arg9 : memref<!tpu.dma_semaphore, #tpu.memory_space<semaphore_mem>>) src(%dma_wait3A_298 : memref<256xf32, #tpu.memory_space<hbm>>) dst(%dma_wait3A_297 : memref<256xf32, #tpu.memory_space<vmem>>)
    %dma_wait3A_299 = arith.constant 2048 : i32
    %dma_wait3A_300 = tpu.memref_slice %arg5[%dma_wait3A_299] : memref<6400xf32, #tpu.memory_space<vmem>> -> memref<256xf32, #tpu.memory_space<vmem>>
    %dma_wait3A_301 = tpu.memref_slice %arg3[%mul3A_85] : memref<204800xf32, #tpu.memory_space<hbm>> -> memref<256xf32, #tpu.memory_space<hbm>>
    %dma_wait3A_302 = arith.constant 2048 : i32
    %dma_wait3A_303 = tpu.memref_slice %arg5[%dma_wait3A_302] : memref<6400xf32, #tpu.memory_space<vmem>> -> memref<256xf32, #tpu.memory_space<vmem>>
    %dma_wait3A_304 = tpu.memref_slice %arg3[%mul3A_85] : memref<204800xf32, #tpu.memory_space<hbm>> -> memref<256xf32, #tpu.memory_space<hbm>>
    tpu.wait_dma2 semaphore(%arg9 : memref<!tpu.dma_semaphore, #tpu.memory_space<semaphore_mem>>) src(%dma_wait3A_304 : memref<256xf32, #tpu.memory_space<hbm>>) dst(%dma_wait3A_303 : memref<256xf32, #tpu.memory_space<vmem>>)
    %dma_wait3A_305 = arith.constant 2304 : i32
    %dma_wait3A_306 = tpu.memref_slice %arg5[%dma_wait3A_305] : memref<6400xf32, #tpu.memory_space<vmem>> -> memref<256xf32, #tpu.memory_space<vmem>>
    %dma_wait3A_307 = tpu.memref_slice %arg3[%mul3A_95] : memref<204800xf32, #tpu.memory_space<hbm>> -> memref<256xf32, #tpu.memory_space<hbm>>
    %dma_wait3A_308 = arith.constant 2304 : i32
    %dma_wait3A_309 = tpu.memref_slice %arg5[%dma_wait3A_308] : memref<6400xf32, #tpu.memory_space<vmem>> -> memref<256xf32, #tpu.memory_space<vmem>>
    %dma_wait3A_310 = tpu.memref_slice %arg3[%mul3A_95] : memref<204800xf32, #tpu.memory_space<hbm>> -> memref<256xf32, #tpu.memory_space<hbm>>
    tpu.wait_dma2 semaphore(%arg9 : memref<!tpu.dma_semaphore, #tpu.memory_space<semaphore_mem>>) src(%dma_wait3A_310 : memref<256xf32, #tpu.memory_space<hbm>>) dst(%dma_wait3A_309 : memref<256xf32, #tpu.memory_space<vmem>>)
    %dma_wait3A_311 = arith.constant 2560 : i32
    %dma_wait3A_312 = tpu.memref_slice %arg5[%dma_wait3A_311] : memref<6400xf32, #tpu.memory_space<vmem>> -> memref<256xf32, #tpu.memory_space<vmem>>
    %dma_wait3A_313 = tpu.memref_slice %arg3[%mul3A_105] : memref<204800xf32, #tpu.memory_space<hbm>> -> memref<256xf32, #tpu.memory_space<hbm>>
    %dma_wait3A_314 = arith.constant 2560 : i32
    %dma_wait3A_315 = tpu.memref_slice %arg5[%dma_wait3A_314] : memref<6400xf32, #tpu.memory_space<vmem>> -> memref<256xf32, #tpu.memory_space<vmem>>
    %dma_wait3A_316 = tpu.memref_slice %arg3[%mul3A_105] : memref<204800xf32, #tpu.memory_space<hbm>> -> memref<256xf32, #tpu.memory_space<hbm>>
    tpu.wait_dma2 semaphore(%arg9 : memref<!tpu.dma_semaphore, #tpu.memory_space<semaphore_mem>>) src(%dma_wait3A_316 : memref<256xf32, #tpu.memory_space<hbm>>) dst(%dma_wait3A_315 : memref<256xf32, #tpu.memory_space<vmem>>)
    %dma_wait3A_317 = arith.constant 2816 : i32
    %dma_wait3A_318 = tpu.memref_slice %arg5[%dma_wait3A_317] : memref<6400xf32, #tpu.memory_space<vmem>> -> memref<256xf32, #tpu.memory_space<vmem>>
    %dma_wait3A_319 = tpu.memref_slice %arg3[%mul3A_115] : memref<204800xf32, #tpu.memory_space<hbm>> -> memref<256xf32, #tpu.memory_space<hbm>>
    %dma_wait3A_320 = arith.constant 2816 : i32
    %dma_wait3A_321 = tpu.memref_slice %arg5[%dma_wait3A_320] : memref<6400xf32, #tpu.memory_space<vmem>> -> memref<256xf32, #tpu.memory_space<vmem>>
    %dma_wait3A_322 = tpu.memref_slice %arg3[%mul3A_115] : memref<204800xf32, #tpu.memory_space<hbm>> -> memref<256xf32, #tpu.memory_space<hbm>>
    tpu.wait_dma2 semaphore(%arg9 : memref<!tpu.dma_semaphore, #tpu.memory_space<semaphore_mem>>) src(%dma_wait3A_322 : memref<256xf32, #tpu.memory_space<hbm>>) dst(%dma_wait3A_321 : memref<256xf32, #tpu.memory_space<vmem>>)
    %dma_wait3A_323 = arith.constant 3072 : i32
    %dma_wait3A_324 = tpu.memref_slice %arg5[%dma_wait3A_323] : memref<6400xf32, #tpu.memory_space<vmem>> -> memref<256xf32, #tpu.memory_space<vmem>>
    %dma_wait3A_325 = tpu.memref_slice %arg3[%mul3A_125] : memref<204800xf32, #tpu.memory_space<hbm>> -> memref<256xf32, #tpu.memory_space<hbm>>
    %dma_wait3A_326 = arith.constant 3072 : i32
    %dma_wait3A_327 = tpu.memref_slice %arg5[%dma_wait3A_326] : memref<6400xf32, #tpu.memory_space<vmem>> -> memref<256xf32, #tpu.memory_space<vmem>>
    %dma_wait3A_328 = tpu.memref_slice %arg3[%mul3A_125] : memref<204800xf32, #tpu.memory_space<hbm>> -> memref<256xf32, #tpu.memory_space<hbm>>
    tpu.wait_dma2 semaphore(%arg9 : memref<!tpu.dma_semaphore, #tpu.memory_space<semaphore_mem>>) src(%dma_wait3A_328 : memref<256xf32, #tpu.memory_space<hbm>>) dst(%dma_wait3A_327 : memref<256xf32, #tpu.memory_space<vmem>>)
    %dma_wait3A_329 = arith.constant 3328 : i32
    %dma_wait3A_330 = tpu.memref_slice %arg5[%dma_wait3A_329] : memref<6400xf32, #tpu.memory_space<vmem>> -> memref<256xf32, #tpu.memory_space<vmem>>
    %dma_wait3A_331 = tpu.memref_slice %arg3[%mul3A_135] : memref<204800xf32, #tpu.memory_space<hbm>> -> memref<256xf32, #tpu.memory_space<hbm>>
    %dma_wait3A_332 = arith.constant 3328 : i32
    %dma_wait3A_333 = tpu.memref_slice %arg5[%dma_wait3A_332] : memref<6400xf32, #tpu.memory_space<vmem>> -> memref<256xf32, #tpu.memory_space<vmem>>
    %dma_wait3A_334 = tpu.memref_slice %arg3[%mul3A_135] : memref<204800xf32, #tpu.memory_space<hbm>> -> memref<256xf32, #tpu.memory_space<hbm>>
    tpu.wait_dma2 semaphore(%arg9 : memref<!tpu.dma_semaphore, #tpu.memory_space<semaphore_mem>>) src(%dma_wait3A_334 : memref<256xf32, #tpu.memory_space<hbm>>) dst(%dma_wait3A_333 : memref<256xf32, #tpu.memory_space<vmem>>)
    %dma_wait3A_335 = arith.constant 3584 : i32
    %dma_wait3A_336 = tpu.memref_slice %arg5[%dma_wait3A_335] : memref<6400xf32, #tpu.memory_space<vmem>> -> memref<256xf32, #tpu.memory_space<vmem>>
    %dma_wait3A_337 = tpu.memref_slice %arg3[%mul3A_145] : memref<204800xf32, #tpu.memory_space<hbm>> -> memref<256xf32, #tpu.memory_space<hbm>>
    %dma_wait3A_338 = arith.constant 3584 : i32
    %dma_wait3A_339 = tpu.memref_slice %arg5[%dma_wait3A_338] : memref<6400xf32, #tpu.memory_space<vmem>> -> memref<256xf32, #tpu.memory_space<vmem>>
    %dma_wait3A_340 = tpu.memref_slice %arg3[%mul3A_145] : memref<204800xf32, #tpu.memory_space<hbm>> -> memref<256xf32, #tpu.memory_space<hbm>>
    tpu.wait_dma2 semaphore(%arg9 : memref<!tpu.dma_semaphore, #tpu.memory_space<semaphore_mem>>) src(%dma_wait3A_340 : memref<256xf32, #tpu.memory_space<hbm>>) dst(%dma_wait3A_339 : memref<256xf32, #tpu.memory_space<vmem>>)
    %dma_wait3A_341 = arith.constant 3840 : i32
    %dma_wait3A_342 = tpu.memref_slice %arg5[%dma_wait3A_341] : memref<6400xf32, #tpu.memory_space<vmem>> -> memref<256xf32, #tpu.memory_space<vmem>>
    %dma_wait3A_343 = tpu.memref_slice %arg3[%mul3A_155] : memref<204800xf32, #tpu.memory_space<hbm>> -> memref<256xf32, #tpu.memory_space<hbm>>
    %dma_wait3A_344 = arith.constant 3840 : i32
    %dma_wait3A_345 = tpu.memref_slice %arg5[%dma_wait3A_344] : memref<6400xf32, #tpu.memory_space<vmem>> -> memref<256xf32, #tpu.memory_space<vmem>>
    %dma_wait3A_346 = tpu.memref_slice %arg3[%mul3A_155] : memref<204800xf32, #tpu.memory_space<hbm>> -> memref<256xf32, #tpu.memory_space<hbm>>
    tpu.wait_dma2 semaphore(%arg9 : memref<!tpu.dma_semaphore, #tpu.memory_space<semaphore_mem>>) src(%dma_wait3A_346 : memref<256xf32, #tpu.memory_space<hbm>>) dst(%dma_wait3A_345 : memref<256xf32, #tpu.memory_space<vmem>>)
    %dma_wait3A_347 = arith.constant 4096 : i32
    %dma_wait3A_348 = tpu.memref_slice %arg5[%dma_wait3A_347] : memref<6400xf32, #tpu.memory_space<vmem>> -> memref<256xf32, #tpu.memory_space<vmem>>
    %dma_wait3A_349 = tpu.memref_slice %arg3[%mul3A_165] : memref<204800xf32, #tpu.memory_space<hbm>> -> memref<256xf32, #tpu.memory_space<hbm>>
    %dma_wait3A_350 = arith.constant 4096 : i32
    %dma_wait3A_351 = tpu.memref_slice %arg5[%dma_wait3A_350] : memref<6400xf32, #tpu.memory_space<vmem>> -> memref<256xf32, #tpu.memory_space<vmem>>
    %dma_wait3A_352 = tpu.memref_slice %arg3[%mul3A_165] : memref<204800xf32, #tpu.memory_space<hbm>> -> memref<256xf32, #tpu.memory_space<hbm>>
    tpu.wait_dma2 semaphore(%arg9 : memref<!tpu.dma_semaphore, #tpu.memory_space<semaphore_mem>>) src(%dma_wait3A_352 : memref<256xf32, #tpu.memory_space<hbm>>) dst(%dma_wait3A_351 : memref<256xf32, #tpu.memory_space<vmem>>)
    %dma_wait3A_353 = arith.constant 4352 : i32
    %dma_wait3A_354 = tpu.memref_slice %arg5[%dma_wait3A_353] : memref<6400xf32, #tpu.memory_space<vmem>> -> memref<256xf32, #tpu.memory_space<vmem>>
    %dma_wait3A_355 = tpu.memref_slice %arg3[%mul3A_175] : memref<204800xf32, #tpu.memory_space<hbm>> -> memref<256xf32, #tpu.memory_space<hbm>>
    %dma_wait3A_356 = arith.constant 4352 : i32
    %dma_wait3A_357 = tpu.memref_slice %arg5[%dma_wait3A_356] : memref<6400xf32, #tpu.memory_space<vmem>> -> memref<256xf32, #tpu.memory_space<vmem>>
    %dma_wait3A_358 = tpu.memref_slice %arg3[%mul3A_175] : memref<204800xf32, #tpu.memory_space<hbm>> -> memref<256xf32, #tpu.memory_space<hbm>>
    tpu.wait_dma2 semaphore(%arg9 : memref<!tpu.dma_semaphore, #tpu.memory_space<semaphore_mem>>) src(%dma_wait3A_358 : memref<256xf32, #tpu.memory_space<hbm>>) dst(%dma_wait3A_357 : memref<256xf32, #tpu.memory_space<vmem>>)
    %dma_wait3A_359 = arith.constant 4608 : i32
    %dma_wait3A_360 = tpu.memref_slice %arg5[%dma_wait3A_359] : memref<6400xf32, #tpu.memory_space<vmem>> -> memref<256xf32, #tpu.memory_space<vmem>>
    %dma_wait3A_361 = tpu.memref_slice %arg3[%mul3A_185] : memref<204800xf32, #tpu.memory_space<hbm>> -> memref<256xf32, #tpu.memory_space<hbm>>
    %dma_wait3A_362 = arith.constant 4608 : i32
    %dma_wait3A_363 = tpu.memref_slice %arg5[%dma_wait3A_362] : memref<6400xf32, #tpu.memory_space<vmem>> -> memref<256xf32, #tpu.memory_space<vmem>>
    %dma_wait3A_364 = tpu.memref_slice %arg3[%mul3A_185] : memref<204800xf32, #tpu.memory_space<hbm>> -> memref<256xf32, #tpu.memory_space<hbm>>
    tpu.wait_dma2 semaphore(%arg9 : memref<!tpu.dma_semaphore, #tpu.memory_space<semaphore_mem>>) src(%dma_wait3A_364 : memref<256xf32, #tpu.memory_space<hbm>>) dst(%dma_wait3A_363 : memref<256xf32, #tpu.memory_space<vmem>>)
    %dma_wait3A_365 = arith.constant 4864 : i32
    %dma_wait3A_366 = tpu.memref_slice %arg5[%dma_wait3A_365] : memref<6400xf32, #tpu.memory_space<vmem>> -> memref<256xf32, #tpu.memory_space<vmem>>
    %dma_wait3A_367 = tpu.memref_slice %arg3[%mul3A_195] : memref<204800xf32, #tpu.memory_space<hbm>> -> memref<256xf32, #tpu.memory_space<hbm>>
    %dma_wait3A_368 = arith.constant 4864 : i32
    %dma_wait3A_369 = tpu.memref_slice %arg5[%dma_wait3A_368] : memref<6400xf32, #tpu.memory_space<vmem>> -> memref<256xf32, #tpu.memory_space<vmem>>
    %dma_wait3A_370 = tpu.memref_slice %arg3[%mul3A_195] : memref<204800xf32, #tpu.memory_space<hbm>> -> memref<256xf32, #tpu.memory_space<hbm>>
    tpu.wait_dma2 semaphore(%arg9 : memref<!tpu.dma_semaphore, #tpu.memory_space<semaphore_mem>>) src(%dma_wait3A_370 : memref<256xf32, #tpu.memory_space<hbm>>) dst(%dma_wait3A_369 : memref<256xf32, #tpu.memory_space<vmem>>)
    %dma_wait3A_371 = arith.constant 5120 : i32
    %dma_wait3A_372 = tpu.memref_slice %arg5[%dma_wait3A_371] : memref<6400xf32, #tpu.memory_space<vmem>> -> memref<256xf32, #tpu.memory_space<vmem>>
    %dma_wait3A_373 = tpu.memref_slice %arg3[%mul3A_205] : memref<204800xf32, #tpu.memory_space<hbm>> -> memref<256xf32, #tpu.memory_space<hbm>>
    %dma_wait3A_374 = arith.constant 5120 : i32
    %dma_wait3A_375 = tpu.memref_slice %arg5[%dma_wait3A_374] : memref<6400xf32, #tpu.memory_space<vmem>> -> memref<256xf32, #tpu.memory_space<vmem>>
    %dma_wait3A_376 = tpu.memref_slice %arg3[%mul3A_205] : memref<204800xf32, #tpu.memory_space<hbm>> -> memref<256xf32, #tpu.memory_space<hbm>>
    tpu.wait_dma2 semaphore(%arg9 : memref<!tpu.dma_semaphore, #tpu.memory_space<semaphore_mem>>) src(%dma_wait3A_376 : memref<256xf32, #tpu.memory_space<hbm>>) dst(%dma_wait3A_375 : memref<256xf32, #tpu.memory_space<vmem>>)
    %dma_wait3A_377 = arith.constant 5376 : i32
    %dma_wait3A_378 = tpu.memref_slice %arg5[%dma_wait3A_377] : memref<6400xf32, #tpu.memory_space<vmem>> -> memref<256xf32, #tpu.memory_space<vmem>>
    %dma_wait3A_379 = tpu.memref_slice %arg3[%mul3A_215] : memref<204800xf32, #tpu.memory_space<hbm>> -> memref<256xf32, #tpu.memory_space<hbm>>
    %dma_wait3A_380 = arith.constant 5376 : i32
    %dma_wait3A_381 = tpu.memref_slice %arg5[%dma_wait3A_380] : memref<6400xf32, #tpu.memory_space<vmem>> -> memref<256xf32, #tpu.memory_space<vmem>>
    %dma_wait3A_382 = tpu.memref_slice %arg3[%mul3A_215] : memref<204800xf32, #tpu.memory_space<hbm>> -> memref<256xf32, #tpu.memory_space<hbm>>
    tpu.wait_dma2 semaphore(%arg9 : memref<!tpu.dma_semaphore, #tpu.memory_space<semaphore_mem>>) src(%dma_wait3A_382 : memref<256xf32, #tpu.memory_space<hbm>>) dst(%dma_wait3A_381 : memref<256xf32, #tpu.memory_space<vmem>>)
    %dma_wait3A_383 = arith.constant 5632 : i32
    %dma_wait3A_384 = tpu.memref_slice %arg5[%dma_wait3A_383] : memref<6400xf32, #tpu.memory_space<vmem>> -> memref<256xf32, #tpu.memory_space<vmem>>
    %dma_wait3A_385 = tpu.memref_slice %arg3[%mul3A_225] : memref<204800xf32, #tpu.memory_space<hbm>> -> memref<256xf32, #tpu.memory_space<hbm>>
    %dma_wait3A_386 = arith.constant 5632 : i32
    %dma_wait3A_387 = tpu.memref_slice %arg5[%dma_wait3A_386] : memref<6400xf32, #tpu.memory_space<vmem>> -> memref<256xf32, #tpu.memory_space<vmem>>
    %dma_wait3A_388 = tpu.memref_slice %arg3[%mul3A_225] : memref<204800xf32, #tpu.memory_space<hbm>> -> memref<256xf32, #tpu.memory_space<hbm>>
    tpu.wait_dma2 semaphore(%arg9 : memref<!tpu.dma_semaphore, #tpu.memory_space<semaphore_mem>>) src(%dma_wait3A_388 : memref<256xf32, #tpu.memory_space<hbm>>) dst(%dma_wait3A_387 : memref<256xf32, #tpu.memory_space<vmem>>)
    %dma_wait3A_389 = arith.constant 5888 : i32
    %dma_wait3A_390 = tpu.memref_slice %arg5[%dma_wait3A_389] : memref<6400xf32, #tpu.memory_space<vmem>> -> memref<256xf32, #tpu.memory_space<vmem>>
    %dma_wait3A_391 = tpu.memref_slice %arg3[%mul3A_235] : memref<204800xf32, #tpu.memory_space<hbm>> -> memref<256xf32, #tpu.memory_space<hbm>>
    %dma_wait3A_392 = arith.constant 5888 : i32
    %dma_wait3A_393 = tpu.memref_slice %arg5[%dma_wait3A_392] : memref<6400xf32, #tpu.memory_space<vmem>> -> memref<256xf32, #tpu.memory_space<vmem>>
    %dma_wait3A_394 = tpu.memref_slice %arg3[%mul3A_235] : memref<204800xf32, #tpu.memory_space<hbm>> -> memref<256xf32, #tpu.memory_space<hbm>>
    tpu.wait_dma2 semaphore(%arg9 : memref<!tpu.dma_semaphore, #tpu.memory_space<semaphore_mem>>) src(%dma_wait3A_394 : memref<256xf32, #tpu.memory_space<hbm>>) dst(%dma_wait3A_393 : memref<256xf32, #tpu.memory_space<vmem>>)
    %dma_wait3A_395 = arith.constant 6144 : i32
    %dma_wait3A_396 = tpu.memref_slice %arg5[%dma_wait3A_395] : memref<6400xf32, #tpu.memory_space<vmem>> -> memref<256xf32, #tpu.memory_space<vmem>>
    %dma_wait3A_397 = tpu.memref_slice %arg3[%mul3A_245] : memref<204800xf32, #tpu.memory_space<hbm>> -> memref<256xf32, #tpu.memory_space<hbm>>
    %dma_wait3A_398 = arith.constant 6144 : i32
    %dma_wait3A_399 = tpu.memref_slice %arg5[%dma_wait3A_398] : memref<6400xf32, #tpu.memory_space<vmem>> -> memref<256xf32, #tpu.memory_space<vmem>>
    %dma_wait3A_400 = tpu.memref_slice %arg3[%mul3A_245] : memref<204800xf32, #tpu.memory_space<hbm>> -> memref<256xf32, #tpu.memory_space<hbm>>
    tpu.wait_dma2 semaphore(%arg9 : memref<!tpu.dma_semaphore, #tpu.memory_space<semaphore_mem>>) src(%dma_wait3A_400 : memref<256xf32, #tpu.memory_space<hbm>>) dst(%dma_wait3A_399 : memref<256xf32, #tpu.memory_space<vmem>>)
    %scan3A = arith.constant 0 : i32
    %scan3A_401 = arith.constant 0 : i32
    %scan3A_402 = arith.constant 16 : i32
    %scan3A_403 = arith.addi %scan3A_401, %scan3A_402 : i32
    %scan3A_404 = arith.constant 1 : i32
    %scan3A_405 = scf.for %scan3A_409 = %scan3A_401 to %scan3A_403 step %scan3A_404 iter_args(%scan3A_410 = %scan3A) -> (i32)  : i32 {
      %mul3A_411 = arith.constant 16 : i32
      %mul3A_412 = arith.muli %scan3A_409, %mul3A_411 : i32
      %add3A_413 = arith.constant 0 : i32
      %add3A_414 = arith.addi %add3A_413, %mul3A_412 : i32
      %get3A = arith.index_cast %add3A_414 : i32 to index
      %get3A_415 = tpu.vector_load %arg5[%get3A] {strides = array<i32>} : memref<6400xf32, #tpu.memory_space<vmem>>, vector<16xf32>,
      %add3A_416 = arith.constant 0 : i32
      %add3A_417 = vector.broadcast %add3A_416 : i32 to vector<16xi32>
      %add3A_418 = arith.addi %iota3A, %add3A_417 : vector<16xi32>
      %masked_sort3A = arith.constant dense<true> : vector<16xi1>
      %masked_sort3A_419, %masked_sort3A_420, %masked_sort3A_421 = tpu.sort %get3A_415, %add3A_418 masked %masked_sort3A : (vector<16xf32>, vector<16xi32>, vector<16xi1>) -> (vector<16xi1>, vector<16xf32>, vector<16xi32>)
      %mul3A_422 = arith.constant 16 : i32
      %mul3A_423 = arith.muli %scan3A_409, %mul3A_422 : i32
      %add3A_424 = arith.constant 256 : i32
      %add3A_425 = arith.addi %add3A_424, %mul3A_423 : i32
      %get3A_426 = arith.index_cast %add3A_425 : i32 to index
      %get3A_427 = tpu.vector_load %arg5[%get3A_426] {strides = array<i32>} : memref<6400xf32, #tpu.memory_space<vmem>>, vector<16xf32>,
      %add3A_428 = arith.constant 16 : i32
      %add3A_429 = vector.broadcast %add3A_428 : i32 to vector<16xi32>
      %add3A_430 = arith.addi %iota3A, %add3A_429 : vector<16xi32>
      %masked_sort3A_431 = arith.constant dense<true> : vector<16xi1>
      %masked_sort3A_432, %masked_sort3A_433, %masked_sort3A_434 = tpu.sort %get3A_427, %add3A_430 masked %masked_sort3A_431 : (vector<16xf32>, vector<16xi32>, vector<16xi1>) -> (vector<16xi1>, vector<16xf32>, vector<16xi32>)
      %mul3A_435 = arith.constant 16 : i32
      %mul3A_436 = arith.muli %scan3A_409, %mul3A_435 : i32
      %add3A_437 = arith.constant 512 : i32
      %add3A_438 = arith.addi %add3A_437, %mul3A_436 : i32
      %get3A_439 = arith.index_cast %add3A_438 : i32 to index
      %get3A_440 = tpu.vector_load %arg5[%get3A_439] {strides = array<i32>} : memref<6400xf32, #tpu.memory_space<vmem>>, vector<16xf32>,
      %add3A_441 = arith.constant 32 : i32
      %add3A_442 = vector.broadcast %add3A_441 : i32 to vector<16xi32>
      %add3A_443 = arith.addi %iota3A, %add3A_442 : vector<16xi32>
      %masked_sort3A_444 = arith.constant dense<true> : vector<16xi1>
      %masked_sort3A_445, %masked_sort3A_446, %masked_sort3A_447 = tpu.sort %get3A_440, %add3A_443 masked %masked_sort3A_444 : (vector<16xf32>, vector<16xi32>, vector<16xi1>) -> (vector<16xi1>, vector<16xf32>, vector<16xi32>)
      %mul3A_448 = arith.constant 16 : i32
      %mul3A_449 = arith.muli %scan3A_409, %mul3A_448 : i32
      %add3A_450 = arith.constant 768 : i32
      %add3A_451 = arith.addi %add3A_450, %mul3A_449 : i32
      %get3A_452 = arith.index_cast %add3A_451 : i32 to index
      %get3A_453 = tpu.vector_load %arg5[%get3A_452] {strides = array<i32>} : memref<6400xf32, #tpu.memory_space<vmem>>, vector<16xf32>,
      %add3A_454 = arith.constant 48 : i32
      %add3A_455 = vector.broadcast %add3A_454 : i32 to vector<16xi32>
      %add3A_456 = arith.addi %iota3A, %add3A_455 : vector<16xi32>
      %masked_sort3A_457 = arith.constant dense<true> : vector<16xi1>
      %masked_sort3A_458, %masked_sort3A_459, %masked_sort3A_460 = tpu.sort %get3A_453, %add3A_456 masked %masked_sort3A_457 : (vector<16xf32>, vector<16xi32>, vector<16xi1>) -> (vector<16xi1>, vector<16xf32>, vector<16xi32>)
      %mul3A_461 = arith.constant 16 : i32
      %mul3A_462 = arith.muli %scan3A_409, %mul3A_461 : i32
      %add3A_463 = arith.constant 1024 : i32
      %add3A_464 = arith.addi %add3A_463, %mul3A_462 : i32
      %get3A_465 = arith.index_cast %add3A_464 : i32 to index
      %get3A_466 = tpu.vector_load %arg5[%get3A_465] {strides = array<i32>} : memref<6400xf32, #tpu.memory_space<vmem>>, vector<16xf32>,
      %add3A_467 = arith.constant 64 : i32
      %add3A_468 = vector.broadcast %add3A_467 : i32 to vector<16xi32>
      %add3A_469 = arith.addi %iota3A, %add3A_468 : vector<16xi32>
      %masked_sort3A_470 = arith.constant dense<true> : vector<16xi1>
      %masked_sort3A_471, %masked_sort3A_472, %masked_sort3A_473 = tpu.sort %get3A_466, %add3A_469 masked %masked_sort3A_470 : (vector<16xf32>, vector<16xi32>, vector<16xi1>) -> (vector<16xi1>, vector<16xf32>, vector<16xi32>)
      %mul3A_474 = arith.constant 16 : i32
      %mul3A_475 = arith.muli %scan3A_409, %mul3A_474 : i32
      %add3A_476 = arith.constant 1280 : i32
      %add3A_477 = arith.addi %add3A_476, %mul3A_475 : i32
      %get3A_478 = arith.index_cast %add3A_477 : i32 to index
      %get3A_479 = tpu.vector_load %arg5[%get3A_478] {strides = array<i32>} : memref<6400xf32, #tpu.memory_space<vmem>>, vector<16xf32>,
      %add3A_480 = arith.constant 80 : i32
      %add3A_481 = vector.broadcast %add3A_480 : i32 to vector<16xi32>
      %add3A_482 = arith.addi %iota3A, %add3A_481 : vector<16xi32>
      %masked_sort3A_483 = arith.constant dense<true> : vector<16xi1>
      %masked_sort3A_484, %masked_sort3A_485, %masked_sort3A_486 = tpu.sort %get3A_479, %add3A_482 masked %masked_sort3A_483 : (vector<16xf32>, vector<16xi32>, vector<16xi1>) -> (vector<16xi1>, vector<16xf32>, vector<16xi32>)
      %mul3A_487 = arith.constant 16 : i32
      %mul3A_488 = arith.muli %scan3A_409, %mul3A_487 : i32
      %add3A_489 = arith.constant 1536 : i32
      %add3A_490 = arith.addi %add3A_489, %mul3A_488 : i32
      %get3A_491 = arith.index_cast %add3A_490 : i32 to index
      %get3A_492 = tpu.vector_load %arg5[%get3A_491] {strides = array<i32>} : memref<6400xf32, #tpu.memory_space<vmem>>, vector<16xf32>,
      %add3A_493 = arith.constant 96 : i32
      %add3A_494 = vector.broadcast %add3A_493 : i32 to vector<16xi32>
      %add3A_495 = arith.addi %iota3A, %add3A_494 : vector<16xi32>
      %masked_sort3A_496 = arith.constant dense<true> : vector<16xi1>
      %masked_sort3A_497, %masked_sort3A_498, %masked_sort3A_499 = tpu.sort %get3A_492, %add3A_495 masked %masked_sort3A_496 : (vector<16xf32>, vector<16xi32>, vector<16xi1>) -> (vector<16xi1>, vector<16xf32>, vector<16xi32>)
      %mul3A_500 = arith.constant 16 : i32
      %mul3A_501 = arith.muli %scan3A_409, %mul3A_500 : i32
      %add3A_502 = arith.constant 1792 : i32
      %add3A_503 = arith.addi %add3A_502, %mul3A_501 : i32
      %get3A_504 = arith.index_cast %add3A_503 : i32 to index
      %get3A_505 = tpu.vector_load %arg5[%get3A_504] {strides = array<i32>} : memref<6400xf32, #tpu.memory_space<vmem>>, vector<16xf32>,
      %add3A_506 = arith.constant 112 : i32
      %add3A_507 = vector.broadcast %add3A_506 : i32 to vector<16xi32>
      %add3A_508 = arith.addi %iota3A, %add3A_507 : vector<16xi32>
      %masked_sort3A_509 = arith.constant dense<true> : vector<16xi1>
      %masked_sort3A_510, %masked_sort3A_511, %masked_sort3A_512 = tpu.sort %get3A_505, %add3A_508 masked %masked_sort3A_509 : (vector<16xf32>, vector<16xi32>, vector<16xi1>) -> (vector<16xi1>, vector<16xf32>, vector<16xi32>)
      %mul3A_513 = arith.constant 16 : i32
      %mul3A_514 = arith.muli %scan3A_409, %mul3A_513 : i32
      %add3A_515 = arith.constant 2048 : i32
      %add3A_516 = arith.addi %add3A_515, %mul3A_514 : i32
      %get3A_517 = arith.index_cast %add3A_516 : i32 to index
      %get3A_518 = tpu.vector_load %arg5[%get3A_517] {strides = array<i32>} : memref<6400xf32, #tpu.memory_space<vmem>>, vector<16xf32>,
      %add3A_519 = arith.constant 128 : i32
      %add3A_520 = vector.broadcast %add3A_519 : i32 to vector<16xi32>
      %add3A_521 = arith.addi %iota3A, %add3A_520 : vector<16xi32>
      %masked_sort3A_522 = arith.constant dense<true> : vector<16xi1>
      %masked_sort3A_523, %masked_sort3A_524, %masked_sort3A_525 = tpu.sort %get3A_518, %add3A_521 masked %masked_sort3A_522 : (vector<16xf32>, vector<16xi32>, vector<16xi1>) -> (vector<16xi1>, vector<16xf32>, vector<16xi32>)
      %mul3A_526 = arith.constant 16 : i32
      %mul3A_527 = arith.muli %scan3A_409, %mul3A_526 : i32
      %add3A_528 = arith.constant 2304 : i32
      %add3A_529 = arith.addi %add3A_528, %mul3A_527 : i32
      %get3A_530 = arith.index_cast %add3A_529 : i32 to index
      %get3A_531 = tpu.vector_load %arg5[%get3A_530] {strides = array<i32>} : memref<6400xf32, #tpu.memory_space<vmem>>, vector<16xf32>,
      %add3A_532 = arith.constant 144 : i32
      %add3A_533 = vector.broadcast %add3A_532 : i32 to vector<16xi32>
      %add3A_534 = arith.addi %iota3A, %add3A_533 : vector<16xi32>
      %masked_sort3A_535 = arith.constant dense<true> : vector<16xi1>
      %masked_sort3A_536, %masked_sort3A_537, %masked_sort3A_538 = tpu.sort %get3A_531, %add3A_534 masked %masked_sort3A_535 : (vector<16xf32>, vector<16xi32>, vector<16xi1>) -> (vector<16xi1>, vector<16xf32>, vector<16xi32>)
      %mul3A_539 = arith.constant 16 : i32
      %mul3A_540 = arith.muli %scan3A_409, %mul3A_539 : i32
      %add3A_541 = arith.constant 2560 : i32
      %add3A_542 = arith.addi %add3A_541, %mul3A_540 : i32
      %get3A_543 = arith.index_cast %add3A_542 : i32 to index
      %get3A_544 = tpu.vector_load %arg5[%get3A_543] {strides = array<i32>} : memref<6400xf32, #tpu.memory_space<vmem>>, vector<16xf32>,
      %add3A_545 = arith.constant 160 : i32
      %add3A_546 = vector.broadcast %add3A_545 : i32 to vector<16xi32>
      %add3A_547 = arith.addi %iota3A, %add3A_546 : vector<16xi32>
      %masked_sort3A_548 = arith.constant dense<true> : vector<16xi1>
      %masked_sort3A_549, %masked_sort3A_550, %masked_sort3A_551 = tpu.sort %get3A_544, %add3A_547 masked %masked_sort3A_548 : (vector<16xf32>, vector<16xi32>, vector<16xi1>) -> (vector<16xi1>, vector<16xf32>, vector<16xi32>)
      %mul3A_552 = arith.constant 16 : i32
      %mul3A_553 = arith.muli %scan3A_409, %mul3A_552 : i32
      %add3A_554 = arith.constant 2816 : i32
      %add3A_555 = arith.addi %add3A_554, %mul3A_553 : i32
      %get3A_556 = arith.index_cast %add3A_555 : i32 to index
      %get3A_557 = tpu.vector_load %arg5[%get3A_556] {strides = array<i32>} : memref<6400xf32, #tpu.memory_space<vmem>>, vector<16xf32>,
      %add3A_558 = arith.constant 176 : i32
      %add3A_559 = vector.broadcast %add3A_558 : i32 to vector<16xi32>
      %add3A_560 = arith.addi %iota3A, %add3A_559 : vector<16xi32>
      %masked_sort3A_561 = arith.constant dense<true> : vector<16xi1>
      %masked_sort3A_562, %masked_sort3A_563, %masked_sort3A_564 = tpu.sort %get3A_557, %add3A_560 masked %masked_sort3A_561 : (vector<16xf32>, vector<16xi32>, vector<16xi1>) -> (vector<16xi1>, vector<16xf32>, vector<16xi32>)
      %mul3A_565 = arith.constant 16 : i32
      %mul3A_566 = arith.muli %scan3A_409, %mul3A_565 : i32
      %add3A_567 = arith.constant 3072 : i32
      %add3A_568 = arith.addi %add3A_567, %mul3A_566 : i32
      %get3A_569 = arith.index_cast %add3A_568 : i32 to index
      %get3A_570 = tpu.vector_load %arg5[%get3A_569] {strides = array<i32>} : memref<6400xf32, #tpu.memory_space<vmem>>, vector<16xf32>,
      %add3A_571 = arith.constant 192 : i32
      %add3A_572 = vector.broadcast %add3A_571 : i32 to vector<16xi32>
      %add3A_573 = arith.addi %iota3A, %add3A_572 : vector<16xi32>
      %masked_sort3A_574 = arith.constant dense<true> : vector<16xi1>
      %masked_sort3A_575, %masked_sort3A_576, %masked_sort3A_577 = tpu.sort %get3A_570, %add3A_573 masked %masked_sort3A_574 : (vector<16xf32>, vector<16xi32>, vector<16xi1>) -> (vector<16xi1>, vector<16xf32>, vector<16xi32>)
      %mul3A_578 = arith.constant 16 : i32
      %mul3A_579 = arith.muli %scan3A_409, %mul3A_578 : i32
      %add3A_580 = arith.constant 3328 : i32
      %add3A_581 = arith.addi %add3A_580, %mul3A_579 : i32
      %get3A_582 = arith.index_cast %add3A_581 : i32 to index
      %get3A_583 = tpu.vector_load %arg5[%get3A_582] {strides = array<i32>} : memref<6400xf32, #tpu.memory_space<vmem>>, vector<16xf32>,
      %add3A_584 = arith.constant 208 : i32
      %add3A_585 = vector.broadcast %add3A_584 : i32 to vector<16xi32>
      %add3A_586 = arith.addi %iota3A, %add3A_585 : vector<16xi32>
      %masked_sort3A_587 = arith.constant dense<true> : vector<16xi1>
      %masked_sort3A_588, %masked_sort3A_589, %masked_sort3A_590 = tpu.sort %get3A_583, %add3A_586 masked %masked_sort3A_587 : (vector<16xf32>, vector<16xi32>, vector<16xi1>) -> (vector<16xi1>, vector<16xf32>, vector<16xi32>)
      %mul3A_591 = arith.constant 16 : i32
      %mul3A_592 = arith.muli %scan3A_409, %mul3A_591 : i32
      %add3A_593 = arith.constant 3584 : i32
      %add3A_594 = arith.addi %add3A_593, %mul3A_592 : i32
      %get3A_595 = arith.index_cast %add3A_594 : i32 to index
      %get3A_596 = tpu.vector_load %arg5[%get3A_595] {strides = array<i32>} : memref<6400xf32, #tpu.memory_space<vmem>>, vector<16xf32>,
      %add3A_597 = arith.constant 224 : i32
      %add3A_598 = vector.broadcast %add3A_597 : i32 to vector<16xi32>
      %add3A_599 = arith.addi %iota3A, %add3A_598 : vector<16xi32>
      %masked_sort3A_600 = arith.constant dense<true> : vector<16xi1>
      %masked_sort3A_601, %masked_sort3A_602, %masked_sort3A_603 = tpu.sort %get3A_596, %add3A_599 masked %masked_sort3A_600 : (vector<16xf32>, vector<16xi32>, vector<16xi1>) -> (vector<16xi1>, vector<16xf32>, vector<16xi32>)
      %mul3A_604 = arith.constant 16 : i32
      %mul3A_605 = arith.muli %scan3A_409, %mul3A_604 : i32
      %add3A_606 = arith.constant 3840 : i32
      %add3A_607 = arith.addi %add3A_606, %mul3A_605 : i32
      %get3A_608 = arith.index_cast %add3A_607 : i32 to index
      %get3A_609 = tpu.vector_load %arg5[%get3A_608] {strides = array<i32>} : memref<6400xf32, #tpu.memory_space<vmem>>, vector<16xf32>,
      %add3A_610 = arith.constant 240 : i32
      %add3A_611 = vector.broadcast %add3A_610 : i32 to vector<16xi32>
      %add3A_612 = arith.addi %iota3A, %add3A_611 : vector<16xi32>
      %masked_sort3A_613 = arith.constant dense<true> : vector<16xi1>
      %masked_sort3A_614, %masked_sort3A_615, %masked_sort3A_616 = tpu.sort %get3A_609, %add3A_612 masked %masked_sort3A_613 : (vector<16xf32>, vector<16xi32>, vector<16xi1>) -> (vector<16xi1>, vector<16xf32>, vector<16xi32>)
      %mul3A_617 = arith.constant 16 : i32
      %mul3A_618 = arith.muli %scan3A_409, %mul3A_617 : i32
      %add3A_619 = arith.constant 4096 : i32
      %add3A_620 = arith.addi %add3A_619, %mul3A_618 : i32
      %get3A_621 = arith.index_cast %add3A_620 : i32 to index
      %get3A_622 = tpu.vector_load %arg5[%get3A_621] {strides = array<i32>} : memref<6400xf32, #tpu.memory_space<vmem>>, vector<16xf32>,
      %add3A_623 = arith.constant 256 : i32
      %add3A_624 = vector.broadcast %add3A_623 : i32 to vector<16xi32>
      %add3A_625 = arith.addi %iota3A, %add3A_624 : vector<16xi32>
      %masked_sort3A_626 = arith.constant dense<true> : vector<16xi1>
      %masked_sort3A_627, %masked_sort3A_628, %masked_sort3A_629 = tpu.sort %get3A_622, %add3A_625 masked %masked_sort3A_626 : (vector<16xf32>, vector<16xi32>, vector<16xi1>) -> (vector<16xi1>, vector<16xf32>, vector<16xi32>)
      %mul3A_630 = arith.constant 16 : i32
      %mul3A_631 = arith.muli %scan3A_409, %mul3A_630 : i32
      %add3A_632 = arith.constant 4352 : i32
      %add3A_633 = arith.addi %add3A_632, %mul3A_631 : i32
      %get3A_634 = arith.index_cast %add3A_633 : i32 to index
      %get3A_635 = tpu.vector_load %arg5[%get3A_634] {strides = array<i32>} : memref<6400xf32, #tpu.memory_space<vmem>>, vector<16xf32>,
      %add3A_636 = arith.constant 272 : i32
      %add3A_637 = vector.broadcast %add3A_636 : i32 to vector<16xi32>
      %add3A_638 = arith.addi %iota3A, %add3A_637 : vector<16xi32>
      %masked_sort3A_639 = arith.constant dense<true> : vector<16xi1>
      %masked_sort3A_640, %masked_sort3A_641, %masked_sort3A_642 = tpu.sort %get3A_635, %add3A_638 masked %masked_sort3A_639 : (vector<16xf32>, vector<16xi32>, vector<16xi1>) -> (vector<16xi1>, vector<16xf32>, vector<16xi32>)
      %mul3A_643 = arith.constant 16 : i32
      %mul3A_644 = arith.muli %scan3A_409, %mul3A_643 : i32
      %add3A_645 = arith.constant 4608 : i32
      %add3A_646 = arith.addi %add3A_645, %mul3A_644 : i32
      %get3A_647 = arith.index_cast %add3A_646 : i32 to index
      %get3A_648 = tpu.vector_load %arg5[%get3A_647] {strides = array<i32>} : memref<6400xf32, #tpu.memory_space<vmem>>, vector<16xf32>,
      %add3A_649 = arith.constant 288 : i32
      %add3A_650 = vector.broadcast %add3A_649 : i32 to vector<16xi32>
      %add3A_651 = arith.addi %iota3A, %add3A_650 : vector<16xi32>
      %masked_sort3A_652 = arith.constant dense<true> : vector<16xi1>
      %masked_sort3A_653, %masked_sort3A_654, %masked_sort3A_655 = tpu.sort %get3A_648, %add3A_651 masked %masked_sort3A_652 : (vector<16xf32>, vector<16xi32>, vector<16xi1>) -> (vector<16xi1>, vector<16xf32>, vector<16xi32>)
      %mul3A_656 = arith.constant 16 : i32
      %mul3A_657 = arith.muli %scan3A_409, %mul3A_656 : i32
      %add3A_658 = arith.constant 4864 : i32
      %add3A_659 = arith.addi %add3A_658, %mul3A_657 : i32
      %get3A_660 = arith.index_cast %add3A_659 : i32 to index
      %get3A_661 = tpu.vector_load %arg5[%get3A_660] {strides = array<i32>} : memref<6400xf32, #tpu.memory_space<vmem>>, vector<16xf32>,
      %add3A_662 = arith.constant 304 : i32
      %add3A_663 = vector.broadcast %add3A_662 : i32 to vector<16xi32>
      %add3A_664 = arith.addi %iota3A, %add3A_663 : vector<16xi32>
      %masked_sort3A_665 = arith.constant dense<true> : vector<16xi1>
      %masked_sort3A_666, %masked_sort3A_667, %masked_sort3A_668 = tpu.sort %get3A_661, %add3A_664 masked %masked_sort3A_665 : (vector<16xf32>, vector<16xi32>, vector<16xi1>) -> (vector<16xi1>, vector<16xf32>, vector<16xi32>)
      %mul3A_669 = arith.constant 16 : i32
      %mul3A_670 = arith.muli %scan3A_409, %mul3A_669 : i32
      %add3A_671 = arith.constant 5120 : i32
      %add3A_672 = arith.addi %add3A_671, %mul3A_670 : i32
      %get3A_673 = arith.index_cast %add3A_672 : i32 to index
      %get3A_674 = tpu.vector_load %arg5[%get3A_673] {strides = array<i32>} : memref<6400xf32, #tpu.memory_space<vmem>>, vector<16xf32>,
      %add3A_675 = arith.constant 320 : i32
      %add3A_676 = vector.broadcast %add3A_675 : i32 to vector<16xi32>
      %add3A_677 = arith.addi %iota3A, %add3A_676 : vector<16xi32>
      %masked_sort3A_678 = arith.constant dense<true> : vector<16xi1>
      %masked_sort3A_679, %masked_sort3A_680, %masked_sort3A_681 = tpu.sort %get3A_674, %add3A_677 masked %masked_sort3A_678 : (vector<16xf32>, vector<16xi32>, vector<16xi1>) -> (vector<16xi1>, vector<16xf32>, vector<16xi32>)
      %mul3A_682 = arith.constant 16 : i32
      %mul3A_683 = arith.muli %scan3A_409, %mul3A_682 : i32
      %add3A_684 = arith.constant 5376 : i32
      %add3A_685 = arith.addi %add3A_684, %mul3A_683 : i32
      %get3A_686 = arith.index_cast %add3A_685 : i32 to index
      %get3A_687 = tpu.vector_load %arg5[%get3A_686] {strides = array<i32>} : memref<6400xf32, #tpu.memory_space<vmem>>, vector<16xf32>,
      %add3A_688 = arith.constant 336 : i32
      %add3A_689 = vector.broadcast %add3A_688 : i32 to vector<16xi32>
      %add3A_690 = arith.addi %iota3A, %add3A_689 : vector<16xi32>
      %masked_sort3A_691 = arith.constant dense<true> : vector<16xi1>
      %masked_sort3A_692, %masked_sort3A_693, %masked_sort3A_694 = tpu.sort %get3A_687, %add3A_690 masked %masked_sort3A_691 : (vector<16xf32>, vector<16xi32>, vector<16xi1>) -> (vector<16xi1>, vector<16xf32>, vector<16xi32>)
      %mul3A_695 = arith.constant 16 : i32
      %mul3A_696 = arith.muli %scan3A_409, %mul3A_695 : i32
      %add3A_697 = arith.constant 5632 : i32
      %add3A_698 = arith.addi %add3A_697, %mul3A_696 : i32
      %get3A_699 = arith.index_cast %add3A_698 : i32 to index
      %get3A_700 = tpu.vector_load %arg5[%get3A_699] {strides = array<i32>} : memref<6400xf32, #tpu.memory_space<vmem>>, vector<16xf32>,
      %add3A_701 = arith.constant 352 : i32
      %add3A_702 = vector.broadcast %add3A_701 : i32 to vector<16xi32>
      %add3A_703 = arith.addi %iota3A, %add3A_702 : vector<16xi32>
      %masked_sort3A_704 = arith.constant dense<true> : vector<16xi1>
      %masked_sort3A_705, %masked_sort3A_706, %masked_sort3A_707 = tpu.sort %get3A_700, %add3A_703 masked %masked_sort3A_704 : (vector<16xf32>, vector<16xi32>, vector<16xi1>) -> (vector<16xi1>, vector<16xf32>, vector<16xi32>)
      %mul3A_708 = arith.constant 16 : i32
      %mul3A_709 = arith.muli %scan3A_409, %mul3A_708 : i32
      %add3A_710 = arith.constant 5888 : i32
      %add3A_711 = arith.addi %add3A_710, %mul3A_709 : i32
      %get3A_712 = arith.index_cast %add3A_711 : i32 to index
      %get3A_713 = tpu.vector_load %arg5[%get3A_712] {strides = array<i32>} : memref<6400xf32, #tpu.memory_space<vmem>>, vector<16xf32>,
      %add3A_714 = arith.constant 368 : i32
      %add3A_715 = vector.broadcast %add3A_714 : i32 to vector<16xi32>
      %add3A_716 = arith.addi %iota3A, %add3A_715 : vector<16xi32>
      %masked_sort3A_717 = arith.constant dense<true> : vector<16xi1>
      %masked_sort3A_718, %masked_sort3A_719, %masked_sort3A_720 = tpu.sort %get3A_713, %add3A_716 masked %masked_sort3A_717 : (vector<16xf32>, vector<16xi32>, vector<16xi1>) -> (vector<16xi1>, vector<16xf32>, vector<16xi32>)
      %mul3A_721 = arith.constant 16 : i32
      %mul3A_722 = arith.muli %scan3A_409, %mul3A_721 : i32
      %add3A_723 = arith.constant 6144 : i32
      %add3A_724 = arith.addi %add3A_723, %mul3A_722 : i32
      %get3A_725 = arith.index_cast %add3A_724 : i32 to index
      %get3A_726 = tpu.vector_load %arg5[%get3A_725] {strides = array<i32>} : memref<6400xf32, #tpu.memory_space<vmem>>, vector<16xf32>,
      %add3A_727 = arith.constant 384 : i32
      %add3A_728 = vector.broadcast %add3A_727 : i32 to vector<16xi32>
      %add3A_729 = arith.addi %iota3A, %add3A_728 : vector<16xi32>
      %masked_sort3A_730 = arith.constant dense<true> : vector<16xi1>
      %masked_sort3A_731, %masked_sort3A_732, %masked_sort3A_733 = tpu.sort %get3A_726, %add3A_729 masked %masked_sort3A_730 : (vector<16xf32>, vector<16xi32>, vector<16xi1>) -> (vector<16xi1>, vector<16xf32>, vector<16xi32>)
      %rev3A = arith.constant 15 : i32
      %rev3A_734 = vector.broadcast %rev3A : i32 to vector<16xi32>
      %rev3A_735 = tpu.iota {dimensions = array<i32: 0>} : vector<16xi32>
      %rev3A_736 = arith.subi %rev3A_734, %rev3A_735 : vector<16xi32>
      %rev3A_737 = tpu.dynamic_gather %masked_sort3A_433[%rev3A_736] in [0] : vector<16xf32>, vector<16xi32> -> vector<16xf32>
      %rev3A_738 = arith.constant 15 : i32
      %rev3A_739 = vector.broadcast %rev3A_738 : i32 to vector<16xi32>
      %rev3A_740 = tpu.iota {dimensions = array<i32: 0>} : vector<16xi32>
      %rev3A_741 = arith.subi %rev3A_739, %rev3A_740 : vector<16xi32>
      %rev3A_742 = tpu.dynamic_gather %masked_sort3A_434[%rev3A_741] in [0] : vector<16xi32>, vector<16xi32> -> vector<16xi32>
      %min3A = arith.minimumf %masked_sort3A_420, %rev3A_737 : vector<16xf32>
      %lt3A = arith.cmpf olt, %rev3A_737, %masked_sort3A_420 : vector<16xf32>
      %select_n3A = arith.select %lt3A, %rev3A_742, %masked_sort3A_421 : vector<16xi1>, vector<16xi32>
      %masked_sort3A_743 = arith.constant dense<true> : vector<16xi1>
      %masked_sort3A_744, %masked_sort3A_745, %masked_sort3A_746 = tpu.sort %min3A, %select_n3A masked %masked_sort3A_743 : (vector<16xf32>, vector<16xi32>, vector<16xi1>) -> (vector<16xi1>, vector<16xf32>, vector<16xi32>)
      %rev3A_747 = arith.constant 15 : i32
      %rev3A_748 = vector.broadcast %rev3A_747 : i32 to vector<16xi32>
      %rev3A_749 = tpu.iota {dimensions = array<i32: 0>} : vector<16xi32>
      %rev3A_750 = arith.subi %rev3A_748, %rev3A_749 : vector<16xi32>
      %rev3A_751 = tpu.dynamic_gather %masked_sort3A_459[%rev3A_750] in [0] : vector<16xf32>, vector<16xi32> -> vector<16xf32>
      %rev3A_752 = arith.constant 15 : i32
      %rev3A_753 = vector.broadcast %rev3A_752 : i32 to vector<16xi32>
      %rev3A_754 = tpu.iota {dimensions = array<i32: 0>} : vector<16xi32>
      %rev3A_755 = arith.subi %rev3A_753, %rev3A_754 : vector<16xi32>
      %rev3A_756 = tpu.dynamic_gather %masked_sort3A_460[%rev3A_755] in [0] : vector<16xi32>, vector<16xi32> -> vector<16xi32>
      %min3A_757 = arith.minimumf %masked_sort3A_446, %rev3A_751 : vector<16xf32>
      %lt3A_758 = arith.cmpf olt, %rev3A_751, %masked_sort3A_446 : vector<16xf32>
      %select_n3A_759 = arith.select %lt3A_758, %rev3A_756, %masked_sort3A_447 : vector<16xi1>, vector<16xi32>
      %masked_sort3A_760 = arith.constant dense<true> : vector<16xi1>
      %masked_sort3A_761, %masked_sort3A_762, %masked_sort3A_763 = tpu.sort %min3A_757, %select_n3A_759 masked %masked_sort3A_760 : (vector<16xf32>, vector<16xi32>, vector<16xi1>) -> (vector<16xi1>, vector<16xf32>, vector<16xi32>)
      %rev3A_764 = arith.constant 15 : i32
      %rev3A_765 = vector.broadcast %rev3A_764 : i32 to vector<16xi32>
      %rev3A_766 = tpu.iota {dimensions = array<i32: 0>} : vector<16xi32>
      %rev3A_767 = arith.subi %rev3A_765, %rev3A_766 : vector<16xi32>
      %rev3A_768 = tpu.dynamic_gather %masked_sort3A_485[%rev3A_767] in [0] : vector<16xf32>, vector<16xi32> -> vector<16xf32>
      %rev3A_769 = arith.constant 15 : i32
      %rev3A_770 = vector.broadcast %rev3A_769 : i32 to vector<16xi32>
      %rev3A_771 = tpu.iota {dimensions = array<i32: 0>} : vector<16xi32>
      %rev3A_772 = arith.subi %rev3A_770, %rev3A_771 : vector<16xi32>
      %rev3A_773 = tpu.dynamic_gather %masked_sort3A_486[%rev3A_772] in [0] : vector<16xi32>, vector<16xi32> -> vector<16xi32>
      %min3A_774 = arith.minimumf %masked_sort3A_472, %rev3A_768 : vector<16xf32>
      %lt3A_775 = arith.cmpf olt, %rev3A_768, %masked_sort3A_472 : vector<16xf32>
      %select_n3A_776 = arith.select %lt3A_775, %rev3A_773, %masked_sort3A_473 : vector<16xi1>, vector<16xi32>
      %masked_sort3A_777 = arith.constant dense<true> : vector<16xi1>
      %masked_sort3A_778, %masked_sort3A_779, %masked_sort3A_780 = tpu.sort %min3A_774, %select_n3A_776 masked %masked_sort3A_777 : (vector<16xf32>, vector<16xi32>, vector<16xi1>) -> (vector<16xi1>, vector<16xf32>, vector<16xi32>)
      %rev3A_781 = arith.constant 15 : i32
      %rev3A_782 = vector.broadcast %rev3A_781 : i32 to vector<16xi32>
      %rev3A_783 = tpu.iota {dimensions = array<i32: 0>} : vector<16xi32>
      %rev3A_784 = arith.subi %rev3A_782, %rev3A_783 : vector<16xi32>
      %rev3A_785 = tpu.dynamic_gather %masked_sort3A_511[%rev3A_784] in [0] : vector<16xf32>, vector<16xi32> -> vector<16xf32>
      %rev3A_786 = arith.constant 15 : i32
      %rev3A_787 = vector.broadcast %rev3A_786 : i32 to vector<16xi32>
      %rev3A_788 = tpu.iota {dimensions = array<i32: 0>} : vector<16xi32>
      %rev3A_789 = arith.subi %rev3A_787, %rev3A_788 : vector<16xi32>
      %rev3A_790 = tpu.dynamic_gather %masked_sort3A_512[%rev3A_789] in [0] : vector<16xi32>, vector<16xi32> -> vector<16xi32>
      %min3A_791 = arith.minimumf %masked_sort3A_498, %rev3A_785 : vector<16xf32>
      %lt3A_792 = arith.cmpf olt, %rev3A_785, %masked_sort3A_498 : vector<16xf32>
      %select_n3A_793 = arith.select %lt3A_792, %rev3A_790, %masked_sort3A_499 : vector<16xi1>, vector<16xi32>
      %masked_sort3A_794 = arith.constant dense<true> : vector<16xi1>
      %masked_sort3A_795, %masked_sort3A_796, %masked_sort3A_797 = tpu.sort %min3A_791, %select_n3A_793 masked %masked_sort3A_794 : (vector<16xf32>, vector<16xi32>, vector<16xi1>) -> (vector<16xi1>, vector<16xf32>, vector<16xi32>)
      %rev3A_798 = arith.constant 15 : i32
      %rev3A_799 = vector.broadcast %rev3A_798 : i32 to vector<16xi32>
      %rev3A_800 = tpu.iota {dimensions = array<i32: 0>} : vector<16xi32>
      %rev3A_801 = arith.subi %rev3A_799, %rev3A_800 : vector<16xi32>
      %rev3A_802 = tpu.dynamic_gather %masked_sort3A_537[%rev3A_801] in [0] : vector<16xf32>, vector<16xi32> -> vector<16xf32>
      %rev3A_803 = arith.constant 15 : i32
      %rev3A_804 = vector.broadcast %rev3A_803 : i32 to vector<16xi32>
      %rev3A_805 = tpu.iota {dimensions = array<i32: 0>} : vector<16xi32>
      %rev3A_806 = arith.subi %rev3A_804, %rev3A_805 : vector<16xi32>
      %rev3A_807 = tpu.dynamic_gather %masked_sort3A_538[%rev3A_806] in [0] : vector<16xi32>, vector<16xi32> -> vector<16xi32>
      %min3A_808 = arith.minimumf %masked_sort3A_524, %rev3A_802 : vector<16xf32>
      %lt3A_809 = arith.cmpf olt, %rev3A_802, %masked_sort3A_524 : vector<16xf32>
      %select_n3A_810 = arith.select %lt3A_809, %rev3A_807, %masked_sort3A_525 : vector<16xi1>, vector<16xi32>
      %masked_sort3A_811 = arith.constant dense<true> : vector<16xi1>
      %masked_sort3A_812, %masked_sort3A_813, %masked_sort3A_814 = tpu.sort %min3A_808, %select_n3A_810 masked %masked_sort3A_811 : (vector<16xf32>, vector<16xi32>, vector<16xi1>) -> (vector<16xi1>, vector<16xf32>, vector<16xi32>)
      %rev3A_815 = arith.constant 15 : i32
      %rev3A_816 = vector.broadcast %rev3A_815 : i32 to vector<16xi32>
      %rev3A_817 = tpu.iota {dimensions = array<i32: 0>} : vector<16xi32>
      %rev3A_818 = arith.subi %rev3A_816, %rev3A_817 : vector<16xi32>
      %rev3A_819 = tpu.dynamic_gather %masked_sort3A_563[%rev3A_818] in [0] : vector<16xf32>, vector<16xi32> -> vector<16xf32>
      %rev3A_820 = arith.constant 15 : i32
      %rev3A_821 = vector.broadcast %rev3A_820 : i32 to vector<16xi32>
      %rev3A_822 = tpu.iota {dimensions = array<i32: 0>} : vector<16xi32>
      %rev3A_823 = arith.subi %rev3A_821, %rev3A_822 : vector<16xi32>
      %rev3A_824 = tpu.dynamic_gather %masked_sort3A_564[%rev3A_823] in [0] : vector<16xi32>, vector<16xi32> -> vector<16xi32>
      %min3A_825 = arith.minimumf %masked_sort3A_550, %rev3A_819 : vector<16xf32>
      %lt3A_826 = arith.cmpf olt, %rev3A_819, %masked_sort3A_550 : vector<16xf32>
      %select_n3A_827 = arith.select %lt3A_826, %rev3A_824, %masked_sort3A_551 : vector<16xi1>, vector<16xi32>
      %masked_sort3A_828 = arith.constant dense<true> : vector<16xi1>
      %masked_sort3A_829, %masked_sort3A_830, %masked_sort3A_831 = tpu.sort %min3A_825, %select_n3A_827 masked %masked_sort3A_828 : (vector<16xf32>, vector<16xi32>, vector<16xi1>) -> (vector<16xi1>, vector<16xf32>, vector<16xi32>)
      %rev3A_832 = arith.constant 15 : i32
      %rev3A_833 = vector.broadcast %rev3A_832 : i32 to vector<16xi32>
      %rev3A_834 = tpu.iota {dimensions = array<i32: 0>} : vector<16xi32>
      %rev3A_835 = arith.subi %rev3A_833, %rev3A_834 : vector<16xi32>
      %rev3A_836 = tpu.dynamic_gather %masked_sort3A_589[%rev3A_835] in [0] : vector<16xf32>, vector<16xi32> -> vector<16xf32>
      %rev3A_837 = arith.constant 15 : i32
      %rev3A_838 = vector.broadcast %rev3A_837 : i32 to vector<16xi32>
      %rev3A_839 = tpu.iota {dimensions = array<i32: 0>} : vector<16xi32>
      %rev3A_840 = arith.subi %rev3A_838, %rev3A_839 : vector<16xi32>
      %rev3A_841 = tpu.dynamic_gather %masked_sort3A_590[%rev3A_840] in [0] : vector<16xi32>, vector<16xi32> -> vector<16xi32>
      %min3A_842 = arith.minimumf %masked_sort3A_576, %rev3A_836 : vector<16xf32>
      %lt3A_843 = arith.cmpf olt, %rev3A_836, %masked_sort3A_576 : vector<16xf32>
      %select_n3A_844 = arith.select %lt3A_843, %rev3A_841, %masked_sort3A_577 : vector<16xi1>, vector<16xi32>
      %masked_sort3A_845 = arith.constant dense<true> : vector<16xi1>
      %masked_sort3A_846, %masked_sort3A_847, %masked_sort3A_848 = tpu.sort %min3A_842, %select_n3A_844 masked %masked_sort3A_845 : (vector<16xf32>, vector<16xi32>, vector<16xi1>) -> (vector<16xi1>, vector<16xf32>, vector<16xi32>)
      %rev3A_849 = arith.constant 15 : i32
      %rev3A_850 = vector.broadcast %rev3A_849 : i32 to vector<16xi32>
      %rev3A_851 = tpu.iota {dimensions = array<i32: 0>} : vector<16xi32>
      %rev3A_852 = arith.subi %rev3A_850, %rev3A_851 : vector<16xi32>
      %rev3A_853 = tpu.dynamic_gather %masked_sort3A_615[%rev3A_852] in [0] : vector<16xf32>, vector<16xi32> -> vector<16xf32>
      %rev3A_854 = arith.constant 15 : i32
      %rev3A_855 = vector.broadcast %rev3A_854 : i32 to vector<16xi32>
      %rev3A_856 = tpu.iota {dimensions = array<i32: 0>} : vector<16xi32>
      %rev3A_857 = arith.subi %rev3A_855, %rev3A_856 : vector<16xi32>
      %rev3A_858 = tpu.dynamic_gather %masked_sort3A_616[%rev3A_857] in [0] : vector<16xi32>, vector<16xi32> -> vector<16xi32>
      %min3A_859 = arith.minimumf %masked_sort3A_602, %rev3A_853 : vector<16xf32>
      %lt3A_860 = arith.cmpf olt, %rev3A_853, %masked_sort3A_602 : vector<16xf32>
      %select_n3A_861 = arith.select %lt3A_860, %rev3A_858, %masked_sort3A_603 : vector<16xi1>, vector<16xi32>
      %masked_sort3A_862 = arith.constant dense<true> : vector<16xi1>
      %masked_sort3A_863, %masked_sort3A_864, %masked_sort3A_865 = tpu.sort %min3A_859, %select_n3A_861 masked %masked_sort3A_862 : (vector<16xf32>, vector<16xi32>, vector<16xi1>) -> (vector<16xi1>, vector<16xf32>, vector<16xi32>)
      %rev3A_866 = arith.constant 15 : i32
      %rev3A_867 = vector.broadcast %rev3A_866 : i32 to vector<16xi32>
      %rev3A_868 = tpu.iota {dimensions = array<i32: 0>} : vector<16xi32>
      %rev3A_869 = arith.subi %rev3A_867, %rev3A_868 : vector<16xi32>
      %rev3A_870 = tpu.dynamic_gather %masked_sort3A_641[%rev3A_869] in [0] : vector<16xf32>, vector<16xi32> -> vector<16xf32>
      %rev3A_871 = arith.constant 15 : i32
      %rev3A_872 = vector.broadcast %rev3A_871 : i32 to vector<16xi32>
      %rev3A_873 = tpu.iota {dimensions = array<i32: 0>} : vector<16xi32>
      %rev3A_874 = arith.subi %rev3A_872, %rev3A_873 : vector<16xi32>
      %rev3A_875 = tpu.dynamic_gather %masked_sort3A_642[%rev3A_874] in [0] : vector<16xi32>, vector<16xi32> -> vector<16xi32>
      %min3A_876 = arith.minimumf %masked_sort3A_628, %rev3A_870 : vector<16xf32>
      %lt3A_877 = arith.cmpf olt, %rev3A_870, %masked_sort3A_628 : vector<16xf32>
      %select_n3A_878 = arith.select %lt3A_877, %rev3A_875, %masked_sort3A_629 : vector<16xi1>, vector<16xi32>
      %masked_sort3A_879 = arith.constant dense<true> : vector<16xi1>
      %masked_sort3A_880, %masked_sort3A_881, %masked_sort3A_882 = tpu.sort %min3A_876, %select_n3A_878 masked %masked_sort3A_879 : (vector<16xf32>, vector<16xi32>, vector<16xi1>) -> (vector<16xi1>, vector<16xf32>, vector<16xi32>)
      %rev3A_883 = arith.constant 15 : i32
      %rev3A_884 = vector.broadcast %rev3A_883 : i32 to vector<16xi32>
      %rev3A_885 = tpu.iota {dimensions = array<i32: 0>} : vector<16xi32>
      %rev3A_886 = arith.subi %rev3A_884, %rev3A_885 : vector<16xi32>
      %rev3A_887 = tpu.dynamic_gather %masked_sort3A_667[%rev3A_886] in [0] : vector<16xf32>, vector<16xi32> -> vector<16xf32>
      %rev3A_888 = arith.constant 15 : i32
      %rev3A_889 = vector.broadcast %rev3A_888 : i32 to vector<16xi32>
      %rev3A_890 = tpu.iota {dimensions = array<i32: 0>} : vector<16xi32>
      %rev3A_891 = arith.subi %rev3A_889, %rev3A_890 : vector<16xi32>
      %rev3A_892 = tpu.dynamic_gather %masked_sort3A_668[%rev3A_891] in [0] : vector<16xi32>, vector<16xi32> -> vector<16xi32>
      %min3A_893 = arith.minimumf %masked_sort3A_654, %rev3A_887 : vector<16xf32>
      %lt3A_894 = arith.cmpf olt, %rev3A_887, %masked_sort3A_654 : vector<16xf32>
      %select_n3A_895 = arith.select %lt3A_894, %rev3A_892, %masked_sort3A_655 : vector<16xi1>, vector<16xi32>
      %masked_sort3A_896 = arith.constant dense<true> : vector<16xi1>
      %masked_sort3A_897, %masked_sort3A_898, %masked_sort3A_899 = tpu.sort %min3A_893, %select_n3A_895 masked %masked_sort3A_896 : (vector<16xf32>, vector<16xi32>, vector<16xi1>) -> (vector<16xi1>, vector<16xf32>, vector<16xi32>)
      %rev3A_900 = arith.constant 15 : i32
      %rev3A_901 = vector.broadcast %rev3A_900 : i32 to vector<16xi32>
      %rev3A_902 = tpu.iota {dimensions = array<i32: 0>} : vector<16xi32>
      %rev3A_903 = arith.subi %rev3A_901, %rev3A_902 : vector<16xi32>
      %rev3A_904 = tpu.dynamic_gather %masked_sort3A_693[%rev3A_903] in [0] : vector<16xf32>, vector<16xi32> -> vector<16xf32>
      %rev3A_905 = arith.constant 15 : i32
      %rev3A_906 = vector.broadcast %rev3A_905 : i32 to vector<16xi32>
      %rev3A_907 = tpu.iota {dimensions = array<i32: 0>} : vector<16xi32>
      %rev3A_908 = arith.subi %rev3A_906, %rev3A_907 : vector<16xi32>
      %rev3A_909 = tpu.dynamic_gather %masked_sort3A_694[%rev3A_908] in [0] : vector<16xi32>, vector<16xi32> -> vector<16xi32>
      %min3A_910 = arith.minimumf %masked_sort3A_680, %rev3A_904 : vector<16xf32>
      %lt3A_911 = arith.cmpf olt, %rev3A_904, %masked_sort3A_680 : vector<16xf32>
      %select_n3A_912 = arith.select %lt3A_911, %rev3A_909, %masked_sort3A_681 : vector<16xi1>, vector<16xi32>
      %masked_sort3A_913 = arith.constant dense<true> : vector<16xi1>
      %masked_sort3A_914, %masked_sort3A_915, %masked_sort3A_916 = tpu.sort %min3A_910, %select_n3A_912 masked %masked_sort3A_913 : (vector<16xf32>, vector<16xi32>, vector<16xi1>) -> (vector<16xi1>, vector<16xf32>, vector<16xi32>)
      %rev3A_917 = arith.constant 15 : i32
      %rev3A_918 = vector.broadcast %rev3A_917 : i32 to vector<16xi32>
      %rev3A_919 = tpu.iota {dimensions = array<i32: 0>} : vector<16xi32>
      %rev3A_920 = arith.subi %rev3A_918, %rev3A_919 : vector<16xi32>
      %rev3A_921 = tpu.dynamic_gather %masked_sort3A_719[%rev3A_920] in [0] : vector<16xf32>, vector<16xi32> -> vector<16xf32>
      %rev3A_922 = arith.constant 15 : i32
      %rev3A_923 = vector.broadcast %rev3A_922 : i32 to vector<16xi32>
      %rev3A_924 = tpu.iota {dimensions = array<i32: 0>} : vector<16xi32>
      %rev3A_925 = arith.subi %rev3A_923, %rev3A_924 : vector<16xi32>
      %rev3A_926 = tpu.dynamic_gather %masked_sort3A_720[%rev3A_925] in [0] : vector<16xi32>, vector<16xi32> -> vector<16xi32>
      %min3A_927 = arith.minimumf %masked_sort3A_706, %rev3A_921 : vector<16xf32>
      %lt3A_928 = arith.cmpf olt, %rev3A_921, %masked_sort3A_706 : vector<16xf32>
      %select_n3A_929 = arith.select %lt3A_928, %rev3A_926, %masked_sort3A_707 : vector<16xi1>, vector<16xi32>
      %masked_sort3A_930 = arith.constant dense<true> : vector<16xi1>
      %masked_sort3A_931, %masked_sort3A_932, %masked_sort3A_933 = tpu.sort %min3A_927, %select_n3A_929 masked %masked_sort3A_930 : (vector<16xf32>, vector<16xi32>, vector<16xi1>) -> (vector<16xi1>, vector<16xf32>, vector<16xi32>)
      %rev3A_934 = arith.constant 15 : i32
      %rev3A_935 = vector.broadcast %rev3A_934 : i32 to vector<16xi32>
      %rev3A_936 = tpu.iota {dimensions = array<i32: 0>} : vector<16xi32>
      %rev3A_937 = arith.subi %rev3A_935, %rev3A_936 : vector<16xi32>
      %rev3A_938 = tpu.dynamic_gather %masked_sort3A_762[%rev3A_937] in [0] : vector<16xf32>, vector<16xi32> -> vector<16xf32>
      %rev3A_939 = arith.constant 15 : i32
      %rev3A_940 = vector.broadcast %rev3A_939 : i32 to vector<16xi32>
      %rev3A_941 = tpu.iota {dimensions = array<i32: 0>} : vector<16xi32>
      %rev3A_942 = arith.subi %rev3A_940, %rev3A_941 : vector<16xi32>
      %rev3A_943 = tpu.dynamic_gather %masked_sort3A_763[%rev3A_942] in [0] : vector<16xi32>, vector<16xi32> -> vector<16xi32>
      %min3A_944 = arith.minimumf %masked_sort3A_745, %rev3A_938 : vector<16xf32>
      %lt3A_945 = arith.cmpf olt, %rev3A_938, %masked_sort3A_745 : vector<16xf32>
      %select_n3A_946 = arith.select %lt3A_945, %rev3A_943, %masked_sort3A_746 : vector<16xi1>, vector<16xi32>
      %masked_sort3A_947 = arith.constant dense<true> : vector<16xi1>
      %masked_sort3A_948, %masked_sort3A_949, %masked_sort3A_950 = tpu.sort %min3A_944, %select_n3A_946 masked %masked_sort3A_947 : (vector<16xf32>, vector<16xi32>, vector<16xi1>) -> (vector<16xi1>, vector<16xf32>, vector<16xi32>)
      %rev3A_951 = arith.constant 15 : i32
      %rev3A_952 = vector.broadcast %rev3A_951 : i32 to vector<16xi32>
      %rev3A_953 = tpu.iota {dimensions = array<i32: 0>} : vector<16xi32>
      %rev3A_954 = arith.subi %rev3A_952, %rev3A_953 : vector<16xi32>
      %rev3A_955 = tpu.dynamic_gather %masked_sort3A_796[%rev3A_954] in [0] : vector<16xf32>, vector<16xi32> -> vector<16xf32>
      %rev3A_956 = arith.constant 15 : i32
      %rev3A_957 = vector.broadcast %rev3A_956 : i32 to vector<16xi32>
      %rev3A_958 = tpu.iota {dimensions = array<i32: 0>} : vector<16xi32>
      %rev3A_959 = arith.subi %rev3A_957, %rev3A_958 : vector<16xi32>
      %rev3A_960 = tpu.dynamic_gather %masked_sort3A_797[%rev3A_959] in [0] : vector<16xi32>, vector<16xi32> -> vector<16xi32>
      %min3A_961 = arith.minimumf %masked_sort3A_779, %rev3A_955 : vector<16xf32>
      %lt3A_962 = arith.cmpf olt, %rev3A_955, %masked_sort3A_779 : vector<16xf32>
      %select_n3A_963 = arith.select %lt3A_962, %rev3A_960, %masked_sort3A_780 : vector<16xi1>, vector<16xi32>
      %masked_sort3A_964 = arith.constant dense<true> : vector<16xi1>
      %masked_sort3A_965, %masked_sort3A_966, %masked_sort3A_967 = tpu.sort %min3A_961, %select_n3A_963 masked %masked_sort3A_964 : (vector<16xf32>, vector<16xi32>, vector<16xi1>) -> (vector<16xi1>, vector<16xf32>, vector<16xi32>)
      %rev3A_968 = arith.constant 15 : i32
      %rev3A_969 = vector.broadcast %rev3A_968 : i32 to vector<16xi32>
      %rev3A_970 = tpu.iota {dimensions = array<i32: 0>} : vector<16xi32>
      %rev3A_971 = arith.subi %rev3A_969, %rev3A_970 : vector<16xi32>
      %rev3A_972 = tpu.dynamic_gather %masked_sort3A_830[%rev3A_971] in [0] : vector<16xf32>, vector<16xi32> -> vector<16xf32>
      %rev3A_973 = arith.constant 15 : i32
      %rev3A_974 = vector.broadcast %rev3A_973 : i32 to vector<16xi32>
      %rev3A_975 = tpu.iota {dimensions = array<i32: 0>} : vector<16xi32>
      %rev3A_976 = arith.subi %rev3A_974, %rev3A_975 : vector<16xi32>
      %rev3A_977 = tpu.dynamic_gather %masked_sort3A_831[%rev3A_976] in [0] : vector<16xi32>, vector<16xi32> -> vector<16xi32>
      %min3A_978 = arith.minimumf %masked_sort3A_813, %rev3A_972 : vector<16xf32>
      %lt3A_979 = arith.cmpf olt, %rev3A_972, %masked_sort3A_813 : vector<16xf32>
      %select_n3A_980 = arith.select %lt3A_979, %rev3A_977, %masked_sort3A_814 : vector<16xi1>, vector<16xi32>
      %masked_sort3A_981 = arith.constant dense<true> : vector<16xi1>
      %masked_sort3A_982, %masked_sort3A_983, %masked_sort3A_984 = tpu.sort %min3A_978, %select_n3A_980 masked %masked_sort3A_981 : (vector<16xf32>, vector<16xi32>, vector<16xi1>) -> (vector<16xi1>, vector<16xf32>, vector<16xi32>)
      %rev3A_985 = arith.constant 15 : i32
      %rev3A_986 = vector.broadcast %rev3A_985 : i32 to vector<16xi32>
      %rev3A_987 = tpu.iota {dimensions = array<i32: 0>} : vector<16xi32>
      %rev3A_988 = arith.subi %rev3A_986, %rev3A_987 : vector<16xi32>
      %rev3A_989 = tpu.dynamic_gather %masked_sort3A_864[%rev3A_988] in [0] : vector<16xf32>, vector<16xi32> -> vector<16xf32>
      %rev3A_990 = arith.constant 15 : i32
      %rev3A_991 = vector.broadcast %rev3A_990 : i32 to vector<16xi32>
      %rev3A_992 = tpu.iota {dimensions = array<i32: 0>} : vector<16xi32>
      %rev3A_993 = arith.subi %rev3A_991, %rev3A_992 : vector<16xi32>
      %rev3A_994 = tpu.dynamic_gather %masked_sort3A_865[%rev3A_993] in [0] : vector<16xi32>, vector<16xi32> -> vector<16xi32>
      %min3A_995 = arith.minimumf %masked_sort3A_847, %rev3A_989 : vector<16xf32>
      %lt3A_996 = arith.cmpf olt, %rev3A_989, %masked_sort3A_847 : vector<16xf32>
      %select_n3A_997 = arith.select %lt3A_996, %rev3A_994, %masked_sort3A_848 : vector<16xi1>, vector<16xi32>
      %masked_sort3A_998 = arith.constant dense<true> : vector<16xi1>
      %masked_sort3A_999, %masked_sort3A_1000, %masked_sort3A_1001 = tpu.sort %min3A_995, %select_n3A_997 masked %masked_sort3A_998 : (vector<16xf32>, vector<16xi32>, vector<16xi1>) -> (vector<16xi1>, vector<16xf32>, vector<16xi32>)
      %rev3A_1002 = arith.constant 15 : i32
      %rev3A_1003 = vector.broadcast %rev3A_1002 : i32 to vector<16xi32>
      %rev3A_1004 = tpu.iota {dimensions = array<i32: 0>} : vector<16xi32>
      %rev3A_1005 = arith.subi %rev3A_1003, %rev3A_1004 : vector<16xi32>
      %rev3A_1006 = tpu.dynamic_gather %masked_sort3A_898[%rev3A_1005] in [0] : vector<16xf32>, vector<16xi32> -> vector<16xf32>
      %rev3A_1007 = arith.constant 15 : i32
      %rev3A_1008 = vector.broadcast %rev3A_1007 : i32 to vector<16xi32>
      %rev3A_1009 = tpu.iota {dimensions = array<i32: 0>} : vector<16xi32>
      %rev3A_1010 = arith.subi %rev3A_1008, %rev3A_1009 : vector<16xi32>
      %rev3A_1011 = tpu.dynamic_gather %masked_sort3A_899[%rev3A_1010] in [0] : vector<16xi32>, vector<16xi32> -> vector<16xi32>
      %min3A_1012 = arith.minimumf %masked_sort3A_881, %rev3A_1006 : vector<16xf32>
      %lt3A_1013 = arith.cmpf olt, %rev3A_1006, %masked_sort3A_881 : vector<16xf32>
      %select_n3A_1014 = arith.select %lt3A_1013, %rev3A_1011, %masked_sort3A_882 : vector<16xi1>, vector<16xi32>
      %masked_sort3A_1015 = arith.constant dense<true> : vector<16xi1>
      %masked_sort3A_1016, %masked_sort3A_1017, %masked_sort3A_1018 = tpu.sort %min3A_1012, %select_n3A_1014 masked %masked_sort3A_1015 : (vector<16xf32>, vector<16xi32>, vector<16xi1>) -> (vector<16xi1>, vector<16xf32>, vector<16xi32>)
      %rev3A_1019 = arith.constant 15 : i32
      %rev3A_1020 = vector.broadcast %rev3A_1019 : i32 to vector<16xi32>
      %rev3A_1021 = tpu.iota {dimensions = array<i32: 0>} : vector<16xi32>
      %rev3A_1022 = arith.subi %rev3A_1020, %rev3A_1021 : vector<16xi32>
      %rev3A_1023 = tpu.dynamic_gather %masked_sort3A_932[%rev3A_1022] in [0] : vector<16xf32>, vector<16xi32> -> vector<16xf32>
      %rev3A_1024 = arith.constant 15 : i32
      %rev3A_1025 = vector.broadcast %rev3A_1024 : i32 to vector<16xi32>
      %rev3A_1026 = tpu.iota {dimensions = array<i32: 0>} : vector<16xi32>
      %rev3A_1027 = arith.subi %rev3A_1025, %rev3A_1026 : vector<16xi32>
      %rev3A_1028 = tpu.dynamic_gather %masked_sort3A_933[%rev3A_1027] in [0] : vector<16xi32>, vector<16xi32> -> vector<16xi32>
      %min3A_1029 = arith.minimumf %masked_sort3A_915, %rev3A_1023 : vector<16xf32>
      %lt3A_1030 = arith.cmpf olt, %rev3A_1023, %masked_sort3A_915 : vector<16xf32>
      %select_n3A_1031 = arith.select %lt3A_1030, %rev3A_1028, %masked_sort3A_916 : vector<16xi1>, vector<16xi32>
      %masked_sort3A_1032 = arith.constant dense<true> : vector<16xi1>
      %masked_sort3A_1033, %masked_sort3A_1034, %masked_sort3A_1035 = tpu.sort %min3A_1029, %select_n3A_1031 masked %masked_sort3A_1032 : (vector<16xf32>, vector<16xi32>, vector<16xi1>) -> (vector<16xi1>, vector<16xf32>, vector<16xi32>)
      %rev3A_1036 = arith.constant 15 : i32
      %rev3A_1037 = vector.broadcast %rev3A_1036 : i32 to vector<16xi32>
      %rev3A_1038 = tpu.iota {dimensions = array<i32: 0>} : vector<16xi32>
      %rev3A_1039 = arith.subi %rev3A_1037, %rev3A_1038 : vector<16xi32>
      %rev3A_1040 = tpu.dynamic_gather %masked_sort3A_966[%rev3A_1039] in [0] : vector<16xf32>, vector<16xi32> -> vector<16xf32>
      %rev3A_1041 = arith.constant 15 : i32
      %rev3A_1042 = vector.broadcast %rev3A_1041 : i32 to vector<16xi32>
      %rev3A_1043 = tpu.iota {dimensions = array<i32: 0>} : vector<16xi32>
      %rev3A_1044 = arith.subi %rev3A_1042, %rev3A_1043 : vector<16xi32>
      %rev3A_1045 = tpu.dynamic_gather %masked_sort3A_967[%rev3A_1044] in [0] : vector<16xi32>, vector<16xi32> -> vector<16xi32>
      %min3A_1046 = arith.minimumf %masked_sort3A_949, %rev3A_1040 : vector<16xf32>
      %lt3A_1047 = arith.cmpf olt, %rev3A_1040, %masked_sort3A_949 : vector<16xf32>
      %select_n3A_1048 = arith.select %lt3A_1047, %rev3A_1045, %masked_sort3A_950 : vector<16xi1>, vector<16xi32>
      %masked_sort3A_1049 = arith.constant dense<true> : vector<16xi1>
      %masked_sort3A_1050, %masked_sort3A_1051, %masked_sort3A_1052 = tpu.sort %min3A_1046, %select_n3A_1048 masked %masked_sort3A_1049 : (vector<16xf32>, vector<16xi32>, vector<16xi1>) -> (vector<16xi1>, vector<16xf32>, vector<16xi32>)
      %rev3A_1053 = arith.constant 15 : i32
      %rev3A_1054 = vector.broadcast %rev3A_1053 : i32 to vector<16xi32>
      %rev3A_1055 = tpu.iota {dimensions = array<i32: 0>} : vector<16xi32>
      %rev3A_1056 = arith.subi %rev3A_1054, %rev3A_1055 : vector<16xi32>
      %rev3A_1057 = tpu.dynamic_gather %masked_sort3A_1000[%rev3A_1056] in [0] : vector<16xf32>, vector<16xi32> -> vector<16xf32>
      %rev3A_1058 = arith.constant 15 : i32
      %rev3A_1059 = vector.broadcast %rev3A_1058 : i32 to vector<16xi32>
      %rev3A_1060 = tpu.iota {dimensions = array<i32: 0>} : vector<16xi32>
      %rev3A_1061 = arith.subi %rev3A_1059, %rev3A_1060 : vector<16xi32>
      %rev3A_1062 = tpu.dynamic_gather %masked_sort3A_1001[%rev3A_1061] in [0] : vector<16xi32>, vector<16xi32> -> vector<16xi32>
      %min3A_1063 = arith.minimumf %masked_sort3A_983, %rev3A_1057 : vector<16xf32>
      %lt3A_1064 = arith.cmpf olt, %rev3A_1057, %masked_sort3A_983 : vector<16xf32>
      %select_n3A_1065 = arith.select %lt3A_1064, %rev3A_1062, %masked_sort3A_984 : vector<16xi1>, vector<16xi32>
      %masked_sort3A_1066 = arith.constant dense<true> : vector<16xi1>
      %masked_sort3A_1067, %masked_sort3A_1068, %masked_sort3A_1069 = tpu.sort %min3A_1063, %select_n3A_1065 masked %masked_sort3A_1066 : (vector<16xf32>, vector<16xi32>, vector<16xi1>) -> (vector<16xi1>, vector<16xf32>, vector<16xi32>)
      %rev3A_1070 = arith.constant 15 : i32
      %rev3A_1071 = vector.broadcast %rev3A_1070 : i32 to vector<16xi32>
      %rev3A_1072 = tpu.iota {dimensions = array<i32: 0>} : vector<16xi32>
      %rev3A_1073 = arith.subi %rev3A_1071, %rev3A_1072 : vector<16xi32>
      %rev3A_1074 = tpu.dynamic_gather %masked_sort3A_1034[%rev3A_1073] in [0] : vector<16xf32>, vector<16xi32> -> vector<16xf32>
      %rev3A_1075 = arith.constant 15 : i32
      %rev3A_1076 = vector.broadcast %rev3A_1075 : i32 to vector<16xi32>
      %rev3A_1077 = tpu.iota {dimensions = array<i32: 0>} : vector<16xi32>
      %rev3A_1078 = arith.subi %rev3A_1076, %rev3A_1077 : vector<16xi32>
      %rev3A_1079 = tpu.dynamic_gather %masked_sort3A_1035[%rev3A_1078] in [0] : vector<16xi32>, vector<16xi32> -> vector<16xi32>
      %min3A_1080 = arith.minimumf %masked_sort3A_1017, %rev3A_1074 : vector<16xf32>
      %lt3A_1081 = arith.cmpf olt, %rev3A_1074, %masked_sort3A_1017 : vector<16xf32>
      %select_n3A_1082 = arith.select %lt3A_1081, %rev3A_1079, %masked_sort3A_1018 : vector<16xi1>, vector<16xi32>
      %masked_sort3A_1083 = arith.constant dense<true> : vector<16xi1>
      %masked_sort3A_1084, %masked_sort3A_1085, %masked_sort3A_1086 = tpu.sort %min3A_1080, %select_n3A_1082 masked %masked_sort3A_1083 : (vector<16xf32>, vector<16xi32>, vector<16xi1>) -> (vector<16xi1>, vector<16xf32>, vector<16xi32>)
      %rev3A_1087 = arith.constant 15 : i32
      %rev3A_1088 = vector.broadcast %rev3A_1087 : i32 to vector<16xi32>
      %rev3A_1089 = tpu.iota {dimensions = array<i32: 0>} : vector<16xi32>
      %rev3A_1090 = arith.subi %rev3A_1088, %rev3A_1089 : vector<16xi32>
      %rev3A_1091 = tpu.dynamic_gather %masked_sort3A_1068[%rev3A_1090] in [0] : vector<16xf32>, vector<16xi32> -> vector<16xf32>
      %rev3A_1092 = arith.constant 15 : i32
      %rev3A_1093 = vector.broadcast %rev3A_1092 : i32 to vector<16xi32>
      %rev3A_1094 = tpu.iota {dimensions = array<i32: 0>} : vector<16xi32>
      %rev3A_1095 = arith.subi %rev3A_1093, %rev3A_1094 : vector<16xi32>
      %rev3A_1096 = tpu.dynamic_gather %masked_sort3A_1069[%rev3A_1095] in [0] : vector<16xi32>, vector<16xi32> -> vector<16xi32>
      %min3A_1097 = arith.minimumf %masked_sort3A_1051, %rev3A_1091 : vector<16xf32>
      %lt3A_1098 = arith.cmpf olt, %rev3A_1091, %masked_sort3A_1051 : vector<16xf32>
      %select_n3A_1099 = arith.select %lt3A_1098, %rev3A_1096, %masked_sort3A_1052 : vector<16xi1>, vector<16xi32>
      %masked_sort3A_1100 = arith.constant dense<true> : vector<16xi1>
      %masked_sort3A_1101, %masked_sort3A_1102, %masked_sort3A_1103 = tpu.sort %min3A_1097, %select_n3A_1099 masked %masked_sort3A_1100 : (vector<16xf32>, vector<16xi32>, vector<16xi1>) -> (vector<16xi1>, vector<16xf32>, vector<16xi32>)
      %rev3A_1104 = arith.constant 15 : i32
      %rev3A_1105 = vector.broadcast %rev3A_1104 : i32 to vector<16xi32>
      %rev3A_1106 = tpu.iota {dimensions = array<i32: 0>} : vector<16xi32>
      %rev3A_1107 = arith.subi %rev3A_1105, %rev3A_1106 : vector<16xi32>
      %rev3A_1108 = tpu.dynamic_gather %masked_sort3A_732[%rev3A_1107] in [0] : vector<16xf32>, vector<16xi32> -> vector<16xf32>
      %rev3A_1109 = arith.constant 15 : i32
      %rev3A_1110 = vector.broadcast %rev3A_1109 : i32 to vector<16xi32>
      %rev3A_1111 = tpu.iota {dimensions = array<i32: 0>} : vector<16xi32>
      %rev3A_1112 = arith.subi %rev3A_1110, %rev3A_1111 : vector<16xi32>
      %rev3A_1113 = tpu.dynamic_gather %masked_sort3A_733[%rev3A_1112] in [0] : vector<16xi32>, vector<16xi32> -> vector<16xi32>
      %min3A_1114 = arith.minimumf %masked_sort3A_1085, %rev3A_1108 : vector<16xf32>
      %lt3A_1115 = arith.cmpf olt, %rev3A_1108, %masked_sort3A_1085 : vector<16xf32>
      %select_n3A_1116 = arith.select %lt3A_1115, %rev3A_1113, %masked_sort3A_1086 : vector<16xi1>, vector<16xi32>
      %masked_sort3A_1117 = arith.constant dense<true> : vector<16xi1>
      %masked_sort3A_1118, %masked_sort3A_1119, %masked_sort3A_1120 = tpu.sort %min3A_1114, %select_n3A_1116 masked %masked_sort3A_1117 : (vector<16xf32>, vector<16xi32>, vector<16xi1>) -> (vector<16xi1>, vector<16xf32>, vector<16xi32>)
      %rev3A_1121 = arith.constant 15 : i32
      %rev3A_1122 = vector.broadcast %rev3A_1121 : i32 to vector<16xi32>
      %rev3A_1123 = tpu.iota {dimensions = array<i32: 0>} : vector<16xi32>
      %rev3A_1124 = arith.subi %rev3A_1122, %rev3A_1123 : vector<16xi32>
      %rev3A_1125 = tpu.dynamic_gather %masked_sort3A_1119[%rev3A_1124] in [0] : vector<16xf32>, vector<16xi32> -> vector<16xf32>
      %rev3A_1126 = arith.constant 15 : i32
      %rev3A_1127 = vector.broadcast %rev3A_1126 : i32 to vector<16xi32>
      %rev3A_1128 = tpu.iota {dimensions = array<i32: 0>} : vector<16xi32>
      %rev3A_1129 = arith.subi %rev3A_1127, %rev3A_1128 : vector<16xi32>
      %rev3A_1130 = tpu.dynamic_gather %masked_sort3A_1120[%rev3A_1129] in [0] : vector<16xi32>, vector<16xi32> -> vector<16xi32>
      %min3A_1131 = arith.minimumf %masked_sort3A_1102, %rev3A_1125 : vector<16xf32>
      %lt3A_1132 = arith.cmpf olt, %rev3A_1125, %masked_sort3A_1102 : vector<16xf32>
      %select_n3A_1133 = arith.select %lt3A_1132, %rev3A_1130, %masked_sort3A_1103 : vector<16xi1>, vector<16xi32>
      %masked_sort3A_1134 = arith.constant dense<true> : vector<16xi1>
      %masked_sort3A_1135, %masked_sort3A_1136, %masked_sort3A_1137 = tpu.sort %min3A_1131, %select_n3A_1133 masked %masked_sort3A_1134 : (vector<16xf32>, vector<16xi32>, vector<16xi1>) -> (vector<16xi1>, vector<16xf32>, vector<16xi32>)
      %eq3A = arith.constant 8 : i32
      %eq3A_1138 = vector.broadcast %eq3A : i32 to vector<16xi32>
      %eq3A_1139 = arith.cmpi eq, %iota3A, %eq3A_1138 : vector<16xi32>
      %jit3A = arith.constant -1.000000e+30 : f32
      %broadcast_in_dim3A = vector.broadcast %jit3A : f32 to vector<16xf32>
      %select_n3A_1140 = arith.select %eq3A_1139, %masked_sort3A_1136, %broadcast_in_dim3A : vector<16xi1>, vector<16xf32>
      %reduce_max3A = arith.constant true
      %reduce_max3A_1141 = vector.broadcast %reduce_max3A : i1 to vector<16xi1>
      %reduce_max3A_1142 = tpu.scan <max>, %select_n3A_1140 masked %reduce_max3A_1141 : vector<16xf32>, vector<16xi1> -> vector<16xf32>
      %reduce_max3A_1143 = vector.extract %reduce_max3A_1142[15] : f32 from vector<16xf32>
      %eq3A_1144 = arith.constant 0 : i32
      %eq3A_1145 = vector.broadcast %eq3A_1144 : i32 to vector<16xi32>
      %eq3A_1146 = arith.cmpi eq, %iota3A, %eq3A_1145 : vector<16xi32>
      %jit3A_1147 = arith.constant -1 : i32
      %broadcast_in_dim3A_1148 = vector.broadcast %jit3A_1147 : i32 to vector<16xi32>
      %select_n3A_1149 = arith.select %eq3A_1146, %masked_sort3A_1137, %broadcast_in_dim3A_1148 : vector<16xi1>, vector<16xi32>
      %reduce_max3A_1150 = arith.constant true
      %reduce_max3A_1151 = vector.broadcast %reduce_max3A_1150 : i1 to vector<16xi1>
      %reduce_max3A_1152 = arith.constant -2147483648 : i32
      %reduce_max3A_1153 = vector.broadcast %reduce_max3A_1152 : i32 to vector<16xi32>
      %reduce_max3A_1154 = arith.xori %select_n3A_1149, %reduce_max3A_1153 : vector<16xi32>
      %reduce_max3A_1155 = tpu.scan <max>, %reduce_max3A_1154 masked %reduce_max3A_1151 : vector<16xi32>, vector<16xi1> -> vector<16xi32>
      %reduce_max3A_1156 = arith.xori %reduce_max3A_1155, %reduce_max3A_1153 : vector<16xi32>
      %reduce_max3A_1157 = vector.extract %reduce_max3A_1156[15] : i32 from vector<16xi32>
      %add3A_1158 = arith.addi %mul3A_2, %scan3A_409 : i32
      %mul3A_1159 = arith.constant 256 : i32
      %mul3A_1160 = arith.muli %reduce_max3A_1157, %mul3A_1159 : i32
      %dma_start3A_1161 = arith.constant 0 : i32
      %dma_start3A_1162 = tpu.memref_slice %arg6[%dma_start3A_1161] : memref<2304xf32, #tpu.memory_space<vmem>> -> memref<256xf32, #tpu.memory_space<vmem>>
      %dma_start3A_1163 = tpu.memref_slice %arg2[%add3A_1158, %mul3A_1160] : memref<512x102400xf32, #tpu.memory_space<hbm>> -> memref<1x256xf32, #tpu.memory_space<hbm>>
      %dma_start3A_1164 = tpu.memref_squeeze %dma_start3A_1163 : memref<1x256xf32, #tpu.memory_space<hbm>> -> memref<256xf32, #tpu.memory_space<hbm>>
      %dma_start3A_1165 = arith.constant 0 : i32
      %dma_start3A_1166 = tpu.memref_slice %arg6[%dma_start3A_1165] : memref<2304xf32, #tpu.memory_space<vmem>> -> memref<256xf32, #tpu.memory_space<vmem>>
      %dma_start3A_1167 = tpu.memref_slice %arg2[%add3A_1158, %mul3A_1160] : memref<512x102400xf32, #tpu.memory_space<hbm>> -> memref<1x256xf32, #tpu.memory_space<hbm>>
      %dma_start3A_1168 = tpu.memref_squeeze %dma_start3A_1167 : memref<1x256xf32, #tpu.memory_space<hbm>> -> memref<256xf32, #tpu.memory_space<hbm>>
      tpu.enqueue_dma source(%dma_start3A_1168 : memref<256xf32, #tpu.memory_space<hbm>>) target(%dma_start3A_1166 : memref<256xf32, #tpu.memory_space<vmem>>) target_semaphore(%arg9 : memref<!tpu.dma_semaphore, #tpu.memory_space<semaphore_mem>>)
      %eq3A_1169 = arith.constant 1 : i32
      %eq3A_1170 = vector.broadcast %eq3A_1169 : i32 to vector<16xi32>
      %eq3A_1171 = arith.cmpi eq, %iota3A, %eq3A_1170 : vector<16xi32>
      %jit3A_1172 = arith.constant -1 : i32
      %broadcast_in_dim3A_1173 = vector.broadcast %jit3A_1172 : i32 to vector<16xi32>
      %select_n3A_1174 = arith.select %eq3A_1171, %masked_sort3A_1137, %broadcast_in_dim3A_1173 : vector<16xi1>, vector<16xi32>
      %reduce_max3A_1175 = arith.constant true
      %reduce_max3A_1176 = vector.broadcast %reduce_max3A_1175 : i1 to vector<16xi1>
      %reduce_max3A_1177 = arith.constant -2147483648 : i32
      %reduce_max3A_1178 = vector.broadcast %reduce_max3A_1177 : i32 to vector<16xi32>
      %reduce_max3A_1179 = arith.xori %select_n3A_1174, %reduce_max3A_1178 : vector<16xi32>
      %reduce_max3A_1180 = tpu.scan <max>, %reduce_max3A_1179 masked %reduce_max3A_1176 : vector<16xi32>, vector<16xi1> -> vector<16xi32>
      %reduce_max3A_1181 = arith.xori %reduce_max3A_1180, %reduce_max3A_1178 : vector<16xi32>
      %reduce_max3A_1182 = vector.extract %reduce_max3A_1181[15] : i32 from vector<16xi32>
      %add3A_1183 = arith.addi %mul3A_2, %scan3A_409 : i32
      %mul3A_1184 = arith.constant 256 : i32
      %mul3A_1185 = arith.muli %reduce_max3A_1182, %mul3A_1184 : i32
      %dma_start3A_1186 = arith.constant 256 : i32
      %dma_start3A_1187 = tpu.memref_slice %arg6[%dma_start3A_1186] : memref<2304xf32, #tpu.memory_space<vmem>> -> memref<256xf32, #tpu.memory_space<vmem>>
      %dma_start3A_1188 = tpu.memref_slice %arg2[%add3A_1183, %mul3A_1185] : memref<512x102400xf32, #tpu.memory_space<hbm>> -> memref<1x256xf32, #tpu.memory_space<hbm>>
      %dma_start3A_1189 = tpu.memref_squeeze %dma_start3A_1188 : memref<1x256xf32, #tpu.memory_space<hbm>> -> memref<256xf32, #tpu.memory_space<hbm>>
      %dma_start3A_1190 = arith.constant 256 : i32
      %dma_start3A_1191 = tpu.memref_slice %arg6[%dma_start3A_1190] : memref<2304xf32, #tpu.memory_space<vmem>> -> memref<256xf32, #tpu.memory_space<vmem>>
      %dma_start3A_1192 = tpu.memref_slice %arg2[%add3A_1183, %mul3A_1185] : memref<512x102400xf32, #tpu.memory_space<hbm>> -> memref<1x256xf32, #tpu.memory_space<hbm>>
      %dma_start3A_1193 = tpu.memref_squeeze %dma_start3A_1192 : memref<1x256xf32, #tpu.memory_space<hbm>> -> memref<256xf32, #tpu.memory_space<hbm>>
      tpu.enqueue_dma source(%dma_start3A_1193 : memref<256xf32, #tpu.memory_space<hbm>>) target(%dma_start3A_1191 : memref<256xf32, #tpu.memory_space<vmem>>) target_semaphore(%arg9 : memref<!tpu.dma_semaphore, #tpu.memory_space<semaphore_mem>>)
      %eq3A_1194 = arith.constant 2 : i32
      %eq3A_1195 = vector.broadcast %eq3A_1194 : i32 to vector<16xi32>
      %eq3A_1196 = arith.cmpi eq, %iota3A, %eq3A_1195 : vector<16xi32>
      %jit3A_1197 = arith.constant -1 : i32
      %broadcast_in_dim3A_1198 = vector.broadcast %jit3A_1197 : i32 to vector<16xi32>
      %select_n3A_1199 = arith.select %eq3A_1196, %masked_sort3A_1137, %broadcast_in_dim3A_1198 : vector<16xi1>, vector<16xi32>
      %reduce_max3A_1200 = arith.constant true
      %reduce_max3A_1201 = vector.broadcast %reduce_max3A_1200 : i1 to vector<16xi1>
      %reduce_max3A_1202 = arith.constant -2147483648 : i32
      %reduce_max3A_1203 = vector.broadcast %reduce_max3A_1202 : i32 to vector<16xi32>
      %reduce_max3A_1204 = arith.xori %select_n3A_1199, %reduce_max3A_1203 : vector<16xi32>
      %reduce_max3A_1205 = tpu.scan <max>, %reduce_max3A_1204 masked %reduce_max3A_1201 : vector<16xi32>, vector<16xi1> -> vector<16xi32>
      %reduce_max3A_1206 = arith.xori %reduce_max3A_1205, %reduce_max3A_1203 : vector<16xi32>
      %reduce_max3A_1207 = vector.extract %reduce_max3A_1206[15] : i32 from vector<16xi32>
      %add3A_1208 = arith.addi %mul3A_2, %scan3A_409 : i32
      %mul3A_1209 = arith.constant 256 : i32
      %mul3A_1210 = arith.muli %reduce_max3A_1207, %mul3A_1209 : i32
      %dma_start3A_1211 = arith.constant 512 : i32
      %dma_start3A_1212 = tpu.memref_slice %arg6[%dma_start3A_1211] : memref<2304xf32, #tpu.memory_space<vmem>> -> memref<256xf32, #tpu.memory_space<vmem>>
      %dma_start3A_1213 = tpu.memref_slice %arg2[%add3A_1208, %mul3A_1210] : memref<512x102400xf32, #tpu.memory_space<hbm>> -> memref<1x256xf32, #tpu.memory_space<hbm>>
      %dma_start3A_1214 = tpu.memref_squeeze %dma_start3A_1213 : memref<1x256xf32, #tpu.memory_space<hbm>> -> memref<256xf32, #tpu.memory_space<hbm>>
      %dma_start3A_1215 = arith.constant 512 : i32
      %dma_start3A_1216 = tpu.memref_slice %arg6[%dma_start3A_1215] : memref<2304xf32, #tpu.memory_space<vmem>> -> memref<256xf32, #tpu.memory_space<vmem>>
      %dma_start3A_1217 = tpu.memref_slice %arg2[%add3A_1208, %mul3A_1210] : memref<512x102400xf32, #tpu.memory_space<hbm>> -> memref<1x256xf32, #tpu.memory_space<hbm>>
      %dma_start3A_1218 = tpu.memref_squeeze %dma_start3A_1217 : memref<1x256xf32, #tpu.memory_space<hbm>> -> memref<256xf32, #tpu.memory_space<hbm>>
      tpu.enqueue_dma source(%dma_start3A_1218 : memref<256xf32, #tpu.memory_space<hbm>>) target(%dma_start3A_1216 : memref<256xf32, #tpu.memory_space<vmem>>) target_semaphore(%arg9 : memref<!tpu.dma_semaphore, #tpu.memory_space<semaphore_mem>>)
      %eq3A_1219 = arith.constant 3 : i32
      %eq3A_1220 = vector.broadcast %eq3A_1219 : i32 to vector<16xi32>
      %eq3A_1221 = arith.cmpi eq, %iota3A, %eq3A_1220 : vector<16xi32>
      %jit3A_1222 = arith.constant -1 : i32
      %broadcast_in_dim3A_1223 = vector.broadcast %jit3A_1222 : i32 to vector<16xi32>
      %select_n3A_1224 = arith.select %eq3A_1221, %masked_sort3A_1137, %broadcast_in_dim3A_1223 : vector<16xi1>, vector<16xi32>
      %reduce_max3A_1225 = arith.constant true
      %reduce_max3A_1226 = vector.broadcast %reduce_max3A_1225 : i1 to vector<16xi1>
      %reduce_max3A_1227 = arith.constant -2147483648 : i32
      %reduce_max3A_1228 = vector.broadcast %reduce_max3A_1227 : i32 to vector<16xi32>
      %reduce_max3A_1229 = arith.xori %select_n3A_1224, %reduce_max3A_1228 : vector<16xi32>
      %reduce_max3A_1230 = tpu.scan <max>, %reduce_max3A_1229 masked %reduce_max3A_1226 : vector<16xi32>, vector<16xi1> -> vector<16xi32>
      %reduce_max3A_1231 = arith.xori %reduce_max3A_1230, %reduce_max3A_1228 : vector<16xi32>
      %reduce_max3A_1232 = vector.extract %reduce_max3A_1231[15] : i32 from vector<16xi32>
      %add3A_1233 = arith.addi %mul3A_2, %scan3A_409 : i32
      %mul3A_1234 = arith.constant 256 : i32
      %mul3A_1235 = arith.muli %reduce_max3A_1232, %mul3A_1234 : i32
      %dma_start3A_1236 = arith.constant 768 : i32
      %dma_start3A_1237 = tpu.memref_slice %arg6[%dma_start3A_1236] : memref<2304xf32, #tpu.memory_space<vmem>> -> memref<256xf32, #tpu.memory_space<vmem>>
      %dma_start3A_1238 = tpu.memref_slice %arg2[%add3A_1233, %mul3A_1235] : memref<512x102400xf32, #tpu.memory_space<hbm>> -> memref<1x256xf32, #tpu.memory_space<hbm>>
      %dma_start3A_1239 = tpu.memref_squeeze %dma_start3A_1238 : memref<1x256xf32, #tpu.memory_space<hbm>> -> memref<256xf32, #tpu.memory_space<hbm>>
      %dma_start3A_1240 = arith.constant 768 : i32
      %dma_start3A_1241 = tpu.memref_slice %arg6[%dma_start3A_1240] : memref<2304xf32, #tpu.memory_space<vmem>> -> memref<256xf32, #tpu.memory_space<vmem>>
      %dma_start3A_1242 = tpu.memref_slice %arg2[%add3A_1233, %mul3A_1235] : memref<512x102400xf32, #tpu.memory_space<hbm>> -> memref<1x256xf32, #tpu.memory_space<hbm>>
      %dma_start3A_1243 = tpu.memref_squeeze %dma_start3A_1242 : memref<1x256xf32, #tpu.memory_space<hbm>> -> memref<256xf32, #tpu.memory_space<hbm>>
      tpu.enqueue_dma source(%dma_start3A_1243 : memref<256xf32, #tpu.memory_space<hbm>>) target(%dma_start3A_1241 : memref<256xf32, #tpu.memory_space<vmem>>) target_semaphore(%arg9 : memref<!tpu.dma_semaphore, #tpu.memory_space<semaphore_mem>>)
      %eq3A_1244 = arith.constant 4 : i32
      %eq3A_1245 = vector.broadcast %eq3A_1244 : i32 to vector<16xi32>
      %eq3A_1246 = arith.cmpi eq, %iota3A, %eq3A_1245 : vector<16xi32>
      %jit3A_1247 = arith.constant -1 : i32
      %broadcast_in_dim3A_1248 = vector.broadcast %jit3A_1247 : i32 to vector<16xi32>
      %select_n3A_1249 = arith.select %eq3A_1246, %masked_sort3A_1137, %broadcast_in_dim3A_1248 : vector<16xi1>, vector<16xi32>
      %reduce_max3A_1250 = arith.constant true
      %reduce_max3A_1251 = vector.broadcast %reduce_max3A_1250 : i1 to vector<16xi1>
      %reduce_max3A_1252 = arith.constant -2147483648 : i32
      %reduce_max3A_1253 = vector.broadcast %reduce_max3A_1252 : i32 to vector<16xi32>
      %reduce_max3A_1254 = arith.xori %select_n3A_1249, %reduce_max3A_1253 : vector<16xi32>
      %reduce_max3A_1255 = tpu.scan <max>, %reduce_max3A_1254 masked %reduce_max3A_1251 : vector<16xi32>, vector<16xi1> -> vector<16xi32>
      %reduce_max3A_1256 = arith.xori %reduce_max3A_1255, %reduce_max3A_1253 : vector<16xi32>
      %reduce_max3A_1257 = vector.extract %reduce_max3A_1256[15] : i32 from vector<16xi32>
      %add3A_1258 = arith.addi %mul3A_2, %scan3A_409 : i32
      %mul3A_1259 = arith.constant 256 : i32
      %mul3A_1260 = arith.muli %reduce_max3A_1257, %mul3A_1259 : i32
      %dma_start3A_1261 = arith.constant 1024 : i32
      %dma_start3A_1262 = tpu.memref_slice %arg6[%dma_start3A_1261] : memref<2304xf32, #tpu.memory_space<vmem>> -> memref<256xf32, #tpu.memory_space<vmem>>
      %dma_start3A_1263 = tpu.memref_slice %arg2[%add3A_1258, %mul3A_1260] : memref<512x102400xf32, #tpu.memory_space<hbm>> -> memref<1x256xf32, #tpu.memory_space<hbm>>
      %dma_start3A_1264 = tpu.memref_squeeze %dma_start3A_1263 : memref<1x256xf32, #tpu.memory_space<hbm>> -> memref<256xf32, #tpu.memory_space<hbm>>
      %dma_start3A_1265 = arith.constant 1024 : i32
      %dma_start3A_1266 = tpu.memref_slice %arg6[%dma_start3A_1265] : memref<2304xf32, #tpu.memory_space<vmem>> -> memref<256xf32, #tpu.memory_space<vmem>>
      %dma_start3A_1267 = tpu.memref_slice %arg2[%add3A_1258, %mul3A_1260] : memref<512x102400xf32, #tpu.memory_space<hbm>> -> memref<1x256xf32, #tpu.memory_space<hbm>>
      %dma_start3A_1268 = tpu.memref_squeeze %dma_start3A_1267 : memref<1x256xf32, #tpu.memory_space<hbm>> -> memref<256xf32, #tpu.memory_space<hbm>>
      tpu.enqueue_dma source(%dma_start3A_1268 : memref<256xf32, #tpu.memory_space<hbm>>) target(%dma_start3A_1266 : memref<256xf32, #tpu.memory_space<vmem>>) target_semaphore(%arg9 : memref<!tpu.dma_semaphore, #tpu.memory_space<semaphore_mem>>)
      %eq3A_1269 = arith.constant 5 : i32
      %eq3A_1270 = vector.broadcast %eq3A_1269 : i32 to vector<16xi32>
      %eq3A_1271 = arith.cmpi eq, %iota3A, %eq3A_1270 : vector<16xi32>
      %jit3A_1272 = arith.constant -1 : i32
      %broadcast_in_dim3A_1273 = vector.broadcast %jit3A_1272 : i32 to vector<16xi32>
      %select_n3A_1274 = arith.select %eq3A_1271, %masked_sort3A_1137, %broadcast_in_dim3A_1273 : vector<16xi1>, vector<16xi32>
      %reduce_max3A_1275 = arith.constant true
      %reduce_max3A_1276 = vector.broadcast %reduce_max3A_1275 : i1 to vector<16xi1>
      %reduce_max3A_1277 = arith.constant -2147483648 : i32
      %reduce_max3A_1278 = vector.broadcast %reduce_max3A_1277 : i32 to vector<16xi32>
      %reduce_max3A_1279 = arith.xori %select_n3A_1274, %reduce_max3A_1278 : vector<16xi32>
      %reduce_max3A_1280 = tpu.scan <max>, %reduce_max3A_1279 masked %reduce_max3A_1276 : vector<16xi32>, vector<16xi1> -> vector<16xi32>
      %reduce_max3A_1281 = arith.xori %reduce_max3A_1280, %reduce_max3A_1278 : vector<16xi32>
      %reduce_max3A_1282 = vector.extract %reduce_max3A_1281[15] : i32 from vector<16xi32>
      %add3A_1283 = arith.addi %mul3A_2, %scan3A_409 : i32
      %mul3A_1284 = arith.constant 256 : i32
      %mul3A_1285 = arith.muli %reduce_max3A_1282, %mul3A_1284 : i32
      %dma_start3A_1286 = arith.constant 1280 : i32
      %dma_start3A_1287 = tpu.memref_slice %arg6[%dma_start3A_1286] : memref<2304xf32, #tpu.memory_space<vmem>> -> memref<256xf32, #tpu.memory_space<vmem>>
      %dma_start3A_1288 = tpu.memref_slice %arg2[%add3A_1283, %mul3A_1285] : memref<512x102400xf32, #tpu.memory_space<hbm>> -> memref<1x256xf32, #tpu.memory_space<hbm>>
      %dma_start3A_1289 = tpu.memref_squeeze %dma_start3A_1288 : memref<1x256xf32, #tpu.memory_space<hbm>> -> memref<256xf32, #tpu.memory_space<hbm>>
      %dma_start3A_1290 = arith.constant 1280 : i32
      %dma_start3A_1291 = tpu.memref_slice %arg6[%dma_start3A_1290] : memref<2304xf32, #tpu.memory_space<vmem>> -> memref<256xf32, #tpu.memory_space<vmem>>
      %dma_start3A_1292 = tpu.memref_slice %arg2[%add3A_1283, %mul3A_1285] : memref<512x102400xf32, #tpu.memory_space<hbm>> -> memref<1x256xf32, #tpu.memory_space<hbm>>
      %dma_start3A_1293 = tpu.memref_squeeze %dma_start3A_1292 : memref<1x256xf32, #tpu.memory_space<hbm>> -> memref<256xf32, #tpu.memory_space<hbm>>
      tpu.enqueue_dma source(%dma_start3A_1293 : memref<256xf32, #tpu.memory_space<hbm>>) target(%dma_start3A_1291 : memref<256xf32, #tpu.memory_space<vmem>>) target_semaphore(%arg9 : memref<!tpu.dma_semaphore, #tpu.memory_space<semaphore_mem>>)
      %eq3A_1294 = arith.constant 6 : i32
      %eq3A_1295 = vector.broadcast %eq3A_1294 : i32 to vector<16xi32>
      %eq3A_1296 = arith.cmpi eq, %iota3A, %eq3A_1295 : vector<16xi32>
      %jit3A_1297 = arith.constant -1 : i32
      %broadcast_in_dim3A_1298 = vector.broadcast %jit3A_1297 : i32 to vector<16xi32>
      %select_n3A_1299 = arith.select %eq3A_1296, %masked_sort3A_1137, %broadcast_in_dim3A_1298 : vector<16xi1>, vector<16xi32>
      %reduce_max3A_1300 = arith.constant true
      %reduce_max3A_1301 = vector.broadcast %reduce_max3A_1300 : i1 to vector<16xi1>
      %reduce_max3A_1302 = arith.constant -2147483648 : i32
      %reduce_max3A_1303 = vector.broadcast %reduce_max3A_1302 : i32 to vector<16xi32>
      %reduce_max3A_1304 = arith.xori %select_n3A_1299, %reduce_max3A_1303 : vector<16xi32>
      %reduce_max3A_1305 = tpu.scan <max>, %reduce_max3A_1304 masked %reduce_max3A_1301 : vector<16xi32>, vector<16xi1> -> vector<16xi32>
      %reduce_max3A_1306 = arith.xori %reduce_max3A_1305, %reduce_max3A_1303 : vector<16xi32>
      %reduce_max3A_1307 = vector.extract %reduce_max3A_1306[15] : i32 from vector<16xi32>
      %add3A_1308 = arith.addi %mul3A_2, %scan3A_409 : i32
      %mul3A_1309 = arith.constant 256 : i32
      %mul3A_1310 = arith.muli %reduce_max3A_1307, %mul3A_1309 : i32
      %dma_start3A_1311 = arith.constant 1536 : i32
      %dma_start3A_1312 = tpu.memref_slice %arg6[%dma_start3A_1311] : memref<2304xf32, #tpu.memory_space<vmem>> -> memref<256xf32, #tpu.memory_space<vmem>>
      %dma_start3A_1313 = tpu.memref_slice %arg2[%add3A_1308, %mul3A_1310] : memref<512x102400xf32, #tpu.memory_space<hbm>> -> memref<1x256xf32, #tpu.memory_space<hbm>>
      %dma_start3A_1314 = tpu.memref_squeeze %dma_start3A_1313 : memref<1x256xf32, #tpu.memory_space<hbm>> -> memref<256xf32, #tpu.memory_space<hbm>>
      %dma_start3A_1315 = arith.constant 1536 : i32
      %dma_start3A_1316 = tpu.memref_slice %arg6[%dma_start3A_1315] : memref<2304xf32, #tpu.memory_space<vmem>> -> memref<256xf32, #tpu.memory_space<vmem>>
      %dma_start3A_1317 = tpu.memref_slice %arg2[%add3A_1308, %mul3A_1310] : memref<512x102400xf32, #tpu.memory_space<hbm>> -> memref<1x256xf32, #tpu.memory_space<hbm>>
      %dma_start3A_1318 = tpu.memref_squeeze %dma_start3A_1317 : memref<1x256xf32, #tpu.memory_space<hbm>> -> memref<256xf32, #tpu.memory_space<hbm>>
      tpu.enqueue_dma source(%dma_start3A_1318 : memref<256xf32, #tpu.memory_space<hbm>>) target(%dma_start3A_1316 : memref<256xf32, #tpu.memory_space<vmem>>) target_semaphore(%arg9 : memref<!tpu.dma_semaphore, #tpu.memory_space<semaphore_mem>>)
      %eq3A_1319 = arith.constant 7 : i32
      %eq3A_1320 = vector.broadcast %eq3A_1319 : i32 to vector<16xi32>
      %eq3A_1321 = arith.cmpi eq, %iota3A, %eq3A_1320 : vector<16xi32>
      %jit3A_1322 = arith.constant -1 : i32
      %broadcast_in_dim3A_1323 = vector.broadcast %jit3A_1322 : i32 to vector<16xi32>
      %select_n3A_1324 = arith.select %eq3A_1321, %masked_sort3A_1137, %broadcast_in_dim3A_1323 : vector<16xi1>, vector<16xi32>
      %reduce_max3A_1325 = arith.constant true
      %reduce_max3A_1326 = vector.broadcast %reduce_max3A_1325 : i1 to vector<16xi1>
      %reduce_max3A_1327 = arith.constant -2147483648 : i32
      %reduce_max3A_1328 = vector.broadcast %reduce_max3A_1327 : i32 to vector<16xi32>
      %reduce_max3A_1329 = arith.xori %select_n3A_1324, %reduce_max3A_1328 : vector<16xi32>
      %reduce_max3A_1330 = tpu.scan <max>, %reduce_max3A_1329 masked %reduce_max3A_1326 : vector<16xi32>, vector<16xi1> -> vector<16xi32>
      %reduce_max3A_1331 = arith.xori %reduce_max3A_1330, %reduce_max3A_1328 : vector<16xi32>
      %reduce_max3A_1332 = vector.extract %reduce_max3A_1331[15] : i32 from vector<16xi32>
      %add3A_1333 = arith.addi %mul3A_2, %scan3A_409 : i32
      %mul3A_1334 = arith.constant 256 : i32
      %mul3A_1335 = arith.muli %reduce_max3A_1332, %mul3A_1334 : i32
      %dma_start3A_1336 = arith.constant 1792 : i32
      %dma_start3A_1337 = tpu.memref_slice %arg6[%dma_start3A_1336] : memref<2304xf32, #tpu.memory_space<vmem>> -> memref<256xf32, #tpu.memory_space<vmem>>
      %dma_start3A_1338 = tpu.memref_slice %arg2[%add3A_1333, %mul3A_1335] : memref<512x102400xf32, #tpu.memory_space<hbm>> -> memref<1x256xf32, #tpu.memory_space<hbm>>
      %dma_start3A_1339 = tpu.memref_squeeze %dma_start3A_1338 : memref<1x256xf32, #tpu.memory_space<hbm>> -> memref<256xf32, #tpu.memory_space<hbm>>
      %dma_start3A_1340 = arith.constant 1792 : i32
      %dma_start3A_1341 = tpu.memref_slice %arg6[%dma_start3A_1340] : memref<2304xf32, #tpu.memory_space<vmem>> -> memref<256xf32, #tpu.memory_space<vmem>>
      %dma_start3A_1342 = tpu.memref_slice %arg2[%add3A_1333, %mul3A_1335] : memref<512x102400xf32, #tpu.memory_space<hbm>> -> memref<1x256xf32, #tpu.memory_space<hbm>>
      %dma_start3A_1343 = tpu.memref_squeeze %dma_start3A_1342 : memref<1x256xf32, #tpu.memory_space<hbm>> -> memref<256xf32, #tpu.memory_space<hbm>>
      tpu.enqueue_dma source(%dma_start3A_1343 : memref<256xf32, #tpu.memory_space<hbm>>) target(%dma_start3A_1341 : memref<256xf32, #tpu.memory_space<vmem>>) target_semaphore(%arg9 : memref<!tpu.dma_semaphore, #tpu.memory_space<semaphore_mem>>)
      %eq3A_1344 = arith.constant 8 : i32
      %eq3A_1345 = vector.broadcast %eq3A_1344 : i32 to vector<16xi32>
      %eq3A_1346 = arith.cmpi eq, %iota3A, %eq3A_1345 : vector<16xi32>
      %jit3A_1347 = arith.constant -1 : i32
      %broadcast_in_dim3A_1348 = vector.broadcast %jit3A_1347 : i32 to vector<16xi32>
      %select_n3A_1349 = arith.select %eq3A_1346, %masked_sort3A_1137, %broadcast_in_dim3A_1348 : vector<16xi1>, vector<16xi32>
      %reduce_max3A_1350 = arith.constant true
      %reduce_max3A_1351 = vector.broadcast %reduce_max3A_1350 : i1 to vector<16xi1>
      %reduce_max3A_1352 = arith.constant -2147483648 : i32
      %reduce_max3A_1353 = vector.broadcast %reduce_max3A_1352 : i32 to vector<16xi32>
      %reduce_max3A_1354 = arith.xori %select_n3A_1349, %reduce_max3A_1353 : vector<16xi32>
      %reduce_max3A_1355 = tpu.scan <max>, %reduce_max3A_1354 masked %reduce_max3A_1351 : vector<16xi32>, vector<16xi1> -> vector<16xi32>
      %reduce_max3A_1356 = arith.xori %reduce_max3A_1355, %reduce_max3A_1353 : vector<16xi32>
      %reduce_max3A_1357 = vector.extract %reduce_max3A_1356[15] : i32 from vector<16xi32>
      %add3A_1358 = arith.addi %mul3A_2, %scan3A_409 : i32
      %mul3A_1359 = arith.constant 256 : i32
      %mul3A_1360 = arith.muli %reduce_max3A_1357, %mul3A_1359 : i32
      %dma_start3A_1361 = arith.constant 2048 : i32
      %dma_start3A_1362 = tpu.memref_slice %arg6[%dma_start3A_1361] : memref<2304xf32, #tpu.memory_space<vmem>> -> memref<256xf32, #tpu.memory_space<vmem>>
      %dma_start3A_1363 = tpu.memref_slice %arg2[%add3A_1358, %mul3A_1360] : memref<512x102400xf32, #tpu.memory_space<hbm>> -> memref<1x256xf32, #tpu.memory_space<hbm>>
      %dma_start3A_1364 = tpu.memref_squeeze %dma_start3A_1363 : memref<1x256xf32, #tpu.memory_space<hbm>> -> memref<256xf32, #tpu.memory_space<hbm>>
      %dma_start3A_1365 = arith.constant 2048 : i32
      %dma_start3A_1366 = tpu.memref_slice %arg6[%dma_start3A_1365] : memref<2304xf32, #tpu.memory_space<vmem>> -> memref<256xf32, #tpu.memory_space<vmem>>
      %dma_start3A_1367 = tpu.memref_slice %arg2[%add3A_1358, %mul3A_1360] : memref<512x102400xf32, #tpu.memory_space<hbm>> -> memref<1x256xf32, #tpu.memory_space<hbm>>
      %dma_start3A_1368 = tpu.memref_squeeze %dma_start3A_1367 : memref<1x256xf32, #tpu.memory_space<hbm>> -> memref<256xf32, #tpu.memory_space<hbm>>
      tpu.enqueue_dma source(%dma_start3A_1368 : memref<256xf32, #tpu.memory_space<hbm>>) target(%dma_start3A_1366 : memref<256xf32, #tpu.memory_space<vmem>>) target_semaphore(%arg9 : memref<!tpu.dma_semaphore, #tpu.memory_space<semaphore_mem>>)
      %dma_wait3A_1369 = arith.constant 0 : i32
      %dma_wait3A_1370 = tpu.memref_slice %arg6[%dma_wait3A_1369] : memref<2304xf32, #tpu.memory_space<vmem>> -> memref<256xf32, #tpu.memory_space<vmem>>
      %dma_wait3A_1371 = tpu.memref_slice %arg2[%add3A_1158, %mul3A_1160] : memref<512x102400xf32, #tpu.memory_space<hbm>> -> memref<1x256xf32, #tpu.memory_space<hbm>>
      %dma_wait3A_1372 = tpu.memref_squeeze %dma_wait3A_1371 : memref<1x256xf32, #tpu.memory_space<hbm>> -> memref<256xf32, #tpu.memory_space<hbm>>
      %dma_wait3A_1373 = arith.constant 0 : i32
      %dma_wait3A_1374 = tpu.memref_slice %arg6[%dma_wait3A_1373] : memref<2304xf32, #tpu.memory_space<vmem>> -> memref<256xf32, #tpu.memory_space<vmem>>
      %dma_wait3A_1375 = tpu.memref_slice %arg2[%add3A_1158, %mul3A_1160] : memref<512x102400xf32, #tpu.memory_space<hbm>> -> memref<1x256xf32, #tpu.memory_space<hbm>>
      %dma_wait3A_1376 = tpu.memref_squeeze %dma_wait3A_1375 : memref<1x256xf32, #tpu.memory_space<hbm>> -> memref<256xf32, #tpu.memory_space<hbm>>
      tpu.wait_dma2 semaphore(%arg9 : memref<!tpu.dma_semaphore, #tpu.memory_space<semaphore_mem>>) src(%dma_wait3A_1376 : memref<256xf32, #tpu.memory_space<hbm>>) dst(%dma_wait3A_1374 : memref<256xf32, #tpu.memory_space<vmem>>)
      %dma_wait3A_1377 = arith.constant 256 : i32
      %dma_wait3A_1378 = tpu.memref_slice %arg6[%dma_wait3A_1377] : memref<2304xf32, #tpu.memory_space<vmem>> -> memref<256xf32, #tpu.memory_space<vmem>>
      %dma_wait3A_1379 = tpu.memref_slice %arg2[%add3A_1183, %mul3A_1185] : memref<512x102400xf32, #tpu.memory_space<hbm>> -> memref<1x256xf32, #tpu.memory_space<hbm>>
      %dma_wait3A_1380 = tpu.memref_squeeze %dma_wait3A_1379 : memref<1x256xf32, #tpu.memory_space<hbm>> -> memref<256xf32, #tpu.memory_space<hbm>>
      %dma_wait3A_1381 = arith.constant 256 : i32
      %dma_wait3A_1382 = tpu.memref_slice %arg6[%dma_wait3A_1381] : memref<2304xf32, #tpu.memory_space<vmem>> -> memref<256xf32, #tpu.memory_space<vmem>>
      %dma_wait3A_1383 = tpu.memref_slice %arg2[%add3A_1183, %mul3A_1185] : memref<512x102400xf32, #tpu.memory_space<hbm>> -> memref<1x256xf32, #tpu.memory_space<hbm>>
      %dma_wait3A_1384 = tpu.memref_squeeze %dma_wait3A_1383 : memref<1x256xf32, #tpu.memory_space<hbm>> -> memref<256xf32, #tpu.memory_space<hbm>>
      tpu.wait_dma2 semaphore(%arg9 : memref<!tpu.dma_semaphore, #tpu.memory_space<semaphore_mem>>) src(%dma_wait3A_1384 : memref<256xf32, #tpu.memory_space<hbm>>) dst(%dma_wait3A_1382 : memref<256xf32, #tpu.memory_space<vmem>>)
      %dma_wait3A_1385 = arith.constant 512 : i32
      %dma_wait3A_1386 = tpu.memref_slice %arg6[%dma_wait3A_1385] : memref<2304xf32, #tpu.memory_space<vmem>> -> memref<256xf32, #tpu.memory_space<vmem>>
      %dma_wait3A_1387 = tpu.memref_slice %arg2[%add3A_1208, %mul3A_1210] : memref<512x102400xf32, #tpu.memory_space<hbm>> -> memref<1x256xf32, #tpu.memory_space<hbm>>
      %dma_wait3A_1388 = tpu.memref_squeeze %dma_wait3A_1387 : memref<1x256xf32, #tpu.memory_space<hbm>> -> memref<256xf32, #tpu.memory_space<hbm>>
      %dma_wait3A_1389 = arith.constant 512 : i32
      %dma_wait3A_1390 = tpu.memref_slice %arg6[%dma_wait3A_1389] : memref<2304xf32, #tpu.memory_space<vmem>> -> memref<256xf32, #tpu.memory_space<vmem>>
      %dma_wait3A_1391 = tpu.memref_slice %arg2[%add3A_1208, %mul3A_1210] : memref<512x102400xf32, #tpu.memory_space<hbm>> -> memref<1x256xf32, #tpu.memory_space<hbm>>
      %dma_wait3A_1392 = tpu.memref_squeeze %dma_wait3A_1391 : memref<1x256xf32, #tpu.memory_space<hbm>> -> memref<256xf32, #tpu.memory_space<hbm>>
      tpu.wait_dma2 semaphore(%arg9 : memref<!tpu.dma_semaphore, #tpu.memory_space<semaphore_mem>>) src(%dma_wait3A_1392 : memref<256xf32, #tpu.memory_space<hbm>>) dst(%dma_wait3A_1390 : memref<256xf32, #tpu.memory_space<vmem>>)
      %dma_wait3A_1393 = arith.constant 768 : i32
      %dma_wait3A_1394 = tpu.memref_slice %arg6[%dma_wait3A_1393] : memref<2304xf32, #tpu.memory_space<vmem>> -> memref<256xf32, #tpu.memory_space<vmem>>
      %dma_wait3A_1395 = tpu.memref_slice %arg2[%add3A_1233, %mul3A_1235] : memref<512x102400xf32, #tpu.memory_space<hbm>> -> memref<1x256xf32, #tpu.memory_space<hbm>>
      %dma_wait3A_1396 = tpu.memref_squeeze %dma_wait3A_1395 : memref<1x256xf32, #tpu.memory_space<hbm>> -> memref<256xf32, #tpu.memory_space<hbm>>
      %dma_wait3A_1397 = arith.constant 768 : i32
      %dma_wait3A_1398 = tpu.memref_slice %arg6[%dma_wait3A_1397] : memref<2304xf32, #tpu.memory_space<vmem>> -> memref<256xf32, #tpu.memory_space<vmem>>
      %dma_wait3A_1399 = tpu.memref_slice %arg2[%add3A_1233, %mul3A_1235] : memref<512x102400xf32, #tpu.memory_space<hbm>> -> memref<1x256xf32, #tpu.memory_space<hbm>>
      %dma_wait3A_1400 = tpu.memref_squeeze %dma_wait3A_1399 : memref<1x256xf32, #tpu.memory_space<hbm>> -> memref<256xf32, #tpu.memory_space<hbm>>
      tpu.wait_dma2 semaphore(%arg9 : memref<!tpu.dma_semaphore, #tpu.memory_space<semaphore_mem>>) src(%dma_wait3A_1400 : memref<256xf32, #tpu.memory_space<hbm>>) dst(%dma_wait3A_1398 : memref<256xf32, #tpu.memory_space<vmem>>)
      %dma_wait3A_1401 = arith.constant 1024 : i32
      %dma_wait3A_1402 = tpu.memref_slice %arg6[%dma_wait3A_1401] : memref<2304xf32, #tpu.memory_space<vmem>> -> memref<256xf32, #tpu.memory_space<vmem>>
      %dma_wait3A_1403 = tpu.memref_slice %arg2[%add3A_1258, %mul3A_1260] : memref<512x102400xf32, #tpu.memory_space<hbm>> -> memref<1x256xf32, #tpu.memory_space<hbm>>
      %dma_wait3A_1404 = tpu.memref_squeeze %dma_wait3A_1403 : memref<1x256xf32, #tpu.memory_space<hbm>> -> memref<256xf32, #tpu.memory_space<hbm>>
      %dma_wait3A_1405 = arith.constant 1024 : i32
      %dma_wait3A_1406 = tpu.memref_slice %arg6[%dma_wait3A_1405] : memref<2304xf32, #tpu.memory_space<vmem>> -> memref<256xf32, #tpu.memory_space<vmem>>
      %dma_wait3A_1407 = tpu.memref_slice %arg2[%add3A_1258, %mul3A_1260] : memref<512x102400xf32, #tpu.memory_space<hbm>> -> memref<1x256xf32, #tpu.memory_space<hbm>>
      %dma_wait3A_1408 = tpu.memref_squeeze %dma_wait3A_1407 : memref<1x256xf32, #tpu.memory_space<hbm>> -> memref<256xf32, #tpu.memory_space<hbm>>
      tpu.wait_dma2 semaphore(%arg9 : memref<!tpu.dma_semaphore, #tpu.memory_space<semaphore_mem>>) src(%dma_wait3A_1408 : memref<256xf32, #tpu.memory_space<hbm>>) dst(%dma_wait3A_1406 : memref<256xf32, #tpu.memory_space<vmem>>)
      %dma_wait3A_1409 = arith.constant 1280 : i32
      %dma_wait3A_1410 = tpu.memref_slice %arg6[%dma_wait3A_1409] : memref<2304xf32, #tpu.memory_space<vmem>> -> memref<256xf32, #tpu.memory_space<vmem>>
      %dma_wait3A_1411 = tpu.memref_slice %arg2[%add3A_1283, %mul3A_1285] : memref<512x102400xf32, #tpu.memory_space<hbm>> -> memref<1x256xf32, #tpu.memory_space<hbm>>
      %dma_wait3A_1412 = tpu.memref_squeeze %dma_wait3A_1411 : memref<1x256xf32, #tpu.memory_space<hbm>> -> memref<256xf32, #tpu.memory_space<hbm>>
      %dma_wait3A_1413 = arith.constant 1280 : i32
      %dma_wait3A_1414 = tpu.memref_slice %arg6[%dma_wait3A_1413] : memref<2304xf32, #tpu.memory_space<vmem>> -> memref<256xf32, #tpu.memory_space<vmem>>
      %dma_wait3A_1415 = tpu.memref_slice %arg2[%add3A_1283, %mul3A_1285] : memref<512x102400xf32, #tpu.memory_space<hbm>> -> memref<1x256xf32, #tpu.memory_space<hbm>>
      %dma_wait3A_1416 = tpu.memref_squeeze %dma_wait3A_1415 : memref<1x256xf32, #tpu.memory_space<hbm>> -> memref<256xf32, #tpu.memory_space<hbm>>
      tpu.wait_dma2 semaphore(%arg9 : memref<!tpu.dma_semaphore, #tpu.memory_space<semaphore_mem>>) src(%dma_wait3A_1416 : memref<256xf32, #tpu.memory_space<hbm>>) dst(%dma_wait3A_1414 : memref<256xf32, #tpu.memory_space<vmem>>)
      %dma_wait3A_1417 = arith.constant 1536 : i32
      %dma_wait3A_1418 = tpu.memref_slice %arg6[%dma_wait3A_1417] : memref<2304xf32, #tpu.memory_space<vmem>> -> memref<256xf32, #tpu.memory_space<vmem>>
      %dma_wait3A_1419 = tpu.memref_slice %arg2[%add3A_1308, %mul3A_1310] : memref<512x102400xf32, #tpu.memory_space<hbm>> -> memref<1x256xf32, #tpu.memory_space<hbm>>
      %dma_wait3A_1420 = tpu.memref_squeeze %dma_wait3A_1419 : memref<1x256xf32, #tpu.memory_space<hbm>> -> memref<256xf32, #tpu.memory_space<hbm>>
      %dma_wait3A_1421 = arith.constant 1536 : i32
      %dma_wait3A_1422 = tpu.memref_slice %arg6[%dma_wait3A_1421] : memref<2304xf32, #tpu.memory_space<vmem>> -> memref<256xf32, #tpu.memory_space<vmem>>
      %dma_wait3A_1423 = tpu.memref_slice %arg2[%add3A_1308, %mul3A_1310] : memref<512x102400xf32, #tpu.memory_space<hbm>> -> memref<1x256xf32, #tpu.memory_space<hbm>>
      %dma_wait3A_1424 = tpu.memref_squeeze %dma_wait3A_1423 : memref<1x256xf32, #tpu.memory_space<hbm>> -> memref<256xf32, #tpu.memory_space<hbm>>
      tpu.wait_dma2 semaphore(%arg9 : memref<!tpu.dma_semaphore, #tpu.memory_space<semaphore_mem>>) src(%dma_wait3A_1424 : memref<256xf32, #tpu.memory_space<hbm>>) dst(%dma_wait3A_1422 : memref<256xf32, #tpu.memory_space<vmem>>)
      %dma_wait3A_1425 = arith.constant 1792 : i32
      %dma_wait3A_1426 = tpu.memref_slice %arg6[%dma_wait3A_1425] : memref<2304xf32, #tpu.memory_space<vmem>> -> memref<256xf32, #tpu.memory_space<vmem>>
      %dma_wait3A_1427 = tpu.memref_slice %arg2[%add3A_1333, %mul3A_1335] : memref<512x102400xf32, #tpu.memory_space<hbm>> -> memref<1x256xf32, #tpu.memory_space<hbm>>
      %dma_wait3A_1428 = tpu.memref_squeeze %dma_wait3A_1427 : memref<1x256xf32, #tpu.memory_space<hbm>> -> memref<256xf32, #tpu.memory_space<hbm>>
      %dma_wait3A_1429 = arith.constant 1792 : i32
      %dma_wait3A_1430 = tpu.memref_slice %arg6[%dma_wait3A_1429] : memref<2304xf32, #tpu.memory_space<vmem>> -> memref<256xf32, #tpu.memory_space<vmem>>
      %dma_wait3A_1431 = tpu.memref_slice %arg2[%add3A_1333, %mul3A_1335] : memref<512x102400xf32, #tpu.memory_space<hbm>> -> memref<1x256xf32, #tpu.memory_space<hbm>>
      %dma_wait3A_1432 = tpu.memref_squeeze %dma_wait3A_1431 : memref<1x256xf32, #tpu.memory_space<hbm>> -> memref<256xf32, #tpu.memory_space<hbm>>
      tpu.wait_dma2 semaphore(%arg9 : memref<!tpu.dma_semaphore, #tpu.memory_space<semaphore_mem>>) src(%dma_wait3A_1432 : memref<256xf32, #tpu.memory_space<hbm>>) dst(%dma_wait3A_1430 : memref<256xf32, #tpu.memory_space<vmem>>)
      %dma_wait3A_1433 = arith.constant 2048 : i32
      %dma_wait3A_1434 = tpu.memref_slice %arg6[%dma_wait3A_1433] : memref<2304xf32, #tpu.memory_space<vmem>> -> memref<256xf32, #tpu.memory_space<vmem>>
      %dma_wait3A_1435 = tpu.memref_slice %arg2[%add3A_1358, %mul3A_1360] : memref<512x102400xf32, #tpu.memory_space<hbm>> -> memref<1x256xf32, #tpu.memory_space<hbm>>
      %dma_wait3A_1436 = tpu.memref_squeeze %dma_wait3A_1435 : memref<1x256xf32, #tpu.memory_space<hbm>> -> memref<256xf32, #tpu.memory_space<hbm>>
      %dma_wait3A_1437 = arith.constant 2048 : i32
      %dma_wait3A_1438 = tpu.memref_slice %arg6[%dma_wait3A_1437] : memref<2304xf32, #tpu.memory_space<vmem>> -> memref<256xf32, #tpu.memory_space<vmem>>
      %dma_wait3A_1439 = tpu.memref_slice %arg2[%add3A_1358, %mul3A_1360] : memref<512x102400xf32, #tpu.memory_space<hbm>> -> memref<1x256xf32, #tpu.memory_space<hbm>>
      %dma_wait3A_1440 = tpu.memref_squeeze %dma_wait3A_1439 : memref<1x256xf32, #tpu.memory_space<hbm>> -> memref<256xf32, #tpu.memory_space<hbm>>
      tpu.wait_dma2 semaphore(%arg9 : memref<!tpu.dma_semaphore, #tpu.memory_space<semaphore_mem>>) src(%dma_wait3A_1440 : memref<256xf32, #tpu.memory_space<hbm>>) dst(%dma_wait3A_1438 : memref<256xf32, #tpu.memory_space<vmem>>)
      %broadcast_in_dim3A_1441 = arith.constant 1.000000e+30 : f32
      %broadcast_in_dim3A_1442 = vector.broadcast %broadcast_in_dim3A_1441 : f32 to vector<16xf32>
      %swap3A = arith.constant 0 : index
      %swap3A_1443 = tpu.vector_load %arg8[%swap3A] {strides = array<i32>} : memref<16xf32, #tpu.memory_space<vmem>>, vector<16xf32>,
      tpu.vector_store %arg8[%swap3A], %broadcast_in_dim3A_1442 {strides = array<i32>} : memref<16xf32, #tpu.memory_space<vmem>>, vector<16xf32>,
      %get3A_1444 = arith.constant 0 : index
      %get3A_1445 = tpu.vector_load %arg6[%get3A_1444] {strides = array<i32>} : memref<2304xf32, #tpu.memory_space<vmem>>, vector<16xf32>,
      %get3A_1446 = arith.constant 16 : index
      %get3A_1447 = tpu.vector_load %arg6[%get3A_1446] {strides = array<i32>} : memref<2304xf32, #tpu.memory_space<vmem>>, vector<16xf32>,
      %get3A_1448 = arith.constant 32 : index
      %get3A_1449 = tpu.vector_load %arg6[%get3A_1448] {strides = array<i32>} : memref<2304xf32, #tpu.memory_space<vmem>>, vector<16xf32>,
      %get3A_1450 = arith.constant 48 : index
      %get3A_1451 = tpu.vector_load %arg6[%get3A_1450] {strides = array<i32>} : memref<2304xf32, #tpu.memory_space<vmem>>, vector<16xf32>,
      %get3A_1452 = arith.constant 64 : index
      %get3A_1453 = tpu.vector_load %arg6[%get3A_1452] {strides = array<i32>} : memref<2304xf32, #tpu.memory_space<vmem>>, vector<16xf32>,
      %get3A_1454 = arith.constant 80 : index
      %get3A_1455 = tpu.vector_load %arg6[%get3A_1454] {strides = array<i32>} : memref<2304xf32, #tpu.memory_space<vmem>>, vector<16xf32>,
      %get3A_1456 = arith.constant 96 : index
      %get3A_1457 = tpu.vector_load %arg6[%get3A_1456] {strides = array<i32>} : memref<2304xf32, #tpu.memory_space<vmem>>, vector<16xf32>,
      %get3A_1458 = arith.constant 112 : index
      %get3A_1459 = tpu.vector_load %arg6[%get3A_1458] {strides = array<i32>} : memref<2304xf32, #tpu.memory_space<vmem>>, vector<16xf32>,
      %min3A_1460 = arith.minimumf %get3A_1445, %get3A_1447 : vector<16xf32>
      %min3A_1461 = arith.minimumf %min3A_1460, %get3A_1449 : vector<16xf32>
      %min3A_1462 = arith.minimumf %min3A_1461, %get3A_1451 : vector<16xf32>
      %min3A_1463 = arith.minimumf %min3A_1462, %get3A_1453 : vector<16xf32>
      %min3A_1464 = arith.minimumf %min3A_1463, %get3A_1455 : vector<16xf32>
      %min3A_1465 = arith.minimumf %min3A_1464, %get3A_1457 : vector<16xf32>
      %min3A_1466 = arith.minimumf %min3A_1465, %get3A_1459 : vector<16xf32>
      %le3A = vector.broadcast %reduce_max3A_1143 : f32 to vector<16xf32>
      %le3A_1467 = arith.cmpf ole, %min3A_1466, %le3A : vector<16xf32>
      %convert_element_type3A = arith.extui %le3A_1467 : vector<16xi1> to vector<16xi32>
      %reduce_sum3A = arith.constant true
      %reduce_sum3A_1468 = vector.broadcast %reduce_sum3A : i1 to vector<16xi1>
      %reduce_sum3A_1469 = tpu.scan <sum>, %convert_element_type3A masked %reduce_sum3A_1468 : vector<16xi32>, vector<16xi1> -> vector<16xi32>
      %reduce_sum3A_1470 = vector.extract %reduce_sum3A_1469[15] : i32 from vector<16xi32>
      %gt3A = arith.constant 0 : i32
      %gt3A_1471 = arith.cmpi sgt, %reduce_sum3A_1470, %gt3A : i32
      %convert_element_type3A_1472 = arith.extui %gt3A_1471 : i1 to i32
      %cond3A = arith.constant 0 : i32
      %cond3A_1473 = arith.cmpi ne, %convert_element_type3A_1472, %cond3A : i32
      scf.if %cond3A_1473 {
        %masked_sort3A_2111 = arith.constant dense<true> : vector<16xi1>
        %masked_sort3A_2112, %masked_sort3A_2113, %masked_sort3A_2114 = tpu.sort %get3A_1445, %iota3A masked %masked_sort3A_2111 {descending = true} : (vector<16xf32>, vector<16xi32>, vector<16xi1>) -> (vector<16xi1>, vector<16xf32>, vector<16xi32>)
        %get3A_2115 = arith.constant 0 : index
        %get3A_2116 = tpu.vector_load %arg8[%get3A_2115] {strides = array<i32>} : memref<16xf32, #tpu.memory_space<vmem>>, vector<16xf32>,
        %min3A_2117 = arith.minimumf %get3A_2116, %masked_sort3A_2113 : vector<16xf32>
        %masked_sort3A_2118 = arith.constant dense<true> : vector<16xi1>
        %masked_sort3A_2119, %masked_sort3A_2120, %masked_sort3A_2121 = tpu.sort %min3A_2117, %iota3A masked %masked_sort3A_2118 : (vector<16xf32>, vector<16xi32>, vector<16xi1>) -> (vector<16xi1>, vector<16xf32>, vector<16xi32>)
        %swap3A_2122 = arith.constant 0 : index
        %swap3A_2123 = tpu.vector_load %arg8[%swap3A_2122] {strides = array<i32>} : memref<16xf32, #tpu.memory_space<vmem>>, vector<16xf32>,
        tpu.vector_store %arg8[%swap3A_2122], %masked_sort3A_2120 {strides = array<i32>} : memref<16xf32, #tpu.memory_space<vmem>>, vector<16xf32>,
        %masked_sort3A_2124 = arith.constant dense<true> : vector<16xi1>
        %masked_sort3A_2125, %masked_sort3A_2126, %masked_sort3A_2127 = tpu.sort %get3A_1447, %iota3A masked %masked_sort3A_2124 {descending = true} : (vector<16xf32>, vector<16xi32>, vector<16xi1>) -> (vector<16xi1>, vector<16xf32>, vector<16xi32>)
        %get3A_2128 = arith.constant 0 : index
        %get3A_2129 = tpu.vector_load %arg8[%get3A_2128] {strides = array<i32>} : memref<16xf32, #tpu.memory_space<vmem>>, vector<16xf32>,
        %min3A_2130 = arith.minimumf %get3A_2129, %masked_sort3A_2126 : vector<16xf32>
        %masked_sort3A_2131 = arith.constant dense<true> : vector<16xi1>
        %masked_sort3A_2132, %masked_sort3A_2133, %masked_sort3A_2134 = tpu.sort %min3A_2130, %iota3A masked %masked_sort3A_2131 : (vector<16xf32>, vector<16xi32>, vector<16xi1>) -> (vector<16xi1>, vector<16xf32>, vector<16xi32>)
        %swap3A_2135 = arith.constant 0 : index
        %swap3A_2136 = tpu.vector_load %arg8[%swap3A_2135] {strides = array<i32>} : memref<16xf32, #tpu.memory_space<vmem>>, vector<16xf32>,
        tpu.vector_store %arg8[%swap3A_2135], %masked_sort3A_2133 {strides = array<i32>} : memref<16xf32, #tpu.memory_space<vmem>>, vector<16xf32>,
        %masked_sort3A_2137 = arith.constant dense<true> : vector<16xi1>
        %masked_sort3A_2138, %masked_sort3A_2139, %masked_sort3A_2140 = tpu.sort %get3A_1449, %iota3A masked %masked_sort3A_2137 {descending = true} : (vector<16xf32>, vector<16xi32>, vector<16xi1>) -> (vector<16xi1>, vector<16xf32>, vector<16xi32>)
        %get3A_2141 = arith.constant 0 : index
        %get3A_2142 = tpu.vector_load %arg8[%get3A_2141] {strides = array<i32>} : memref<16xf32, #tpu.memory_space<vmem>>, vector<16xf32>,
        %min3A_2143 = arith.minimumf %get3A_2142, %masked_sort3A_2139 : vector<16xf32>
        %masked_sort3A_2144 = arith.constant dense<true> : vector<16xi1>
        %masked_sort3A_2145, %masked_sort3A_2146, %masked_sort3A_2147 = tpu.sort %min3A_2143, %iota3A masked %masked_sort3A_2144 : (vector<16xf32>, vector<16xi32>, vector<16xi1>) -> (vector<16xi1>, vector<16xf32>, vector<16xi32>)
        %swap3A_2148 = arith.constant 0 : index
        %swap3A_2149 = tpu.vector_load %arg8[%swap3A_2148] {strides = array<i32>} : memref<16xf32, #tpu.memory_space<vmem>>, vector<16xf32>,
        tpu.vector_store %arg8[%swap3A_2148], %masked_sort3A_2146 {strides = array<i32>} : memref<16xf32, #tpu.memory_space<vmem>>, vector<16xf32>,
        %masked_sort3A_2150 = arith.constant dense<true> : vector<16xi1>
        %masked_sort3A_2151, %masked_sort3A_2152, %masked_sort3A_2153 = tpu.sort %get3A_1451, %iota3A masked %masked_sort3A_2150 {descending = true} : (vector<16xf32>, vector<16xi32>, vector<16xi1>) -> (vector<16xi1>, vector<16xf32>, vector<16xi32>)
        %get3A_2154 = arith.constant 0 : index
        %get3A_2155 = tpu.vector_load %arg8[%get3A_2154] {strides = array<i32>} : memref<16xf32, #tpu.memory_space<vmem>>, vector<16xf32>,
        %min3A_2156 = arith.minimumf %get3A_2155, %masked_sort3A_2152 : vector<16xf32>
        %masked_sort3A_2157 = arith.constant dense<true> : vector<16xi1>
        %masked_sort3A_2158, %masked_sort3A_2159, %masked_sort3A_2160 = tpu.sort %min3A_2156, %iota3A masked %masked_sort3A_2157 : (vector<16xf32>, vector<16xi32>, vector<16xi1>) -> (vector<16xi1>, vector<16xf32>, vector<16xi32>)
        %swap3A_2161 = arith.constant 0 : index
        %swap3A_2162 = tpu.vector_load %arg8[%swap3A_2161] {strides = array<i32>} : memref<16xf32, #tpu.memory_space<vmem>>, vector<16xf32>,
        tpu.vector_store %arg8[%swap3A_2161], %masked_sort3A_2159 {strides = array<i32>} : memref<16xf32, #tpu.memory_space<vmem>>, vector<16xf32>,
        %masked_sort3A_2163 = arith.constant dense<true> : vector<16xi1>
        %masked_sort3A_2164, %masked_sort3A_2165, %masked_sort3A_2166 = tpu.sort %get3A_1453, %iota3A masked %masked_sort3A_2163 {descending = true} : (vector<16xf32>, vector<16xi32>, vector<16xi1>) -> (vector<16xi1>, vector<16xf32>, vector<16xi32>)
        %get3A_2167 = arith.constant 0 : index
        %get3A_2168 = tpu.vector_load %arg8[%get3A_2167] {strides = array<i32>} : memref<16xf32, #tpu.memory_space<vmem>>, vector<16xf32>,
        %min3A_2169 = arith.minimumf %get3A_2168, %masked_sort3A_2165 : vector<16xf32>
        %masked_sort3A_2170 = arith.constant dense<true> : vector<16xi1>
        %masked_sort3A_2171, %masked_sort3A_2172, %masked_sort3A_2173 = tpu.sort %min3A_2169, %iota3A masked %masked_sort3A_2170 : (vector<16xf32>, vector<16xi32>, vector<16xi1>) -> (vector<16xi1>, vector<16xf32>, vector<16xi32>)
        %swap3A_2174 = arith.constant 0 : index
        %swap3A_2175 = tpu.vector_load %arg8[%swap3A_2174] {strides = array<i32>} : memref<16xf32, #tpu.memory_space<vmem>>, vector<16xf32>,
        tpu.vector_store %arg8[%swap3A_2174], %masked_sort3A_2172 {strides = array<i32>} : memref<16xf32, #tpu.memory_space<vmem>>, vector<16xf32>,
        %masked_sort3A_2176 = arith.constant dense<true> : vector<16xi1>
        %masked_sort3A_2177, %masked_sort3A_2178, %masked_sort3A_2179 = tpu.sort %get3A_1455, %iota3A masked %masked_sort3A_2176 {descending = true} : (vector<16xf32>, vector<16xi32>, vector<16xi1>) -> (vector<16xi1>, vector<16xf32>, vector<16xi32>)
        %get3A_2180 = arith.constant 0 : index
        %get3A_2181 = tpu.vector_load %arg8[%get3A_2180] {strides = array<i32>} : memref<16xf32, #tpu.memory_space<vmem>>, vector<16xf32>,
        %min3A_2182 = arith.minimumf %get3A_2181, %masked_sort3A_2178 : vector<16xf32>
        %masked_sort3A_2183 = arith.constant dense<true> : vector<16xi1>
        %masked_sort3A_2184, %masked_sort3A_2185, %masked_sort3A_2186 = tpu.sort %min3A_2182, %iota3A masked %masked_sort3A_2183 : (vector<16xf32>, vector<16xi32>, vector<16xi1>) -> (vector<16xi1>, vector<16xf32>, vector<16xi32>)
        %swap3A_2187 = arith.constant 0 : index
        %swap3A_2188 = tpu.vector_load %arg8[%swap3A_2187] {strides = array<i32>} : memref<16xf32, #tpu.memory_space<vmem>>, vector<16xf32>,
        tpu.vector_store %arg8[%swap3A_2187], %masked_sort3A_2185 {strides = array<i32>} : memref<16xf32, #tpu.memory_space<vmem>>, vector<16xf32>,
        %masked_sort3A_2189 = arith.constant dense<true> : vector<16xi1>
        %masked_sort3A_2190, %masked_sort3A_2191, %masked_sort3A_2192 = tpu.sort %get3A_1457, %iota3A masked %masked_sort3A_2189 {descending = true} : (vector<16xf32>, vector<16xi32>, vector<16xi1>) -> (vector<16xi1>, vector<16xf32>, vector<16xi32>)
        %get3A_2193 = arith.constant 0 : index
        %get3A_2194 = tpu.vector_load %arg8[%get3A_2193] {strides = array<i32>} : memref<16xf32, #tpu.memory_space<vmem>>, vector<16xf32>,
        %min3A_2195 = arith.minimumf %get3A_2194, %masked_sort3A_2191 : vector<16xf32>
        %masked_sort3A_2196 = arith.constant dense<true> : vector<16xi1>
        %masked_sort3A_2197, %masked_sort3A_2198, %masked_sort3A_2199 = tpu.sort %min3A_2195, %iota3A masked %masked_sort3A_2196 : (vector<16xf32>, vector<16xi32>, vector<16xi1>) -> (vector<16xi1>, vector<16xf32>, vector<16xi32>)
        %swap3A_2200 = arith.constant 0 : index
        %swap3A_2201 = tpu.vector_load %arg8[%swap3A_2200] {strides = array<i32>} : memref<16xf32, #tpu.memory_space<vmem>>, vector<16xf32>,
        tpu.vector_store %arg8[%swap3A_2200], %masked_sort3A_2198 {strides = array<i32>} : memref<16xf32, #tpu.memory_space<vmem>>, vector<16xf32>,
        %masked_sort3A_2202 = arith.constant dense<true> : vector<16xi1>
        %masked_sort3A_2203, %masked_sort3A_2204, %masked_sort3A_2205 = tpu.sort %get3A_1459, %iota3A masked %masked_sort3A_2202 {descending = true} : (vector<16xf32>, vector<16xi32>, vector<16xi1>) -> (vector<16xi1>, vector<16xf32>, vector<16xi32>)
        %get3A_2206 = arith.constant 0 : index
        %get3A_2207 = tpu.vector_load %arg8[%get3A_2206] {strides = array<i32>} : memref<16xf32, #tpu.memory_space<vmem>>, vector<16xf32>,
        %min3A_2208 = arith.minimumf %get3A_2207, %masked_sort3A_2204 : vector<16xf32>
        %masked_sort3A_2209 = arith.constant dense<true> : vector<16xi1>
        %masked_sort3A_2210, %masked_sort3A_2211, %masked_sort3A_2212 = tpu.sort %min3A_2208, %iota3A masked %masked_sort3A_2209 : (vector<16xf32>, vector<16xi32>, vector<16xi1>) -> (vector<16xi1>, vector<16xf32>, vector<16xi32>)
        %swap3A_2213 = arith.constant 0 : index
        %swap3A_2214 = tpu.vector_load %arg8[%swap3A_2213] {strides = array<i32>} : memref<16xf32, #tpu.memory_space<vmem>>, vector<16xf32>,
        tpu.vector_store %arg8[%swap3A_2213], %masked_sort3A_2211 {strides = array<i32>} : memref<16xf32, #tpu.memory_space<vmem>>, vector<16xf32>,
      } else {
      }
      %get3A_1474 = arith.constant 128 : index
      %get3A_1475 = tpu.vector_load %arg6[%get3A_1474] {strides = array<i32>} : memref<2304xf32, #tpu.memory_space<vmem>>, vector<16xf32>,
      %get3A_1476 = arith.constant 144 : index
      %get3A_1477 = tpu.vector_load %arg6[%get3A_1476] {strides = array<i32>} : memref<2304xf32, #tpu.memory_space<vmem>>, vector<16xf32>,
      %get3A_1478 = arith.constant 160 : index
      %get3A_1479 = tpu.vector_load %arg6[%get3A_1478] {strides = array<i32>} : memref<2304xf32, #tpu.memory_space<vmem>>, vector<16xf32>,
      %get3A_1480 = arith.constant 176 : index
      %get3A_1481 = tpu.vector_load %arg6[%get3A_1480] {strides = array<i32>} : memref<2304xf32, #tpu.memory_space<vmem>>, vector<16xf32>,
      %get3A_1482 = arith.constant 192 : index
      %get3A_1483 = tpu.vector_load %arg6[%get3A_1482] {strides = array<i32>} : memref<2304xf32, #tpu.memory_space<vmem>>, vector<16xf32>,
      %get3A_1484 = arith.constant 208 : index
      %get3A_1485 = tpu.vector_load %arg6[%get3A_1484] {strides = array<i32>} : memref<2304xf32, #tpu.memory_space<vmem>>, vector<16xf32>,
      %get3A_1486 = arith.constant 224 : index
      %get3A_1487 = tpu.vector_load %arg6[%get3A_1486] {strides = array<i32>} : memref<2304xf32, #tpu.memory_space<vmem>>, vector<16xf32>,
      %get3A_1488 = arith.constant 240 : index
      %get3A_1489 = tpu.vector_load %arg6[%get3A_1488] {strides = array<i32>} : memref<2304xf32, #tpu.memory_space<vmem>>, vector<16xf32>,
      %min3A_1490 = arith.minimumf %get3A_1475, %get3A_1477 : vector<16xf32>
      %min3A_1491 = arith.minimumf %min3A_1490, %get3A_1479 : vector<16xf32>
      %min3A_1492 = arith.minimumf %min3A_1491, %get3A_1481 : vector<16xf32>
      %min3A_1493 = arith.minimumf %min3A_1492, %get3A_1483 : vector<16xf32>
      %min3A_1494 = arith.minimumf %min3A_1493, %get3A_1485 : vector<16xf32>
      %min3A_1495 = arith.minimumf %min3A_1494, %get3A_1487 : vector<16xf32>
      %min3A_1496 = arith.minimumf %min3A_1495, %get3A_1489 : vector<16xf32>
      %le3A_1497 = vector.broadcast %reduce_max3A_1143 : f32 to vector<16xf32>
      %le3A_1498 = arith.cmpf ole, %min3A_1496, %le3A_1497 : vector<16xf32>
      %convert_element_type3A_1499 = arith.extui %le3A_1498 : vector<16xi1> to vector<16xi32>
      %reduce_sum3A_1500 = arith.constant true
      %reduce_sum3A_1501 = vector.broadcast %reduce_sum3A_1500 : i1 to vector<16xi1>
      %reduce_sum3A_1502 = tpu.scan <sum>, %convert_element_type3A_1499 masked %reduce_sum3A_1501 : vector<16xi32>, vector<16xi1> -> vector<16xi32>
      %reduce_sum3A_1503 = vector.extract %reduce_sum3A_1502[15] : i32 from vector<16xi32>
      %gt3A_1504 = arith.constant 0 : i32
      %gt3A_1505 = arith.cmpi sgt, %reduce_sum3A_1503, %gt3A_1504 : i32
      %convert_element_type3A_1506 = arith.extui %gt3A_1505 : i1 to i32
      %cond3A_1507 = arith.constant 0 : i32
      %cond3A_1508 = arith.cmpi ne, %convert_element_type3A_1506, %cond3A_1507 : i32
      scf.if %cond3A_1508 {
        %masked_sort3A_2111 = arith.constant dense<true> : vector<16xi1>
        %masked_sort3A_2112, %masked_sort3A_2113, %masked_sort3A_2114 = tpu.sort %get3A_1475, %iota3A masked %masked_sort3A_2111 {descending = true} : (vector<16xf32>, vector<16xi32>, vector<16xi1>) -> (vector<16xi1>, vector<16xf32>, vector<16xi32>)
        %get3A_2115 = arith.constant 0 : index
        %get3A_2116 = tpu.vector_load %arg8[%get3A_2115] {strides = array<i32>} : memref<16xf32, #tpu.memory_space<vmem>>, vector<16xf32>,
        %min3A_2117 = arith.minimumf %get3A_2116, %masked_sort3A_2113 : vector<16xf32>
        %masked_sort3A_2118 = arith.constant dense<true> : vector<16xi1>
        %masked_sort3A_2119, %masked_sort3A_2120, %masked_sort3A_2121 = tpu.sort %min3A_2117, %iota3A masked %masked_sort3A_2118 : (vector<16xf32>, vector<16xi32>, vector<16xi1>) -> (vector<16xi1>, vector<16xf32>, vector<16xi32>)
        %swap3A_2122 = arith.constant 0 : index
        %swap3A_2123 = tpu.vector_load %arg8[%swap3A_2122] {strides = array<i32>} : memref<16xf32, #tpu.memory_space<vmem>>, vector<16xf32>,
        tpu.vector_store %arg8[%swap3A_2122], %masked_sort3A_2120 {strides = array<i32>} : memref<16xf32, #tpu.memory_space<vmem>>, vector<16xf32>,
        %masked_sort3A_2124 = arith.constant dense<true> : vector<16xi1>
        %masked_sort3A_2125, %masked_sort3A_2126, %masked_sort3A_2127 = tpu.sort %get3A_1477, %iota3A masked %masked_sort3A_2124 {descending = true} : (vector<16xf32>, vector<16xi32>, vector<16xi1>) -> (vector<16xi1>, vector<16xf32>, vector<16xi32>)
        %get3A_2128 = arith.constant 0 : index
        %get3A_2129 = tpu.vector_load %arg8[%get3A_2128] {strides = array<i32>} : memref<16xf32, #tpu.memory_space<vmem>>, vector<16xf32>,
        %min3A_2130 = arith.minimumf %get3A_2129, %masked_sort3A_2126 : vector<16xf32>
        %masked_sort3A_2131 = arith.constant dense<true> : vector<16xi1>
        %masked_sort3A_2132, %masked_sort3A_2133, %masked_sort3A_2134 = tpu.sort %min3A_2130, %iota3A masked %masked_sort3A_2131 : (vector<16xf32>, vector<16xi32>, vector<16xi1>) -> (vector<16xi1>, vector<16xf32>, vector<16xi32>)
        %swap3A_2135 = arith.constant 0 : index
        %swap3A_2136 = tpu.vector_load %arg8[%swap3A_2135] {strides = array<i32>} : memref<16xf32, #tpu.memory_space<vmem>>, vector<16xf32>,
        tpu.vector_store %arg8[%swap3A_2135], %masked_sort3A_2133 {strides = array<i32>} : memref<16xf32, #tpu.memory_space<vmem>>, vector<16xf32>,
        %masked_sort3A_2137 = arith.constant dense<true> : vector<16xi1>
        %masked_sort3A_2138, %masked_sort3A_2139, %masked_sort3A_2140 = tpu.sort %get3A_1479, %iota3A masked %masked_sort3A_2137 {descending = true} : (vector<16xf32>, vector<16xi32>, vector<16xi1>) -> (vector<16xi1>, vector<16xf32>, vector<16xi32>)
        %get3A_2141 = arith.constant 0 : index
        %get3A_2142 = tpu.vector_load %arg8[%get3A_2141] {strides = array<i32>} : memref<16xf32, #tpu.memory_space<vmem>>, vector<16xf32>,
        %min3A_2143 = arith.minimumf %get3A_2142, %masked_sort3A_2139 : vector<16xf32>
        %masked_sort3A_2144 = arith.constant dense<true> : vector<16xi1>
        %masked_sort3A_2145, %masked_sort3A_2146, %masked_sort3A_2147 = tpu.sort %min3A_2143, %iota3A masked %masked_sort3A_2144 : (vector<16xf32>, vector<16xi32>, vector<16xi1>) -> (vector<16xi1>, vector<16xf32>, vector<16xi32>)
        %swap3A_2148 = arith.constant 0 : index
        %swap3A_2149 = tpu.vector_load %arg8[%swap3A_2148] {strides = array<i32>} : memref<16xf32, #tpu.memory_space<vmem>>, vector<16xf32>,
        tpu.vector_store %arg8[%swap3A_2148], %masked_sort3A_2146 {strides = array<i32>} : memref<16xf32, #tpu.memory_space<vmem>>, vector<16xf32>,
        %masked_sort3A_2150 = arith.constant dense<true> : vector<16xi1>
        %masked_sort3A_2151, %masked_sort3A_2152, %masked_sort3A_2153 = tpu.sort %get3A_1481, %iota3A masked %masked_sort3A_2150 {descending = true} : (vector<16xf32>, vector<16xi32>, vector<16xi1>) -> (vector<16xi1>, vector<16xf32>, vector<16xi32>)
        %get3A_2154 = arith.constant 0 : index
        %get3A_2155 = tpu.vector_load %arg8[%get3A_2154] {strides = array<i32>} : memref<16xf32, #tpu.memory_space<vmem>>, vector<16xf32>,
        %min3A_2156 = arith.minimumf %get3A_2155, %masked_sort3A_2152 : vector<16xf32>
        %masked_sort3A_2157 = arith.constant dense<true> : vector<16xi1>
        %masked_sort3A_2158, %masked_sort3A_2159, %masked_sort3A_2160 = tpu.sort %min3A_2156, %iota3A masked %masked_sort3A_2157 : (vector<16xf32>, vector<16xi32>, vector<16xi1>) -> (vector<16xi1>, vector<16xf32>, vector<16xi32>)
        %swap3A_2161 = arith.constant 0 : index
        %swap3A_2162 = tpu.vector_load %arg8[%swap3A_2161] {strides = array<i32>} : memref<16xf32, #tpu.memory_space<vmem>>, vector<16xf32>,
        tpu.vector_store %arg8[%swap3A_2161], %masked_sort3A_2159 {strides = array<i32>} : memref<16xf32, #tpu.memory_space<vmem>>, vector<16xf32>,
        %masked_sort3A_2163 = arith.constant dense<true> : vector<16xi1>
        %masked_sort3A_2164, %masked_sort3A_2165, %masked_sort3A_2166 = tpu.sort %get3A_1483, %iota3A masked %masked_sort3A_2163 {descending = true} : (vector<16xf32>, vector<16xi32>, vector<16xi1>) -> (vector<16xi1>, vector<16xf32>, vector<16xi32>)
        %get3A_2167 = arith.constant 0 : index
        %get3A_2168 = tpu.vector_load %arg8[%get3A_2167] {strides = array<i32>} : memref<16xf32, #tpu.memory_space<vmem>>, vector<16xf32>,
        %min3A_2169 = arith.minimumf %get3A_2168, %masked_sort3A_2165 : vector<16xf32>
        %masked_sort3A_2170 = arith.constant dense<true> : vector<16xi1>
        %masked_sort3A_2171, %masked_sort3A_2172, %masked_sort3A_2173 = tpu.sort %min3A_2169, %iota3A masked %masked_sort3A_2170 : (vector<16xf32>, vector<16xi32>, vector<16xi1>) -> (vector<16xi1>, vector<16xf32>, vector<16xi32>)
        %swap3A_2174 = arith.constant 0 : index
        %swap3A_2175 = tpu.vector_load %arg8[%swap3A_2174] {strides = array<i32>} : memref<16xf32, #tpu.memory_space<vmem>>, vector<16xf32>,
        tpu.vector_store %arg8[%swap3A_2174], %masked_sort3A_2172 {strides = array<i32>} : memref<16xf32, #tpu.memory_space<vmem>>, vector<16xf32>,
        %masked_sort3A_2176 = arith.constant dense<true> : vector<16xi1>
        %masked_sort3A_2177, %masked_sort3A_2178, %masked_sort3A_2179 = tpu.sort %get3A_1485, %iota3A masked %masked_sort3A_2176 {descending = true} : (vector<16xf32>, vector<16xi32>, vector<16xi1>) -> (vector<16xi1>, vector<16xf32>, vector<16xi32>)
        %get3A_2180 = arith.constant 0 : index
        %get3A_2181 = tpu.vector_load %arg8[%get3A_2180] {strides = array<i32>} : memref<16xf32, #tpu.memory_space<vmem>>, vector<16xf32>,
        %min3A_2182 = arith.minimumf %get3A_2181, %masked_sort3A_2178 : vector<16xf32>
        %masked_sort3A_2183 = arith.constant dense<true> : vector<16xi1>
        %masked_sort3A_2184, %masked_sort3A_2185, %masked_sort3A_2186 = tpu.sort %min3A_2182, %iota3A masked %masked_sort3A_2183 : (vector<16xf32>, vector<16xi32>, vector<16xi1>) -> (vector<16xi1>, vector<16xf32>, vector<16xi32>)
        %swap3A_2187 = arith.constant 0 : index
        %swap3A_2188 = tpu.vector_load %arg8[%swap3A_2187] {strides = array<i32>} : memref<16xf32, #tpu.memory_space<vmem>>, vector<16xf32>,
        tpu.vector_store %arg8[%swap3A_2187], %masked_sort3A_2185 {strides = array<i32>} : memref<16xf32, #tpu.memory_space<vmem>>, vector<16xf32>,
        %masked_sort3A_2189 = arith.constant dense<true> : vector<16xi1>
        %masked_sort3A_2190, %masked_sort3A_2191, %masked_sort3A_2192 = tpu.sort %get3A_1487, %iota3A masked %masked_sort3A_2189 {descending = true} : (vector<16xf32>, vector<16xi32>, vector<16xi1>) -> (vector<16xi1>, vector<16xf32>, vector<16xi32>)
        %get3A_2193 = arith.constant 0 : index
        %get3A_2194 = tpu.vector_load %arg8[%get3A_2193] {strides = array<i32>} : memref<16xf32, #tpu.memory_space<vmem>>, vector<16xf32>,
        %min3A_2195 = arith.minimumf %get3A_2194, %masked_sort3A_2191 : vector<16xf32>
        %masked_sort3A_2196 = arith.constant dense<true> : vector<16xi1>
        %masked_sort3A_2197, %masked_sort3A_2198, %masked_sort3A_2199 = tpu.sort %min3A_2195, %iota3A masked %masked_sort3A_2196 : (vector<16xf32>, vector<16xi32>, vector<16xi1>) -> (vector<16xi1>, vector<16xf32>, vector<16xi32>)
        %swap3A_2200 = arith.constant 0 : index
        %swap3A_2201 = tpu.vector_load %arg8[%swap3A_2200] {strides = array<i32>} : memref<16xf32, #tpu.memory_space<vmem>>, vector<16xf32>,
        tpu.vector_store %arg8[%swap3A_2200], %masked_sort3A_2198 {strides = array<i32>} : memref<16xf32, #tpu.memory_space<vmem>>, vector<16xf32>,
        %masked_sort3A_2202 = arith.constant dense<true> : vector<16xi1>
        %masked_sort3A_2203, %masked_sort3A_2204, %masked_sort3A_2205 = tpu.sort %get3A_1489, %iota3A masked %masked_sort3A_2202 {descending = true} : (vector<16xf32>, vector<16xi32>, vector<16xi1>) -> (vector<16xi1>, vector<16xf32>, vector<16xi32>)
        %get3A_2206 = arith.constant 0 : index
        %get3A_2207 = tpu.vector_load %arg8[%get3A_2206] {strides = array<i32>} : memref<16xf32, #tpu.memory_space<vmem>>, vector<16xf32>,
        %min3A_2208 = arith.minimumf %get3A_2207, %masked_sort3A_2204 : vector<16xf32>
        %masked_sort3A_2209 = arith.constant dense<true> : vector<16xi1>
        %masked_sort3A_2210, %masked_sort3A_2211, %masked_sort3A_2212 = tpu.sort %min3A_2208, %iota3A masked %masked_sort3A_2209 : (vector<16xf32>, vector<16xi32>, vector<16xi1>) -> (vector<16xi1>, vector<16xf32>, vector<16xi32>)
        %swap3A_2213 = arith.constant 0 : index
        %swap3A_2214 = tpu.vector_load %arg8[%swap3A_2213] {strides = array<i32>} : memref<16xf32, #tpu.memory_space<vmem>>, vector<16xf32>,
        tpu.vector_store %arg8[%swap3A_2213], %masked_sort3A_2211 {strides = array<i32>} : memref<16xf32, #tpu.memory_space<vmem>>, vector<16xf32>,
      } else {
      }
      %get3A_1509 = arith.constant 256 : index
      %get3A_1510 = tpu.vector_load %arg6[%get3A_1509] {strides = array<i32>} : memref<2304xf32, #tpu.memory_space<vmem>>, vector<16xf32>,
      %get3A_1511 = arith.constant 272 : index
      %get3A_1512 = tpu.vector_load %arg6[%get3A_1511] {strides = array<i32>} : memref<2304xf32, #tpu.memory_space<vmem>>, vector<16xf32>,
      %get3A_1513 = arith.constant 288 : index
      %get3A_1514 = tpu.vector_load %arg6[%get3A_1513] {strides = array<i32>} : memref<2304xf32, #tpu.memory_space<vmem>>, vector<16xf32>,
      %get3A_1515 = arith.constant 304 : index
      %get3A_1516 = tpu.vector_load %arg6[%get3A_1515] {strides = array<i32>} : memref<2304xf32, #tpu.memory_space<vmem>>, vector<16xf32>,
      %get3A_1517 = arith.constant 320 : index
      %get3A_1518 = tpu.vector_load %arg6[%get3A_1517] {strides = array<i32>} : memref<2304xf32, #tpu.memory_space<vmem>>, vector<16xf32>,
      %get3A_1519 = arith.constant 336 : index
      %get3A_1520 = tpu.vector_load %arg6[%get3A_1519] {strides = array<i32>} : memref<2304xf32, #tpu.memory_space<vmem>>, vector<16xf32>,
      %get3A_1521 = arith.constant 352 : index
      %get3A_1522 = tpu.vector_load %arg6[%get3A_1521] {strides = array<i32>} : memref<2304xf32, #tpu.memory_space<vmem>>, vector<16xf32>,
      %get3A_1523 = arith.constant 368 : index
      %get3A_1524 = tpu.vector_load %arg6[%get3A_1523] {strides = array<i32>} : memref<2304xf32, #tpu.memory_space<vmem>>, vector<16xf32>,
      %min3A_1525 = arith.minimumf %get3A_1510, %get3A_1512 : vector<16xf32>
      %min3A_1526 = arith.minimumf %min3A_1525, %get3A_1514 : vector<16xf32>
      %min3A_1527 = arith.minimumf %min3A_1526, %get3A_1516 : vector<16xf32>
      %min3A_1528 = arith.minimumf %min3A_1527, %get3A_1518 : vector<16xf32>
      %min3A_1529 = arith.minimumf %min3A_1528, %get3A_1520 : vector<16xf32>
      %min3A_1530 = arith.minimumf %min3A_1529, %get3A_1522 : vector<16xf32>
      %min3A_1531 = arith.minimumf %min3A_1530, %get3A_1524 : vector<16xf32>
      %le3A_1532 = vector.broadcast %reduce_max3A_1143 : f32 to vector<16xf32>
      %le3A_1533 = arith.cmpf ole, %min3A_1531, %le3A_1532 : vector<16xf32>
      %convert_element_type3A_1534 = arith.extui %le3A_1533 : vector<16xi1> to vector<16xi32>
      %reduce_sum3A_1535 = arith.constant true
      %reduce_sum3A_1536 = vector.broadcast %reduce_sum3A_1535 : i1 to vector<16xi1>
      %reduce_sum3A_1537 = tpu.scan <sum>, %convert_element_type3A_1534 masked %reduce_sum3A_1536 : vector<16xi32>, vector<16xi1> -> vector<16xi32>
      %reduce_sum3A_1538 = vector.extract %reduce_sum3A_1537[15] : i32 from vector<16xi32>
      %gt3A_1539 = arith.constant 0 : i32
      %gt3A_1540 = arith.cmpi sgt, %reduce_sum3A_1538, %gt3A_1539 : i32
      %convert_element_type3A_1541 = arith.extui %gt3A_1540 : i1 to i32
      %cond3A_1542 = arith.constant 0 : i32
      %cond3A_1543 = arith.cmpi ne, %convert_element_type3A_1541, %cond3A_1542 : i32
      scf.if %cond3A_1543 {
        %masked_sort3A_2111 = arith.constant dense<true> : vector<16xi1>
        %masked_sort3A_2112, %masked_sort3A_2113, %masked_sort3A_2114 = tpu.sort %get3A_1510, %iota3A masked %masked_sort3A_2111 {descending = true} : (vector<16xf32>, vector<16xi32>, vector<16xi1>) -> (vector<16xi1>, vector<16xf32>, vector<16xi32>)
        %get3A_2115 = arith.constant 0 : index
        %get3A_2116 = tpu.vector_load %arg8[%get3A_2115] {strides = array<i32>} : memref<16xf32, #tpu.memory_space<vmem>>, vector<16xf32>,
        %min3A_2117 = arith.minimumf %get3A_2116, %masked_sort3A_2113 : vector<16xf32>
        %masked_sort3A_2118 = arith.constant dense<true> : vector<16xi1>
        %masked_sort3A_2119, %masked_sort3A_2120, %masked_sort3A_2121 = tpu.sort %min3A_2117, %iota3A masked %masked_sort3A_2118 : (vector<16xf32>, vector<16xi32>, vector<16xi1>) -> (vector<16xi1>, vector<16xf32>, vector<16xi32>)
        %swap3A_2122 = arith.constant 0 : index
        %swap3A_2123 = tpu.vector_load %arg8[%swap3A_2122] {strides = array<i32>} : memref<16xf32, #tpu.memory_space<vmem>>, vector<16xf32>,
        tpu.vector_store %arg8[%swap3A_2122], %masked_sort3A_2120 {strides = array<i32>} : memref<16xf32, #tpu.memory_space<vmem>>, vector<16xf32>,
        %masked_sort3A_2124 = arith.constant dense<true> : vector<16xi1>
        %masked_sort3A_2125, %masked_sort3A_2126, %masked_sort3A_2127 = tpu.sort %get3A_1512, %iota3A masked %masked_sort3A_2124 {descending = true} : (vector<16xf32>, vector<16xi32>, vector<16xi1>) -> (vector<16xi1>, vector<16xf32>, vector<16xi32>)
        %get3A_2128 = arith.constant 0 : index
        %get3A_2129 = tpu.vector_load %arg8[%get3A_2128] {strides = array<i32>} : memref<16xf32, #tpu.memory_space<vmem>>, vector<16xf32>,
        %min3A_2130 = arith.minimumf %get3A_2129, %masked_sort3A_2126 : vector<16xf32>
        %masked_sort3A_2131 = arith.constant dense<true> : vector<16xi1>
        %masked_sort3A_2132, %masked_sort3A_2133, %masked_sort3A_2134 = tpu.sort %min3A_2130, %iota3A masked %masked_sort3A_2131 : (vector<16xf32>, vector<16xi32>, vector<16xi1>) -> (vector<16xi1>, vector<16xf32>, vector<16xi32>)
        %swap3A_2135 = arith.constant 0 : index
        %swap3A_2136 = tpu.vector_load %arg8[%swap3A_2135] {strides = array<i32>} : memref<16xf32, #tpu.memory_space<vmem>>, vector<16xf32>,
        tpu.vector_store %arg8[%swap3A_2135], %masked_sort3A_2133 {strides = array<i32>} : memref<16xf32, #tpu.memory_space<vmem>>, vector<16xf32>,
        %masked_sort3A_2137 = arith.constant dense<true> : vector<16xi1>
        %masked_sort3A_2138, %masked_sort3A_2139, %masked_sort3A_2140 = tpu.sort %get3A_1514, %iota3A masked %masked_sort3A_2137 {descending = true} : (vector<16xf32>, vector<16xi32>, vector<16xi1>) -> (vector<16xi1>, vector<16xf32>, vector<16xi32>)
        %get3A_2141 = arith.constant 0 : index
        %get3A_2142 = tpu.vector_load %arg8[%get3A_2141] {strides = array<i32>} : memref<16xf32, #tpu.memory_space<vmem>>, vector<16xf32>,
        %min3A_2143 = arith.minimumf %get3A_2142, %masked_sort3A_2139 : vector<16xf32>
        %masked_sort3A_2144 = arith.constant dense<true> : vector<16xi1>
        %masked_sort3A_2145, %masked_sort3A_2146, %masked_sort3A_2147 = tpu.sort %min3A_2143, %iota3A masked %masked_sort3A_2144 : (vector<16xf32>, vector<16xi32>, vector<16xi1>) -> (vector<16xi1>, vector<16xf32>, vector<16xi32>)
        %swap3A_2148 = arith.constant 0 : index
        %swap3A_2149 = tpu.vector_load %arg8[%swap3A_2148] {strides = array<i32>} : memref<16xf32, #tpu.memory_space<vmem>>, vector<16xf32>,
        tpu.vector_store %arg8[%swap3A_2148], %masked_sort3A_2146 {strides = array<i32>} : memref<16xf32, #tpu.memory_space<vmem>>, vector<16xf32>,
        %masked_sort3A_2150 = arith.constant dense<true> : vector<16xi1>
        %masked_sort3A_2151, %masked_sort3A_2152, %masked_sort3A_2153 = tpu.sort %get3A_1516, %iota3A masked %masked_sort3A_2150 {descending = true} : (vector<16xf32>, vector<16xi32>, vector<16xi1>) -> (vector<16xi1>, vector<16xf32>, vector<16xi32>)
        %get3A_2154 = arith.constant 0 : index
        %get3A_2155 = tpu.vector_load %arg8[%get3A_2154] {strides = array<i32>} : memref<16xf32, #tpu.memory_space<vmem>>, vector<16xf32>,
        %min3A_2156 = arith.minimumf %get3A_2155, %masked_sort3A_2152 : vector<16xf32>
        %masked_sort3A_2157 = arith.constant dense<true> : vector<16xi1>
        %masked_sort3A_2158, %masked_sort3A_2159, %masked_sort3A_2160 = tpu.sort %min3A_2156, %iota3A masked %masked_sort3A_2157 : (vector<16xf32>, vector<16xi32>, vector<16xi1>) -> (vector<16xi1>, vector<16xf32>, vector<16xi32>)
        %swap3A_2161 = arith.constant 0 : index
        %swap3A_2162 = tpu.vector_load %arg8[%swap3A_2161] {strides = array<i32>} : memref<16xf32, #tpu.memory_space<vmem>>, vector<16xf32>,
        tpu.vector_store %arg8[%swap3A_2161], %masked_sort3A_2159 {strides = array<i32>} : memref<16xf32, #tpu.memory_space<vmem>>, vector<16xf32>,
        %masked_sort3A_2163 = arith.constant dense<true> : vector<16xi1>
        %masked_sort3A_2164, %masked_sort3A_2165, %masked_sort3A_2166 = tpu.sort %get3A_1518, %iota3A masked %masked_sort3A_2163 {descending = true} : (vector<16xf32>, vector<16xi32>, vector<16xi1>) -> (vector<16xi1>, vector<16xf32>, vector<16xi32>)
        %get3A_2167 = arith.constant 0 : index
        %get3A_2168 = tpu.vector_load %arg8[%get3A_2167] {strides = array<i32>} : memref<16xf32, #tpu.memory_space<vmem>>, vector<16xf32>,
        %min3A_2169 = arith.minimumf %get3A_2168, %masked_sort3A_2165 : vector<16xf32>
        %masked_sort3A_2170 = arith.constant dense<true> : vector<16xi1>
        %masked_sort3A_2171, %masked_sort3A_2172, %masked_sort3A_2173 = tpu.sort %min3A_2169, %iota3A masked %masked_sort3A_2170 : (vector<16xf32>, vector<16xi32>, vector<16xi1>) -> (vector<16xi1>, vector<16xf32>, vector<16xi32>)
        %swap3A_2174 = arith.constant 0 : index
        %swap3A_2175 = tpu.vector_load %arg8[%swap3A_2174] {strides = array<i32>} : memref<16xf32, #tpu.memory_space<vmem>>, vector<16xf32>,
        tpu.vector_store %arg8[%swap3A_2174], %masked_sort3A_2172 {strides = array<i32>} : memref<16xf32, #tpu.memory_space<vmem>>, vector<16xf32>,
        %masked_sort3A_2176 = arith.constant dense<true> : vector<16xi1>
        %masked_sort3A_2177, %masked_sort3A_2178, %masked_sort3A_2179 = tpu.sort %get3A_1520, %iota3A masked %masked_sort3A_2176 {descending = true} : (vector<16xf32>, vector<16xi32>, vector<16xi1>) -> (vector<16xi1>, vector<16xf32>, vector<16xi32>)
        %get3A_2180 = arith.constant 0 : index
        %get3A_2181 = tpu.vector_load %arg8[%get3A_2180] {strides = array<i32>} : memref<16xf32, #tpu.memory_space<vmem>>, vector<16xf32>,
        %min3A_2182 = arith.minimumf %get3A_2181, %masked_sort3A_2178 : vector<16xf32>
        %masked_sort3A_2183 = arith.constant dense<true> : vector<16xi1>
        %masked_sort3A_2184, %masked_sort3A_2185, %masked_sort3A_2186 = tpu.sort %min3A_2182, %iota3A masked %masked_sort3A_2183 : (vector<16xf32>, vector<16xi32>, vector<16xi1>) -> (vector<16xi1>, vector<16xf32>, vector<16xi32>)
        %swap3A_2187 = arith.constant 0 : index
        %swap3A_2188 = tpu.vector_load %arg8[%swap3A_2187] {strides = array<i32>} : memref<16xf32, #tpu.memory_space<vmem>>, vector<16xf32>,
        tpu.vector_store %arg8[%swap3A_2187], %masked_sort3A_2185 {strides = array<i32>} : memref<16xf32, #tpu.memory_space<vmem>>, vector<16xf32>,
        %masked_sort3A_2189 = arith.constant dense<true> : vector<16xi1>
        %masked_sort3A_2190, %masked_sort3A_2191, %masked_sort3A_2192 = tpu.sort %get3A_1522, %iota3A masked %masked_sort3A_2189 {descending = true} : (vector<16xf32>, vector<16xi32>, vector<16xi1>) -> (vector<16xi1>, vector<16xf32>, vector<16xi32>)
        %get3A_2193 = arith.constant 0 : index
        %get3A_2194 = tpu.vector_load %arg8[%get3A_2193] {strides = array<i32>} : memref<16xf32, #tpu.memory_space<vmem>>, vector<16xf32>,
        %min3A_2195 = arith.minimumf %get3A_2194, %masked_sort3A_2191 : vector<16xf32>
        %masked_sort3A_2196 = arith.constant dense<true> : vector<16xi1>
        %masked_sort3A_2197, %masked_sort3A_2198, %masked_sort3A_2199 = tpu.sort %min3A_2195, %iota3A masked %masked_sort3A_2196 : (vector<16xf32>, vector<16xi32>, vector<16xi1>) -> (vector<16xi1>, vector<16xf32>, vector<16xi32>)
        %swap3A_2200 = arith.constant 0 : index
        %swap3A_2201 = tpu.vector_load %arg8[%swap3A_2200] {strides = array<i32>} : memref<16xf32, #tpu.memory_space<vmem>>, vector<16xf32>,
        tpu.vector_store %arg8[%swap3A_2200], %masked_sort3A_2198 {strides = array<i32>} : memref<16xf32, #tpu.memory_space<vmem>>, vector<16xf32>,
        %masked_sort3A_2202 = arith.constant dense<true> : vector<16xi1>
        %masked_sort3A_2203, %masked_sort3A_2204, %masked_sort3A_2205 = tpu.sort %get3A_1524, %iota3A masked %masked_sort3A_2202 {descending = true} : (vector<16xf32>, vector<16xi32>, vector<16xi1>) -> (vector<16xi1>, vector<16xf32>, vector<16xi32>)
        %get3A_2206 = arith.constant 0 : index
        %get3A_2207 = tpu.vector_load %arg8[%get3A_2206] {strides = array<i32>} : memref<16xf32, #tpu.memory_space<vmem>>, vector<16xf32>,
        %min3A_2208 = arith.minimumf %get3A_2207, %masked_sort3A_2204 : vector<16xf32>
        %masked_sort3A_2209 = arith.constant dense<true> : vector<16xi1>
        %masked_sort3A_2210, %masked_sort3A_2211, %masked_sort3A_2212 = tpu.sort %min3A_2208, %iota3A masked %masked_sort3A_2209 : (vector<16xf32>, vector<16xi32>, vector<16xi1>) -> (vector<16xi1>, vector<16xf32>, vector<16xi32>)
        %swap3A_2213 = arith.constant 0 : index
        %swap3A_2214 = tpu.vector_load %arg8[%swap3A_2213] {strides = array<i32>} : memref<16xf32, #tpu.memory_space<vmem>>, vector<16xf32>,
        tpu.vector_store %arg8[%swap3A_2213], %masked_sort3A_2211 {strides = array<i32>} : memref<16xf32, #tpu.memory_space<vmem>>, vector<16xf32>,
      } else {
      }
      %get3A_1544 = arith.constant 384 : index
      %get3A_1545 = tpu.vector_load %arg6[%get3A_1544] {strides = array<i32>} : memref<2304xf32, #tpu.memory_space<vmem>>, vector<16xf32>,
      %get3A_1546 = arith.constant 400 : index
      %get3A_1547 = tpu.vector_load %arg6[%get3A_1546] {strides = array<i32>} : memref<2304xf32, #tpu.memory_space<vmem>>, vector<16xf32>,
      %get3A_1548 = arith.constant 416 : index
      %get3A_1549 = tpu.vector_load %arg6[%get3A_1548] {strides = array<i32>} : memref<2304xf32, #tpu.memory_space<vmem>>, vector<16xf32>,
      %get3A_1550 = arith.constant 432 : index
      %get3A_1551 = tpu.vector_load %arg6[%get3A_1550] {strides = array<i32>} : memref<2304xf32, #tpu.memory_space<vmem>>, vector<16xf32>,
      %get3A_1552 = arith.constant 448 : index
      %get3A_1553 = tpu.vector_load %arg6[%get3A_1552] {strides = array<i32>} : memref<2304xf32, #tpu.memory_space<vmem>>, vector<16xf32>,
      %get3A_1554 = arith.constant 464 : index
      %get3A_1555 = tpu.vector_load %arg6[%get3A_1554] {strides = array<i32>} : memref<2304xf32, #tpu.memory_space<vmem>>, vector<16xf32>,
      %get3A_1556 = arith.constant 480 : index
      %get3A_1557 = tpu.vector_load %arg6[%get3A_1556] {strides = array<i32>} : memref<2304xf32, #tpu.memory_space<vmem>>, vector<16xf32>,
      %get3A_1558 = arith.constant 496 : index
      %get3A_1559 = tpu.vector_load %arg6[%get3A_1558] {strides = array<i32>} : memref<2304xf32, #tpu.memory_space<vmem>>, vector<16xf32>,
      %min3A_1560 = arith.minimumf %get3A_1545, %get3A_1547 : vector<16xf32>
      %min3A_1561 = arith.minimumf %min3A_1560, %get3A_1549 : vector<16xf32>
      %min3A_1562 = arith.minimumf %min3A_1561, %get3A_1551 : vector<16xf32>
      %min3A_1563 = arith.minimumf %min3A_1562, %get3A_1553 : vector<16xf32>
      %min3A_1564 = arith.minimumf %min3A_1563, %get3A_1555 : vector<16xf32>
      %min3A_1565 = arith.minimumf %min3A_1564, %get3A_1557 : vector<16xf32>
      %min3A_1566 = arith.minimumf %min3A_1565, %get3A_1559 : vector<16xf32>
      %le3A_1567 = vector.broadcast %reduce_max3A_1143 : f32 to vector<16xf32>
      %le3A_1568 = arith.cmpf ole, %min3A_1566, %le3A_1567 : vector<16xf32>
      %convert_element_type3A_1569 = arith.extui %le3A_1568 : vector<16xi1> to vector<16xi32>
      %reduce_sum3A_1570 = arith.constant true
      %reduce_sum3A_1571 = vector.broadcast %reduce_sum3A_1570 : i1 to vector<16xi1>
      %reduce_sum3A_1572 = tpu.scan <sum>, %convert_element_type3A_1569 masked %reduce_sum3A_1571 : vector<16xi32>, vector<16xi1> -> vector<16xi32>
      %reduce_sum3A_1573 = vector.extract %reduce_sum3A_1572[15] : i32 from vector<16xi32>
      %gt3A_1574 = arith.constant 0 : i32
      %gt3A_1575 = arith.cmpi sgt, %reduce_sum3A_1573, %gt3A_1574 : i32
      %convert_element_type3A_1576 = arith.extui %gt3A_1575 : i1 to i32
      %cond3A_1577 = arith.constant 0 : i32
      %cond3A_1578 = arith.cmpi ne, %convert_element_type3A_1576, %cond3A_1577 : i32
      scf.if %cond3A_1578 {
        %masked_sort3A_2111 = arith.constant dense<true> : vector<16xi1>
        %masked_sort3A_2112, %masked_sort3A_2113, %masked_sort3A_2114 = tpu.sort %get3A_1545, %iota3A masked %masked_sort3A_2111 {descending = true} : (vector<16xf32>, vector<16xi32>, vector<16xi1>) -> (vector<16xi1>, vector<16xf32>, vector<16xi32>)
        %get3A_2115 = arith.constant 0 : index
        %get3A_2116 = tpu.vector_load %arg8[%get3A_2115] {strides = array<i32>} : memref<16xf32, #tpu.memory_space<vmem>>, vector<16xf32>,
        %min3A_2117 = arith.minimumf %get3A_2116, %masked_sort3A_2113 : vector<16xf32>
        %masked_sort3A_2118 = arith.constant dense<true> : vector<16xi1>
        %masked_sort3A_2119, %masked_sort3A_2120, %masked_sort3A_2121 = tpu.sort %min3A_2117, %iota3A masked %masked_sort3A_2118 : (vector<16xf32>, vector<16xi32>, vector<16xi1>) -> (vector<16xi1>, vector<16xf32>, vector<16xi32>)
        %swap3A_2122 = arith.constant 0 : index
        %swap3A_2123 = tpu.vector_load %arg8[%swap3A_2122] {strides = array<i32>} : memref<16xf32, #tpu.memory_space<vmem>>, vector<16xf32>,
        tpu.vector_store %arg8[%swap3A_2122], %masked_sort3A_2120 {strides = array<i32>} : memref<16xf32, #tpu.memory_space<vmem>>, vector<16xf32>,
        %masked_sort3A_2124 = arith.constant dense<true> : vector<16xi1>
        %masked_sort3A_2125, %masked_sort3A_2126, %masked_sort3A_2127 = tpu.sort %get3A_1547, %iota3A masked %masked_sort3A_2124 {descending = true} : (vector<16xf32>, vector<16xi32>, vector<16xi1>) -> (vector<16xi1>, vector<16xf32>, vector<16xi32>)
        %get3A_2128 = arith.constant 0 : index
        %get3A_2129 = tpu.vector_load %arg8[%get3A_2128] {strides = array<i32>} : memref<16xf32, #tpu.memory_space<vmem>>, vector<16xf32>,
        %min3A_2130 = arith.minimumf %get3A_2129, %masked_sort3A_2126 : vector<16xf32>
        %masked_sort3A_2131 = arith.constant dense<true> : vector<16xi1>
        %masked_sort3A_2132, %masked_sort3A_2133, %masked_sort3A_2134 = tpu.sort %min3A_2130, %iota3A masked %masked_sort3A_2131 : (vector<16xf32>, vector<16xi32>, vector<16xi1>) -> (vector<16xi1>, vector<16xf32>, vector<16xi32>)
        %swap3A_2135 = arith.constant 0 : index
        %swap3A_2136 = tpu.vector_load %arg8[%swap3A_2135] {strides = array<i32>} : memref<16xf32, #tpu.memory_space<vmem>>, vector<16xf32>,
        tpu.vector_store %arg8[%swap3A_2135], %masked_sort3A_2133 {strides = array<i32>} : memref<16xf32, #tpu.memory_space<vmem>>, vector<16xf32>,
        %masked_sort3A_2137 = arith.constant dense<true> : vector<16xi1>
        %masked_sort3A_2138, %masked_sort3A_2139, %masked_sort3A_2140 = tpu.sort %get3A_1549, %iota3A masked %masked_sort3A_2137 {descending = true} : (vector<16xf32>, vector<16xi32>, vector<16xi1>) -> (vector<16xi1>, vector<16xf32>, vector<16xi32>)
        %get3A_2141 = arith.constant 0 : index
        %get3A_2142 = tpu.vector_load %arg8[%get3A_2141] {strides = array<i32>} : memref<16xf32, #tpu.memory_space<vmem>>, vector<16xf32>,
        %min3A_2143 = arith.minimumf %get3A_2142, %masked_sort3A_2139 : vector<16xf32>
        %masked_sort3A_2144 = arith.constant dense<true> : vector<16xi1>
        %masked_sort3A_2145, %masked_sort3A_2146, %masked_sort3A_2147 = tpu.sort %min3A_2143, %iota3A masked %masked_sort3A_2144 : (vector<16xf32>, vector<16xi32>, vector<16xi1>) -> (vector<16xi1>, vector<16xf32>, vector<16xi32>)
        %swap3A_2148 = arith.constant 0 : index
        %swap3A_2149 = tpu.vector_load %arg8[%swap3A_2148] {strides = array<i32>} : memref<16xf32, #tpu.memory_space<vmem>>, vector<16xf32>,
        tpu.vector_store %arg8[%swap3A_2148], %masked_sort3A_2146 {strides = array<i32>} : memref<16xf32, #tpu.memory_space<vmem>>, vector<16xf32>,
        %masked_sort3A_2150 = arith.constant dense<true> : vector<16xi1>
        %masked_sort3A_2151, %masked_sort3A_2152, %masked_sort3A_2153 = tpu.sort %get3A_1551, %iota3A masked %masked_sort3A_2150 {descending = true} : (vector<16xf32>, vector<16xi32>, vector<16xi1>) -> (vector<16xi1>, vector<16xf32>, vector<16xi32>)
        %get3A_2154 = arith.constant 0 : index
        %get3A_2155 = tpu.vector_load %arg8[%get3A_2154] {strides = array<i32>} : memref<16xf32, #tpu.memory_space<vmem>>, vector<16xf32>,
        %min3A_2156 = arith.minimumf %get3A_2155, %masked_sort3A_2152 : vector<16xf32>
        %masked_sort3A_2157 = arith.constant dense<true> : vector<16xi1>
        %masked_sort3A_2158, %masked_sort3A_2159, %masked_sort3A_2160 = tpu.sort %min3A_2156, %iota3A masked %masked_sort3A_2157 : (vector<16xf32>, vector<16xi32>, vector<16xi1>) -> (vector<16xi1>, vector<16xf32>, vector<16xi32>)
        %swap3A_2161 = arith.constant 0 : index
        %swap3A_2162 = tpu.vector_load %arg8[%swap3A_2161] {strides = array<i32>} : memref<16xf32, #tpu.memory_space<vmem>>, vector<16xf32>,
        tpu.vector_store %arg8[%swap3A_2161], %masked_sort3A_2159 {strides = array<i32>} : memref<16xf32, #tpu.memory_space<vmem>>, vector<16xf32>,
        %masked_sort3A_2163 = arith.constant dense<true> : vector<16xi1>
        %masked_sort3A_2164, %masked_sort3A_2165, %masked_sort3A_2166 = tpu.sort %get3A_1553, %iota3A masked %masked_sort3A_2163 {descending = true} : (vector<16xf32>, vector<16xi32>, vector<16xi1>) -> (vector<16xi1>, vector<16xf32>, vector<16xi32>)
        %get3A_2167 = arith.constant 0 : index
        %get3A_2168 = tpu.vector_load %arg8[%get3A_2167] {strides = array<i32>} : memref<16xf32, #tpu.memory_space<vmem>>, vector<16xf32>,
        %min3A_2169 = arith.minimumf %get3A_2168, %masked_sort3A_2165 : vector<16xf32>
        %masked_sort3A_2170 = arith.constant dense<true> : vector<16xi1>
        %masked_sort3A_2171, %masked_sort3A_2172, %masked_sort3A_2173 = tpu.sort %min3A_2169, %iota3A masked %masked_sort3A_2170 : (vector<16xf32>, vector<16xi32>, vector<16xi1>) -> (vector<16xi1>, vector<16xf32>, vector<16xi32>)
        %swap3A_2174 = arith.constant 0 : index
        %swap3A_2175 = tpu.vector_load %arg8[%swap3A_2174] {strides = array<i32>} : memref<16xf32, #tpu.memory_space<vmem>>, vector<16xf32>,
        tpu.vector_store %arg8[%swap3A_2174], %masked_sort3A_2172 {strides = array<i32>} : memref<16xf32, #tpu.memory_space<vmem>>, vector<16xf32>,
        %masked_sort3A_2176 = arith.constant dense<true> : vector<16xi1>
        %masked_sort3A_2177, %masked_sort3A_2178, %masked_sort3A_2179 = tpu.sort %get3A_1555, %iota3A masked %masked_sort3A_2176 {descending = true} : (vector<16xf32>, vector<16xi32>, vector<16xi1>) -> (vector<16xi1>, vector<16xf32>, vector<16xi32>)
        %get3A_2180 = arith.constant 0 : index
        %get3A_2181 = tpu.vector_load %arg8[%get3A_2180] {strides = array<i32>} : memref<16xf32, #tpu.memory_space<vmem>>, vector<16xf32>,
        %min3A_2182 = arith.minimumf %get3A_2181, %masked_sort3A_2178 : vector<16xf32>
        %masked_sort3A_2183 = arith.constant dense<true> : vector<16xi1>
        %masked_sort3A_2184, %masked_sort3A_2185, %masked_sort3A_2186 = tpu.sort %min3A_2182, %iota3A masked %masked_sort3A_2183 : (vector<16xf32>, vector<16xi32>, vector<16xi1>) -> (vector<16xi1>, vector<16xf32>, vector<16xi32>)
        %swap3A_2187 = arith.constant 0 : index
        %swap3A_2188 = tpu.vector_load %arg8[%swap3A_2187] {strides = array<i32>} : memref<16xf32, #tpu.memory_space<vmem>>, vector<16xf32>,
        tpu.vector_store %arg8[%swap3A_2187], %masked_sort3A_2185 {strides = array<i32>} : memref<16xf32, #tpu.memory_space<vmem>>, vector<16xf32>,
        %masked_sort3A_2189 = arith.constant dense<true> : vector<16xi1>
        %masked_sort3A_2190, %masked_sort3A_2191, %masked_sort3A_2192 = tpu.sort %get3A_1557, %iota3A masked %masked_sort3A_2189 {descending = true} : (vector<16xf32>, vector<16xi32>, vector<16xi1>) -> (vector<16xi1>, vector<16xf32>, vector<16xi32>)
        %get3A_2193 = arith.constant 0 : index
        %get3A_2194 = tpu.vector_load %arg8[%get3A_2193] {strides = array<i32>} : memref<16xf32, #tpu.memory_space<vmem>>, vector<16xf32>,
        %min3A_2195 = arith.minimumf %get3A_2194, %masked_sort3A_2191 : vector<16xf32>
        %masked_sort3A_2196 = arith.constant dense<true> : vector<16xi1>
        %masked_sort3A_2197, %masked_sort3A_2198, %masked_sort3A_2199 = tpu.sort %min3A_2195, %iota3A masked %masked_sort3A_2196 : (vector<16xf32>, vector<16xi32>, vector<16xi1>) -> (vector<16xi1>, vector<16xf32>, vector<16xi32>)
        %swap3A_2200 = arith.constant 0 : index
        %swap3A_2201 = tpu.vector_load %arg8[%swap3A_2200] {strides = array<i32>} : memref<16xf32, #tpu.memory_space<vmem>>, vector<16xf32>,
        tpu.vector_store %arg8[%swap3A_2200], %masked_sort3A_2198 {strides = array<i32>} : memref<16xf32, #tpu.memory_space<vmem>>, vector<16xf32>,
        %masked_sort3A_2202 = arith.constant dense<true> : vector<16xi1>
        %masked_sort3A_2203, %masked_sort3A_2204, %masked_sort3A_2205 = tpu.sort %get3A_1559, %iota3A masked %masked_sort3A_2202 {descending = true} : (vector<16xf32>, vector<16xi32>, vector<16xi1>) -> (vector<16xi1>, vector<16xf32>, vector<16xi32>)
        %get3A_2206 = arith.constant 0 : index
        %get3A_2207 = tpu.vector_load %arg8[%get3A_2206] {strides = array<i32>} : memref<16xf32, #tpu.memory_space<vmem>>, vector<16xf32>,
        %min3A_2208 = arith.minimumf %get3A_2207, %masked_sort3A_2204 : vector<16xf32>
        %masked_sort3A_2209 = arith.constant dense<true> : vector<16xi1>
        %masked_sort3A_2210, %masked_sort3A_2211, %masked_sort3A_2212 = tpu.sort %min3A_2208, %iota3A masked %masked_sort3A_2209 : (vector<16xf32>, vector<16xi32>, vector<16xi1>) -> (vector<16xi1>, vector<16xf32>, vector<16xi32>)
        %swap3A_2213 = arith.constant 0 : index
        %swap3A_2214 = tpu.vector_load %arg8[%swap3A_2213] {strides = array<i32>} : memref<16xf32, #tpu.memory_space<vmem>>, vector<16xf32>,
        tpu.vector_store %arg8[%swap3A_2213], %masked_sort3A_2211 {strides = array<i32>} : memref<16xf32, #tpu.memory_space<vmem>>, vector<16xf32>,
      } else {
      }
      %get3A_1579 = arith.constant 512 : index
      %get3A_1580 = tpu.vector_load %arg6[%get3A_1579] {strides = array<i32>} : memref<2304xf32, #tpu.memory_space<vmem>>, vector<16xf32>,
      %get3A_1581 = arith.constant 528 : index
      %get3A_1582 = tpu.vector_load %arg6[%get3A_1581] {strides = array<i32>} : memref<2304xf32, #tpu.memory_space<vmem>>, vector<16xf32>,
      %get3A_1583 = arith.constant 544 : index
      %get3A_1584 = tpu.vector_load %arg6[%get3A_1583] {strides = array<i32>} : memref<2304xf32, #tpu.memory_space<vmem>>, vector<16xf32>,
      %get3A_1585 = arith.constant 560 : index
      %get3A_1586 = tpu.vector_load %arg6[%get3A_1585] {strides = array<i32>} : memref<2304xf32, #tpu.memory_space<vmem>>, vector<16xf32>,
      %get3A_1587 = arith.constant 576 : index
      %get3A_1588 = tpu.vector_load %arg6[%get3A_1587] {strides = array<i32>} : memref<2304xf32, #tpu.memory_space<vmem>>, vector<16xf32>,
      %get3A_1589 = arith.constant 592 : index
      %get3A_1590 = tpu.vector_load %arg6[%get3A_1589] {strides = array<i32>} : memref<2304xf32, #tpu.memory_space<vmem>>, vector<16xf32>,
      %get3A_1591 = arith.constant 608 : index
      %get3A_1592 = tpu.vector_load %arg6[%get3A_1591] {strides = array<i32>} : memref<2304xf32, #tpu.memory_space<vmem>>, vector<16xf32>,
      %get3A_1593 = arith.constant 624 : index
      %get3A_1594 = tpu.vector_load %arg6[%get3A_1593] {strides = array<i32>} : memref<2304xf32, #tpu.memory_space<vmem>>, vector<16xf32>,
      %min3A_1595 = arith.minimumf %get3A_1580, %get3A_1582 : vector<16xf32>
      %min3A_1596 = arith.minimumf %min3A_1595, %get3A_1584 : vector<16xf32>
      %min3A_1597 = arith.minimumf %min3A_1596, %get3A_1586 : vector<16xf32>
      %min3A_1598 = arith.minimumf %min3A_1597, %get3A_1588 : vector<16xf32>
      %min3A_1599 = arith.minimumf %min3A_1598, %get3A_1590 : vector<16xf32>
      %min3A_1600 = arith.minimumf %min3A_1599, %get3A_1592 : vector<16xf32>
      %min3A_1601 = arith.minimumf %min3A_1600, %get3A_1594 : vector<16xf32>
      %le3A_1602 = vector.broadcast %reduce_max3A_1143 : f32 to vector<16xf32>
      %le3A_1603 = arith.cmpf ole, %min3A_1601, %le3A_1602 : vector<16xf32>
      %convert_element_type3A_1604 = arith.extui %le3A_1603 : vector<16xi1> to vector<16xi32>
      %reduce_sum3A_1605 = arith.constant true
      %reduce_sum3A_1606 = vector.broadcast %reduce_sum3A_1605 : i1 to vector<16xi1>
      %reduce_sum3A_1607 = tpu.scan <sum>, %convert_element_type3A_1604 masked %reduce_sum3A_1606 : vector<16xi32>, vector<16xi1> -> vector<16xi32>
      %reduce_sum3A_1608 = vector.extract %reduce_sum3A_1607[15] : i32 from vector<16xi32>
      %gt3A_1609 = arith.constant 0 : i32
      %gt3A_1610 = arith.cmpi sgt, %reduce_sum3A_1608, %gt3A_1609 : i32
      %convert_element_type3A_1611 = arith.extui %gt3A_1610 : i1 to i32
      %cond3A_1612 = arith.constant 0 : i32
      %cond3A_1613 = arith.cmpi ne, %convert_element_type3A_1611, %cond3A_1612 : i32
      scf.if %cond3A_1613 {
        %masked_sort3A_2111 = arith.constant dense<true> : vector<16xi1>
        %masked_sort3A_2112, %masked_sort3A_2113, %masked_sort3A_2114 = tpu.sort %get3A_1580, %iota3A masked %masked_sort3A_2111 {descending = true} : (vector<16xf32>, vector<16xi32>, vector<16xi1>) -> (vector<16xi1>, vector<16xf32>, vector<16xi32>)
        %get3A_2115 = arith.constant 0 : index
        %get3A_2116 = tpu.vector_load %arg8[%get3A_2115] {strides = array<i32>} : memref<16xf32, #tpu.memory_space<vmem>>, vector<16xf32>,
        %min3A_2117 = arith.minimumf %get3A_2116, %masked_sort3A_2113 : vector<16xf32>
        %masked_sort3A_2118 = arith.constant dense<true> : vector<16xi1>
        %masked_sort3A_2119, %masked_sort3A_2120, %masked_sort3A_2121 = tpu.sort %min3A_2117, %iota3A masked %masked_sort3A_2118 : (vector<16xf32>, vector<16xi32>, vector<16xi1>) -> (vector<16xi1>, vector<16xf32>, vector<16xi32>)
        %swap3A_2122 = arith.constant 0 : index
        %swap3A_2123 = tpu.vector_load %arg8[%swap3A_2122] {strides = array<i32>} : memref<16xf32, #tpu.memory_space<vmem>>, vector<16xf32>,
        tpu.vector_store %arg8[%swap3A_2122], %masked_sort3A_2120 {strides = array<i32>} : memref<16xf32, #tpu.memory_space<vmem>>, vector<16xf32>,
        %masked_sort3A_2124 = arith.constant dense<true> : vector<16xi1>
        %masked_sort3A_2125, %masked_sort3A_2126, %masked_sort3A_2127 = tpu.sort %get3A_1582, %iota3A masked %masked_sort3A_2124 {descending = true} : (vector<16xf32>, vector<16xi32>, vector<16xi1>) -> (vector<16xi1>, vector<16xf32>, vector<16xi32>)
        %get3A_2128 = arith.constant 0 : index
        %get3A_2129 = tpu.vector_load %arg8[%get3A_2128] {strides = array<i32>} : memref<16xf32, #tpu.memory_space<vmem>>, vector<16xf32>,
        %min3A_2130 = arith.minimumf %get3A_2129, %masked_sort3A_2126 : vector<16xf32>
        %masked_sort3A_2131 = arith.constant dense<true> : vector<16xi1>
        %masked_sort3A_2132, %masked_sort3A_2133, %masked_sort3A_2134 = tpu.sort %min3A_2130, %iota3A masked %masked_sort3A_2131 : (vector<16xf32>, vector<16xi32>, vector<16xi1>) -> (vector<16xi1>, vector<16xf32>, vector<16xi32>)
        %swap3A_2135 = arith.constant 0 : index
        %swap3A_2136 = tpu.vector_load %arg8[%swap3A_2135] {strides = array<i32>} : memref<16xf32, #tpu.memory_space<vmem>>, vector<16xf32>,
        tpu.vector_store %arg8[%swap3A_2135], %masked_sort3A_2133 {strides = array<i32>} : memref<16xf32, #tpu.memory_space<vmem>>, vector<16xf32>,
        %masked_sort3A_2137 = arith.constant dense<true> : vector<16xi1>
        %masked_sort3A_2138, %masked_sort3A_2139, %masked_sort3A_2140 = tpu.sort %get3A_1584, %iota3A masked %masked_sort3A_2137 {descending = true} : (vector<16xf32>, vector<16xi32>, vector<16xi1>) -> (vector<16xi1>, vector<16xf32>, vector<16xi32>)
        %get3A_2141 = arith.constant 0 : index
        %get3A_2142 = tpu.vector_load %arg8[%get3A_2141] {strides = array<i32>} : memref<16xf32, #tpu.memory_space<vmem>>, vector<16xf32>,
        %min3A_2143 = arith.minimumf %get3A_2142, %masked_sort3A_2139 : vector<16xf32>
        %masked_sort3A_2144 = arith.constant dense<true> : vector<16xi1>
        %masked_sort3A_2145, %masked_sort3A_2146, %masked_sort3A_2147 = tpu.sort %min3A_2143, %iota3A masked %masked_sort3A_2144 : (vector<16xf32>, vector<16xi32>, vector<16xi1>) -> (vector<16xi1>, vector<16xf32>, vector<16xi32>)
        %swap3A_2148 = arith.constant 0 : index
        %swap3A_2149 = tpu.vector_load %arg8[%swap3A_2148] {strides = array<i32>} : memref<16xf32, #tpu.memory_space<vmem>>, vector<16xf32>,
        tpu.vector_store %arg8[%swap3A_2148], %masked_sort3A_2146 {strides = array<i32>} : memref<16xf32, #tpu.memory_space<vmem>>, vector<16xf32>,
        %masked_sort3A_2150 = arith.constant dense<true> : vector<16xi1>
        %masked_sort3A_2151, %masked_sort3A_2152, %masked_sort3A_2153 = tpu.sort %get3A_1586, %iota3A masked %masked_sort3A_2150 {descending = true} : (vector<16xf32>, vector<16xi32>, vector<16xi1>) -> (vector<16xi1>, vector<16xf32>, vector<16xi32>)
        %get3A_2154 = arith.constant 0 : index
        %get3A_2155 = tpu.vector_load %arg8[%get3A_2154] {strides = array<i32>} : memref<16xf32, #tpu.memory_space<vmem>>, vector<16xf32>,
        %min3A_2156 = arith.minimumf %get3A_2155, %masked_sort3A_2152 : vector<16xf32>
        %masked_sort3A_2157 = arith.constant dense<true> : vector<16xi1>
        %masked_sort3A_2158, %masked_sort3A_2159, %masked_sort3A_2160 = tpu.sort %min3A_2156, %iota3A masked %masked_sort3A_2157 : (vector<16xf32>, vector<16xi32>, vector<16xi1>) -> (vector<16xi1>, vector<16xf32>, vector<16xi32>)
        %swap3A_2161 = arith.constant 0 : index
        %swap3A_2162 = tpu.vector_load %arg8[%swap3A_2161] {strides = array<i32>} : memref<16xf32, #tpu.memory_space<vmem>>, vector<16xf32>,
        tpu.vector_store %arg8[%swap3A_2161], %masked_sort3A_2159 {strides = array<i32>} : memref<16xf32, #tpu.memory_space<vmem>>, vector<16xf32>,
        %masked_sort3A_2163 = arith.constant dense<true> : vector<16xi1>
        %masked_sort3A_2164, %masked_sort3A_2165, %masked_sort3A_2166 = tpu.sort %get3A_1588, %iota3A masked %masked_sort3A_2163 {descending = true} : (vector<16xf32>, vector<16xi32>, vector<16xi1>) -> (vector<16xi1>, vector<16xf32>, vector<16xi32>)
        %get3A_2167 = arith.constant 0 : index
        %get3A_2168 = tpu.vector_load %arg8[%get3A_2167] {strides = array<i32>} : memref<16xf32, #tpu.memory_space<vmem>>, vector<16xf32>,
        %min3A_2169 = arith.minimumf %get3A_2168, %masked_sort3A_2165 : vector<16xf32>
        %masked_sort3A_2170 = arith.constant dense<true> : vector<16xi1>
        %masked_sort3A_2171, %masked_sort3A_2172, %masked_sort3A_2173 = tpu.sort %min3A_2169, %iota3A masked %masked_sort3A_2170 : (vector<16xf32>, vector<16xi32>, vector<16xi1>) -> (vector<16xi1>, vector<16xf32>, vector<16xi32>)
        %swap3A_2174 = arith.constant 0 : index
        %swap3A_2175 = tpu.vector_load %arg8[%swap3A_2174] {strides = array<i32>} : memref<16xf32, #tpu.memory_space<vmem>>, vector<16xf32>,
        tpu.vector_store %arg8[%swap3A_2174], %masked_sort3A_2172 {strides = array<i32>} : memref<16xf32, #tpu.memory_space<vmem>>, vector<16xf32>,
        %masked_sort3A_2176 = arith.constant dense<true> : vector<16xi1>
        %masked_sort3A_2177, %masked_sort3A_2178, %masked_sort3A_2179 = tpu.sort %get3A_1590, %iota3A masked %masked_sort3A_2176 {descending = true} : (vector<16xf32>, vector<16xi32>, vector<16xi1>) -> (vector<16xi1>, vector<16xf32>, vector<16xi32>)
        %get3A_2180 = arith.constant 0 : index
        %get3A_2181 = tpu.vector_load %arg8[%get3A_2180] {strides = array<i32>} : memref<16xf32, #tpu.memory_space<vmem>>, vector<16xf32>,
        %min3A_2182 = arith.minimumf %get3A_2181, %masked_sort3A_2178 : vector<16xf32>
        %masked_sort3A_2183 = arith.constant dense<true> : vector<16xi1>
        %masked_sort3A_2184, %masked_sort3A_2185, %masked_sort3A_2186 = tpu.sort %min3A_2182, %iota3A masked %masked_sort3A_2183 : (vector<16xf32>, vector<16xi32>, vector<16xi1>) -> (vector<16xi1>, vector<16xf32>, vector<16xi32>)
        %swap3A_2187 = arith.constant 0 : index
        %swap3A_2188 = tpu.vector_load %arg8[%swap3A_2187] {strides = array<i32>} : memref<16xf32, #tpu.memory_space<vmem>>, vector<16xf32>,
        tpu.vector_store %arg8[%swap3A_2187], %masked_sort3A_2185 {strides = array<i32>} : memref<16xf32, #tpu.memory_space<vmem>>, vector<16xf32>,
        %masked_sort3A_2189 = arith.constant dense<true> : vector<16xi1>
        %masked_sort3A_2190, %masked_sort3A_2191, %masked_sort3A_2192 = tpu.sort %get3A_1592, %iota3A masked %masked_sort3A_2189 {descending = true} : (vector<16xf32>, vector<16xi32>, vector<16xi1>) -> (vector<16xi1>, vector<16xf32>, vector<16xi32>)
        %get3A_2193 = arith.constant 0 : index
        %get3A_2194 = tpu.vector_load %arg8[%get3A_2193] {strides = array<i32>} : memref<16xf32, #tpu.memory_space<vmem>>, vector<16xf32>,
        %min3A_2195 = arith.minimumf %get3A_2194, %masked_sort3A_2191 : vector<16xf32>
        %masked_sort3A_2196 = arith.constant dense<true> : vector<16xi1>
        %masked_sort3A_2197, %masked_sort3A_2198, %masked_sort3A_2199 = tpu.sort %min3A_2195, %iota3A masked %masked_sort3A_2196 : (vector<16xf32>, vector<16xi32>, vector<16xi1>) -> (vector<16xi1>, vector<16xf32>, vector<16xi32>)
        %swap3A_2200 = arith.constant 0 : index
        %swap3A_2201 = tpu.vector_load %arg8[%swap3A_2200] {strides = array<i32>} : memref<16xf32, #tpu.memory_space<vmem>>, vector<16xf32>,
        tpu.vector_store %arg8[%swap3A_2200], %masked_sort3A_2198 {strides = array<i32>} : memref<16xf32, #tpu.memory_space<vmem>>, vector<16xf32>,
        %masked_sort3A_2202 = arith.constant dense<true> : vector<16xi1>
        %masked_sort3A_2203, %masked_sort3A_2204, %masked_sort3A_2205 = tpu.sort %get3A_1594, %iota3A masked %masked_sort3A_2202 {descending = true} : (vector<16xf32>, vector<16xi32>, vector<16xi1>) -> (vector<16xi1>, vector<16xf32>, vector<16xi32>)
        %get3A_2206 = arith.constant 0 : index
        %get3A_2207 = tpu.vector_load %arg8[%get3A_2206] {strides = array<i32>} : memref<16xf32, #tpu.memory_space<vmem>>, vector<16xf32>,
        %min3A_2208 = arith.minimumf %get3A_2207, %masked_sort3A_2204 : vector<16xf32>
        %masked_sort3A_2209 = arith.constant dense<true> : vector<16xi1>
        %masked_sort3A_2210, %masked_sort3A_2211, %masked_sort3A_2212 = tpu.sort %min3A_2208, %iota3A masked %masked_sort3A_2209 : (vector<16xf32>, vector<16xi32>, vector<16xi1>) -> (vector<16xi1>, vector<16xf32>, vector<16xi32>)
        %swap3A_2213 = arith.constant 0 : index
        %swap3A_2214 = tpu.vector_load %arg8[%swap3A_2213] {strides = array<i32>} : memref<16xf32, #tpu.memory_space<vmem>>, vector<16xf32>,
        tpu.vector_store %arg8[%swap3A_2213], %masked_sort3A_2211 {strides = array<i32>} : memref<16xf32, #tpu.memory_space<vmem>>, vector<16xf32>,
      } else {
      }
      %get3A_1614 = arith.constant 640 : index
      %get3A_1615 = tpu.vector_load %arg6[%get3A_1614] {strides = array<i32>} : memref<2304xf32, #tpu.memory_space<vmem>>, vector<16xf32>,
      %get3A_1616 = arith.constant 656 : index
      %get3A_1617 = tpu.vector_load %arg6[%get3A_1616] {strides = array<i32>} : memref<2304xf32, #tpu.memory_space<vmem>>, vector<16xf32>,
      %get3A_1618 = arith.constant 672 : index
      %get3A_1619 = tpu.vector_load %arg6[%get3A_1618] {strides = array<i32>} : memref<2304xf32, #tpu.memory_space<vmem>>, vector<16xf32>,
      %get3A_1620 = arith.constant 688 : index
      %get3A_1621 = tpu.vector_load %arg6[%get3A_1620] {strides = array<i32>} : memref<2304xf32, #tpu.memory_space<vmem>>, vector<16xf32>,
      %get3A_1622 = arith.constant 704 : index
      %get3A_1623 = tpu.vector_load %arg6[%get3A_1622] {strides = array<i32>} : memref<2304xf32, #tpu.memory_space<vmem>>, vector<16xf32>,
      %get3A_1624 = arith.constant 720 : index
      %get3A_1625 = tpu.vector_load %arg6[%get3A_1624] {strides = array<i32>} : memref<2304xf32, #tpu.memory_space<vmem>>, vector<16xf32>,
      %get3A_1626 = arith.constant 736 : index
      %get3A_1627 = tpu.vector_load %arg6[%get3A_1626] {strides = array<i32>} : memref<2304xf32, #tpu.memory_space<vmem>>, vector<16xf32>,
      %get3A_1628 = arith.constant 752 : index
      %get3A_1629 = tpu.vector_load %arg6[%get3A_1628] {strides = array<i32>} : memref<2304xf32, #tpu.memory_space<vmem>>, vector<16xf32>,
      %min3A_1630 = arith.minimumf %get3A_1615, %get3A_1617 : vector<16xf32>
      %min3A_1631 = arith.minimumf %min3A_1630, %get3A_1619 : vector<16xf32>
      %min3A_1632 = arith.minimumf %min3A_1631, %get3A_1621 : vector<16xf32>
      %min3A_1633 = arith.minimumf %min3A_1632, %get3A_1623 : vector<16xf32>
      %min3A_1634 = arith.minimumf %min3A_1633, %get3A_1625 : vector<16xf32>
      %min3A_1635 = arith.minimumf %min3A_1634, %get3A_1627 : vector<16xf32>
      %min3A_1636 = arith.minimumf %min3A_1635, %get3A_1629 : vector<16xf32>
      %le3A_1637 = vector.broadcast %reduce_max3A_1143 : f32 to vector<16xf32>
      %le3A_1638 = arith.cmpf ole, %min3A_1636, %le3A_1637 : vector<16xf32>
      %convert_element_type3A_1639 = arith.extui %le3A_1638 : vector<16xi1> to vector<16xi32>
      %reduce_sum3A_1640 = arith.constant true
      %reduce_sum3A_1641 = vector.broadcast %reduce_sum3A_1640 : i1 to vector<16xi1>
      %reduce_sum3A_1642 = tpu.scan <sum>, %convert_element_type3A_1639 masked %reduce_sum3A_1641 : vector<16xi32>, vector<16xi1> -> vector<16xi32>
      %reduce_sum3A_1643 = vector.extract %reduce_sum3A_1642[15] : i32 from vector<16xi32>
      %gt3A_1644 = arith.constant 0 : i32
      %gt3A_1645 = arith.cmpi sgt, %reduce_sum3A_1643, %gt3A_1644 : i32
      %convert_element_type3A_1646 = arith.extui %gt3A_1645 : i1 to i32
      %cond3A_1647 = arith.constant 0 : i32
      %cond3A_1648 = arith.cmpi ne, %convert_element_type3A_1646, %cond3A_1647 : i32
      scf.if %cond3A_1648 {
        %masked_sort3A_2111 = arith.constant dense<true> : vector<16xi1>
        %masked_sort3A_2112, %masked_sort3A_2113, %masked_sort3A_2114 = tpu.sort %get3A_1615, %iota3A masked %masked_sort3A_2111 {descending = true} : (vector<16xf32>, vector<16xi32>, vector<16xi1>) -> (vector<16xi1>, vector<16xf32>, vector<16xi32>)
        %get3A_2115 = arith.constant 0 : index
        %get3A_2116 = tpu.vector_load %arg8[%get3A_2115] {strides = array<i32>} : memref<16xf32, #tpu.memory_space<vmem>>, vector<16xf32>,
        %min3A_2117 = arith.minimumf %get3A_2116, %masked_sort3A_2113 : vector<16xf32>
        %masked_sort3A_2118 = arith.constant dense<true> : vector<16xi1>
        %masked_sort3A_2119, %masked_sort3A_2120, %masked_sort3A_2121 = tpu.sort %min3A_2117, %iota3A masked %masked_sort3A_2118 : (vector<16xf32>, vector<16xi32>, vector<16xi1>) -> (vector<16xi1>, vector<16xf32>, vector<16xi32>)
        %swap3A_2122 = arith.constant 0 : index
        %swap3A_2123 = tpu.vector_load %arg8[%swap3A_2122] {strides = array<i32>} : memref<16xf32, #tpu.memory_space<vmem>>, vector<16xf32>,
        tpu.vector_store %arg8[%swap3A_2122], %masked_sort3A_2120 {strides = array<i32>} : memref<16xf32, #tpu.memory_space<vmem>>, vector<16xf32>,
        %masked_sort3A_2124 = arith.constant dense<true> : vector<16xi1>
        %masked_sort3A_2125, %masked_sort3A_2126, %masked_sort3A_2127 = tpu.sort %get3A_1617, %iota3A masked %masked_sort3A_2124 {descending = true} : (vector<16xf32>, vector<16xi32>, vector<16xi1>) -> (vector<16xi1>, vector<16xf32>, vector<16xi32>)
        %get3A_2128 = arith.constant 0 : index
        %get3A_2129 = tpu.vector_load %arg8[%get3A_2128] {strides = array<i32>} : memref<16xf32, #tpu.memory_space<vmem>>, vector<16xf32>,
        %min3A_2130 = arith.minimumf %get3A_2129, %masked_sort3A_2126 : vector<16xf32>
        %masked_sort3A_2131 = arith.constant dense<true> : vector<16xi1>
        %masked_sort3A_2132, %masked_sort3A_2133, %masked_sort3A_2134 = tpu.sort %min3A_2130, %iota3A masked %masked_sort3A_2131 : (vector<16xf32>, vector<16xi32>, vector<16xi1>) -> (vector<16xi1>, vector<16xf32>, vector<16xi32>)
        %swap3A_2135 = arith.constant 0 : index
        %swap3A_2136 = tpu.vector_load %arg8[%swap3A_2135] {strides = array<i32>} : memref<16xf32, #tpu.memory_space<vmem>>, vector<16xf32>,
        tpu.vector_store %arg8[%swap3A_2135], %masked_sort3A_2133 {strides = array<i32>} : memref<16xf32, #tpu.memory_space<vmem>>, vector<16xf32>,
        %masked_sort3A_2137 = arith.constant dense<true> : vector<16xi1>
        %masked_sort3A_2138, %masked_sort3A_2139, %masked_sort3A_2140 = tpu.sort %get3A_1619, %iota3A masked %masked_sort3A_2137 {descending = true} : (vector<16xf32>, vector<16xi32>, vector<16xi1>) -> (vector<16xi1>, vector<16xf32>, vector<16xi32>)
        %get3A_2141 = arith.constant 0 : index
        %get3A_2142 = tpu.vector_load %arg8[%get3A_2141] {strides = array<i32>} : memref<16xf32, #tpu.memory_space<vmem>>, vector<16xf32>,
        %min3A_2143 = arith.minimumf %get3A_2142, %masked_sort3A_2139 : vector<16xf32>
        %masked_sort3A_2144 = arith.constant dense<true> : vector<16xi1>
        %masked_sort3A_2145, %masked_sort3A_2146, %masked_sort3A_2147 = tpu.sort %min3A_2143, %iota3A masked %masked_sort3A_2144 : (vector<16xf32>, vector<16xi32>, vector<16xi1>) -> (vector<16xi1>, vector<16xf32>, vector<16xi32>)
        %swap3A_2148 = arith.constant 0 : index
        %swap3A_2149 = tpu.vector_load %arg8[%swap3A_2148] {strides = array<i32>} : memref<16xf32, #tpu.memory_space<vmem>>, vector<16xf32>,
        tpu.vector_store %arg8[%swap3A_2148], %masked_sort3A_2146 {strides = array<i32>} : memref<16xf32, #tpu.memory_space<vmem>>, vector<16xf32>,
        %masked_sort3A_2150 = arith.constant dense<true> : vector<16xi1>
        %masked_sort3A_2151, %masked_sort3A_2152, %masked_sort3A_2153 = tpu.sort %get3A_1621, %iota3A masked %masked_sort3A_2150 {descending = true} : (vector<16xf32>, vector<16xi32>, vector<16xi1>) -> (vector<16xi1>, vector<16xf32>, vector<16xi32>)
        %get3A_2154 = arith.constant 0 : index
        %get3A_2155 = tpu.vector_load %arg8[%get3A_2154] {strides = array<i32>} : memref<16xf32, #tpu.memory_space<vmem>>, vector<16xf32>,
        %min3A_2156 = arith.minimumf %get3A_2155, %masked_sort3A_2152 : vector<16xf32>
        %masked_sort3A_2157 = arith.constant dense<true> : vector<16xi1>
        %masked_sort3A_2158, %masked_sort3A_2159, %masked_sort3A_2160 = tpu.sort %min3A_2156, %iota3A masked %masked_sort3A_2157 : (vector<16xf32>, vector<16xi32>, vector<16xi1>) -> (vector<16xi1>, vector<16xf32>, vector<16xi32>)
        %swap3A_2161 = arith.constant 0 : index
        %swap3A_2162 = tpu.vector_load %arg8[%swap3A_2161] {strides = array<i32>} : memref<16xf32, #tpu.memory_space<vmem>>, vector<16xf32>,
        tpu.vector_store %arg8[%swap3A_2161], %masked_sort3A_2159 {strides = array<i32>} : memref<16xf32, #tpu.memory_space<vmem>>, vector<16xf32>,
        %masked_sort3A_2163 = arith.constant dense<true> : vector<16xi1>
        %masked_sort3A_2164, %masked_sort3A_2165, %masked_sort3A_2166 = tpu.sort %get3A_1623, %iota3A masked %masked_sort3A_2163 {descending = true} : (vector<16xf32>, vector<16xi32>, vector<16xi1>) -> (vector<16xi1>, vector<16xf32>, vector<16xi32>)
        %get3A_2167 = arith.constant 0 : index
        %get3A_2168 = tpu.vector_load %arg8[%get3A_2167] {strides = array<i32>} : memref<16xf32, #tpu.memory_space<vmem>>, vector<16xf32>,
        %min3A_2169 = arith.minimumf %get3A_2168, %masked_sort3A_2165 : vector<16xf32>
        %masked_sort3A_2170 = arith.constant dense<true> : vector<16xi1>
        %masked_sort3A_2171, %masked_sort3A_2172, %masked_sort3A_2173 = tpu.sort %min3A_2169, %iota3A masked %masked_sort3A_2170 : (vector<16xf32>, vector<16xi32>, vector<16xi1>) -> (vector<16xi1>, vector<16xf32>, vector<16xi32>)
        %swap3A_2174 = arith.constant 0 : index
        %swap3A_2175 = tpu.vector_load %arg8[%swap3A_2174] {strides = array<i32>} : memref<16xf32, #tpu.memory_space<vmem>>, vector<16xf32>,
        tpu.vector_store %arg8[%swap3A_2174], %masked_sort3A_2172 {strides = array<i32>} : memref<16xf32, #tpu.memory_space<vmem>>, vector<16xf32>,
        %masked_sort3A_2176 = arith.constant dense<true> : vector<16xi1>
        %masked_sort3A_2177, %masked_sort3A_2178, %masked_sort3A_2179 = tpu.sort %get3A_1625, %iota3A masked %masked_sort3A_2176 {descending = true} : (vector<16xf32>, vector<16xi32>, vector<16xi1>) -> (vector<16xi1>, vector<16xf32>, vector<16xi32>)
        %get3A_2180 = arith.constant 0 : index
        %get3A_2181 = tpu.vector_load %arg8[%get3A_2180] {strides = array<i32>} : memref<16xf32, #tpu.memory_space<vmem>>, vector<16xf32>,
        %min3A_2182 = arith.minimumf %get3A_2181, %masked_sort3A_2178 : vector<16xf32>
        %masked_sort3A_2183 = arith.constant dense<true> : vector<16xi1>
        %masked_sort3A_2184, %masked_sort3A_2185, %masked_sort3A_2186 = tpu.sort %min3A_2182, %iota3A masked %masked_sort3A_2183 : (vector<16xf32>, vector<16xi32>, vector<16xi1>) -> (vector<16xi1>, vector<16xf32>, vector<16xi32>)
        %swap3A_2187 = arith.constant 0 : index
        %swap3A_2188 = tpu.vector_load %arg8[%swap3A_2187] {strides = array<i32>} : memref<16xf32, #tpu.memory_space<vmem>>, vector<16xf32>,
        tpu.vector_store %arg8[%swap3A_2187], %masked_sort3A_2185 {strides = array<i32>} : memref<16xf32, #tpu.memory_space<vmem>>, vector<16xf32>,
        %masked_sort3A_2189 = arith.constant dense<true> : vector<16xi1>
        %masked_sort3A_2190, %masked_sort3A_2191, %masked_sort3A_2192 = tpu.sort %get3A_1627, %iota3A masked %masked_sort3A_2189 {descending = true} : (vector<16xf32>, vector<16xi32>, vector<16xi1>) -> (vector<16xi1>, vector<16xf32>, vector<16xi32>)
        %get3A_2193 = arith.constant 0 : index
        %get3A_2194 = tpu.vector_load %arg8[%get3A_2193] {strides = array<i32>} : memref<16xf32, #tpu.memory_space<vmem>>, vector<16xf32>,
        %min3A_2195 = arith.minimumf %get3A_2194, %masked_sort3A_2191 : vector<16xf32>
        %masked_sort3A_2196 = arith.constant dense<true> : vector<16xi1>
        %masked_sort3A_2197, %masked_sort3A_2198, %masked_sort3A_2199 = tpu.sort %min3A_2195, %iota3A masked %masked_sort3A_2196 : (vector<16xf32>, vector<16xi32>, vector<16xi1>) -> (vector<16xi1>, vector<16xf32>, vector<16xi32>)
        %swap3A_2200 = arith.constant 0 : index
        %swap3A_2201 = tpu.vector_load %arg8[%swap3A_2200] {strides = array<i32>} : memref<16xf32, #tpu.memory_space<vmem>>, vector<16xf32>,
        tpu.vector_store %arg8[%swap3A_2200], %masked_sort3A_2198 {strides = array<i32>} : memref<16xf32, #tpu.memory_space<vmem>>, vector<16xf32>,
        %masked_sort3A_2202 = arith.constant dense<true> : vector<16xi1>
        %masked_sort3A_2203, %masked_sort3A_2204, %masked_sort3A_2205 = tpu.sort %get3A_1629, %iota3A masked %masked_sort3A_2202 {descending = true} : (vector<16xf32>, vector<16xi32>, vector<16xi1>) -> (vector<16xi1>, vector<16xf32>, vector<16xi32>)
        %get3A_2206 = arith.constant 0 : index
        %get3A_2207 = tpu.vector_load %arg8[%get3A_2206] {strides = array<i32>} : memref<16xf32, #tpu.memory_space<vmem>>, vector<16xf32>,
        %min3A_2208 = arith.minimumf %get3A_2207, %masked_sort3A_2204 : vector<16xf32>
        %masked_sort3A_2209 = arith.constant dense<true> : vector<16xi1>
        %masked_sort3A_2210, %masked_sort3A_2211, %masked_sort3A_2212 = tpu.sort %min3A_2208, %iota3A masked %masked_sort3A_2209 : (vector<16xf32>, vector<16xi32>, vector<16xi1>) -> (vector<16xi1>, vector<16xf32>, vector<16xi32>)
        %swap3A_2213 = arith.constant 0 : index
        %swap3A_2214 = tpu.vector_load %arg8[%swap3A_2213] {strides = array<i32>} : memref<16xf32, #tpu.memory_space<vmem>>, vector<16xf32>,
        tpu.vector_store %arg8[%swap3A_2213], %masked_sort3A_2211 {strides = array<i32>} : memref<16xf32, #tpu.memory_space<vmem>>, vector<16xf32>,
      } else {
      }
      %get3A_1649 = arith.constant 768 : index
      %get3A_1650 = tpu.vector_load %arg6[%get3A_1649] {strides = array<i32>} : memref<2304xf32, #tpu.memory_space<vmem>>, vector<16xf32>,
      %get3A_1651 = arith.constant 784 : index
      %get3A_1652 = tpu.vector_load %arg6[%get3A_1651] {strides = array<i32>} : memref<2304xf32, #tpu.memory_space<vmem>>, vector<16xf32>,
      %get3A_1653 = arith.constant 800 : index
      %get3A_1654 = tpu.vector_load %arg6[%get3A_1653] {strides = array<i32>} : memref<2304xf32, #tpu.memory_space<vmem>>, vector<16xf32>,
      %get3A_1655 = arith.constant 816 : index
      %get3A_1656 = tpu.vector_load %arg6[%get3A_1655] {strides = array<i32>} : memref<2304xf32, #tpu.memory_space<vmem>>, vector<16xf32>,
      %get3A_1657 = arith.constant 832 : index
      %get3A_1658 = tpu.vector_load %arg6[%get3A_1657] {strides = array<i32>} : memref<2304xf32, #tpu.memory_space<vmem>>, vector<16xf32>,
      %get3A_1659 = arith.constant 848 : index
      %get3A_1660 = tpu.vector_load %arg6[%get3A_1659] {strides = array<i32>} : memref<2304xf32, #tpu.memory_space<vmem>>, vector<16xf32>,
      %get3A_1661 = arith.constant 864 : index
      %get3A_1662 = tpu.vector_load %arg6[%get3A_1661] {strides = array<i32>} : memref<2304xf32, #tpu.memory_space<vmem>>, vector<16xf32>,
      %get3A_1663 = arith.constant 880 : index
      %get3A_1664 = tpu.vector_load %arg6[%get3A_1663] {strides = array<i32>} : memref<2304xf32, #tpu.memory_space<vmem>>, vector<16xf32>,
      %min3A_1665 = arith.minimumf %get3A_1650, %get3A_1652 : vector<16xf32>
      %min3A_1666 = arith.minimumf %min3A_1665, %get3A_1654 : vector<16xf32>
      %min3A_1667 = arith.minimumf %min3A_1666, %get3A_1656 : vector<16xf32>
      %min3A_1668 = arith.minimumf %min3A_1667, %get3A_1658 : vector<16xf32>
      %min3A_1669 = arith.minimumf %min3A_1668, %get3A_1660 : vector<16xf32>
      %min3A_1670 = arith.minimumf %min3A_1669, %get3A_1662 : vector<16xf32>
      %min3A_1671 = arith.minimumf %min3A_1670, %get3A_1664 : vector<16xf32>
      %le3A_1672 = vector.broadcast %reduce_max3A_1143 : f32 to vector<16xf32>
      %le3A_1673 = arith.cmpf ole, %min3A_1671, %le3A_1672 : vector<16xf32>
      %convert_element_type3A_1674 = arith.extui %le3A_1673 : vector<16xi1> to vector<16xi32>
      %reduce_sum3A_1675 = arith.constant true
      %reduce_sum3A_1676 = vector.broadcast %reduce_sum3A_1675 : i1 to vector<16xi1>
      %reduce_sum3A_1677 = tpu.scan <sum>, %convert_element_type3A_1674 masked %reduce_sum3A_1676 : vector<16xi32>, vector<16xi1> -> vector<16xi32>
      %reduce_sum3A_1678 = vector.extract %reduce_sum3A_1677[15] : i32 from vector<16xi32>
      %gt3A_1679 = arith.constant 0 : i32
      %gt3A_1680 = arith.cmpi sgt, %reduce_sum3A_1678, %gt3A_1679 : i32
      %convert_element_type3A_1681 = arith.extui %gt3A_1680 : i1 to i32
      %cond3A_1682 = arith.constant 0 : i32
      %cond3A_1683 = arith.cmpi ne, %convert_element_type3A_1681, %cond3A_1682 : i32
      scf.if %cond3A_1683 {
        %masked_sort3A_2111 = arith.constant dense<true> : vector<16xi1>
        %masked_sort3A_2112, %masked_sort3A_2113, %masked_sort3A_2114 = tpu.sort %get3A_1650, %iota3A masked %masked_sort3A_2111 {descending = true} : (vector<16xf32>, vector<16xi32>, vector<16xi1>) -> (vector<16xi1>, vector<16xf32>, vector<16xi32>)
        %get3A_2115 = arith.constant 0 : index
        %get3A_2116 = tpu.vector_load %arg8[%get3A_2115] {strides = array<i32>} : memref<16xf32, #tpu.memory_space<vmem>>, vector<16xf32>,
        %min3A_2117 = arith.minimumf %get3A_2116, %masked_sort3A_2113 : vector<16xf32>
        %masked_sort3A_2118 = arith.constant dense<true> : vector<16xi1>
        %masked_sort3A_2119, %masked_sort3A_2120, %masked_sort3A_2121 = tpu.sort %min3A_2117, %iota3A masked %masked_sort3A_2118 : (vector<16xf32>, vector<16xi32>, vector<16xi1>) -> (vector<16xi1>, vector<16xf32>, vector<16xi32>)
        %swap3A_2122 = arith.constant 0 : index
        %swap3A_2123 = tpu.vector_load %arg8[%swap3A_2122] {strides = array<i32>} : memref<16xf32, #tpu.memory_space<vmem>>, vector<16xf32>,
        tpu.vector_store %arg8[%swap3A_2122], %masked_sort3A_2120 {strides = array<i32>} : memref<16xf32, #tpu.memory_space<vmem>>, vector<16xf32>,
        %masked_sort3A_2124 = arith.constant dense<true> : vector<16xi1>
        %masked_sort3A_2125, %masked_sort3A_2126, %masked_sort3A_2127 = tpu.sort %get3A_1652, %iota3A masked %masked_sort3A_2124 {descending = true} : (vector<16xf32>, vector<16xi32>, vector<16xi1>) -> (vector<16xi1>, vector<16xf32>, vector<16xi32>)
        %get3A_2128 = arith.constant 0 : index
        %get3A_2129 = tpu.vector_load %arg8[%get3A_2128] {strides = array<i32>} : memref<16xf32, #tpu.memory_space<vmem>>, vector<16xf32>,
        %min3A_2130 = arith.minimumf %get3A_2129, %masked_sort3A_2126 : vector<16xf32>
        %masked_sort3A_2131 = arith.constant dense<true> : vector<16xi1>
        %masked_sort3A_2132, %masked_sort3A_2133, %masked_sort3A_2134 = tpu.sort %min3A_2130, %iota3A masked %masked_sort3A_2131 : (vector<16xf32>, vector<16xi32>, vector<16xi1>) -> (vector<16xi1>, vector<16xf32>, vector<16xi32>)
        %swap3A_2135 = arith.constant 0 : index
        %swap3A_2136 = tpu.vector_load %arg8[%swap3A_2135] {strides = array<i32>} : memref<16xf32, #tpu.memory_space<vmem>>, vector<16xf32>,
        tpu.vector_store %arg8[%swap3A_2135], %masked_sort3A_2133 {strides = array<i32>} : memref<16xf32, #tpu.memory_space<vmem>>, vector<16xf32>,
        %masked_sort3A_2137 = arith.constant dense<true> : vector<16xi1>
        %masked_sort3A_2138, %masked_sort3A_2139, %masked_sort3A_2140 = tpu.sort %get3A_1654, %iota3A masked %masked_sort3A_2137 {descending = true} : (vector<16xf32>, vector<16xi32>, vector<16xi1>) -> (vector<16xi1>, vector<16xf32>, vector<16xi32>)
        %get3A_2141 = arith.constant 0 : index
        %get3A_2142 = tpu.vector_load %arg8[%get3A_2141] {strides = array<i32>} : memref<16xf32, #tpu.memory_space<vmem>>, vector<16xf32>,
        %min3A_2143 = arith.minimumf %get3A_2142, %masked_sort3A_2139 : vector<16xf32>
        %masked_sort3A_2144 = arith.constant dense<true> : vector<16xi1>
        %masked_sort3A_2145, %masked_sort3A_2146, %masked_sort3A_2147 = tpu.sort %min3A_2143, %iota3A masked %masked_sort3A_2144 : (vector<16xf32>, vector<16xi32>, vector<16xi1>) -> (vector<16xi1>, vector<16xf32>, vector<16xi32>)
        %swap3A_2148 = arith.constant 0 : index
        %swap3A_2149 = tpu.vector_load %arg8[%swap3A_2148] {strides = array<i32>} : memref<16xf32, #tpu.memory_space<vmem>>, vector<16xf32>,
        tpu.vector_store %arg8[%swap3A_2148], %masked_sort3A_2146 {strides = array<i32>} : memref<16xf32, #tpu.memory_space<vmem>>, vector<16xf32>,
        %masked_sort3A_2150 = arith.constant dense<true> : vector<16xi1>
        %masked_sort3A_2151, %masked_sort3A_2152, %masked_sort3A_2153 = tpu.sort %get3A_1656, %iota3A masked %masked_sort3A_2150 {descending = true} : (vector<16xf32>, vector<16xi32>, vector<16xi1>) -> (vector<16xi1>, vector<16xf32>, vector<16xi32>)
        %get3A_2154 = arith.constant 0 : index
        %get3A_2155 = tpu.vector_load %arg8[%get3A_2154] {strides = array<i32>} : memref<16xf32, #tpu.memory_space<vmem>>, vector<16xf32>,
        %min3A_2156 = arith.minimumf %get3A_2155, %masked_sort3A_2152 : vector<16xf32>
        %masked_sort3A_2157 = arith.constant dense<true> : vector<16xi1>
        %masked_sort3A_2158, %masked_sort3A_2159, %masked_sort3A_2160 = tpu.sort %min3A_2156, %iota3A masked %masked_sort3A_2157 : (vector<16xf32>, vector<16xi32>, vector<16xi1>) -> (vector<16xi1>, vector<16xf32>, vector<16xi32>)
        %swap3A_2161 = arith.constant 0 : index
        %swap3A_2162 = tpu.vector_load %arg8[%swap3A_2161] {strides = array<i32>} : memref<16xf32, #tpu.memory_space<vmem>>, vector<16xf32>,
        tpu.vector_store %arg8[%swap3A_2161], %masked_sort3A_2159 {strides = array<i32>} : memref<16xf32, #tpu.memory_space<vmem>>, vector<16xf32>,
        %masked_sort3A_2163 = arith.constant dense<true> : vector<16xi1>
        %masked_sort3A_2164, %masked_sort3A_2165, %masked_sort3A_2166 = tpu.sort %get3A_1658, %iota3A masked %masked_sort3A_2163 {descending = true} : (vector<16xf32>, vector<16xi32>, vector<16xi1>) -> (vector<16xi1>, vector<16xf32>, vector<16xi32>)
        %get3A_2167 = arith.constant 0 : index
        %get3A_2168 = tpu.vector_load %arg8[%get3A_2167] {strides = array<i32>} : memref<16xf32, #tpu.memory_space<vmem>>, vector<16xf32>,
        %min3A_2169 = arith.minimumf %get3A_2168, %masked_sort3A_2165 : vector<16xf32>
        %masked_sort3A_2170 = arith.constant dense<true> : vector<16xi1>
        %masked_sort3A_2171, %masked_sort3A_2172, %masked_sort3A_2173 = tpu.sort %min3A_2169, %iota3A masked %masked_sort3A_2170 : (vector<16xf32>, vector<16xi32>, vector<16xi1>) -> (vector<16xi1>, vector<16xf32>, vector<16xi32>)
        %swap3A_2174 = arith.constant 0 : index
        %swap3A_2175 = tpu.vector_load %arg8[%swap3A_2174] {strides = array<i32>} : memref<16xf32, #tpu.memory_space<vmem>>, vector<16xf32>,
        tpu.vector_store %arg8[%swap3A_2174], %masked_sort3A_2172 {strides = array<i32>} : memref<16xf32, #tpu.memory_space<vmem>>, vector<16xf32>,
        %masked_sort3A_2176 = arith.constant dense<true> : vector<16xi1>
        %masked_sort3A_2177, %masked_sort3A_2178, %masked_sort3A_2179 = tpu.sort %get3A_1660, %iota3A masked %masked_sort3A_2176 {descending = true} : (vector<16xf32>, vector<16xi32>, vector<16xi1>) -> (vector<16xi1>, vector<16xf32>, vector<16xi32>)
        %get3A_2180 = arith.constant 0 : index
        %get3A_2181 = tpu.vector_load %arg8[%get3A_2180] {strides = array<i32>} : memref<16xf32, #tpu.memory_space<vmem>>, vector<16xf32>,
        %min3A_2182 = arith.minimumf %get3A_2181, %masked_sort3A_2178 : vector<16xf32>
        %masked_sort3A_2183 = arith.constant dense<true> : vector<16xi1>
        %masked_sort3A_2184, %masked_sort3A_2185, %masked_sort3A_2186 = tpu.sort %min3A_2182, %iota3A masked %masked_sort3A_2183 : (vector<16xf32>, vector<16xi32>, vector<16xi1>) -> (vector<16xi1>, vector<16xf32>, vector<16xi32>)
        %swap3A_2187 = arith.constant 0 : index
        %swap3A_2188 = tpu.vector_load %arg8[%swap3A_2187] {strides = array<i32>} : memref<16xf32, #tpu.memory_space<vmem>>, vector<16xf32>,
        tpu.vector_store %arg8[%swap3A_2187], %masked_sort3A_2185 {strides = array<i32>} : memref<16xf32, #tpu.memory_space<vmem>>, vector<16xf32>,
        %masked_sort3A_2189 = arith.constant dense<true> : vector<16xi1>
        %masked_sort3A_2190, %masked_sort3A_2191, %masked_sort3A_2192 = tpu.sort %get3A_1662, %iota3A masked %masked_sort3A_2189 {descending = true} : (vector<16xf32>, vector<16xi32>, vector<16xi1>) -> (vector<16xi1>, vector<16xf32>, vector<16xi32>)
        %get3A_2193 = arith.constant 0 : index
        %get3A_2194 = tpu.vector_load %arg8[%get3A_2193] {strides = array<i32>} : memref<16xf32, #tpu.memory_space<vmem>>, vector<16xf32>,
        %min3A_2195 = arith.minimumf %get3A_2194, %masked_sort3A_2191 : vector<16xf32>
        %masked_sort3A_2196 = arith.constant dense<true> : vector<16xi1>
        %masked_sort3A_2197, %masked_sort3A_2198, %masked_sort3A_2199 = tpu.sort %min3A_2195, %iota3A masked %masked_sort3A_2196 : (vector<16xf32>, vector<16xi32>, vector<16xi1>) -> (vector<16xi1>, vector<16xf32>, vector<16xi32>)
        %swap3A_2200 = arith.constant 0 : index
        %swap3A_2201 = tpu.vector_load %arg8[%swap3A_2200] {strides = array<i32>} : memref<16xf32, #tpu.memory_space<vmem>>, vector<16xf32>,
        tpu.vector_store %arg8[%swap3A_2200], %masked_sort3A_2198 {strides = array<i32>} : memref<16xf32, #tpu.memory_space<vmem>>, vector<16xf32>,
        %masked_sort3A_2202 = arith.constant dense<true> : vector<16xi1>
        %masked_sort3A_2203, %masked_sort3A_2204, %masked_sort3A_2205 = tpu.sort %get3A_1664, %iota3A masked %masked_sort3A_2202 {descending = true} : (vector<16xf32>, vector<16xi32>, vector<16xi1>) -> (vector<16xi1>, vector<16xf32>, vector<16xi32>)
        %get3A_2206 = arith.constant 0 : index
        %get3A_2207 = tpu.vector_load %arg8[%get3A_2206] {strides = array<i32>} : memref<16xf32, #tpu.memory_space<vmem>>, vector<16xf32>,
        %min3A_2208 = arith.minimumf %get3A_2207, %masked_sort3A_2204 : vector<16xf32>
        %masked_sort3A_2209 = arith.constant dense<true> : vector<16xi1>
        %masked_sort3A_2210, %masked_sort3A_2211, %masked_sort3A_2212 = tpu.sort %min3A_2208, %iota3A masked %masked_sort3A_2209 : (vector<16xf32>, vector<16xi32>, vector<16xi1>) -> (vector<16xi1>, vector<16xf32>, vector<16xi32>)
        %swap3A_2213 = arith.constant 0 : index
        %swap3A_2214 = tpu.vector_load %arg8[%swap3A_2213] {strides = array<i32>} : memref<16xf32, #tpu.memory_space<vmem>>, vector<16xf32>,
        tpu.vector_store %arg8[%swap3A_2213], %masked_sort3A_2211 {strides = array<i32>} : memref<16xf32, #tpu.memory_space<vmem>>, vector<16xf32>,
      } else {
      }
      %get3A_1684 = arith.constant 896 : index
      %get3A_1685 = tpu.vector_load %arg6[%get3A_1684] {strides = array<i32>} : memref<2304xf32, #tpu.memory_space<vmem>>, vector<16xf32>,
      %get3A_1686 = arith.constant 912 : index
      %get3A_1687 = tpu.vector_load %arg6[%get3A_1686] {strides = array<i32>} : memref<2304xf32, #tpu.memory_space<vmem>>, vector<16xf32>,
      %get3A_1688 = arith.constant 928 : index
      %get3A_1689 = tpu.vector_load %arg6[%get3A_1688] {strides = array<i32>} : memref<2304xf32, #tpu.memory_space<vmem>>, vector<16xf32>,
      %get3A_1690 = arith.constant 944 : index
      %get3A_1691 = tpu.vector_load %arg6[%get3A_1690] {strides = array<i32>} : memref<2304xf32, #tpu.memory_space<vmem>>, vector<16xf32>,
      %get3A_1692 = arith.constant 960 : index
      %get3A_1693 = tpu.vector_load %arg6[%get3A_1692] {strides = array<i32>} : memref<2304xf32, #tpu.memory_space<vmem>>, vector<16xf32>,
      %get3A_1694 = arith.constant 976 : index
      %get3A_1695 = tpu.vector_load %arg6[%get3A_1694] {strides = array<i32>} : memref<2304xf32, #tpu.memory_space<vmem>>, vector<16xf32>,
      %get3A_1696 = arith.constant 992 : index
      %get3A_1697 = tpu.vector_load %arg6[%get3A_1696] {strides = array<i32>} : memref<2304xf32, #tpu.memory_space<vmem>>, vector<16xf32>,
      %get3A_1698 = arith.constant 1008 : index
      %get3A_1699 = tpu.vector_load %arg6[%get3A_1698] {strides = array<i32>} : memref<2304xf32, #tpu.memory_space<vmem>>, vector<16xf32>,
      %min3A_1700 = arith.minimumf %get3A_1685, %get3A_1687 : vector<16xf32>
      %min3A_1701 = arith.minimumf %min3A_1700, %get3A_1689 : vector<16xf32>
      %min3A_1702 = arith.minimumf %min3A_1701, %get3A_1691 : vector<16xf32>
      %min3A_1703 = arith.minimumf %min3A_1702, %get3A_1693 : vector<16xf32>
      %min3A_1704 = arith.minimumf %min3A_1703, %get3A_1695 : vector<16xf32>
      %min3A_1705 = arith.minimumf %min3A_1704, %get3A_1697 : vector<16xf32>
      %min3A_1706 = arith.minimumf %min3A_1705, %get3A_1699 : vector<16xf32>
      %le3A_1707 = vector.broadcast %reduce_max3A_1143 : f32 to vector<16xf32>
      %le3A_1708 = arith.cmpf ole, %min3A_1706, %le3A_1707 : vector<16xf32>
      %convert_element_type3A_1709 = arith.extui %le3A_1708 : vector<16xi1> to vector<16xi32>
      %reduce_sum3A_1710 = arith.constant true
      %reduce_sum3A_1711 = vector.broadcast %reduce_sum3A_1710 : i1 to vector<16xi1>
      %reduce_sum3A_1712 = tpu.scan <sum>, %convert_element_type3A_1709 masked %reduce_sum3A_1711 : vector<16xi32>, vector<16xi1> -> vector<16xi32>
      %reduce_sum3A_1713 = vector.extract %reduce_sum3A_1712[15] : i32 from vector<16xi32>
      %gt3A_1714 = arith.constant 0 : i32
      %gt3A_1715 = arith.cmpi sgt, %reduce_sum3A_1713, %gt3A_1714 : i32
      %convert_element_type3A_1716 = arith.extui %gt3A_1715 : i1 to i32
      %cond3A_1717 = arith.constant 0 : i32
      %cond3A_1718 = arith.cmpi ne, %convert_element_type3A_1716, %cond3A_1717 : i32
      scf.if %cond3A_1718 {
        %masked_sort3A_2111 = arith.constant dense<true> : vector<16xi1>
        %masked_sort3A_2112, %masked_sort3A_2113, %masked_sort3A_2114 = tpu.sort %get3A_1685, %iota3A masked %masked_sort3A_2111 {descending = true} : (vector<16xf32>, vector<16xi32>, vector<16xi1>) -> (vector<16xi1>, vector<16xf32>, vector<16xi32>)
        %get3A_2115 = arith.constant 0 : index
        %get3A_2116 = tpu.vector_load %arg8[%get3A_2115] {strides = array<i32>} : memref<16xf32, #tpu.memory_space<vmem>>, vector<16xf32>,
        %min3A_2117 = arith.minimumf %get3A_2116, %masked_sort3A_2113 : vector<16xf32>
        %masked_sort3A_2118 = arith.constant dense<true> : vector<16xi1>
        %masked_sort3A_2119, %masked_sort3A_2120, %masked_sort3A_2121 = tpu.sort %min3A_2117, %iota3A masked %masked_sort3A_2118 : (vector<16xf32>, vector<16xi32>, vector<16xi1>) -> (vector<16xi1>, vector<16xf32>, vector<16xi32>)
        %swap3A_2122 = arith.constant 0 : index
        %swap3A_2123 = tpu.vector_load %arg8[%swap3A_2122] {strides = array<i32>} : memref<16xf32, #tpu.memory_space<vmem>>, vector<16xf32>,
        tpu.vector_store %arg8[%swap3A_2122], %masked_sort3A_2120 {strides = array<i32>} : memref<16xf32, #tpu.memory_space<vmem>>, vector<16xf32>,
        %masked_sort3A_2124 = arith.constant dense<true> : vector<16xi1>
        %masked_sort3A_2125, %masked_sort3A_2126, %masked_sort3A_2127 = tpu.sort %get3A_1687, %iota3A masked %masked_sort3A_2124 {descending = true} : (vector<16xf32>, vector<16xi32>, vector<16xi1>) -> (vector<16xi1>, vector<16xf32>, vector<16xi32>)
        %get3A_2128 = arith.constant 0 : index
        %get3A_2129 = tpu.vector_load %arg8[%get3A_2128] {strides = array<i32>} : memref<16xf32, #tpu.memory_space<vmem>>, vector<16xf32>,
        %min3A_2130 = arith.minimumf %get3A_2129, %masked_sort3A_2126 : vector<16xf32>
        %masked_sort3A_2131 = arith.constant dense<true> : vector<16xi1>
        %masked_sort3A_2132, %masked_sort3A_2133, %masked_sort3A_2134 = tpu.sort %min3A_2130, %iota3A masked %masked_sort3A_2131 : (vector<16xf32>, vector<16xi32>, vector<16xi1>) -> (vector<16xi1>, vector<16xf32>, vector<16xi32>)
        %swap3A_2135 = arith.constant 0 : index
        %swap3A_2136 = tpu.vector_load %arg8[%swap3A_2135] {strides = array<i32>} : memref<16xf32, #tpu.memory_space<vmem>>, vector<16xf32>,
        tpu.vector_store %arg8[%swap3A_2135], %masked_sort3A_2133 {strides = array<i32>} : memref<16xf32, #tpu.memory_space<vmem>>, vector<16xf32>,
        %masked_sort3A_2137 = arith.constant dense<true> : vector<16xi1>
        %masked_sort3A_2138, %masked_sort3A_2139, %masked_sort3A_2140 = tpu.sort %get3A_1689, %iota3A masked %masked_sort3A_2137 {descending = true} : (vector<16xf32>, vector<16xi32>, vector<16xi1>) -> (vector<16xi1>, vector<16xf32>, vector<16xi32>)
        %get3A_2141 = arith.constant 0 : index
        %get3A_2142 = tpu.vector_load %arg8[%get3A_2141] {strides = array<i32>} : memref<16xf32, #tpu.memory_space<vmem>>, vector<16xf32>,
        %min3A_2143 = arith.minimumf %get3A_2142, %masked_sort3A_2139 : vector<16xf32>
        %masked_sort3A_2144 = arith.constant dense<true> : vector<16xi1>
        %masked_sort3A_2145, %masked_sort3A_2146, %masked_sort3A_2147 = tpu.sort %min3A_2143, %iota3A masked %masked_sort3A_2144 : (vector<16xf32>, vector<16xi32>, vector<16xi1>) -> (vector<16xi1>, vector<16xf32>, vector<16xi32>)
        %swap3A_2148 = arith.constant 0 : index
        %swap3A_2149 = tpu.vector_load %arg8[%swap3A_2148] {strides = array<i32>} : memref<16xf32, #tpu.memory_space<vmem>>, vector<16xf32>,
        tpu.vector_store %arg8[%swap3A_2148], %masked_sort3A_2146 {strides = array<i32>} : memref<16xf32, #tpu.memory_space<vmem>>, vector<16xf32>,
        %masked_sort3A_2150 = arith.constant dense<true> : vector<16xi1>
        %masked_sort3A_2151, %masked_sort3A_2152, %masked_sort3A_2153 = tpu.sort %get3A_1691, %iota3A masked %masked_sort3A_2150 {descending = true} : (vector<16xf32>, vector<16xi32>, vector<16xi1>) -> (vector<16xi1>, vector<16xf32>, vector<16xi32>)
        %get3A_2154 = arith.constant 0 : index
        %get3A_2155 = tpu.vector_load %arg8[%get3A_2154] {strides = array<i32>} : memref<16xf32, #tpu.memory_space<vmem>>, vector<16xf32>,
        %min3A_2156 = arith.minimumf %get3A_2155, %masked_sort3A_2152 : vector<16xf32>
        %masked_sort3A_2157 = arith.constant dense<true> : vector<16xi1>
        %masked_sort3A_2158, %masked_sort3A_2159, %masked_sort3A_2160 = tpu.sort %min3A_2156, %iota3A masked %masked_sort3A_2157 : (vector<16xf32>, vector<16xi32>, vector<16xi1>) -> (vector<16xi1>, vector<16xf32>, vector<16xi32>)
        %swap3A_2161 = arith.constant 0 : index
        %swap3A_2162 = tpu.vector_load %arg8[%swap3A_2161] {strides = array<i32>} : memref<16xf32, #tpu.memory_space<vmem>>, vector<16xf32>,
        tpu.vector_store %arg8[%swap3A_2161], %masked_sort3A_2159 {strides = array<i32>} : memref<16xf32, #tpu.memory_space<vmem>>, vector<16xf32>,
        %masked_sort3A_2163 = arith.constant dense<true> : vector<16xi1>
        %masked_sort3A_2164, %masked_sort3A_2165, %masked_sort3A_2166 = tpu.sort %get3A_1693, %iota3A masked %masked_sort3A_2163 {descending = true} : (vector<16xf32>, vector<16xi32>, vector<16xi1>) -> (vector<16xi1>, vector<16xf32>, vector<16xi32>)
        %get3A_2167 = arith.constant 0 : index
        %get3A_2168 = tpu.vector_load %arg8[%get3A_2167] {strides = array<i32>} : memref<16xf32, #tpu.memory_space<vmem>>, vector<16xf32>,
        %min3A_2169 = arith.minimumf %get3A_2168, %masked_sort3A_2165 : vector<16xf32>
        %masked_sort3A_2170 = arith.constant dense<true> : vector<16xi1>
        %masked_sort3A_2171, %masked_sort3A_2172, %masked_sort3A_2173 = tpu.sort %min3A_2169, %iota3A masked %masked_sort3A_2170 : (vector<16xf32>, vector<16xi32>, vector<16xi1>) -> (vector<16xi1>, vector<16xf32>, vector<16xi32>)
        %swap3A_2174 = arith.constant 0 : index
        %swap3A_2175 = tpu.vector_load %arg8[%swap3A_2174] {strides = array<i32>} : memref<16xf32, #tpu.memory_space<vmem>>, vector<16xf32>,
        tpu.vector_store %arg8[%swap3A_2174], %masked_sort3A_2172 {strides = array<i32>} : memref<16xf32, #tpu.memory_space<vmem>>, vector<16xf32>,
        %masked_sort3A_2176 = arith.constant dense<true> : vector<16xi1>
        %masked_sort3A_2177, %masked_sort3A_2178, %masked_sort3A_2179 = tpu.sort %get3A_1695, %iota3A masked %masked_sort3A_2176 {descending = true} : (vector<16xf32>, vector<16xi32>, vector<16xi1>) -> (vector<16xi1>, vector<16xf32>, vector<16xi32>)
        %get3A_2180 = arith.constant 0 : index
        %get3A_2181 = tpu.vector_load %arg8[%get3A_2180] {strides = array<i32>} : memref<16xf32, #tpu.memory_space<vmem>>, vector<16xf32>,
        %min3A_2182 = arith.minimumf %get3A_2181, %masked_sort3A_2178 : vector<16xf32>
        %masked_sort3A_2183 = arith.constant dense<true> : vector<16xi1>
        %masked_sort3A_2184, %masked_sort3A_2185, %masked_sort3A_2186 = tpu.sort %min3A_2182, %iota3A masked %masked_sort3A_2183 : (vector<16xf32>, vector<16xi32>, vector<16xi1>) -> (vector<16xi1>, vector<16xf32>, vector<16xi32>)
        %swap3A_2187 = arith.constant 0 : index
        %swap3A_2188 = tpu.vector_load %arg8[%swap3A_2187] {strides = array<i32>} : memref<16xf32, #tpu.memory_space<vmem>>, vector<16xf32>,
        tpu.vector_store %arg8[%swap3A_2187], %masked_sort3A_2185 {strides = array<i32>} : memref<16xf32, #tpu.memory_space<vmem>>, vector<16xf32>,
        %masked_sort3A_2189 = arith.constant dense<true> : vector<16xi1>
        %masked_sort3A_2190, %masked_sort3A_2191, %masked_sort3A_2192 = tpu.sort %get3A_1697, %iota3A masked %masked_sort3A_2189 {descending = true} : (vector<16xf32>, vector<16xi32>, vector<16xi1>) -> (vector<16xi1>, vector<16xf32>, vector<16xi32>)
        %get3A_2193 = arith.constant 0 : index
        %get3A_2194 = tpu.vector_load %arg8[%get3A_2193] {strides = array<i32>} : memref<16xf32, #tpu.memory_space<vmem>>, vector<16xf32>,
        %min3A_2195 = arith.minimumf %get3A_2194, %masked_sort3A_2191 : vector<16xf32>
        %masked_sort3A_2196 = arith.constant dense<true> : vector<16xi1>
        %masked_sort3A_2197, %masked_sort3A_2198, %masked_sort3A_2199 = tpu.sort %min3A_2195, %iota3A masked %masked_sort3A_2196 : (vector<16xf32>, vector<16xi32>, vector<16xi1>) -> (vector<16xi1>, vector<16xf32>, vector<16xi32>)
        %swap3A_2200 = arith.constant 0 : index
        %swap3A_2201 = tpu.vector_load %arg8[%swap3A_2200] {strides = array<i32>} : memref<16xf32, #tpu.memory_space<vmem>>, vector<16xf32>,
        tpu.vector_store %arg8[%swap3A_2200], %masked_sort3A_2198 {strides = array<i32>} : memref<16xf32, #tpu.memory_space<vmem>>, vector<16xf32>,
        %masked_sort3A_2202 = arith.constant dense<true> : vector<16xi1>
        %masked_sort3A_2203, %masked_sort3A_2204, %masked_sort3A_2205 = tpu.sort %get3A_1699, %iota3A masked %masked_sort3A_2202 {descending = true} : (vector<16xf32>, vector<16xi32>, vector<16xi1>) -> (vector<16xi1>, vector<16xf32>, vector<16xi32>)
        %get3A_2206 = arith.constant 0 : index
        %get3A_2207 = tpu.vector_load %arg8[%get3A_2206] {strides = array<i32>} : memref<16xf32, #tpu.memory_space<vmem>>, vector<16xf32>,
        %min3A_2208 = arith.minimumf %get3A_2207, %masked_sort3A_2204 : vector<16xf32>
        %masked_sort3A_2209 = arith.constant dense<true> : vector<16xi1>
        %masked_sort3A_2210, %masked_sort3A_2211, %masked_sort3A_2212 = tpu.sort %min3A_2208, %iota3A masked %masked_sort3A_2209 : (vector<16xf32>, vector<16xi32>, vector<16xi1>) -> (vector<16xi1>, vector<16xf32>, vector<16xi32>)
        %swap3A_2213 = arith.constant 0 : index
        %swap3A_2214 = tpu.vector_load %arg8[%swap3A_2213] {strides = array<i32>} : memref<16xf32, #tpu.memory_space<vmem>>, vector<16xf32>,
        tpu.vector_store %arg8[%swap3A_2213], %masked_sort3A_2211 {strides = array<i32>} : memref<16xf32, #tpu.memory_space<vmem>>, vector<16xf32>,
      } else {
      }
      %get3A_1719 = arith.constant 1024 : index
      %get3A_1720 = tpu.vector_load %arg6[%get3A_1719] {strides = array<i32>} : memref<2304xf32, #tpu.memory_space<vmem>>, vector<16xf32>,
      %get3A_1721 = arith.constant 1040 : index
      %get3A_1722 = tpu.vector_load %arg6[%get3A_1721] {strides = array<i32>} : memref<2304xf32, #tpu.memory_space<vmem>>, vector<16xf32>,
      %get3A_1723 = arith.constant 1056 : index
      %get3A_1724 = tpu.vector_load %arg6[%get3A_1723] {strides = array<i32>} : memref<2304xf32, #tpu.memory_space<vmem>>, vector<16xf32>,
      %get3A_1725 = arith.constant 1072 : index
      %get3A_1726 = tpu.vector_load %arg6[%get3A_1725] {strides = array<i32>} : memref<2304xf32, #tpu.memory_space<vmem>>, vector<16xf32>,
      %get3A_1727 = arith.constant 1088 : index
      %get3A_1728 = tpu.vector_load %arg6[%get3A_1727] {strides = array<i32>} : memref<2304xf32, #tpu.memory_space<vmem>>, vector<16xf32>,
      %get3A_1729 = arith.constant 1104 : index
      %get3A_1730 = tpu.vector_load %arg6[%get3A_1729] {strides = array<i32>} : memref<2304xf32, #tpu.memory_space<vmem>>, vector<16xf32>,
      %get3A_1731 = arith.constant 1120 : index
      %get3A_1732 = tpu.vector_load %arg6[%get3A_1731] {strides = array<i32>} : memref<2304xf32, #tpu.memory_space<vmem>>, vector<16xf32>,
      %get3A_1733 = arith.constant 1136 : index
      %get3A_1734 = tpu.vector_load %arg6[%get3A_1733] {strides = array<i32>} : memref<2304xf32, #tpu.memory_space<vmem>>, vector<16xf32>,
      %min3A_1735 = arith.minimumf %get3A_1720, %get3A_1722 : vector<16xf32>
      %min3A_1736 = arith.minimumf %min3A_1735, %get3A_1724 : vector<16xf32>
      %min3A_1737 = arith.minimumf %min3A_1736, %get3A_1726 : vector<16xf32>
      %min3A_1738 = arith.minimumf %min3A_1737, %get3A_1728 : vector<16xf32>
      %min3A_1739 = arith.minimumf %min3A_1738, %get3A_1730 : vector<16xf32>
      %min3A_1740 = arith.minimumf %min3A_1739, %get3A_1732 : vector<16xf32>
      %min3A_1741 = arith.minimumf %min3A_1740, %get3A_1734 : vector<16xf32>
      %le3A_1742 = vector.broadcast %reduce_max3A_1143 : f32 to vector<16xf32>
      %le3A_1743 = arith.cmpf ole, %min3A_1741, %le3A_1742 : vector<16xf32>
      %convert_element_type3A_1744 = arith.extui %le3A_1743 : vector<16xi1> to vector<16xi32>
      %reduce_sum3A_1745 = arith.constant true
      %reduce_sum3A_1746 = vector.broadcast %reduce_sum3A_1745 : i1 to vector<16xi1>
      %reduce_sum3A_1747 = tpu.scan <sum>, %convert_element_type3A_1744 masked %reduce_sum3A_1746 : vector<16xi32>, vector<16xi1> -> vector<16xi32>
      %reduce_sum3A_1748 = vector.extract %reduce_sum3A_1747[15] : i32 from vector<16xi32>
      %gt3A_1749 = arith.constant 0 : i32
      %gt3A_1750 = arith.cmpi sgt, %reduce_sum3A_1748, %gt3A_1749 : i32
      %convert_element_type3A_1751 = arith.extui %gt3A_1750 : i1 to i32
      %cond3A_1752 = arith.constant 0 : i32
      %cond3A_1753 = arith.cmpi ne, %convert_element_type3A_1751, %cond3A_1752 : i32
      scf.if %cond3A_1753 {
        %masked_sort3A_2111 = arith.constant dense<true> : vector<16xi1>
        %masked_sort3A_2112, %masked_sort3A_2113, %masked_sort3A_2114 = tpu.sort %get3A_1720, %iota3A masked %masked_sort3A_2111 {descending = true} : (vector<16xf32>, vector<16xi32>, vector<16xi1>) -> (vector<16xi1>, vector<16xf32>, vector<16xi32>)
        %get3A_2115 = arith.constant 0 : index
        %get3A_2116 = tpu.vector_load %arg8[%get3A_2115] {strides = array<i32>} : memref<16xf32, #tpu.memory_space<vmem>>, vector<16xf32>,
        %min3A_2117 = arith.minimumf %get3A_2116, %masked_sort3A_2113 : vector<16xf32>
        %masked_sort3A_2118 = arith.constant dense<true> : vector<16xi1>
        %masked_sort3A_2119, %masked_sort3A_2120, %masked_sort3A_2121 = tpu.sort %min3A_2117, %iota3A masked %masked_sort3A_2118 : (vector<16xf32>, vector<16xi32>, vector<16xi1>) -> (vector<16xi1>, vector<16xf32>, vector<16xi32>)
        %swap3A_2122 = arith.constant 0 : index
        %swap3A_2123 = tpu.vector_load %arg8[%swap3A_2122] {strides = array<i32>} : memref<16xf32, #tpu.memory_space<vmem>>, vector<16xf32>,
        tpu.vector_store %arg8[%swap3A_2122], %masked_sort3A_2120 {strides = array<i32>} : memref<16xf32, #tpu.memory_space<vmem>>, vector<16xf32>,
        %masked_sort3A_2124 = arith.constant dense<true> : vector<16xi1>
        %masked_sort3A_2125, %masked_sort3A_2126, %masked_sort3A_2127 = tpu.sort %get3A_1722, %iota3A masked %masked_sort3A_2124 {descending = true} : (vector<16xf32>, vector<16xi32>, vector<16xi1>) -> (vector<16xi1>, vector<16xf32>, vector<16xi32>)
        %get3A_2128 = arith.constant 0 : index
        %get3A_2129 = tpu.vector_load %arg8[%get3A_2128] {strides = array<i32>} : memref<16xf32, #tpu.memory_space<vmem>>, vector<16xf32>,
        %min3A_2130 = arith.minimumf %get3A_2129, %masked_sort3A_2126 : vector<16xf32>
        %masked_sort3A_2131 = arith.constant dense<true> : vector<16xi1>
        %masked_sort3A_2132, %masked_sort3A_2133, %masked_sort3A_2134 = tpu.sort %min3A_2130, %iota3A masked %masked_sort3A_2131 : (vector<16xf32>, vector<16xi32>, vector<16xi1>) -> (vector<16xi1>, vector<16xf32>, vector<16xi32>)
        %swap3A_2135 = arith.constant 0 : index
        %swap3A_2136 = tpu.vector_load %arg8[%swap3A_2135] {strides = array<i32>} : memref<16xf32, #tpu.memory_space<vmem>>, vector<16xf32>,
        tpu.vector_store %arg8[%swap3A_2135], %masked_sort3A_2133 {strides = array<i32>} : memref<16xf32, #tpu.memory_space<vmem>>, vector<16xf32>,
        %masked_sort3A_2137 = arith.constant dense<true> : vector<16xi1>
        %masked_sort3A_2138, %masked_sort3A_2139, %masked_sort3A_2140 = tpu.sort %get3A_1724, %iota3A masked %masked_sort3A_2137 {descending = true} : (vector<16xf32>, vector<16xi32>, vector<16xi1>) -> (vector<16xi1>, vector<16xf32>, vector<16xi32>)
        %get3A_2141 = arith.constant 0 : index
        %get3A_2142 = tpu.vector_load %arg8[%get3A_2141] {strides = array<i32>} : memref<16xf32, #tpu.memory_space<vmem>>, vector<16xf32>,
        %min3A_2143 = arith.minimumf %get3A_2142, %masked_sort3A_2139 : vector<16xf32>
        %masked_sort3A_2144 = arith.constant dense<true> : vector<16xi1>
        %masked_sort3A_2145, %masked_sort3A_2146, %masked_sort3A_2147 = tpu.sort %min3A_2143, %iota3A masked %masked_sort3A_2144 : (vector<16xf32>, vector<16xi32>, vector<16xi1>) -> (vector<16xi1>, vector<16xf32>, vector<16xi32>)
        %swap3A_2148 = arith.constant 0 : index
        %swap3A_2149 = tpu.vector_load %arg8[%swap3A_2148] {strides = array<i32>} : memref<16xf32, #tpu.memory_space<vmem>>, vector<16xf32>,
        tpu.vector_store %arg8[%swap3A_2148], %masked_sort3A_2146 {strides = array<i32>} : memref<16xf32, #tpu.memory_space<vmem>>, vector<16xf32>,
        %masked_sort3A_2150 = arith.constant dense<true> : vector<16xi1>
        %masked_sort3A_2151, %masked_sort3A_2152, %masked_sort3A_2153 = tpu.sort %get3A_1726, %iota3A masked %masked_sort3A_2150 {descending = true} : (vector<16xf32>, vector<16xi32>, vector<16xi1>) -> (vector<16xi1>, vector<16xf32>, vector<16xi32>)
        %get3A_2154 = arith.constant 0 : index
        %get3A_2155 = tpu.vector_load %arg8[%get3A_2154] {strides = array<i32>} : memref<16xf32, #tpu.memory_space<vmem>>, vector<16xf32>,
        %min3A_2156 = arith.minimumf %get3A_2155, %masked_sort3A_2152 : vector<16xf32>
        %masked_sort3A_2157 = arith.constant dense<true> : vector<16xi1>
        %masked_sort3A_2158, %masked_sort3A_2159, %masked_sort3A_2160 = tpu.sort %min3A_2156, %iota3A masked %masked_sort3A_2157 : (vector<16xf32>, vector<16xi32>, vector<16xi1>) -> (vector<16xi1>, vector<16xf32>, vector<16xi32>)
        %swap3A_2161 = arith.constant 0 : index
        %swap3A_2162 = tpu.vector_load %arg8[%swap3A_2161] {strides = array<i32>} : memref<16xf32, #tpu.memory_space<vmem>>, vector<16xf32>,
        tpu.vector_store %arg8[%swap3A_2161], %masked_sort3A_2159 {strides = array<i32>} : memref<16xf32, #tpu.memory_space<vmem>>, vector<16xf32>,
        %masked_sort3A_2163 = arith.constant dense<true> : vector<16xi1>
        %masked_sort3A_2164, %masked_sort3A_2165, %masked_sort3A_2166 = tpu.sort %get3A_1728, %iota3A masked %masked_sort3A_2163 {descending = true} : (vector<16xf32>, vector<16xi32>, vector<16xi1>) -> (vector<16xi1>, vector<16xf32>, vector<16xi32>)
        %get3A_2167 = arith.constant 0 : index
        %get3A_2168 = tpu.vector_load %arg8[%get3A_2167] {strides = array<i32>} : memref<16xf32, #tpu.memory_space<vmem>>, vector<16xf32>,
        %min3A_2169 = arith.minimumf %get3A_2168, %masked_sort3A_2165 : vector<16xf32>
        %masked_sort3A_2170 = arith.constant dense<true> : vector<16xi1>
        %masked_sort3A_2171, %masked_sort3A_2172, %masked_sort3A_2173 = tpu.sort %min3A_2169, %iota3A masked %masked_sort3A_2170 : (vector<16xf32>, vector<16xi32>, vector<16xi1>) -> (vector<16xi1>, vector<16xf32>, vector<16xi32>)
        %swap3A_2174 = arith.constant 0 : index
        %swap3A_2175 = tpu.vector_load %arg8[%swap3A_2174] {strides = array<i32>} : memref<16xf32, #tpu.memory_space<vmem>>, vector<16xf32>,
        tpu.vector_store %arg8[%swap3A_2174], %masked_sort3A_2172 {strides = array<i32>} : memref<16xf32, #tpu.memory_space<vmem>>, vector<16xf32>,
        %masked_sort3A_2176 = arith.constant dense<true> : vector<16xi1>
        %masked_sort3A_2177, %masked_sort3A_2178, %masked_sort3A_2179 = tpu.sort %get3A_1730, %iota3A masked %masked_sort3A_2176 {descending = true} : (vector<16xf32>, vector<16xi32>, vector<16xi1>) -> (vector<16xi1>, vector<16xf32>, vector<16xi32>)
        %get3A_2180 = arith.constant 0 : index
        %get3A_2181 = tpu.vector_load %arg8[%get3A_2180] {strides = array<i32>} : memref<16xf32, #tpu.memory_space<vmem>>, vector<16xf32>,
        %min3A_2182 = arith.minimumf %get3A_2181, %masked_sort3A_2178 : vector<16xf32>
        %masked_sort3A_2183 = arith.constant dense<true> : vector<16xi1>
        %masked_sort3A_2184, %masked_sort3A_2185, %masked_sort3A_2186 = tpu.sort %min3A_2182, %iota3A masked %masked_sort3A_2183 : (vector<16xf32>, vector<16xi32>, vector<16xi1>) -> (vector<16xi1>, vector<16xf32>, vector<16xi32>)
        %swap3A_2187 = arith.constant 0 : index
        %swap3A_2188 = tpu.vector_load %arg8[%swap3A_2187] {strides = array<i32>} : memref<16xf32, #tpu.memory_space<vmem>>, vector<16xf32>,
        tpu.vector_store %arg8[%swap3A_2187], %masked_sort3A_2185 {strides = array<i32>} : memref<16xf32, #tpu.memory_space<vmem>>, vector<16xf32>,
        %masked_sort3A_2189 = arith.constant dense<true> : vector<16xi1>
        %masked_sort3A_2190, %masked_sort3A_2191, %masked_sort3A_2192 = tpu.sort %get3A_1732, %iota3A masked %masked_sort3A_2189 {descending = true} : (vector<16xf32>, vector<16xi32>, vector<16xi1>) -> (vector<16xi1>, vector<16xf32>, vector<16xi32>)
        %get3A_2193 = arith.constant 0 : index
        %get3A_2194 = tpu.vector_load %arg8[%get3A_2193] {strides = array<i32>} : memref<16xf32, #tpu.memory_space<vmem>>, vector<16xf32>,
        %min3A_2195 = arith.minimumf %get3A_2194, %masked_sort3A_2191 : vector<16xf32>
        %masked_sort3A_2196 = arith.constant dense<true> : vector<16xi1>
        %masked_sort3A_2197, %masked_sort3A_2198, %masked_sort3A_2199 = tpu.sort %min3A_2195, %iota3A masked %masked_sort3A_2196 : (vector<16xf32>, vector<16xi32>, vector<16xi1>) -> (vector<16xi1>, vector<16xf32>, vector<16xi32>)
        %swap3A_2200 = arith.constant 0 : index
        %swap3A_2201 = tpu.vector_load %arg8[%swap3A_2200] {strides = array<i32>} : memref<16xf32, #tpu.memory_space<vmem>>, vector<16xf32>,
        tpu.vector_store %arg8[%swap3A_2200], %masked_sort3A_2198 {strides = array<i32>} : memref<16xf32, #tpu.memory_space<vmem>>, vector<16xf32>,
        %masked_sort3A_2202 = arith.constant dense<true> : vector<16xi1>
        %masked_sort3A_2203, %masked_sort3A_2204, %masked_sort3A_2205 = tpu.sort %get3A_1734, %iota3A masked %masked_sort3A_2202 {descending = true} : (vector<16xf32>, vector<16xi32>, vector<16xi1>) -> (vector<16xi1>, vector<16xf32>, vector<16xi32>)
        %get3A_2206 = arith.constant 0 : index
        %get3A_2207 = tpu.vector_load %arg8[%get3A_2206] {strides = array<i32>} : memref<16xf32, #tpu.memory_space<vmem>>, vector<16xf32>,
        %min3A_2208 = arith.minimumf %get3A_2207, %masked_sort3A_2204 : vector<16xf32>
        %masked_sort3A_2209 = arith.constant dense<true> : vector<16xi1>
        %masked_sort3A_2210, %masked_sort3A_2211, %masked_sort3A_2212 = tpu.sort %min3A_2208, %iota3A masked %masked_sort3A_2209 : (vector<16xf32>, vector<16xi32>, vector<16xi1>) -> (vector<16xi1>, vector<16xf32>, vector<16xi32>)
        %swap3A_2213 = arith.constant 0 : index
        %swap3A_2214 = tpu.vector_load %arg8[%swap3A_2213] {strides = array<i32>} : memref<16xf32, #tpu.memory_space<vmem>>, vector<16xf32>,
        tpu.vector_store %arg8[%swap3A_2213], %masked_sort3A_2211 {strides = array<i32>} : memref<16xf32, #tpu.memory_space<vmem>>, vector<16xf32>,
      } else {
      }
      %get3A_1754 = arith.constant 1152 : index
      %get3A_1755 = tpu.vector_load %arg6[%get3A_1754] {strides = array<i32>} : memref<2304xf32, #tpu.memory_space<vmem>>, vector<16xf32>,
      %get3A_1756 = arith.constant 1168 : index
      %get3A_1757 = tpu.vector_load %arg6[%get3A_1756] {strides = array<i32>} : memref<2304xf32, #tpu.memory_space<vmem>>, vector<16xf32>,
      %get3A_1758 = arith.constant 1184 : index
      %get3A_1759 = tpu.vector_load %arg6[%get3A_1758] {strides = array<i32>} : memref<2304xf32, #tpu.memory_space<vmem>>, vector<16xf32>,
      %get3A_1760 = arith.constant 1200 : index
      %get3A_1761 = tpu.vector_load %arg6[%get3A_1760] {strides = array<i32>} : memref<2304xf32, #tpu.memory_space<vmem>>, vector<16xf32>,
      %get3A_1762 = arith.constant 1216 : index
      %get3A_1763 = tpu.vector_load %arg6[%get3A_1762] {strides = array<i32>} : memref<2304xf32, #tpu.memory_space<vmem>>, vector<16xf32>,
      %get3A_1764 = arith.constant 1232 : index
      %get3A_1765 = tpu.vector_load %arg6[%get3A_1764] {strides = array<i32>} : memref<2304xf32, #tpu.memory_space<vmem>>, vector<16xf32>,
      %get3A_1766 = arith.constant 1248 : index
      %get3A_1767 = tpu.vector_load %arg6[%get3A_1766] {strides = array<i32>} : memref<2304xf32, #tpu.memory_space<vmem>>, vector<16xf32>,
      %get3A_1768 = arith.constant 1264 : index
      %get3A_1769 = tpu.vector_load %arg6[%get3A_1768] {strides = array<i32>} : memref<2304xf32, #tpu.memory_space<vmem>>, vector<16xf32>,
      %min3A_1770 = arith.minimumf %get3A_1755, %get3A_1757 : vector<16xf32>
      %min3A_1771 = arith.minimumf %min3A_1770, %get3A_1759 : vector<16xf32>
      %min3A_1772 = arith.minimumf %min3A_1771, %get3A_1761 : vector<16xf32>
      %min3A_1773 = arith.minimumf %min3A_1772, %get3A_1763 : vector<16xf32>
      %min3A_1774 = arith.minimumf %min3A_1773, %get3A_1765 : vector<16xf32>
      %min3A_1775 = arith.minimumf %min3A_1774, %get3A_1767 : vector<16xf32>
      %min3A_1776 = arith.minimumf %min3A_1775, %get3A_1769 : vector<16xf32>
      %le3A_1777 = vector.broadcast %reduce_max3A_1143 : f32 to vector<16xf32>
      %le3A_1778 = arith.cmpf ole, %min3A_1776, %le3A_1777 : vector<16xf32>
      %convert_element_type3A_1779 = arith.extui %le3A_1778 : vector<16xi1> to vector<16xi32>
      %reduce_sum3A_1780 = arith.constant true
      %reduce_sum3A_1781 = vector.broadcast %reduce_sum3A_1780 : i1 to vector<16xi1>
      %reduce_sum3A_1782 = tpu.scan <sum>, %convert_element_type3A_1779 masked %reduce_sum3A_1781 : vector<16xi32>, vector<16xi1> -> vector<16xi32>
      %reduce_sum3A_1783 = vector.extract %reduce_sum3A_1782[15] : i32 from vector<16xi32>
      %gt3A_1784 = arith.constant 0 : i32
      %gt3A_1785 = arith.cmpi sgt, %reduce_sum3A_1783, %gt3A_1784 : i32
      %convert_element_type3A_1786 = arith.extui %gt3A_1785 : i1 to i32
      %cond3A_1787 = arith.constant 0 : i32
      %cond3A_1788 = arith.cmpi ne, %convert_element_type3A_1786, %cond3A_1787 : i32
      scf.if %cond3A_1788 {
        %masked_sort3A_2111 = arith.constant dense<true> : vector<16xi1>
        %masked_sort3A_2112, %masked_sort3A_2113, %masked_sort3A_2114 = tpu.sort %get3A_1755, %iota3A masked %masked_sort3A_2111 {descending = true} : (vector<16xf32>, vector<16xi32>, vector<16xi1>) -> (vector<16xi1>, vector<16xf32>, vector<16xi32>)
        %get3A_2115 = arith.constant 0 : index
        %get3A_2116 = tpu.vector_load %arg8[%get3A_2115] {strides = array<i32>} : memref<16xf32, #tpu.memory_space<vmem>>, vector<16xf32>,
        %min3A_2117 = arith.minimumf %get3A_2116, %masked_sort3A_2113 : vector<16xf32>
        %masked_sort3A_2118 = arith.constant dense<true> : vector<16xi1>
        %masked_sort3A_2119, %masked_sort3A_2120, %masked_sort3A_2121 = tpu.sort %min3A_2117, %iota3A masked %masked_sort3A_2118 : (vector<16xf32>, vector<16xi32>, vector<16xi1>) -> (vector<16xi1>, vector<16xf32>, vector<16xi32>)
        %swap3A_2122 = arith.constant 0 : index
        %swap3A_2123 = tpu.vector_load %arg8[%swap3A_2122] {strides = array<i32>} : memref<16xf32, #tpu.memory_space<vmem>>, vector<16xf32>,
        tpu.vector_store %arg8[%swap3A_2122], %masked_sort3A_2120 {strides = array<i32>} : memref<16xf32, #tpu.memory_space<vmem>>, vector<16xf32>,
        %masked_sort3A_2124 = arith.constant dense<true> : vector<16xi1>
        %masked_sort3A_2125, %masked_sort3A_2126, %masked_sort3A_2127 = tpu.sort %get3A_1757, %iota3A masked %masked_sort3A_2124 {descending = true} : (vector<16xf32>, vector<16xi32>, vector<16xi1>) -> (vector<16xi1>, vector<16xf32>, vector<16xi32>)
        %get3A_2128 = arith.constant 0 : index
        %get3A_2129 = tpu.vector_load %arg8[%get3A_2128] {strides = array<i32>} : memref<16xf32, #tpu.memory_space<vmem>>, vector<16xf32>,
        %min3A_2130 = arith.minimumf %get3A_2129, %masked_sort3A_2126 : vector<16xf32>
        %masked_sort3A_2131 = arith.constant dense<true> : vector<16xi1>
        %masked_sort3A_2132, %masked_sort3A_2133, %masked_sort3A_2134 = tpu.sort %min3A_2130, %iota3A masked %masked_sort3A_2131 : (vector<16xf32>, vector<16xi32>, vector<16xi1>) -> (vector<16xi1>, vector<16xf32>, vector<16xi32>)
        %swap3A_2135 = arith.constant 0 : index
        %swap3A_2136 = tpu.vector_load %arg8[%swap3A_2135] {strides = array<i32>} : memref<16xf32, #tpu.memory_space<vmem>>, vector<16xf32>,
        tpu.vector_store %arg8[%swap3A_2135], %masked_sort3A_2133 {strides = array<i32>} : memref<16xf32, #tpu.memory_space<vmem>>, vector<16xf32>,
        %masked_sort3A_2137 = arith.constant dense<true> : vector<16xi1>
        %masked_sort3A_2138, %masked_sort3A_2139, %masked_sort3A_2140 = tpu.sort %get3A_1759, %iota3A masked %masked_sort3A_2137 {descending = true} : (vector<16xf32>, vector<16xi32>, vector<16xi1>) -> (vector<16xi1>, vector<16xf32>, vector<16xi32>)
        %get3A_2141 = arith.constant 0 : index
        %get3A_2142 = tpu.vector_load %arg8[%get3A_2141] {strides = array<i32>} : memref<16xf32, #tpu.memory_space<vmem>>, vector<16xf32>,
        %min3A_2143 = arith.minimumf %get3A_2142, %masked_sort3A_2139 : vector<16xf32>
        %masked_sort3A_2144 = arith.constant dense<true> : vector<16xi1>
        %masked_sort3A_2145, %masked_sort3A_2146, %masked_sort3A_2147 = tpu.sort %min3A_2143, %iota3A masked %masked_sort3A_2144 : (vector<16xf32>, vector<16xi32>, vector<16xi1>) -> (vector<16xi1>, vector<16xf32>, vector<16xi32>)
        %swap3A_2148 = arith.constant 0 : index
        %swap3A_2149 = tpu.vector_load %arg8[%swap3A_2148] {strides = array<i32>} : memref<16xf32, #tpu.memory_space<vmem>>, vector<16xf32>,
        tpu.vector_store %arg8[%swap3A_2148], %masked_sort3A_2146 {strides = array<i32>} : memref<16xf32, #tpu.memory_space<vmem>>, vector<16xf32>,
        %masked_sort3A_2150 = arith.constant dense<true> : vector<16xi1>
        %masked_sort3A_2151, %masked_sort3A_2152, %masked_sort3A_2153 = tpu.sort %get3A_1761, %iota3A masked %masked_sort3A_2150 {descending = true} : (vector<16xf32>, vector<16xi32>, vector<16xi1>) -> (vector<16xi1>, vector<16xf32>, vector<16xi32>)
        %get3A_2154 = arith.constant 0 : index
        %get3A_2155 = tpu.vector_load %arg8[%get3A_2154] {strides = array<i32>} : memref<16xf32, #tpu.memory_space<vmem>>, vector<16xf32>,
        %min3A_2156 = arith.minimumf %get3A_2155, %masked_sort3A_2152 : vector<16xf32>
        %masked_sort3A_2157 = arith.constant dense<true> : vector<16xi1>
        %masked_sort3A_2158, %masked_sort3A_2159, %masked_sort3A_2160 = tpu.sort %min3A_2156, %iota3A masked %masked_sort3A_2157 : (vector<16xf32>, vector<16xi32>, vector<16xi1>) -> (vector<16xi1>, vector<16xf32>, vector<16xi32>)
        %swap3A_2161 = arith.constant 0 : index
        %swap3A_2162 = tpu.vector_load %arg8[%swap3A_2161] {strides = array<i32>} : memref<16xf32, #tpu.memory_space<vmem>>, vector<16xf32>,
        tpu.vector_store %arg8[%swap3A_2161], %masked_sort3A_2159 {strides = array<i32>} : memref<16xf32, #tpu.memory_space<vmem>>, vector<16xf32>,
        %masked_sort3A_2163 = arith.constant dense<true> : vector<16xi1>
        %masked_sort3A_2164, %masked_sort3A_2165, %masked_sort3A_2166 = tpu.sort %get3A_1763, %iota3A masked %masked_sort3A_2163 {descending = true} : (vector<16xf32>, vector<16xi32>, vector<16xi1>) -> (vector<16xi1>, vector<16xf32>, vector<16xi32>)
        %get3A_2167 = arith.constant 0 : index
        %get3A_2168 = tpu.vector_load %arg8[%get3A_2167] {strides = array<i32>} : memref<16xf32, #tpu.memory_space<vmem>>, vector<16xf32>,
        %min3A_2169 = arith.minimumf %get3A_2168, %masked_sort3A_2165 : vector<16xf32>
        %masked_sort3A_2170 = arith.constant dense<true> : vector<16xi1>
        %masked_sort3A_2171, %masked_sort3A_2172, %masked_sort3A_2173 = tpu.sort %min3A_2169, %iota3A masked %masked_sort3A_2170 : (vector<16xf32>, vector<16xi32>, vector<16xi1>) -> (vector<16xi1>, vector<16xf32>, vector<16xi32>)
        %swap3A_2174 = arith.constant 0 : index
        %swap3A_2175 = tpu.vector_load %arg8[%swap3A_2174] {strides = array<i32>} : memref<16xf32, #tpu.memory_space<vmem>>, vector<16xf32>,
        tpu.vector_store %arg8[%swap3A_2174], %masked_sort3A_2172 {strides = array<i32>} : memref<16xf32, #tpu.memory_space<vmem>>, vector<16xf32>,
        %masked_sort3A_2176 = arith.constant dense<true> : vector<16xi1>
        %masked_sort3A_2177, %masked_sort3A_2178, %masked_sort3A_2179 = tpu.sort %get3A_1765, %iota3A masked %masked_sort3A_2176 {descending = true} : (vector<16xf32>, vector<16xi32>, vector<16xi1>) -> (vector<16xi1>, vector<16xf32>, vector<16xi32>)
        %get3A_2180 = arith.constant 0 : index
        %get3A_2181 = tpu.vector_load %arg8[%get3A_2180] {strides = array<i32>} : memref<16xf32, #tpu.memory_space<vmem>>, vector<16xf32>,
        %min3A_2182 = arith.minimumf %get3A_2181, %masked_sort3A_2178 : vector<16xf32>
        %masked_sort3A_2183 = arith.constant dense<true> : vector<16xi1>
        %masked_sort3A_2184, %masked_sort3A_2185, %masked_sort3A_2186 = tpu.sort %min3A_2182, %iota3A masked %masked_sort3A_2183 : (vector<16xf32>, vector<16xi32>, vector<16xi1>) -> (vector<16xi1>, vector<16xf32>, vector<16xi32>)
        %swap3A_2187 = arith.constant 0 : index
        %swap3A_2188 = tpu.vector_load %arg8[%swap3A_2187] {strides = array<i32>} : memref<16xf32, #tpu.memory_space<vmem>>, vector<16xf32>,
        tpu.vector_store %arg8[%swap3A_2187], %masked_sort3A_2185 {strides = array<i32>} : memref<16xf32, #tpu.memory_space<vmem>>, vector<16xf32>,
        %masked_sort3A_2189 = arith.constant dense<true> : vector<16xi1>
        %masked_sort3A_2190, %masked_sort3A_2191, %masked_sort3A_2192 = tpu.sort %get3A_1767, %iota3A masked %masked_sort3A_2189 {descending = true} : (vector<16xf32>, vector<16xi32>, vector<16xi1>) -> (vector<16xi1>, vector<16xf32>, vector<16xi32>)
        %get3A_2193 = arith.constant 0 : index
        %get3A_2194 = tpu.vector_load %arg8[%get3A_2193] {strides = array<i32>} : memref<16xf32, #tpu.memory_space<vmem>>, vector<16xf32>,
        %min3A_2195 = arith.minimumf %get3A_2194, %masked_sort3A_2191 : vector<16xf32>
        %masked_sort3A_2196 = arith.constant dense<true> : vector<16xi1>
        %masked_sort3A_2197, %masked_sort3A_2198, %masked_sort3A_2199 = tpu.sort %min3A_2195, %iota3A masked %masked_sort3A_2196 : (vector<16xf32>, vector<16xi32>, vector<16xi1>) -> (vector<16xi1>, vector<16xf32>, vector<16xi32>)
        %swap3A_2200 = arith.constant 0 : index
        %swap3A_2201 = tpu.vector_load %arg8[%swap3A_2200] {strides = array<i32>} : memref<16xf32, #tpu.memory_space<vmem>>, vector<16xf32>,
        tpu.vector_store %arg8[%swap3A_2200], %masked_sort3A_2198 {strides = array<i32>} : memref<16xf32, #tpu.memory_space<vmem>>, vector<16xf32>,
        %masked_sort3A_2202 = arith.constant dense<true> : vector<16xi1>
        %masked_sort3A_2203, %masked_sort3A_2204, %masked_sort3A_2205 = tpu.sort %get3A_1769, %iota3A masked %masked_sort3A_2202 {descending = true} : (vector<16xf32>, vector<16xi32>, vector<16xi1>) -> (vector<16xi1>, vector<16xf32>, vector<16xi32>)
        %get3A_2206 = arith.constant 0 : index
        %get3A_2207 = tpu.vector_load %arg8[%get3A_2206] {strides = array<i32>} : memref<16xf32, #tpu.memory_space<vmem>>, vector<16xf32>,
        %min3A_2208 = arith.minimumf %get3A_2207, %masked_sort3A_2204 : vector<16xf32>
        %masked_sort3A_2209 = arith.constant dense<true> : vector<16xi1>
        %masked_sort3A_2210, %masked_sort3A_2211, %masked_sort3A_2212 = tpu.sort %min3A_2208, %iota3A masked %masked_sort3A_2209 : (vector<16xf32>, vector<16xi32>, vector<16xi1>) -> (vector<16xi1>, vector<16xf32>, vector<16xi32>)
        %swap3A_2213 = arith.constant 0 : index
        %swap3A_2214 = tpu.vector_load %arg8[%swap3A_2213] {strides = array<i32>} : memref<16xf32, #tpu.memory_space<vmem>>, vector<16xf32>,
        tpu.vector_store %arg8[%swap3A_2213], %masked_sort3A_2211 {strides = array<i32>} : memref<16xf32, #tpu.memory_space<vmem>>, vector<16xf32>,
      } else {
      }
      %get3A_1789 = arith.constant 1280 : index
      %get3A_1790 = tpu.vector_load %arg6[%get3A_1789] {strides = array<i32>} : memref<2304xf32, #tpu.memory_space<vmem>>, vector<16xf32>,
      %get3A_1791 = arith.constant 1296 : index
      %get3A_1792 = tpu.vector_load %arg6[%get3A_1791] {strides = array<i32>} : memref<2304xf32, #tpu.memory_space<vmem>>, vector<16xf32>,
      %get3A_1793 = arith.constant 1312 : index
      %get3A_1794 = tpu.vector_load %arg6[%get3A_1793] {strides = array<i32>} : memref<2304xf32, #tpu.memory_space<vmem>>, vector<16xf32>,
      %get3A_1795 = arith.constant 1328 : index
      %get3A_1796 = tpu.vector_load %arg6[%get3A_1795] {strides = array<i32>} : memref<2304xf32, #tpu.memory_space<vmem>>, vector<16xf32>,
      %get3A_1797 = arith.constant 1344 : index
      %get3A_1798 = tpu.vector_load %arg6[%get3A_1797] {strides = array<i32>} : memref<2304xf32, #tpu.memory_space<vmem>>, vector<16xf32>,
      %get3A_1799 = arith.constant 1360 : index
      %get3A_1800 = tpu.vector_load %arg6[%get3A_1799] {strides = array<i32>} : memref<2304xf32, #tpu.memory_space<vmem>>, vector<16xf32>,
      %get3A_1801 = arith.constant 1376 : index
      %get3A_1802 = tpu.vector_load %arg6[%get3A_1801] {strides = array<i32>} : memref<2304xf32, #tpu.memory_space<vmem>>, vector<16xf32>,
      %get3A_1803 = arith.constant 1392 : index
      %get3A_1804 = tpu.vector_load %arg6[%get3A_1803] {strides = array<i32>} : memref<2304xf32, #tpu.memory_space<vmem>>, vector<16xf32>,
      %min3A_1805 = arith.minimumf %get3A_1790, %get3A_1792 : vector<16xf32>
      %min3A_1806 = arith.minimumf %min3A_1805, %get3A_1794 : vector<16xf32>
      %min3A_1807 = arith.minimumf %min3A_1806, %get3A_1796 : vector<16xf32>
      %min3A_1808 = arith.minimumf %min3A_1807, %get3A_1798 : vector<16xf32>
      %min3A_1809 = arith.minimumf %min3A_1808, %get3A_1800 : vector<16xf32>
      %min3A_1810 = arith.minimumf %min3A_1809, %get3A_1802 : vector<16xf32>
      %min3A_1811 = arith.minimumf %min3A_1810, %get3A_1804 : vector<16xf32>
      %le3A_1812 = vector.broadcast %reduce_max3A_1143 : f32 to vector<16xf32>
      %le3A_1813 = arith.cmpf ole, %min3A_1811, %le3A_1812 : vector<16xf32>
      %convert_element_type3A_1814 = arith.extui %le3A_1813 : vector<16xi1> to vector<16xi32>
      %reduce_sum3A_1815 = arith.constant true
      %reduce_sum3A_1816 = vector.broadcast %reduce_sum3A_1815 : i1 to vector<16xi1>
      %reduce_sum3A_1817 = tpu.scan <sum>, %convert_element_type3A_1814 masked %reduce_sum3A_1816 : vector<16xi32>, vector<16xi1> -> vector<16xi32>
      %reduce_sum3A_1818 = vector.extract %reduce_sum3A_1817[15] : i32 from vector<16xi32>
      %gt3A_1819 = arith.constant 0 : i32
      %gt3A_1820 = arith.cmpi sgt, %reduce_sum3A_1818, %gt3A_1819 : i32
      %convert_element_type3A_1821 = arith.extui %gt3A_1820 : i1 to i32
      %cond3A_1822 = arith.constant 0 : i32
      %cond3A_1823 = arith.cmpi ne, %convert_element_type3A_1821, %cond3A_1822 : i32
      scf.if %cond3A_1823 {
        %masked_sort3A_2111 = arith.constant dense<true> : vector<16xi1>
        %masked_sort3A_2112, %masked_sort3A_2113, %masked_sort3A_2114 = tpu.sort %get3A_1790, %iota3A masked %masked_sort3A_2111 {descending = true} : (vector<16xf32>, vector<16xi32>, vector<16xi1>) -> (vector<16xi1>, vector<16xf32>, vector<16xi32>)
        %get3A_2115 = arith.constant 0 : index
        %get3A_2116 = tpu.vector_load %arg8[%get3A_2115] {strides = array<i32>} : memref<16xf32, #tpu.memory_space<vmem>>, vector<16xf32>,
        %min3A_2117 = arith.minimumf %get3A_2116, %masked_sort3A_2113 : vector<16xf32>
        %masked_sort3A_2118 = arith.constant dense<true> : vector<16xi1>
        %masked_sort3A_2119, %masked_sort3A_2120, %masked_sort3A_2121 = tpu.sort %min3A_2117, %iota3A masked %masked_sort3A_2118 : (vector<16xf32>, vector<16xi32>, vector<16xi1>) -> (vector<16xi1>, vector<16xf32>, vector<16xi32>)
        %swap3A_2122 = arith.constant 0 : index
        %swap3A_2123 = tpu.vector_load %arg8[%swap3A_2122] {strides = array<i32>} : memref<16xf32, #tpu.memory_space<vmem>>, vector<16xf32>,
        tpu.vector_store %arg8[%swap3A_2122], %masked_sort3A_2120 {strides = array<i32>} : memref<16xf32, #tpu.memory_space<vmem>>, vector<16xf32>,
        %masked_sort3A_2124 = arith.constant dense<true> : vector<16xi1>
        %masked_sort3A_2125, %masked_sort3A_2126, %masked_sort3A_2127 = tpu.sort %get3A_1792, %iota3A masked %masked_sort3A_2124 {descending = true} : (vector<16xf32>, vector<16xi32>, vector<16xi1>) -> (vector<16xi1>, vector<16xf32>, vector<16xi32>)
        %get3A_2128 = arith.constant 0 : index
        %get3A_2129 = tpu.vector_load %arg8[%get3A_2128] {strides = array<i32>} : memref<16xf32, #tpu.memory_space<vmem>>, vector<16xf32>,
        %min3A_2130 = arith.minimumf %get3A_2129, %masked_sort3A_2126 : vector<16xf32>
        %masked_sort3A_2131 = arith.constant dense<true> : vector<16xi1>
        %masked_sort3A_2132, %masked_sort3A_2133, %masked_sort3A_2134 = tpu.sort %min3A_2130, %iota3A masked %masked_sort3A_2131 : (vector<16xf32>, vector<16xi32>, vector<16xi1>) -> (vector<16xi1>, vector<16xf32>, vector<16xi32>)
        %swap3A_2135 = arith.constant 0 : index
        %swap3A_2136 = tpu.vector_load %arg8[%swap3A_2135] {strides = array<i32>} : memref<16xf32, #tpu.memory_space<vmem>>, vector<16xf32>,
        tpu.vector_store %arg8[%swap3A_2135], %masked_sort3A_2133 {strides = array<i32>} : memref<16xf32, #tpu.memory_space<vmem>>, vector<16xf32>,
        %masked_sort3A_2137 = arith.constant dense<true> : vector<16xi1>
        %masked_sort3A_2138, %masked_sort3A_2139, %masked_sort3A_2140 = tpu.sort %get3A_1794, %iota3A masked %masked_sort3A_2137 {descending = true} : (vector<16xf32>, vector<16xi32>, vector<16xi1>) -> (vector<16xi1>, vector<16xf32>, vector<16xi32>)
        %get3A_2141 = arith.constant 0 : index
        %get3A_2142 = tpu.vector_load %arg8[%get3A_2141] {strides = array<i32>} : memref<16xf32, #tpu.memory_space<vmem>>, vector<16xf32>,
        %min3A_2143 = arith.minimumf %get3A_2142, %masked_sort3A_2139 : vector<16xf32>
        %masked_sort3A_2144 = arith.constant dense<true> : vector<16xi1>
        %masked_sort3A_2145, %masked_sort3A_2146, %masked_sort3A_2147 = tpu.sort %min3A_2143, %iota3A masked %masked_sort3A_2144 : (vector<16xf32>, vector<16xi32>, vector<16xi1>) -> (vector<16xi1>, vector<16xf32>, vector<16xi32>)
        %swap3A_2148 = arith.constant 0 : index
        %swap3A_2149 = tpu.vector_load %arg8[%swap3A_2148] {strides = array<i32>} : memref<16xf32, #tpu.memory_space<vmem>>, vector<16xf32>,
        tpu.vector_store %arg8[%swap3A_2148], %masked_sort3A_2146 {strides = array<i32>} : memref<16xf32, #tpu.memory_space<vmem>>, vector<16xf32>,
        %masked_sort3A_2150 = arith.constant dense<true> : vector<16xi1>
        %masked_sort3A_2151, %masked_sort3A_2152, %masked_sort3A_2153 = tpu.sort %get3A_1796, %iota3A masked %masked_sort3A_2150 {descending = true} : (vector<16xf32>, vector<16xi32>, vector<16xi1>) -> (vector<16xi1>, vector<16xf32>, vector<16xi32>)
        %get3A_2154 = arith.constant 0 : index
        %get3A_2155 = tpu.vector_load %arg8[%get3A_2154] {strides = array<i32>} : memref<16xf32, #tpu.memory_space<vmem>>, vector<16xf32>,
        %min3A_2156 = arith.minimumf %get3A_2155, %masked_sort3A_2152 : vector<16xf32>
        %masked_sort3A_2157 = arith.constant dense<true> : vector<16xi1>
        %masked_sort3A_2158, %masked_sort3A_2159, %masked_sort3A_2160 = tpu.sort %min3A_2156, %iota3A masked %masked_sort3A_2157 : (vector<16xf32>, vector<16xi32>, vector<16xi1>) -> (vector<16xi1>, vector<16xf32>, vector<16xi32>)
        %swap3A_2161 = arith.constant 0 : index
        %swap3A_2162 = tpu.vector_load %arg8[%swap3A_2161] {strides = array<i32>} : memref<16xf32, #tpu.memory_space<vmem>>, vector<16xf32>,
        tpu.vector_store %arg8[%swap3A_2161], %masked_sort3A_2159 {strides = array<i32>} : memref<16xf32, #tpu.memory_space<vmem>>, vector<16xf32>,
        %masked_sort3A_2163 = arith.constant dense<true> : vector<16xi1>
        %masked_sort3A_2164, %masked_sort3A_2165, %masked_sort3A_2166 = tpu.sort %get3A_1798, %iota3A masked %masked_sort3A_2163 {descending = true} : (vector<16xf32>, vector<16xi32>, vector<16xi1>) -> (vector<16xi1>, vector<16xf32>, vector<16xi32>)
        %get3A_2167 = arith.constant 0 : index
        %get3A_2168 = tpu.vector_load %arg8[%get3A_2167] {strides = array<i32>} : memref<16xf32, #tpu.memory_space<vmem>>, vector<16xf32>,
        %min3A_2169 = arith.minimumf %get3A_2168, %masked_sort3A_2165 : vector<16xf32>
        %masked_sort3A_2170 = arith.constant dense<true> : vector<16xi1>
        %masked_sort3A_2171, %masked_sort3A_2172, %masked_sort3A_2173 = tpu.sort %min3A_2169, %iota3A masked %masked_sort3A_2170 : (vector<16xf32>, vector<16xi32>, vector<16xi1>) -> (vector<16xi1>, vector<16xf32>, vector<16xi32>)
        %swap3A_2174 = arith.constant 0 : index
        %swap3A_2175 = tpu.vector_load %arg8[%swap3A_2174] {strides = array<i32>} : memref<16xf32, #tpu.memory_space<vmem>>, vector<16xf32>,
        tpu.vector_store %arg8[%swap3A_2174], %masked_sort3A_2172 {strides = array<i32>} : memref<16xf32, #tpu.memory_space<vmem>>, vector<16xf32>,
        %masked_sort3A_2176 = arith.constant dense<true> : vector<16xi1>
        %masked_sort3A_2177, %masked_sort3A_2178, %masked_sort3A_2179 = tpu.sort %get3A_1800, %iota3A masked %masked_sort3A_2176 {descending = true} : (vector<16xf32>, vector<16xi32>, vector<16xi1>) -> (vector<16xi1>, vector<16xf32>, vector<16xi32>)
        %get3A_2180 = arith.constant 0 : index
        %get3A_2181 = tpu.vector_load %arg8[%get3A_2180] {strides = array<i32>} : memref<16xf32, #tpu.memory_space<vmem>>, vector<16xf32>,
        %min3A_2182 = arith.minimumf %get3A_2181, %masked_sort3A_2178 : vector<16xf32>
        %masked_sort3A_2183 = arith.constant dense<true> : vector<16xi1>
        %masked_sort3A_2184, %masked_sort3A_2185, %masked_sort3A_2186 = tpu.sort %min3A_2182, %iota3A masked %masked_sort3A_2183 : (vector<16xf32>, vector<16xi32>, vector<16xi1>) -> (vector<16xi1>, vector<16xf32>, vector<16xi32>)
        %swap3A_2187 = arith.constant 0 : index
        %swap3A_2188 = tpu.vector_load %arg8[%swap3A_2187] {strides = array<i32>} : memref<16xf32, #tpu.memory_space<vmem>>, vector<16xf32>,
        tpu.vector_store %arg8[%swap3A_2187], %masked_sort3A_2185 {strides = array<i32>} : memref<16xf32, #tpu.memory_space<vmem>>, vector<16xf32>,
        %masked_sort3A_2189 = arith.constant dense<true> : vector<16xi1>
        %masked_sort3A_2190, %masked_sort3A_2191, %masked_sort3A_2192 = tpu.sort %get3A_1802, %iota3A masked %masked_sort3A_2189 {descending = true} : (vector<16xf32>, vector<16xi32>, vector<16xi1>) -> (vector<16xi1>, vector<16xf32>, vector<16xi32>)
        %get3A_2193 = arith.constant 0 : index
        %get3A_2194 = tpu.vector_load %arg8[%get3A_2193] {strides = array<i32>} : memref<16xf32, #tpu.memory_space<vmem>>, vector<16xf32>,
        %min3A_2195 = arith.minimumf %get3A_2194, %masked_sort3A_2191 : vector<16xf32>
        %masked_sort3A_2196 = arith.constant dense<true> : vector<16xi1>
        %masked_sort3A_2197, %masked_sort3A_2198, %masked_sort3A_2199 = tpu.sort %min3A_2195, %iota3A masked %masked_sort3A_2196 : (vector<16xf32>, vector<16xi32>, vector<16xi1>) -> (vector<16xi1>, vector<16xf32>, vector<16xi32>)
        %swap3A_2200 = arith.constant 0 : index
        %swap3A_2201 = tpu.vector_load %arg8[%swap3A_2200] {strides = array<i32>} : memref<16xf32, #tpu.memory_space<vmem>>, vector<16xf32>,
        tpu.vector_store %arg8[%swap3A_2200], %masked_sort3A_2198 {strides = array<i32>} : memref<16xf32, #tpu.memory_space<vmem>>, vector<16xf32>,
        %masked_sort3A_2202 = arith.constant dense<true> : vector<16xi1>
        %masked_sort3A_2203, %masked_sort3A_2204, %masked_sort3A_2205 = tpu.sort %get3A_1804, %iota3A masked %masked_sort3A_2202 {descending = true} : (vector<16xf32>, vector<16xi32>, vector<16xi1>) -> (vector<16xi1>, vector<16xf32>, vector<16xi32>)
        %get3A_2206 = arith.constant 0 : index
        %get3A_2207 = tpu.vector_load %arg8[%get3A_2206] {strides = array<i32>} : memref<16xf32, #tpu.memory_space<vmem>>, vector<16xf32>,
        %min3A_2208 = arith.minimumf %get3A_2207, %masked_sort3A_2204 : vector<16xf32>
        %masked_sort3A_2209 = arith.constant dense<true> : vector<16xi1>
        %masked_sort3A_2210, %masked_sort3A_2211, %masked_sort3A_2212 = tpu.sort %min3A_2208, %iota3A masked %masked_sort3A_2209 : (vector<16xf32>, vector<16xi32>, vector<16xi1>) -> (vector<16xi1>, vector<16xf32>, vector<16xi32>)
        %swap3A_2213 = arith.constant 0 : index
        %swap3A_2214 = tpu.vector_load %arg8[%swap3A_2213] {strides = array<i32>} : memref<16xf32, #tpu.memory_space<vmem>>, vector<16xf32>,
        tpu.vector_store %arg8[%swap3A_2213], %masked_sort3A_2211 {strides = array<i32>} : memref<16xf32, #tpu.memory_space<vmem>>, vector<16xf32>,
      } else {
      }
      %get3A_1824 = arith.constant 1408 : index
      %get3A_1825 = tpu.vector_load %arg6[%get3A_1824] {strides = array<i32>} : memref<2304xf32, #tpu.memory_space<vmem>>, vector<16xf32>,
      %get3A_1826 = arith.constant 1424 : index
      %get3A_1827 = tpu.vector_load %arg6[%get3A_1826] {strides = array<i32>} : memref<2304xf32, #tpu.memory_space<vmem>>, vector<16xf32>,
      %get3A_1828 = arith.constant 1440 : index
      %get3A_1829 = tpu.vector_load %arg6[%get3A_1828] {strides = array<i32>} : memref<2304xf32, #tpu.memory_space<vmem>>, vector<16xf32>,
      %get3A_1830 = arith.constant 1456 : index
      %get3A_1831 = tpu.vector_load %arg6[%get3A_1830] {strides = array<i32>} : memref<2304xf32, #tpu.memory_space<vmem>>, vector<16xf32>,
      %get3A_1832 = arith.constant 1472 : index
      %get3A_1833 = tpu.vector_load %arg6[%get3A_1832] {strides = array<i32>} : memref<2304xf32, #tpu.memory_space<vmem>>, vector<16xf32>,
      %get3A_1834 = arith.constant 1488 : index
      %get3A_1835 = tpu.vector_load %arg6[%get3A_1834] {strides = array<i32>} : memref<2304xf32, #tpu.memory_space<vmem>>, vector<16xf32>,
      %get3A_1836 = arith.constant 1504 : index
      %get3A_1837 = tpu.vector_load %arg6[%get3A_1836] {strides = array<i32>} : memref<2304xf32, #tpu.memory_space<vmem>>, vector<16xf32>,
      %get3A_1838 = arith.constant 1520 : index
      %get3A_1839 = tpu.vector_load %arg6[%get3A_1838] {strides = array<i32>} : memref<2304xf32, #tpu.memory_space<vmem>>, vector<16xf32>,
      %min3A_1840 = arith.minimumf %get3A_1825, %get3A_1827 : vector<16xf32>
      %min3A_1841 = arith.minimumf %min3A_1840, %get3A_1829 : vector<16xf32>
      %min3A_1842 = arith.minimumf %min3A_1841, %get3A_1831 : vector<16xf32>
      %min3A_1843 = arith.minimumf %min3A_1842, %get3A_1833 : vector<16xf32>
      %min3A_1844 = arith.minimumf %min3A_1843, %get3A_1835 : vector<16xf32>
      %min3A_1845 = arith.minimumf %min3A_1844, %get3A_1837 : vector<16xf32>
      %min3A_1846 = arith.minimumf %min3A_1845, %get3A_1839 : vector<16xf32>
      %le3A_1847 = vector.broadcast %reduce_max3A_1143 : f32 to vector<16xf32>
      %le3A_1848 = arith.cmpf ole, %min3A_1846, %le3A_1847 : vector<16xf32>
      %convert_element_type3A_1849 = arith.extui %le3A_1848 : vector<16xi1> to vector<16xi32>
      %reduce_sum3A_1850 = arith.constant true
      %reduce_sum3A_1851 = vector.broadcast %reduce_sum3A_1850 : i1 to vector<16xi1>
      %reduce_sum3A_1852 = tpu.scan <sum>, %convert_element_type3A_1849 masked %reduce_sum3A_1851 : vector<16xi32>, vector<16xi1> -> vector<16xi32>
      %reduce_sum3A_1853 = vector.extract %reduce_sum3A_1852[15] : i32 from vector<16xi32>
      %gt3A_1854 = arith.constant 0 : i32
      %gt3A_1855 = arith.cmpi sgt, %reduce_sum3A_1853, %gt3A_1854 : i32
      %convert_element_type3A_1856 = arith.extui %gt3A_1855 : i1 to i32
      %cond3A_1857 = arith.constant 0 : i32
      %cond3A_1858 = arith.cmpi ne, %convert_element_type3A_1856, %cond3A_1857 : i32
      scf.if %cond3A_1858 {
        %masked_sort3A_2111 = arith.constant dense<true> : vector<16xi1>
        %masked_sort3A_2112, %masked_sort3A_2113, %masked_sort3A_2114 = tpu.sort %get3A_1825, %iota3A masked %masked_sort3A_2111 {descending = true} : (vector<16xf32>, vector<16xi32>, vector<16xi1>) -> (vector<16xi1>, vector<16xf32>, vector<16xi32>)
        %get3A_2115 = arith.constant 0 : index
        %get3A_2116 = tpu.vector_load %arg8[%get3A_2115] {strides = array<i32>} : memref<16xf32, #tpu.memory_space<vmem>>, vector<16xf32>,
        %min3A_2117 = arith.minimumf %get3A_2116, %masked_sort3A_2113 : vector<16xf32>
        %masked_sort3A_2118 = arith.constant dense<true> : vector<16xi1>
        %masked_sort3A_2119, %masked_sort3A_2120, %masked_sort3A_2121 = tpu.sort %min3A_2117, %iota3A masked %masked_sort3A_2118 : (vector<16xf32>, vector<16xi32>, vector<16xi1>) -> (vector<16xi1>, vector<16xf32>, vector<16xi32>)
        %swap3A_2122 = arith.constant 0 : index
        %swap3A_2123 = tpu.vector_load %arg8[%swap3A_2122] {strides = array<i32>} : memref<16xf32, #tpu.memory_space<vmem>>, vector<16xf32>,
        tpu.vector_store %arg8[%swap3A_2122], %masked_sort3A_2120 {strides = array<i32>} : memref<16xf32, #tpu.memory_space<vmem>>, vector<16xf32>,
        %masked_sort3A_2124 = arith.constant dense<true> : vector<16xi1>
        %masked_sort3A_2125, %masked_sort3A_2126, %masked_sort3A_2127 = tpu.sort %get3A_1827, %iota3A masked %masked_sort3A_2124 {descending = true} : (vector<16xf32>, vector<16xi32>, vector<16xi1>) -> (vector<16xi1>, vector<16xf32>, vector<16xi32>)
        %get3A_2128 = arith.constant 0 : index
        %get3A_2129 = tpu.vector_load %arg8[%get3A_2128] {strides = array<i32>} : memref<16xf32, #tpu.memory_space<vmem>>, vector<16xf32>,
        %min3A_2130 = arith.minimumf %get3A_2129, %masked_sort3A_2126 : vector<16xf32>
        %masked_sort3A_2131 = arith.constant dense<true> : vector<16xi1>
        %masked_sort3A_2132, %masked_sort3A_2133, %masked_sort3A_2134 = tpu.sort %min3A_2130, %iota3A masked %masked_sort3A_2131 : (vector<16xf32>, vector<16xi32>, vector<16xi1>) -> (vector<16xi1>, vector<16xf32>, vector<16xi32>)
        %swap3A_2135 = arith.constant 0 : index
        %swap3A_2136 = tpu.vector_load %arg8[%swap3A_2135] {strides = array<i32>} : memref<16xf32, #tpu.memory_space<vmem>>, vector<16xf32>,
        tpu.vector_store %arg8[%swap3A_2135], %masked_sort3A_2133 {strides = array<i32>} : memref<16xf32, #tpu.memory_space<vmem>>, vector<16xf32>,
        %masked_sort3A_2137 = arith.constant dense<true> : vector<16xi1>
        %masked_sort3A_2138, %masked_sort3A_2139, %masked_sort3A_2140 = tpu.sort %get3A_1829, %iota3A masked %masked_sort3A_2137 {descending = true} : (vector<16xf32>, vector<16xi32>, vector<16xi1>) -> (vector<16xi1>, vector<16xf32>, vector<16xi32>)
        %get3A_2141 = arith.constant 0 : index
        %get3A_2142 = tpu.vector_load %arg8[%get3A_2141] {strides = array<i32>} : memref<16xf32, #tpu.memory_space<vmem>>, vector<16xf32>,
        %min3A_2143 = arith.minimumf %get3A_2142, %masked_sort3A_2139 : vector<16xf32>
        %masked_sort3A_2144 = arith.constant dense<true> : vector<16xi1>
        %masked_sort3A_2145, %masked_sort3A_2146, %masked_sort3A_2147 = tpu.sort %min3A_2143, %iota3A masked %masked_sort3A_2144 : (vector<16xf32>, vector<16xi32>, vector<16xi1>) -> (vector<16xi1>, vector<16xf32>, vector<16xi32>)
        %swap3A_2148 = arith.constant 0 : index
        %swap3A_2149 = tpu.vector_load %arg8[%swap3A_2148] {strides = array<i32>} : memref<16xf32, #tpu.memory_space<vmem>>, vector<16xf32>,
        tpu.vector_store %arg8[%swap3A_2148], %masked_sort3A_2146 {strides = array<i32>} : memref<16xf32, #tpu.memory_space<vmem>>, vector<16xf32>,
        %masked_sort3A_2150 = arith.constant dense<true> : vector<16xi1>
        %masked_sort3A_2151, %masked_sort3A_2152, %masked_sort3A_2153 = tpu.sort %get3A_1831, %iota3A masked %masked_sort3A_2150 {descending = true} : (vector<16xf32>, vector<16xi32>, vector<16xi1>) -> (vector<16xi1>, vector<16xf32>, vector<16xi32>)
        %get3A_2154 = arith.constant 0 : index
        %get3A_2155 = tpu.vector_load %arg8[%get3A_2154] {strides = array<i32>} : memref<16xf32, #tpu.memory_space<vmem>>, vector<16xf32>,
        %min3A_2156 = arith.minimumf %get3A_2155, %masked_sort3A_2152 : vector<16xf32>
        %masked_sort3A_2157 = arith.constant dense<true> : vector<16xi1>
        %masked_sort3A_2158, %masked_sort3A_2159, %masked_sort3A_2160 = tpu.sort %min3A_2156, %iota3A masked %masked_sort3A_2157 : (vector<16xf32>, vector<16xi32>, vector<16xi1>) -> (vector<16xi1>, vector<16xf32>, vector<16xi32>)
        %swap3A_2161 = arith.constant 0 : index
        %swap3A_2162 = tpu.vector_load %arg8[%swap3A_2161] {strides = array<i32>} : memref<16xf32, #tpu.memory_space<vmem>>, vector<16xf32>,
        tpu.vector_store %arg8[%swap3A_2161], %masked_sort3A_2159 {strides = array<i32>} : memref<16xf32, #tpu.memory_space<vmem>>, vector<16xf32>,
        %masked_sort3A_2163 = arith.constant dense<true> : vector<16xi1>
        %masked_sort3A_2164, %masked_sort3A_2165, %masked_sort3A_2166 = tpu.sort %get3A_1833, %iota3A masked %masked_sort3A_2163 {descending = true} : (vector<16xf32>, vector<16xi32>, vector<16xi1>) -> (vector<16xi1>, vector<16xf32>, vector<16xi32>)
        %get3A_2167 = arith.constant 0 : index
        %get3A_2168 = tpu.vector_load %arg8[%get3A_2167] {strides = array<i32>} : memref<16xf32, #tpu.memory_space<vmem>>, vector<16xf32>,
        %min3A_2169 = arith.minimumf %get3A_2168, %masked_sort3A_2165 : vector<16xf32>
        %masked_sort3A_2170 = arith.constant dense<true> : vector<16xi1>
        %masked_sort3A_2171, %masked_sort3A_2172, %masked_sort3A_2173 = tpu.sort %min3A_2169, %iota3A masked %masked_sort3A_2170 : (vector<16xf32>, vector<16xi32>, vector<16xi1>) -> (vector<16xi1>, vector<16xf32>, vector<16xi32>)
        %swap3A_2174 = arith.constant 0 : index
        %swap3A_2175 = tpu.vector_load %arg8[%swap3A_2174] {strides = array<i32>} : memref<16xf32, #tpu.memory_space<vmem>>, vector<16xf32>,
        tpu.vector_store %arg8[%swap3A_2174], %masked_sort3A_2172 {strides = array<i32>} : memref<16xf32, #tpu.memory_space<vmem>>, vector<16xf32>,
        %masked_sort3A_2176 = arith.constant dense<true> : vector<16xi1>
        %masked_sort3A_2177, %masked_sort3A_2178, %masked_sort3A_2179 = tpu.sort %get3A_1835, %iota3A masked %masked_sort3A_2176 {descending = true} : (vector<16xf32>, vector<16xi32>, vector<16xi1>) -> (vector<16xi1>, vector<16xf32>, vector<16xi32>)
        %get3A_2180 = arith.constant 0 : index
        %get3A_2181 = tpu.vector_load %arg8[%get3A_2180] {strides = array<i32>} : memref<16xf32, #tpu.memory_space<vmem>>, vector<16xf32>,
        %min3A_2182 = arith.minimumf %get3A_2181, %masked_sort3A_2178 : vector<16xf32>
        %masked_sort3A_2183 = arith.constant dense<true> : vector<16xi1>
        %masked_sort3A_2184, %masked_sort3A_2185, %masked_sort3A_2186 = tpu.sort %min3A_2182, %iota3A masked %masked_sort3A_2183 : (vector<16xf32>, vector<16xi32>, vector<16xi1>) -> (vector<16xi1>, vector<16xf32>, vector<16xi32>)
        %swap3A_2187 = arith.constant 0 : index
        %swap3A_2188 = tpu.vector_load %arg8[%swap3A_2187] {strides = array<i32>} : memref<16xf32, #tpu.memory_space<vmem>>, vector<16xf32>,
        tpu.vector_store %arg8[%swap3A_2187], %masked_sort3A_2185 {strides = array<i32>} : memref<16xf32, #tpu.memory_space<vmem>>, vector<16xf32>,
        %masked_sort3A_2189 = arith.constant dense<true> : vector<16xi1>
        %masked_sort3A_2190, %masked_sort3A_2191, %masked_sort3A_2192 = tpu.sort %get3A_1837, %iota3A masked %masked_sort3A_2189 {descending = true} : (vector<16xf32>, vector<16xi32>, vector<16xi1>) -> (vector<16xi1>, vector<16xf32>, vector<16xi32>)
        %get3A_2193 = arith.constant 0 : index
        %get3A_2194 = tpu.vector_load %arg8[%get3A_2193] {strides = array<i32>} : memref<16xf32, #tpu.memory_space<vmem>>, vector<16xf32>,
        %min3A_2195 = arith.minimumf %get3A_2194, %masked_sort3A_2191 : vector<16xf32>
        %masked_sort3A_2196 = arith.constant dense<true> : vector<16xi1>
        %masked_sort3A_2197, %masked_sort3A_2198, %masked_sort3A_2199 = tpu.sort %min3A_2195, %iota3A masked %masked_sort3A_2196 : (vector<16xf32>, vector<16xi32>, vector<16xi1>) -> (vector<16xi1>, vector<16xf32>, vector<16xi32>)
        %swap3A_2200 = arith.constant 0 : index
        %swap3A_2201 = tpu.vector_load %arg8[%swap3A_2200] {strides = array<i32>} : memref<16xf32, #tpu.memory_space<vmem>>, vector<16xf32>,
        tpu.vector_store %arg8[%swap3A_2200], %masked_sort3A_2198 {strides = array<i32>} : memref<16xf32, #tpu.memory_space<vmem>>, vector<16xf32>,
        %masked_sort3A_2202 = arith.constant dense<true> : vector<16xi1>
        %masked_sort3A_2203, %masked_sort3A_2204, %masked_sort3A_2205 = tpu.sort %get3A_1839, %iota3A masked %masked_sort3A_2202 {descending = true} : (vector<16xf32>, vector<16xi32>, vector<16xi1>) -> (vector<16xi1>, vector<16xf32>, vector<16xi32>)
        %get3A_2206 = arith.constant 0 : index
        %get3A_2207 = tpu.vector_load %arg8[%get3A_2206] {strides = array<i32>} : memref<16xf32, #tpu.memory_space<vmem>>, vector<16xf32>,
        %min3A_2208 = arith.minimumf %get3A_2207, %masked_sort3A_2204 : vector<16xf32>
        %masked_sort3A_2209 = arith.constant dense<true> : vector<16xi1>
        %masked_sort3A_2210, %masked_sort3A_2211, %masked_sort3A_2212 = tpu.sort %min3A_2208, %iota3A masked %masked_sort3A_2209 : (vector<16xf32>, vector<16xi32>, vector<16xi1>) -> (vector<16xi1>, vector<16xf32>, vector<16xi32>)
        %swap3A_2213 = arith.constant 0 : index
        %swap3A_2214 = tpu.vector_load %arg8[%swap3A_2213] {strides = array<i32>} : memref<16xf32, #tpu.memory_space<vmem>>, vector<16xf32>,
        tpu.vector_store %arg8[%swap3A_2213], %masked_sort3A_2211 {strides = array<i32>} : memref<16xf32, #tpu.memory_space<vmem>>, vector<16xf32>,
      } else {
      }
      %get3A_1859 = arith.constant 1536 : index
      %get3A_1860 = tpu.vector_load %arg6[%get3A_1859] {strides = array<i32>} : memref<2304xf32, #tpu.memory_space<vmem>>, vector<16xf32>,
      %get3A_1861 = arith.constant 1552 : index
      %get3A_1862 = tpu.vector_load %arg6[%get3A_1861] {strides = array<i32>} : memref<2304xf32, #tpu.memory_space<vmem>>, vector<16xf32>,
      %get3A_1863 = arith.constant 1568 : index
      %get3A_1864 = tpu.vector_load %arg6[%get3A_1863] {strides = array<i32>} : memref<2304xf32, #tpu.memory_space<vmem>>, vector<16xf32>,
      %get3A_1865 = arith.constant 1584 : index
      %get3A_1866 = tpu.vector_load %arg6[%get3A_1865] {strides = array<i32>} : memref<2304xf32, #tpu.memory_space<vmem>>, vector<16xf32>,
      %get3A_1867 = arith.constant 1600 : index
      %get3A_1868 = tpu.vector_load %arg6[%get3A_1867] {strides = array<i32>} : memref<2304xf32, #tpu.memory_space<vmem>>, vector<16xf32>,
      %get3A_1869 = arith.constant 1616 : index
      %get3A_1870 = tpu.vector_load %arg6[%get3A_1869] {strides = array<i32>} : memref<2304xf32, #tpu.memory_space<vmem>>, vector<16xf32>,
      %get3A_1871 = arith.constant 1632 : index
      %get3A_1872 = tpu.vector_load %arg6[%get3A_1871] {strides = array<i32>} : memref<2304xf32, #tpu.memory_space<vmem>>, vector<16xf32>,
      %get3A_1873 = arith.constant 1648 : index
      %get3A_1874 = tpu.vector_load %arg6[%get3A_1873] {strides = array<i32>} : memref<2304xf32, #tpu.memory_space<vmem>>, vector<16xf32>,
      %min3A_1875 = arith.minimumf %get3A_1860, %get3A_1862 : vector<16xf32>
      %min3A_1876 = arith.minimumf %min3A_1875, %get3A_1864 : vector<16xf32>
      %min3A_1877 = arith.minimumf %min3A_1876, %get3A_1866 : vector<16xf32>
      %min3A_1878 = arith.minimumf %min3A_1877, %get3A_1868 : vector<16xf32>
      %min3A_1879 = arith.minimumf %min3A_1878, %get3A_1870 : vector<16xf32>
      %min3A_1880 = arith.minimumf %min3A_1879, %get3A_1872 : vector<16xf32>
      %min3A_1881 = arith.minimumf %min3A_1880, %get3A_1874 : vector<16xf32>
      %le3A_1882 = vector.broadcast %reduce_max3A_1143 : f32 to vector<16xf32>
      %le3A_1883 = arith.cmpf ole, %min3A_1881, %le3A_1882 : vector<16xf32>
      %convert_element_type3A_1884 = arith.extui %le3A_1883 : vector<16xi1> to vector<16xi32>
      %reduce_sum3A_1885 = arith.constant true
      %reduce_sum3A_1886 = vector.broadcast %reduce_sum3A_1885 : i1 to vector<16xi1>
      %reduce_sum3A_1887 = tpu.scan <sum>, %convert_element_type3A_1884 masked %reduce_sum3A_1886 : vector<16xi32>, vector<16xi1> -> vector<16xi32>
      %reduce_sum3A_1888 = vector.extract %reduce_sum3A_1887[15] : i32 from vector<16xi32>
      %gt3A_1889 = arith.constant 0 : i32
      %gt3A_1890 = arith.cmpi sgt, %reduce_sum3A_1888, %gt3A_1889 : i32
      %convert_element_type3A_1891 = arith.extui %gt3A_1890 : i1 to i32
      %cond3A_1892 = arith.constant 0 : i32
      %cond3A_1893 = arith.cmpi ne, %convert_element_type3A_1891, %cond3A_1892 : i32
      scf.if %cond3A_1893 {
        %masked_sort3A_2111 = arith.constant dense<true> : vector<16xi1>
        %masked_sort3A_2112, %masked_sort3A_2113, %masked_sort3A_2114 = tpu.sort %get3A_1860, %iota3A masked %masked_sort3A_2111 {descending = true} : (vector<16xf32>, vector<16xi32>, vector<16xi1>) -> (vector<16xi1>, vector<16xf32>, vector<16xi32>)
        %get3A_2115 = arith.constant 0 : index
        %get3A_2116 = tpu.vector_load %arg8[%get3A_2115] {strides = array<i32>} : memref<16xf32, #tpu.memory_space<vmem>>, vector<16xf32>,
        %min3A_2117 = arith.minimumf %get3A_2116, %masked_sort3A_2113 : vector<16xf32>
        %masked_sort3A_2118 = arith.constant dense<true> : vector<16xi1>
        %masked_sort3A_2119, %masked_sort3A_2120, %masked_sort3A_2121 = tpu.sort %min3A_2117, %iota3A masked %masked_sort3A_2118 : (vector<16xf32>, vector<16xi32>, vector<16xi1>) -> (vector<16xi1>, vector<16xf32>, vector<16xi32>)
        %swap3A_2122 = arith.constant 0 : index
        %swap3A_2123 = tpu.vector_load %arg8[%swap3A_2122] {strides = array<i32>} : memref<16xf32, #tpu.memory_space<vmem>>, vector<16xf32>,
        tpu.vector_store %arg8[%swap3A_2122], %masked_sort3A_2120 {strides = array<i32>} : memref<16xf32, #tpu.memory_space<vmem>>, vector<16xf32>,
        %masked_sort3A_2124 = arith.constant dense<true> : vector<16xi1>
        %masked_sort3A_2125, %masked_sort3A_2126, %masked_sort3A_2127 = tpu.sort %get3A_1862, %iota3A masked %masked_sort3A_2124 {descending = true} : (vector<16xf32>, vector<16xi32>, vector<16xi1>) -> (vector<16xi1>, vector<16xf32>, vector<16xi32>)
        %get3A_2128 = arith.constant 0 : index
        %get3A_2129 = tpu.vector_load %arg8[%get3A_2128] {strides = array<i32>} : memref<16xf32, #tpu.memory_space<vmem>>, vector<16xf32>,
        %min3A_2130 = arith.minimumf %get3A_2129, %masked_sort3A_2126 : vector<16xf32>
        %masked_sort3A_2131 = arith.constant dense<true> : vector<16xi1>
        %masked_sort3A_2132, %masked_sort3A_2133, %masked_sort3A_2134 = tpu.sort %min3A_2130, %iota3A masked %masked_sort3A_2131 : (vector<16xf32>, vector<16xi32>, vector<16xi1>) -> (vector<16xi1>, vector<16xf32>, vector<16xi32>)
        %swap3A_2135 = arith.constant 0 : index
        %swap3A_2136 = tpu.vector_load %arg8[%swap3A_2135] {strides = array<i32>} : memref<16xf32, #tpu.memory_space<vmem>>, vector<16xf32>,
        tpu.vector_store %arg8[%swap3A_2135], %masked_sort3A_2133 {strides = array<i32>} : memref<16xf32, #tpu.memory_space<vmem>>, vector<16xf32>,
        %masked_sort3A_2137 = arith.constant dense<true> : vector<16xi1>
        %masked_sort3A_2138, %masked_sort3A_2139, %masked_sort3A_2140 = tpu.sort %get3A_1864, %iota3A masked %masked_sort3A_2137 {descending = true} : (vector<16xf32>, vector<16xi32>, vector<16xi1>) -> (vector<16xi1>, vector<16xf32>, vector<16xi32>)
        %get3A_2141 = arith.constant 0 : index
        %get3A_2142 = tpu.vector_load %arg8[%get3A_2141] {strides = array<i32>} : memref<16xf32, #tpu.memory_space<vmem>>, vector<16xf32>,
        %min3A_2143 = arith.minimumf %get3A_2142, %masked_sort3A_2139 : vector<16xf32>
        %masked_sort3A_2144 = arith.constant dense<true> : vector<16xi1>
        %masked_sort3A_2145, %masked_sort3A_2146, %masked_sort3A_2147 = tpu.sort %min3A_2143, %iota3A masked %masked_sort3A_2144 : (vector<16xf32>, vector<16xi32>, vector<16xi1>) -> (vector<16xi1>, vector<16xf32>, vector<16xi32>)
        %swap3A_2148 = arith.constant 0 : index
        %swap3A_2149 = tpu.vector_load %arg8[%swap3A_2148] {strides = array<i32>} : memref<16xf32, #tpu.memory_space<vmem>>, vector<16xf32>,
        tpu.vector_store %arg8[%swap3A_2148], %masked_sort3A_2146 {strides = array<i32>} : memref<16xf32, #tpu.memory_space<vmem>>, vector<16xf32>,
        %masked_sort3A_2150 = arith.constant dense<true> : vector<16xi1>
        %masked_sort3A_2151, %masked_sort3A_2152, %masked_sort3A_2153 = tpu.sort %get3A_1866, %iota3A masked %masked_sort3A_2150 {descending = true} : (vector<16xf32>, vector<16xi32>, vector<16xi1>) -> (vector<16xi1>, vector<16xf32>, vector<16xi32>)
        %get3A_2154 = arith.constant 0 : index
        %get3A_2155 = tpu.vector_load %arg8[%get3A_2154] {strides = array<i32>} : memref<16xf32, #tpu.memory_space<vmem>>, vector<16xf32>,
        %min3A_2156 = arith.minimumf %get3A_2155, %masked_sort3A_2152 : vector<16xf32>
        %masked_sort3A_2157 = arith.constant dense<true> : vector<16xi1>
        %masked_sort3A_2158, %masked_sort3A_2159, %masked_sort3A_2160 = tpu.sort %min3A_2156, %iota3A masked %masked_sort3A_2157 : (vector<16xf32>, vector<16xi32>, vector<16xi1>) -> (vector<16xi1>, vector<16xf32>, vector<16xi32>)
        %swap3A_2161 = arith.constant 0 : index
        %swap3A_2162 = tpu.vector_load %arg8[%swap3A_2161] {strides = array<i32>} : memref<16xf32, #tpu.memory_space<vmem>>, vector<16xf32>,
        tpu.vector_store %arg8[%swap3A_2161], %masked_sort3A_2159 {strides = array<i32>} : memref<16xf32, #tpu.memory_space<vmem>>, vector<16xf32>,
        %masked_sort3A_2163 = arith.constant dense<true> : vector<16xi1>
        %masked_sort3A_2164, %masked_sort3A_2165, %masked_sort3A_2166 = tpu.sort %get3A_1868, %iota3A masked %masked_sort3A_2163 {descending = true} : (vector<16xf32>, vector<16xi32>, vector<16xi1>) -> (vector<16xi1>, vector<16xf32>, vector<16xi32>)
        %get3A_2167 = arith.constant 0 : index
        %get3A_2168 = tpu.vector_load %arg8[%get3A_2167] {strides = array<i32>} : memref<16xf32, #tpu.memory_space<vmem>>, vector<16xf32>,
        %min3A_2169 = arith.minimumf %get3A_2168, %masked_sort3A_2165 : vector<16xf32>
        %masked_sort3A_2170 = arith.constant dense<true> : vector<16xi1>
        %masked_sort3A_2171, %masked_sort3A_2172, %masked_sort3A_2173 = tpu.sort %min3A_2169, %iota3A masked %masked_sort3A_2170 : (vector<16xf32>, vector<16xi32>, vector<16xi1>) -> (vector<16xi1>, vector<16xf32>, vector<16xi32>)
        %swap3A_2174 = arith.constant 0 : index
        %swap3A_2175 = tpu.vector_load %arg8[%swap3A_2174] {strides = array<i32>} : memref<16xf32, #tpu.memory_space<vmem>>, vector<16xf32>,
        tpu.vector_store %arg8[%swap3A_2174], %masked_sort3A_2172 {strides = array<i32>} : memref<16xf32, #tpu.memory_space<vmem>>, vector<16xf32>,
        %masked_sort3A_2176 = arith.constant dense<true> : vector<16xi1>
        %masked_sort3A_2177, %masked_sort3A_2178, %masked_sort3A_2179 = tpu.sort %get3A_1870, %iota3A masked %masked_sort3A_2176 {descending = true} : (vector<16xf32>, vector<16xi32>, vector<16xi1>) -> (vector<16xi1>, vector<16xf32>, vector<16xi32>)
        %get3A_2180 = arith.constant 0 : index
        %get3A_2181 = tpu.vector_load %arg8[%get3A_2180] {strides = array<i32>} : memref<16xf32, #tpu.memory_space<vmem>>, vector<16xf32>,
        %min3A_2182 = arith.minimumf %get3A_2181, %masked_sort3A_2178 : vector<16xf32>
        %masked_sort3A_2183 = arith.constant dense<true> : vector<16xi1>
        %masked_sort3A_2184, %masked_sort3A_2185, %masked_sort3A_2186 = tpu.sort %min3A_2182, %iota3A masked %masked_sort3A_2183 : (vector<16xf32>, vector<16xi32>, vector<16xi1>) -> (vector<16xi1>, vector<16xf32>, vector<16xi32>)
        %swap3A_2187 = arith.constant 0 : index
        %swap3A_2188 = tpu.vector_load %arg8[%swap3A_2187] {strides = array<i32>} : memref<16xf32, #tpu.memory_space<vmem>>, vector<16xf32>,
        tpu.vector_store %arg8[%swap3A_2187], %masked_sort3A_2185 {strides = array<i32>} : memref<16xf32, #tpu.memory_space<vmem>>, vector<16xf32>,
        %masked_sort3A_2189 = arith.constant dense<true> : vector<16xi1>
        %masked_sort3A_2190, %masked_sort3A_2191, %masked_sort3A_2192 = tpu.sort %get3A_1872, %iota3A masked %masked_sort3A_2189 {descending = true} : (vector<16xf32>, vector<16xi32>, vector<16xi1>) -> (vector<16xi1>, vector<16xf32>, vector<16xi32>)
        %get3A_2193 = arith.constant 0 : index
        %get3A_2194 = tpu.vector_load %arg8[%get3A_2193] {strides = array<i32>} : memref<16xf32, #tpu.memory_space<vmem>>, vector<16xf32>,
        %min3A_2195 = arith.minimumf %get3A_2194, %masked_sort3A_2191 : vector<16xf32>
        %masked_sort3A_2196 = arith.constant dense<true> : vector<16xi1>
        %masked_sort3A_2197, %masked_sort3A_2198, %masked_sort3A_2199 = tpu.sort %min3A_2195, %iota3A masked %masked_sort3A_2196 : (vector<16xf32>, vector<16xi32>, vector<16xi1>) -> (vector<16xi1>, vector<16xf32>, vector<16xi32>)
        %swap3A_2200 = arith.constant 0 : index
        %swap3A_2201 = tpu.vector_load %arg8[%swap3A_2200] {strides = array<i32>} : memref<16xf32, #tpu.memory_space<vmem>>, vector<16xf32>,
        tpu.vector_store %arg8[%swap3A_2200], %masked_sort3A_2198 {strides = array<i32>} : memref<16xf32, #tpu.memory_space<vmem>>, vector<16xf32>,
        %masked_sort3A_2202 = arith.constant dense<true> : vector<16xi1>
        %masked_sort3A_2203, %masked_sort3A_2204, %masked_sort3A_2205 = tpu.sort %get3A_1874, %iota3A masked %masked_sort3A_2202 {descending = true} : (vector<16xf32>, vector<16xi32>, vector<16xi1>) -> (vector<16xi1>, vector<16xf32>, vector<16xi32>)
        %get3A_2206 = arith.constant 0 : index
        %get3A_2207 = tpu.vector_load %arg8[%get3A_2206] {strides = array<i32>} : memref<16xf32, #tpu.memory_space<vmem>>, vector<16xf32>,
        %min3A_2208 = arith.minimumf %get3A_2207, %masked_sort3A_2204 : vector<16xf32>
        %masked_sort3A_2209 = arith.constant dense<true> : vector<16xi1>
        %masked_sort3A_2210, %masked_sort3A_2211, %masked_sort3A_2212 = tpu.sort %min3A_2208, %iota3A masked %masked_sort3A_2209 : (vector<16xf32>, vector<16xi32>, vector<16xi1>) -> (vector<16xi1>, vector<16xf32>, vector<16xi32>)
        %swap3A_2213 = arith.constant 0 : index
        %swap3A_2214 = tpu.vector_load %arg8[%swap3A_2213] {strides = array<i32>} : memref<16xf32, #tpu.memory_space<vmem>>, vector<16xf32>,
        tpu.vector_store %arg8[%swap3A_2213], %masked_sort3A_2211 {strides = array<i32>} : memref<16xf32, #tpu.memory_space<vmem>>, vector<16xf32>,
      } else {
      }
      %get3A_1894 = arith.constant 1664 : index
      %get3A_1895 = tpu.vector_load %arg6[%get3A_1894] {strides = array<i32>} : memref<2304xf32, #tpu.memory_space<vmem>>, vector<16xf32>,
      %get3A_1896 = arith.constant 1680 : index
      %get3A_1897 = tpu.vector_load %arg6[%get3A_1896] {strides = array<i32>} : memref<2304xf32, #tpu.memory_space<vmem>>, vector<16xf32>,
      %get3A_1898 = arith.constant 1696 : index
      %get3A_1899 = tpu.vector_load %arg6[%get3A_1898] {strides = array<i32>} : memref<2304xf32, #tpu.memory_space<vmem>>, vector<16xf32>,
      %get3A_1900 = arith.constant 1712 : index
      %get3A_1901 = tpu.vector_load %arg6[%get3A_1900] {strides = array<i32>} : memref<2304xf32, #tpu.memory_space<vmem>>, vector<16xf32>,
      %get3A_1902 = arith.constant 1728 : index
      %get3A_1903 = tpu.vector_load %arg6[%get3A_1902] {strides = array<i32>} : memref<2304xf32, #tpu.memory_space<vmem>>, vector<16xf32>,
      %get3A_1904 = arith.constant 1744 : index
      %get3A_1905 = tpu.vector_load %arg6[%get3A_1904] {strides = array<i32>} : memref<2304xf32, #tpu.memory_space<vmem>>, vector<16xf32>,
      %get3A_1906 = arith.constant 1760 : index
      %get3A_1907 = tpu.vector_load %arg6[%get3A_1906] {strides = array<i32>} : memref<2304xf32, #tpu.memory_space<vmem>>, vector<16xf32>,
      %get3A_1908 = arith.constant 1776 : index
      %get3A_1909 = tpu.vector_load %arg6[%get3A_1908] {strides = array<i32>} : memref<2304xf32, #tpu.memory_space<vmem>>, vector<16xf32>,
      %min3A_1910 = arith.minimumf %get3A_1895, %get3A_1897 : vector<16xf32>
      %min3A_1911 = arith.minimumf %min3A_1910, %get3A_1899 : vector<16xf32>
      %min3A_1912 = arith.minimumf %min3A_1911, %get3A_1901 : vector<16xf32>
      %min3A_1913 = arith.minimumf %min3A_1912, %get3A_1903 : vector<16xf32>
      %min3A_1914 = arith.minimumf %min3A_1913, %get3A_1905 : vector<16xf32>
      %min3A_1915 = arith.minimumf %min3A_1914, %get3A_1907 : vector<16xf32>
      %min3A_1916 = arith.minimumf %min3A_1915, %get3A_1909 : vector<16xf32>
      %le3A_1917 = vector.broadcast %reduce_max3A_1143 : f32 to vector<16xf32>
      %le3A_1918 = arith.cmpf ole, %min3A_1916, %le3A_1917 : vector<16xf32>
      %convert_element_type3A_1919 = arith.extui %le3A_1918 : vector<16xi1> to vector<16xi32>
      %reduce_sum3A_1920 = arith.constant true
      %reduce_sum3A_1921 = vector.broadcast %reduce_sum3A_1920 : i1 to vector<16xi1>
      %reduce_sum3A_1922 = tpu.scan <sum>, %convert_element_type3A_1919 masked %reduce_sum3A_1921 : vector<16xi32>, vector<16xi1> -> vector<16xi32>
      %reduce_sum3A_1923 = vector.extract %reduce_sum3A_1922[15] : i32 from vector<16xi32>
      %gt3A_1924 = arith.constant 0 : i32
      %gt3A_1925 = arith.cmpi sgt, %reduce_sum3A_1923, %gt3A_1924 : i32
      %convert_element_type3A_1926 = arith.extui %gt3A_1925 : i1 to i32
      %cond3A_1927 = arith.constant 0 : i32
      %cond3A_1928 = arith.cmpi ne, %convert_element_type3A_1926, %cond3A_1927 : i32
      scf.if %cond3A_1928 {
        %masked_sort3A_2111 = arith.constant dense<true> : vector<16xi1>
        %masked_sort3A_2112, %masked_sort3A_2113, %masked_sort3A_2114 = tpu.sort %get3A_1895, %iota3A masked %masked_sort3A_2111 {descending = true} : (vector<16xf32>, vector<16xi32>, vector<16xi1>) -> (vector<16xi1>, vector<16xf32>, vector<16xi32>)
        %get3A_2115 = arith.constant 0 : index
        %get3A_2116 = tpu.vector_load %arg8[%get3A_2115] {strides = array<i32>} : memref<16xf32, #tpu.memory_space<vmem>>, vector<16xf32>,
        %min3A_2117 = arith.minimumf %get3A_2116, %masked_sort3A_2113 : vector<16xf32>
        %masked_sort3A_2118 = arith.constant dense<true> : vector<16xi1>
        %masked_sort3A_2119, %masked_sort3A_2120, %masked_sort3A_2121 = tpu.sort %min3A_2117, %iota3A masked %masked_sort3A_2118 : (vector<16xf32>, vector<16xi32>, vector<16xi1>) -> (vector<16xi1>, vector<16xf32>, vector<16xi32>)
        %swap3A_2122 = arith.constant 0 : index
        %swap3A_2123 = tpu.vector_load %arg8[%swap3A_2122] {strides = array<i32>} : memref<16xf32, #tpu.memory_space<vmem>>, vector<16xf32>,
        tpu.vector_store %arg8[%swap3A_2122], %masked_sort3A_2120 {strides = array<i32>} : memref<16xf32, #tpu.memory_space<vmem>>, vector<16xf32>,
        %masked_sort3A_2124 = arith.constant dense<true> : vector<16xi1>
        %masked_sort3A_2125, %masked_sort3A_2126, %masked_sort3A_2127 = tpu.sort %get3A_1897, %iota3A masked %masked_sort3A_2124 {descending = true} : (vector<16xf32>, vector<16xi32>, vector<16xi1>) -> (vector<16xi1>, vector<16xf32>, vector<16xi32>)
        %get3A_2128 = arith.constant 0 : index
        %get3A_2129 = tpu.vector_load %arg8[%get3A_2128] {strides = array<i32>} : memref<16xf32, #tpu.memory_space<vmem>>, vector<16xf32>,
        %min3A_2130 = arith.minimumf %get3A_2129, %masked_sort3A_2126 : vector<16xf32>
        %masked_sort3A_2131 = arith.constant dense<true> : vector<16xi1>
        %masked_sort3A_2132, %masked_sort3A_2133, %masked_sort3A_2134 = tpu.sort %min3A_2130, %iota3A masked %masked_sort3A_2131 : (vector<16xf32>, vector<16xi32>, vector<16xi1>) -> (vector<16xi1>, vector<16xf32>, vector<16xi32>)
        %swap3A_2135 = arith.constant 0 : index
        %swap3A_2136 = tpu.vector_load %arg8[%swap3A_2135] {strides = array<i32>} : memref<16xf32, #tpu.memory_space<vmem>>, vector<16xf32>,
        tpu.vector_store %arg8[%swap3A_2135], %masked_sort3A_2133 {strides = array<i32>} : memref<16xf32, #tpu.memory_space<vmem>>, vector<16xf32>,
        %masked_sort3A_2137 = arith.constant dense<true> : vector<16xi1>
        %masked_sort3A_2138, %masked_sort3A_2139, %masked_sort3A_2140 = tpu.sort %get3A_1899, %iota3A masked %masked_sort3A_2137 {descending = true} : (vector<16xf32>, vector<16xi32>, vector<16xi1>) -> (vector<16xi1>, vector<16xf32>, vector<16xi32>)
        %get3A_2141 = arith.constant 0 : index
        %get3A_2142 = tpu.vector_load %arg8[%get3A_2141] {strides = array<i32>} : memref<16xf32, #tpu.memory_space<vmem>>, vector<16xf32>,
        %min3A_2143 = arith.minimumf %get3A_2142, %masked_sort3A_2139 : vector<16xf32>
        %masked_sort3A_2144 = arith.constant dense<true> : vector<16xi1>
        %masked_sort3A_2145, %masked_sort3A_2146, %masked_sort3A_2147 = tpu.sort %min3A_2143, %iota3A masked %masked_sort3A_2144 : (vector<16xf32>, vector<16xi32>, vector<16xi1>) -> (vector<16xi1>, vector<16xf32>, vector<16xi32>)
        %swap3A_2148 = arith.constant 0 : index
        %swap3A_2149 = tpu.vector_load %arg8[%swap3A_2148] {strides = array<i32>} : memref<16xf32, #tpu.memory_space<vmem>>, vector<16xf32>,
        tpu.vector_store %arg8[%swap3A_2148], %masked_sort3A_2146 {strides = array<i32>} : memref<16xf32, #tpu.memory_space<vmem>>, vector<16xf32>,
        %masked_sort3A_2150 = arith.constant dense<true> : vector<16xi1>
        %masked_sort3A_2151, %masked_sort3A_2152, %masked_sort3A_2153 = tpu.sort %get3A_1901, %iota3A masked %masked_sort3A_2150 {descending = true} : (vector<16xf32>, vector<16xi32>, vector<16xi1>) -> (vector<16xi1>, vector<16xf32>, vector<16xi32>)
        %get3A_2154 = arith.constant 0 : index
        %get3A_2155 = tpu.vector_load %arg8[%get3A_2154] {strides = array<i32>} : memref<16xf32, #tpu.memory_space<vmem>>, vector<16xf32>,
        %min3A_2156 = arith.minimumf %get3A_2155, %masked_sort3A_2152 : vector<16xf32>
        %masked_sort3A_2157 = arith.constant dense<true> : vector<16xi1>
        %masked_sort3A_2158, %masked_sort3A_2159, %masked_sort3A_2160 = tpu.sort %min3A_2156, %iota3A masked %masked_sort3A_2157 : (vector<16xf32>, vector<16xi32>, vector<16xi1>) -> (vector<16xi1>, vector<16xf32>, vector<16xi32>)
        %swap3A_2161 = arith.constant 0 : index
        %swap3A_2162 = tpu.vector_load %arg8[%swap3A_2161] {strides = array<i32>} : memref<16xf32, #tpu.memory_space<vmem>>, vector<16xf32>,
        tpu.vector_store %arg8[%swap3A_2161], %masked_sort3A_2159 {strides = array<i32>} : memref<16xf32, #tpu.memory_space<vmem>>, vector<16xf32>,
        %masked_sort3A_2163 = arith.constant dense<true> : vector<16xi1>
        %masked_sort3A_2164, %masked_sort3A_2165, %masked_sort3A_2166 = tpu.sort %get3A_1903, %iota3A masked %masked_sort3A_2163 {descending = true} : (vector<16xf32>, vector<16xi32>, vector<16xi1>) -> (vector<16xi1>, vector<16xf32>, vector<16xi32>)
        %get3A_2167 = arith.constant 0 : index
        %get3A_2168 = tpu.vector_load %arg8[%get3A_2167] {strides = array<i32>} : memref<16xf32, #tpu.memory_space<vmem>>, vector<16xf32>,
        %min3A_2169 = arith.minimumf %get3A_2168, %masked_sort3A_2165 : vector<16xf32>
        %masked_sort3A_2170 = arith.constant dense<true> : vector<16xi1>
        %masked_sort3A_2171, %masked_sort3A_2172, %masked_sort3A_2173 = tpu.sort %min3A_2169, %iota3A masked %masked_sort3A_2170 : (vector<16xf32>, vector<16xi32>, vector<16xi1>) -> (vector<16xi1>, vector<16xf32>, vector<16xi32>)
        %swap3A_2174 = arith.constant 0 : index
        %swap3A_2175 = tpu.vector_load %arg8[%swap3A_2174] {strides = array<i32>} : memref<16xf32, #tpu.memory_space<vmem>>, vector<16xf32>,
        tpu.vector_store %arg8[%swap3A_2174], %masked_sort3A_2172 {strides = array<i32>} : memref<16xf32, #tpu.memory_space<vmem>>, vector<16xf32>,
        %masked_sort3A_2176 = arith.constant dense<true> : vector<16xi1>
        %masked_sort3A_2177, %masked_sort3A_2178, %masked_sort3A_2179 = tpu.sort %get3A_1905, %iota3A masked %masked_sort3A_2176 {descending = true} : (vector<16xf32>, vector<16xi32>, vector<16xi1>) -> (vector<16xi1>, vector<16xf32>, vector<16xi32>)
        %get3A_2180 = arith.constant 0 : index
        %get3A_2181 = tpu.vector_load %arg8[%get3A_2180] {strides = array<i32>} : memref<16xf32, #tpu.memory_space<vmem>>, vector<16xf32>,
        %min3A_2182 = arith.minimumf %get3A_2181, %masked_sort3A_2178 : vector<16xf32>
        %masked_sort3A_2183 = arith.constant dense<true> : vector<16xi1>
        %masked_sort3A_2184, %masked_sort3A_2185, %masked_sort3A_2186 = tpu.sort %min3A_2182, %iota3A masked %masked_sort3A_2183 : (vector<16xf32>, vector<16xi32>, vector<16xi1>) -> (vector<16xi1>, vector<16xf32>, vector<16xi32>)
        %swap3A_2187 = arith.constant 0 : index
        %swap3A_2188 = tpu.vector_load %arg8[%swap3A_2187] {strides = array<i32>} : memref<16xf32, #tpu.memory_space<vmem>>, vector<16xf32>,
        tpu.vector_store %arg8[%swap3A_2187], %masked_sort3A_2185 {strides = array<i32>} : memref<16xf32, #tpu.memory_space<vmem>>, vector<16xf32>,
        %masked_sort3A_2189 = arith.constant dense<true> : vector<16xi1>
        %masked_sort3A_2190, %masked_sort3A_2191, %masked_sort3A_2192 = tpu.sort %get3A_1907, %iota3A masked %masked_sort3A_2189 {descending = true} : (vector<16xf32>, vector<16xi32>, vector<16xi1>) -> (vector<16xi1>, vector<16xf32>, vector<16xi32>)
        %get3A_2193 = arith.constant 0 : index
        %get3A_2194 = tpu.vector_load %arg8[%get3A_2193] {strides = array<i32>} : memref<16xf32, #tpu.memory_space<vmem>>, vector<16xf32>,
        %min3A_2195 = arith.minimumf %get3A_2194, %masked_sort3A_2191 : vector<16xf32>
        %masked_sort3A_2196 = arith.constant dense<true> : vector<16xi1>
        %masked_sort3A_2197, %masked_sort3A_2198, %masked_sort3A_2199 = tpu.sort %min3A_2195, %iota3A masked %masked_sort3A_2196 : (vector<16xf32>, vector<16xi32>, vector<16xi1>) -> (vector<16xi1>, vector<16xf32>, vector<16xi32>)
        %swap3A_2200 = arith.constant 0 : index
        %swap3A_2201 = tpu.vector_load %arg8[%swap3A_2200] {strides = array<i32>} : memref<16xf32, #tpu.memory_space<vmem>>, vector<16xf32>,
        tpu.vector_store %arg8[%swap3A_2200], %masked_sort3A_2198 {strides = array<i32>} : memref<16xf32, #tpu.memory_space<vmem>>, vector<16xf32>,
        %masked_sort3A_2202 = arith.constant dense<true> : vector<16xi1>
        %masked_sort3A_2203, %masked_sort3A_2204, %masked_sort3A_2205 = tpu.sort %get3A_1909, %iota3A masked %masked_sort3A_2202 {descending = true} : (vector<16xf32>, vector<16xi32>, vector<16xi1>) -> (vector<16xi1>, vector<16xf32>, vector<16xi32>)
        %get3A_2206 = arith.constant 0 : index
        %get3A_2207 = tpu.vector_load %arg8[%get3A_2206] {strides = array<i32>} : memref<16xf32, #tpu.memory_space<vmem>>, vector<16xf32>,
        %min3A_2208 = arith.minimumf %get3A_2207, %masked_sort3A_2204 : vector<16xf32>
        %masked_sort3A_2209 = arith.constant dense<true> : vector<16xi1>
        %masked_sort3A_2210, %masked_sort3A_2211, %masked_sort3A_2212 = tpu.sort %min3A_2208, %iota3A masked %masked_sort3A_2209 : (vector<16xf32>, vector<16xi32>, vector<16xi1>) -> (vector<16xi1>, vector<16xf32>, vector<16xi32>)
        %swap3A_2213 = arith.constant 0 : index
        %swap3A_2214 = tpu.vector_load %arg8[%swap3A_2213] {strides = array<i32>} : memref<16xf32, #tpu.memory_space<vmem>>, vector<16xf32>,
        tpu.vector_store %arg8[%swap3A_2213], %masked_sort3A_2211 {strides = array<i32>} : memref<16xf32, #tpu.memory_space<vmem>>, vector<16xf32>,
      } else {
      }
      %get3A_1929 = arith.constant 1792 : index
      %get3A_1930 = tpu.vector_load %arg6[%get3A_1929] {strides = array<i32>} : memref<2304xf32, #tpu.memory_space<vmem>>, vector<16xf32>,
      %get3A_1931 = arith.constant 1808 : index
      %get3A_1932 = tpu.vector_load %arg6[%get3A_1931] {strides = array<i32>} : memref<2304xf32, #tpu.memory_space<vmem>>, vector<16xf32>,
      %get3A_1933 = arith.constant 1824 : index
      %get3A_1934 = tpu.vector_load %arg6[%get3A_1933] {strides = array<i32>} : memref<2304xf32, #tpu.memory_space<vmem>>, vector<16xf32>,
      %get3A_1935 = arith.constant 1840 : index
      %get3A_1936 = tpu.vector_load %arg6[%get3A_1935] {strides = array<i32>} : memref<2304xf32, #tpu.memory_space<vmem>>, vector<16xf32>,
      %get3A_1937 = arith.constant 1856 : index
      %get3A_1938 = tpu.vector_load %arg6[%get3A_1937] {strides = array<i32>} : memref<2304xf32, #tpu.memory_space<vmem>>, vector<16xf32>,
      %get3A_1939 = arith.constant 1872 : index
      %get3A_1940 = tpu.vector_load %arg6[%get3A_1939] {strides = array<i32>} : memref<2304xf32, #tpu.memory_space<vmem>>, vector<16xf32>,
      %get3A_1941 = arith.constant 1888 : index
      %get3A_1942 = tpu.vector_load %arg6[%get3A_1941] {strides = array<i32>} : memref<2304xf32, #tpu.memory_space<vmem>>, vector<16xf32>,
      %get3A_1943 = arith.constant 1904 : index
      %get3A_1944 = tpu.vector_load %arg6[%get3A_1943] {strides = array<i32>} : memref<2304xf32, #tpu.memory_space<vmem>>, vector<16xf32>,
      %min3A_1945 = arith.minimumf %get3A_1930, %get3A_1932 : vector<16xf32>
      %min3A_1946 = arith.minimumf %min3A_1945, %get3A_1934 : vector<16xf32>
      %min3A_1947 = arith.minimumf %min3A_1946, %get3A_1936 : vector<16xf32>
      %min3A_1948 = arith.minimumf %min3A_1947, %get3A_1938 : vector<16xf32>
      %min3A_1949 = arith.minimumf %min3A_1948, %get3A_1940 : vector<16xf32>
      %min3A_1950 = arith.minimumf %min3A_1949, %get3A_1942 : vector<16xf32>
      %min3A_1951 = arith.minimumf %min3A_1950, %get3A_1944 : vector<16xf32>
      %le3A_1952 = vector.broadcast %reduce_max3A_1143 : f32 to vector<16xf32>
      %le3A_1953 = arith.cmpf ole, %min3A_1951, %le3A_1952 : vector<16xf32>
      %convert_element_type3A_1954 = arith.extui %le3A_1953 : vector<16xi1> to vector<16xi32>
      %reduce_sum3A_1955 = arith.constant true
      %reduce_sum3A_1956 = vector.broadcast %reduce_sum3A_1955 : i1 to vector<16xi1>
      %reduce_sum3A_1957 = tpu.scan <sum>, %convert_element_type3A_1954 masked %reduce_sum3A_1956 : vector<16xi32>, vector<16xi1> -> vector<16xi32>
      %reduce_sum3A_1958 = vector.extract %reduce_sum3A_1957[15] : i32 from vector<16xi32>
      %gt3A_1959 = arith.constant 0 : i32
      %gt3A_1960 = arith.cmpi sgt, %reduce_sum3A_1958, %gt3A_1959 : i32
      %convert_element_type3A_1961 = arith.extui %gt3A_1960 : i1 to i32
      %cond3A_1962 = arith.constant 0 : i32
      %cond3A_1963 = arith.cmpi ne, %convert_element_type3A_1961, %cond3A_1962 : i32
      scf.if %cond3A_1963 {
        %masked_sort3A_2111 = arith.constant dense<true> : vector<16xi1>
        %masked_sort3A_2112, %masked_sort3A_2113, %masked_sort3A_2114 = tpu.sort %get3A_1930, %iota3A masked %masked_sort3A_2111 {descending = true} : (vector<16xf32>, vector<16xi32>, vector<16xi1>) -> (vector<16xi1>, vector<16xf32>, vector<16xi32>)
        %get3A_2115 = arith.constant 0 : index
        %get3A_2116 = tpu.vector_load %arg8[%get3A_2115] {strides = array<i32>} : memref<16xf32, #tpu.memory_space<vmem>>, vector<16xf32>,
        %min3A_2117 = arith.minimumf %get3A_2116, %masked_sort3A_2113 : vector<16xf32>
        %masked_sort3A_2118 = arith.constant dense<true> : vector<16xi1>
        %masked_sort3A_2119, %masked_sort3A_2120, %masked_sort3A_2121 = tpu.sort %min3A_2117, %iota3A masked %masked_sort3A_2118 : (vector<16xf32>, vector<16xi32>, vector<16xi1>) -> (vector<16xi1>, vector<16xf32>, vector<16xi32>)
        %swap3A_2122 = arith.constant 0 : index
        %swap3A_2123 = tpu.vector_load %arg8[%swap3A_2122] {strides = array<i32>} : memref<16xf32, #tpu.memory_space<vmem>>, vector<16xf32>,
        tpu.vector_store %arg8[%swap3A_2122], %masked_sort3A_2120 {strides = array<i32>} : memref<16xf32, #tpu.memory_space<vmem>>, vector<16xf32>,
        %masked_sort3A_2124 = arith.constant dense<true> : vector<16xi1>
        %masked_sort3A_2125, %masked_sort3A_2126, %masked_sort3A_2127 = tpu.sort %get3A_1932, %iota3A masked %masked_sort3A_2124 {descending = true} : (vector<16xf32>, vector<16xi32>, vector<16xi1>) -> (vector<16xi1>, vector<16xf32>, vector<16xi32>)
        %get3A_2128 = arith.constant 0 : index
        %get3A_2129 = tpu.vector_load %arg8[%get3A_2128] {strides = array<i32>} : memref<16xf32, #tpu.memory_space<vmem>>, vector<16xf32>,
        %min3A_2130 = arith.minimumf %get3A_2129, %masked_sort3A_2126 : vector<16xf32>
        %masked_sort3A_2131 = arith.constant dense<true> : vector<16xi1>
        %masked_sort3A_2132, %masked_sort3A_2133, %masked_sort3A_2134 = tpu.sort %min3A_2130, %iota3A masked %masked_sort3A_2131 : (vector<16xf32>, vector<16xi32>, vector<16xi1>) -> (vector<16xi1>, vector<16xf32>, vector<16xi32>)
        %swap3A_2135 = arith.constant 0 : index
        %swap3A_2136 = tpu.vector_load %arg8[%swap3A_2135] {strides = array<i32>} : memref<16xf32, #tpu.memory_space<vmem>>, vector<16xf32>,
        tpu.vector_store %arg8[%swap3A_2135], %masked_sort3A_2133 {strides = array<i32>} : memref<16xf32, #tpu.memory_space<vmem>>, vector<16xf32>,
        %masked_sort3A_2137 = arith.constant dense<true> : vector<16xi1>
        %masked_sort3A_2138, %masked_sort3A_2139, %masked_sort3A_2140 = tpu.sort %get3A_1934, %iota3A masked %masked_sort3A_2137 {descending = true} : (vector<16xf32>, vector<16xi32>, vector<16xi1>) -> (vector<16xi1>, vector<16xf32>, vector<16xi32>)
        %get3A_2141 = arith.constant 0 : index
        %get3A_2142 = tpu.vector_load %arg8[%get3A_2141] {strides = array<i32>} : memref<16xf32, #tpu.memory_space<vmem>>, vector<16xf32>,
        %min3A_2143 = arith.minimumf %get3A_2142, %masked_sort3A_2139 : vector<16xf32>
        %masked_sort3A_2144 = arith.constant dense<true> : vector<16xi1>
        %masked_sort3A_2145, %masked_sort3A_2146, %masked_sort3A_2147 = tpu.sort %min3A_2143, %iota3A masked %masked_sort3A_2144 : (vector<16xf32>, vector<16xi32>, vector<16xi1>) -> (vector<16xi1>, vector<16xf32>, vector<16xi32>)
        %swap3A_2148 = arith.constant 0 : index
        %swap3A_2149 = tpu.vector_load %arg8[%swap3A_2148] {strides = array<i32>} : memref<16xf32, #tpu.memory_space<vmem>>, vector<16xf32>,
        tpu.vector_store %arg8[%swap3A_2148], %masked_sort3A_2146 {strides = array<i32>} : memref<16xf32, #tpu.memory_space<vmem>>, vector<16xf32>,
        %masked_sort3A_2150 = arith.constant dense<true> : vector<16xi1>
        %masked_sort3A_2151, %masked_sort3A_2152, %masked_sort3A_2153 = tpu.sort %get3A_1936, %iota3A masked %masked_sort3A_2150 {descending = true} : (vector<16xf32>, vector<16xi32>, vector<16xi1>) -> (vector<16xi1>, vector<16xf32>, vector<16xi32>)
        %get3A_2154 = arith.constant 0 : index
        %get3A_2155 = tpu.vector_load %arg8[%get3A_2154] {strides = array<i32>} : memref<16xf32, #tpu.memory_space<vmem>>, vector<16xf32>,
        %min3A_2156 = arith.minimumf %get3A_2155, %masked_sort3A_2152 : vector<16xf32>
        %masked_sort3A_2157 = arith.constant dense<true> : vector<16xi1>
        %masked_sort3A_2158, %masked_sort3A_2159, %masked_sort3A_2160 = tpu.sort %min3A_2156, %iota3A masked %masked_sort3A_2157 : (vector<16xf32>, vector<16xi32>, vector<16xi1>) -> (vector<16xi1>, vector<16xf32>, vector<16xi32>)
        %swap3A_2161 = arith.constant 0 : index
        %swap3A_2162 = tpu.vector_load %arg8[%swap3A_2161] {strides = array<i32>} : memref<16xf32, #tpu.memory_space<vmem>>, vector<16xf32>,
        tpu.vector_store %arg8[%swap3A_2161], %masked_sort3A_2159 {strides = array<i32>} : memref<16xf32, #tpu.memory_space<vmem>>, vector<16xf32>,
        %masked_sort3A_2163 = arith.constant dense<true> : vector<16xi1>
        %masked_sort3A_2164, %masked_sort3A_2165, %masked_sort3A_2166 = tpu.sort %get3A_1938, %iota3A masked %masked_sort3A_2163 {descending = true} : (vector<16xf32>, vector<16xi32>, vector<16xi1>) -> (vector<16xi1>, vector<16xf32>, vector<16xi32>)
        %get3A_2167 = arith.constant 0 : index
        %get3A_2168 = tpu.vector_load %arg8[%get3A_2167] {strides = array<i32>} : memref<16xf32, #tpu.memory_space<vmem>>, vector<16xf32>,
        %min3A_2169 = arith.minimumf %get3A_2168, %masked_sort3A_2165 : vector<16xf32>
        %masked_sort3A_2170 = arith.constant dense<true> : vector<16xi1>
        %masked_sort3A_2171, %masked_sort3A_2172, %masked_sort3A_2173 = tpu.sort %min3A_2169, %iota3A masked %masked_sort3A_2170 : (vector<16xf32>, vector<16xi32>, vector<16xi1>) -> (vector<16xi1>, vector<16xf32>, vector<16xi32>)
        %swap3A_2174 = arith.constant 0 : index
        %swap3A_2175 = tpu.vector_load %arg8[%swap3A_2174] {strides = array<i32>} : memref<16xf32, #tpu.memory_space<vmem>>, vector<16xf32>,
        tpu.vector_store %arg8[%swap3A_2174], %masked_sort3A_2172 {strides = array<i32>} : memref<16xf32, #tpu.memory_space<vmem>>, vector<16xf32>,
        %masked_sort3A_2176 = arith.constant dense<true> : vector<16xi1>
        %masked_sort3A_2177, %masked_sort3A_2178, %masked_sort3A_2179 = tpu.sort %get3A_1940, %iota3A masked %masked_sort3A_2176 {descending = true} : (vector<16xf32>, vector<16xi32>, vector<16xi1>) -> (vector<16xi1>, vector<16xf32>, vector<16xi32>)
        %get3A_2180 = arith.constant 0 : index
        %get3A_2181 = tpu.vector_load %arg8[%get3A_2180] {strides = array<i32>} : memref<16xf32, #tpu.memory_space<vmem>>, vector<16xf32>,
        %min3A_2182 = arith.minimumf %get3A_2181, %masked_sort3A_2178 : vector<16xf32>
        %masked_sort3A_2183 = arith.constant dense<true> : vector<16xi1>
        %masked_sort3A_2184, %masked_sort3A_2185, %masked_sort3A_2186 = tpu.sort %min3A_2182, %iota3A masked %masked_sort3A_2183 : (vector<16xf32>, vector<16xi32>, vector<16xi1>) -> (vector<16xi1>, vector<16xf32>, vector<16xi32>)
        %swap3A_2187 = arith.constant 0 : index
        %swap3A_2188 = tpu.vector_load %arg8[%swap3A_2187] {strides = array<i32>} : memref<16xf32, #tpu.memory_space<vmem>>, vector<16xf32>,
        tpu.vector_store %arg8[%swap3A_2187], %masked_sort3A_2185 {strides = array<i32>} : memref<16xf32, #tpu.memory_space<vmem>>, vector<16xf32>,
        %masked_sort3A_2189 = arith.constant dense<true> : vector<16xi1>
        %masked_sort3A_2190, %masked_sort3A_2191, %masked_sort3A_2192 = tpu.sort %get3A_1942, %iota3A masked %masked_sort3A_2189 {descending = true} : (vector<16xf32>, vector<16xi32>, vector<16xi1>) -> (vector<16xi1>, vector<16xf32>, vector<16xi32>)
        %get3A_2193 = arith.constant 0 : index
        %get3A_2194 = tpu.vector_load %arg8[%get3A_2193] {strides = array<i32>} : memref<16xf32, #tpu.memory_space<vmem>>, vector<16xf32>,
        %min3A_2195 = arith.minimumf %get3A_2194, %masked_sort3A_2191 : vector<16xf32>
        %masked_sort3A_2196 = arith.constant dense<true> : vector<16xi1>
        %masked_sort3A_2197, %masked_sort3A_2198, %masked_sort3A_2199 = tpu.sort %min3A_2195, %iota3A masked %masked_sort3A_2196 : (vector<16xf32>, vector<16xi32>, vector<16xi1>) -> (vector<16xi1>, vector<16xf32>, vector<16xi32>)
        %swap3A_2200 = arith.constant 0 : index
        %swap3A_2201 = tpu.vector_load %arg8[%swap3A_2200] {strides = array<i32>} : memref<16xf32, #tpu.memory_space<vmem>>, vector<16xf32>,
        tpu.vector_store %arg8[%swap3A_2200], %masked_sort3A_2198 {strides = array<i32>} : memref<16xf32, #tpu.memory_space<vmem>>, vector<16xf32>,
        %masked_sort3A_2202 = arith.constant dense<true> : vector<16xi1>
        %masked_sort3A_2203, %masked_sort3A_2204, %masked_sort3A_2205 = tpu.sort %get3A_1944, %iota3A masked %masked_sort3A_2202 {descending = true} : (vector<16xf32>, vector<16xi32>, vector<16xi1>) -> (vector<16xi1>, vector<16xf32>, vector<16xi32>)
        %get3A_2206 = arith.constant 0 : index
        %get3A_2207 = tpu.vector_load %arg8[%get3A_2206] {strides = array<i32>} : memref<16xf32, #tpu.memory_space<vmem>>, vector<16xf32>,
        %min3A_2208 = arith.minimumf %get3A_2207, %masked_sort3A_2204 : vector<16xf32>
        %masked_sort3A_2209 = arith.constant dense<true> : vector<16xi1>
        %masked_sort3A_2210, %masked_sort3A_2211, %masked_sort3A_2212 = tpu.sort %min3A_2208, %iota3A masked %masked_sort3A_2209 : (vector<16xf32>, vector<16xi32>, vector<16xi1>) -> (vector<16xi1>, vector<16xf32>, vector<16xi32>)
        %swap3A_2213 = arith.constant 0 : index
        %swap3A_2214 = tpu.vector_load %arg8[%swap3A_2213] {strides = array<i32>} : memref<16xf32, #tpu.memory_space<vmem>>, vector<16xf32>,
        tpu.vector_store %arg8[%swap3A_2213], %masked_sort3A_2211 {strides = array<i32>} : memref<16xf32, #tpu.memory_space<vmem>>, vector<16xf32>,
      } else {
      }
      %get3A_1964 = arith.constant 1920 : index
      %get3A_1965 = tpu.vector_load %arg6[%get3A_1964] {strides = array<i32>} : memref<2304xf32, #tpu.memory_space<vmem>>, vector<16xf32>,
      %get3A_1966 = arith.constant 1936 : index
      %get3A_1967 = tpu.vector_load %arg6[%get3A_1966] {strides = array<i32>} : memref<2304xf32, #tpu.memory_space<vmem>>, vector<16xf32>,
      %get3A_1968 = arith.constant 1952 : index
      %get3A_1969 = tpu.vector_load %arg6[%get3A_1968] {strides = array<i32>} : memref<2304xf32, #tpu.memory_space<vmem>>, vector<16xf32>,
      %get3A_1970 = arith.constant 1968 : index
      %get3A_1971 = tpu.vector_load %arg6[%get3A_1970] {strides = array<i32>} : memref<2304xf32, #tpu.memory_space<vmem>>, vector<16xf32>,
      %get3A_1972 = arith.constant 1984 : index
      %get3A_1973 = tpu.vector_load %arg6[%get3A_1972] {strides = array<i32>} : memref<2304xf32, #tpu.memory_space<vmem>>, vector<16xf32>,
      %get3A_1974 = arith.constant 2000 : index
      %get3A_1975 = tpu.vector_load %arg6[%get3A_1974] {strides = array<i32>} : memref<2304xf32, #tpu.memory_space<vmem>>, vector<16xf32>,
      %get3A_1976 = arith.constant 2016 : index
      %get3A_1977 = tpu.vector_load %arg6[%get3A_1976] {strides = array<i32>} : memref<2304xf32, #tpu.memory_space<vmem>>, vector<16xf32>,
      %get3A_1978 = arith.constant 2032 : index
      %get3A_1979 = tpu.vector_load %arg6[%get3A_1978] {strides = array<i32>} : memref<2304xf32, #tpu.memory_space<vmem>>, vector<16xf32>,
      %min3A_1980 = arith.minimumf %get3A_1965, %get3A_1967 : vector<16xf32>
      %min3A_1981 = arith.minimumf %min3A_1980, %get3A_1969 : vector<16xf32>
      %min3A_1982 = arith.minimumf %min3A_1981, %get3A_1971 : vector<16xf32>
      %min3A_1983 = arith.minimumf %min3A_1982, %get3A_1973 : vector<16xf32>
      %min3A_1984 = arith.minimumf %min3A_1983, %get3A_1975 : vector<16xf32>
      %min3A_1985 = arith.minimumf %min3A_1984, %get3A_1977 : vector<16xf32>
      %min3A_1986 = arith.minimumf %min3A_1985, %get3A_1979 : vector<16xf32>
      %le3A_1987 = vector.broadcast %reduce_max3A_1143 : f32 to vector<16xf32>
      %le3A_1988 = arith.cmpf ole, %min3A_1986, %le3A_1987 : vector<16xf32>
      %convert_element_type3A_1989 = arith.extui %le3A_1988 : vector<16xi1> to vector<16xi32>
      %reduce_sum3A_1990 = arith.constant true
      %reduce_sum3A_1991 = vector.broadcast %reduce_sum3A_1990 : i1 to vector<16xi1>
      %reduce_sum3A_1992 = tpu.scan <sum>, %convert_element_type3A_1989 masked %reduce_sum3A_1991 : vector<16xi32>, vector<16xi1> -> vector<16xi32>
      %reduce_sum3A_1993 = vector.extract %reduce_sum3A_1992[15] : i32 from vector<16xi32>
      %gt3A_1994 = arith.constant 0 : i32
      %gt3A_1995 = arith.cmpi sgt, %reduce_sum3A_1993, %gt3A_1994 : i32
      %convert_element_type3A_1996 = arith.extui %gt3A_1995 : i1 to i32
      %cond3A_1997 = arith.constant 0 : i32
      %cond3A_1998 = arith.cmpi ne, %convert_element_type3A_1996, %cond3A_1997 : i32
      scf.if %cond3A_1998 {
        %masked_sort3A_2111 = arith.constant dense<true> : vector<16xi1>
        %masked_sort3A_2112, %masked_sort3A_2113, %masked_sort3A_2114 = tpu.sort %get3A_1965, %iota3A masked %masked_sort3A_2111 {descending = true} : (vector<16xf32>, vector<16xi32>, vector<16xi1>) -> (vector<16xi1>, vector<16xf32>, vector<16xi32>)
        %get3A_2115 = arith.constant 0 : index
        %get3A_2116 = tpu.vector_load %arg8[%get3A_2115] {strides = array<i32>} : memref<16xf32, #tpu.memory_space<vmem>>, vector<16xf32>,
        %min3A_2117 = arith.minimumf %get3A_2116, %masked_sort3A_2113 : vector<16xf32>
        %masked_sort3A_2118 = arith.constant dense<true> : vector<16xi1>
        %masked_sort3A_2119, %masked_sort3A_2120, %masked_sort3A_2121 = tpu.sort %min3A_2117, %iota3A masked %masked_sort3A_2118 : (vector<16xf32>, vector<16xi32>, vector<16xi1>) -> (vector<16xi1>, vector<16xf32>, vector<16xi32>)
        %swap3A_2122 = arith.constant 0 : index
        %swap3A_2123 = tpu.vector_load %arg8[%swap3A_2122] {strides = array<i32>} : memref<16xf32, #tpu.memory_space<vmem>>, vector<16xf32>,
        tpu.vector_store %arg8[%swap3A_2122], %masked_sort3A_2120 {strides = array<i32>} : memref<16xf32, #tpu.memory_space<vmem>>, vector<16xf32>,
        %masked_sort3A_2124 = arith.constant dense<true> : vector<16xi1>
        %masked_sort3A_2125, %masked_sort3A_2126, %masked_sort3A_2127 = tpu.sort %get3A_1967, %iota3A masked %masked_sort3A_2124 {descending = true} : (vector<16xf32>, vector<16xi32>, vector<16xi1>) -> (vector<16xi1>, vector<16xf32>, vector<16xi32>)
        %get3A_2128 = arith.constant 0 : index
        %get3A_2129 = tpu.vector_load %arg8[%get3A_2128] {strides = array<i32>} : memref<16xf32, #tpu.memory_space<vmem>>, vector<16xf32>,
        %min3A_2130 = arith.minimumf %get3A_2129, %masked_sort3A_2126 : vector<16xf32>
        %masked_sort3A_2131 = arith.constant dense<true> : vector<16xi1>
        %masked_sort3A_2132, %masked_sort3A_2133, %masked_sort3A_2134 = tpu.sort %min3A_2130, %iota3A masked %masked_sort3A_2131 : (vector<16xf32>, vector<16xi32>, vector<16xi1>) -> (vector<16xi1>, vector<16xf32>, vector<16xi32>)
        %swap3A_2135 = arith.constant 0 : index
        %swap3A_2136 = tpu.vector_load %arg8[%swap3A_2135] {strides = array<i32>} : memref<16xf32, #tpu.memory_space<vmem>>, vector<16xf32>,
        tpu.vector_store %arg8[%swap3A_2135], %masked_sort3A_2133 {strides = array<i32>} : memref<16xf32, #tpu.memory_space<vmem>>, vector<16xf32>,
        %masked_sort3A_2137 = arith.constant dense<true> : vector<16xi1>
        %masked_sort3A_2138, %masked_sort3A_2139, %masked_sort3A_2140 = tpu.sort %get3A_1969, %iota3A masked %masked_sort3A_2137 {descending = true} : (vector<16xf32>, vector<16xi32>, vector<16xi1>) -> (vector<16xi1>, vector<16xf32>, vector<16xi32>)
        %get3A_2141 = arith.constant 0 : index
        %get3A_2142 = tpu.vector_load %arg8[%get3A_2141] {strides = array<i32>} : memref<16xf32, #tpu.memory_space<vmem>>, vector<16xf32>,
        %min3A_2143 = arith.minimumf %get3A_2142, %masked_sort3A_2139 : vector<16xf32>
        %masked_sort3A_2144 = arith.constant dense<true> : vector<16xi1>
        %masked_sort3A_2145, %masked_sort3A_2146, %masked_sort3A_2147 = tpu.sort %min3A_2143, %iota3A masked %masked_sort3A_2144 : (vector<16xf32>, vector<16xi32>, vector<16xi1>) -> (vector<16xi1>, vector<16xf32>, vector<16xi32>)
        %swap3A_2148 = arith.constant 0 : index
        %swap3A_2149 = tpu.vector_load %arg8[%swap3A_2148] {strides = array<i32>} : memref<16xf32, #tpu.memory_space<vmem>>, vector<16xf32>,
        tpu.vector_store %arg8[%swap3A_2148], %masked_sort3A_2146 {strides = array<i32>} : memref<16xf32, #tpu.memory_space<vmem>>, vector<16xf32>,
        %masked_sort3A_2150 = arith.constant dense<true> : vector<16xi1>
        %masked_sort3A_2151, %masked_sort3A_2152, %masked_sort3A_2153 = tpu.sort %get3A_1971, %iota3A masked %masked_sort3A_2150 {descending = true} : (vector<16xf32>, vector<16xi32>, vector<16xi1>) -> (vector<16xi1>, vector<16xf32>, vector<16xi32>)
        %get3A_2154 = arith.constant 0 : index
        %get3A_2155 = tpu.vector_load %arg8[%get3A_2154] {strides = array<i32>} : memref<16xf32, #tpu.memory_space<vmem>>, vector<16xf32>,
        %min3A_2156 = arith.minimumf %get3A_2155, %masked_sort3A_2152 : vector<16xf32>
        %masked_sort3A_2157 = arith.constant dense<true> : vector<16xi1>
        %masked_sort3A_2158, %masked_sort3A_2159, %masked_sort3A_2160 = tpu.sort %min3A_2156, %iota3A masked %masked_sort3A_2157 : (vector<16xf32>, vector<16xi32>, vector<16xi1>) -> (vector<16xi1>, vector<16xf32>, vector<16xi32>)
        %swap3A_2161 = arith.constant 0 : index
        %swap3A_2162 = tpu.vector_load %arg8[%swap3A_2161] {strides = array<i32>} : memref<16xf32, #tpu.memory_space<vmem>>, vector<16xf32>,
        tpu.vector_store %arg8[%swap3A_2161], %masked_sort3A_2159 {strides = array<i32>} : memref<16xf32, #tpu.memory_space<vmem>>, vector<16xf32>,
        %masked_sort3A_2163 = arith.constant dense<true> : vector<16xi1>
        %masked_sort3A_2164, %masked_sort3A_2165, %masked_sort3A_2166 = tpu.sort %get3A_1973, %iota3A masked %masked_sort3A_2163 {descending = true} : (vector<16xf32>, vector<16xi32>, vector<16xi1>) -> (vector<16xi1>, vector<16xf32>, vector<16xi32>)
        %get3A_2167 = arith.constant 0 : index
        %get3A_2168 = tpu.vector_load %arg8[%get3A_2167] {strides = array<i32>} : memref<16xf32, #tpu.memory_space<vmem>>, vector<16xf32>,
        %min3A_2169 = arith.minimumf %get3A_2168, %masked_sort3A_2165 : vector<16xf32>
        %masked_sort3A_2170 = arith.constant dense<true> : vector<16xi1>
        %masked_sort3A_2171, %masked_sort3A_2172, %masked_sort3A_2173 = tpu.sort %min3A_2169, %iota3A masked %masked_sort3A_2170 : (vector<16xf32>, vector<16xi32>, vector<16xi1>) -> (vector<16xi1>, vector<16xf32>, vector<16xi32>)
        %swap3A_2174 = arith.constant 0 : index
        %swap3A_2175 = tpu.vector_load %arg8[%swap3A_2174] {strides = array<i32>} : memref<16xf32, #tpu.memory_space<vmem>>, vector<16xf32>,
        tpu.vector_store %arg8[%swap3A_2174], %masked_sort3A_2172 {strides = array<i32>} : memref<16xf32, #tpu.memory_space<vmem>>, vector<16xf32>,
        %masked_sort3A_2176 = arith.constant dense<true> : vector<16xi1>
        %masked_sort3A_2177, %masked_sort3A_2178, %masked_sort3A_2179 = tpu.sort %get3A_1975, %iota3A masked %masked_sort3A_2176 {descending = true} : (vector<16xf32>, vector<16xi32>, vector<16xi1>) -> (vector<16xi1>, vector<16xf32>, vector<16xi32>)
        %get3A_2180 = arith.constant 0 : index
        %get3A_2181 = tpu.vector_load %arg8[%get3A_2180] {strides = array<i32>} : memref<16xf32, #tpu.memory_space<vmem>>, vector<16xf32>,
        %min3A_2182 = arith.minimumf %get3A_2181, %masked_sort3A_2178 : vector<16xf32>
        %masked_sort3A_2183 = arith.constant dense<true> : vector<16xi1>
        %masked_sort3A_2184, %masked_sort3A_2185, %masked_sort3A_2186 = tpu.sort %min3A_2182, %iota3A masked %masked_sort3A_2183 : (vector<16xf32>, vector<16xi32>, vector<16xi1>) -> (vector<16xi1>, vector<16xf32>, vector<16xi32>)
        %swap3A_2187 = arith.constant 0 : index
        %swap3A_2188 = tpu.vector_load %arg8[%swap3A_2187] {strides = array<i32>} : memref<16xf32, #tpu.memory_space<vmem>>, vector<16xf32>,
        tpu.vector_store %arg8[%swap3A_2187], %masked_sort3A_2185 {strides = array<i32>} : memref<16xf32, #tpu.memory_space<vmem>>, vector<16xf32>,
        %masked_sort3A_2189 = arith.constant dense<true> : vector<16xi1>
        %masked_sort3A_2190, %masked_sort3A_2191, %masked_sort3A_2192 = tpu.sort %get3A_1977, %iota3A masked %masked_sort3A_2189 {descending = true} : (vector<16xf32>, vector<16xi32>, vector<16xi1>) -> (vector<16xi1>, vector<16xf32>, vector<16xi32>)
        %get3A_2193 = arith.constant 0 : index
        %get3A_2194 = tpu.vector_load %arg8[%get3A_2193] {strides = array<i32>} : memref<16xf32, #tpu.memory_space<vmem>>, vector<16xf32>,
        %min3A_2195 = arith.minimumf %get3A_2194, %masked_sort3A_2191 : vector<16xf32>
        %masked_sort3A_2196 = arith.constant dense<true> : vector<16xi1>
        %masked_sort3A_2197, %masked_sort3A_2198, %masked_sort3A_2199 = tpu.sort %min3A_2195, %iota3A masked %masked_sort3A_2196 : (vector<16xf32>, vector<16xi32>, vector<16xi1>) -> (vector<16xi1>, vector<16xf32>, vector<16xi32>)
        %swap3A_2200 = arith.constant 0 : index
        %swap3A_2201 = tpu.vector_load %arg8[%swap3A_2200] {strides = array<i32>} : memref<16xf32, #tpu.memory_space<vmem>>, vector<16xf32>,
        tpu.vector_store %arg8[%swap3A_2200], %masked_sort3A_2198 {strides = array<i32>} : memref<16xf32, #tpu.memory_space<vmem>>, vector<16xf32>,
        %masked_sort3A_2202 = arith.constant dense<true> : vector<16xi1>
        %masked_sort3A_2203, %masked_sort3A_2204, %masked_sort3A_2205 = tpu.sort %get3A_1979, %iota3A masked %masked_sort3A_2202 {descending = true} : (vector<16xf32>, vector<16xi32>, vector<16xi1>) -> (vector<16xi1>, vector<16xf32>, vector<16xi32>)
        %get3A_2206 = arith.constant 0 : index
        %get3A_2207 = tpu.vector_load %arg8[%get3A_2206] {strides = array<i32>} : memref<16xf32, #tpu.memory_space<vmem>>, vector<16xf32>,
        %min3A_2208 = arith.minimumf %get3A_2207, %masked_sort3A_2204 : vector<16xf32>
        %masked_sort3A_2209 = arith.constant dense<true> : vector<16xi1>
        %masked_sort3A_2210, %masked_sort3A_2211, %masked_sort3A_2212 = tpu.sort %min3A_2208, %iota3A masked %masked_sort3A_2209 : (vector<16xf32>, vector<16xi32>, vector<16xi1>) -> (vector<16xi1>, vector<16xf32>, vector<16xi32>)
        %swap3A_2213 = arith.constant 0 : index
        %swap3A_2214 = tpu.vector_load %arg8[%swap3A_2213] {strides = array<i32>} : memref<16xf32, #tpu.memory_space<vmem>>, vector<16xf32>,
        tpu.vector_store %arg8[%swap3A_2213], %masked_sort3A_2211 {strides = array<i32>} : memref<16xf32, #tpu.memory_space<vmem>>, vector<16xf32>,
      } else {
      }
      %get3A_1999 = arith.constant 2048 : index
      %get3A_2000 = tpu.vector_load %arg6[%get3A_1999] {strides = array<i32>} : memref<2304xf32, #tpu.memory_space<vmem>>, vector<16xf32>,
      %get3A_2001 = arith.constant 2064 : index
      %get3A_2002 = tpu.vector_load %arg6[%get3A_2001] {strides = array<i32>} : memref<2304xf32, #tpu.memory_space<vmem>>, vector<16xf32>,
      %get3A_2003 = arith.constant 2080 : index
      %get3A_2004 = tpu.vector_load %arg6[%get3A_2003] {strides = array<i32>} : memref<2304xf32, #tpu.memory_space<vmem>>, vector<16xf32>,
      %get3A_2005 = arith.constant 2096 : index
      %get3A_2006 = tpu.vector_load %arg6[%get3A_2005] {strides = array<i32>} : memref<2304xf32, #tpu.memory_space<vmem>>, vector<16xf32>,
      %get3A_2007 = arith.constant 2112 : index
      %get3A_2008 = tpu.vector_load %arg6[%get3A_2007] {strides = array<i32>} : memref<2304xf32, #tpu.memory_space<vmem>>, vector<16xf32>,
      %get3A_2009 = arith.constant 2128 : index
      %get3A_2010 = tpu.vector_load %arg6[%get3A_2009] {strides = array<i32>} : memref<2304xf32, #tpu.memory_space<vmem>>, vector<16xf32>,
      %get3A_2011 = arith.constant 2144 : index
      %get3A_2012 = tpu.vector_load %arg6[%get3A_2011] {strides = array<i32>} : memref<2304xf32, #tpu.memory_space<vmem>>, vector<16xf32>,
      %get3A_2013 = arith.constant 2160 : index
      %get3A_2014 = tpu.vector_load %arg6[%get3A_2013] {strides = array<i32>} : memref<2304xf32, #tpu.memory_space<vmem>>, vector<16xf32>,
      %min3A_2015 = arith.minimumf %get3A_2000, %get3A_2002 : vector<16xf32>
      %min3A_2016 = arith.minimumf %min3A_2015, %get3A_2004 : vector<16xf32>
      %min3A_2017 = arith.minimumf %min3A_2016, %get3A_2006 : vector<16xf32>
      %min3A_2018 = arith.minimumf %min3A_2017, %get3A_2008 : vector<16xf32>
      %min3A_2019 = arith.minimumf %min3A_2018, %get3A_2010 : vector<16xf32>
      %min3A_2020 = arith.minimumf %min3A_2019, %get3A_2012 : vector<16xf32>
      %min3A_2021 = arith.minimumf %min3A_2020, %get3A_2014 : vector<16xf32>
      %le3A_2022 = vector.broadcast %reduce_max3A_1143 : f32 to vector<16xf32>
      %le3A_2023 = arith.cmpf ole, %min3A_2021, %le3A_2022 : vector<16xf32>
      %convert_element_type3A_2024 = arith.extui %le3A_2023 : vector<16xi1> to vector<16xi32>
      %reduce_sum3A_2025 = arith.constant true
      %reduce_sum3A_2026 = vector.broadcast %reduce_sum3A_2025 : i1 to vector<16xi1>
      %reduce_sum3A_2027 = tpu.scan <sum>, %convert_element_type3A_2024 masked %reduce_sum3A_2026 : vector<16xi32>, vector<16xi1> -> vector<16xi32>
      %reduce_sum3A_2028 = vector.extract %reduce_sum3A_2027[15] : i32 from vector<16xi32>
      %gt3A_2029 = arith.constant 0 : i32
      %gt3A_2030 = arith.cmpi sgt, %reduce_sum3A_2028, %gt3A_2029 : i32
      %convert_element_type3A_2031 = arith.extui %gt3A_2030 : i1 to i32
      %cond3A_2032 = arith.constant 0 : i32
      %cond3A_2033 = arith.cmpi ne, %convert_element_type3A_2031, %cond3A_2032 : i32
      scf.if %cond3A_2033 {
        %masked_sort3A_2111 = arith.constant dense<true> : vector<16xi1>
        %masked_sort3A_2112, %masked_sort3A_2113, %masked_sort3A_2114 = tpu.sort %get3A_2000, %iota3A masked %masked_sort3A_2111 {descending = true} : (vector<16xf32>, vector<16xi32>, vector<16xi1>) -> (vector<16xi1>, vector<16xf32>, vector<16xi32>)
        %get3A_2115 = arith.constant 0 : index
        %get3A_2116 = tpu.vector_load %arg8[%get3A_2115] {strides = array<i32>} : memref<16xf32, #tpu.memory_space<vmem>>, vector<16xf32>,
        %min3A_2117 = arith.minimumf %get3A_2116, %masked_sort3A_2113 : vector<16xf32>
        %masked_sort3A_2118 = arith.constant dense<true> : vector<16xi1>
        %masked_sort3A_2119, %masked_sort3A_2120, %masked_sort3A_2121 = tpu.sort %min3A_2117, %iota3A masked %masked_sort3A_2118 : (vector<16xf32>, vector<16xi32>, vector<16xi1>) -> (vector<16xi1>, vector<16xf32>, vector<16xi32>)
        %swap3A_2122 = arith.constant 0 : index
        %swap3A_2123 = tpu.vector_load %arg8[%swap3A_2122] {strides = array<i32>} : memref<16xf32, #tpu.memory_space<vmem>>, vector<16xf32>,
        tpu.vector_store %arg8[%swap3A_2122], %masked_sort3A_2120 {strides = array<i32>} : memref<16xf32, #tpu.memory_space<vmem>>, vector<16xf32>,
        %masked_sort3A_2124 = arith.constant dense<true> : vector<16xi1>
        %masked_sort3A_2125, %masked_sort3A_2126, %masked_sort3A_2127 = tpu.sort %get3A_2002, %iota3A masked %masked_sort3A_2124 {descending = true} : (vector<16xf32>, vector<16xi32>, vector<16xi1>) -> (vector<16xi1>, vector<16xf32>, vector<16xi32>)
        %get3A_2128 = arith.constant 0 : index
        %get3A_2129 = tpu.vector_load %arg8[%get3A_2128] {strides = array<i32>} : memref<16xf32, #tpu.memory_space<vmem>>, vector<16xf32>,
        %min3A_2130 = arith.minimumf %get3A_2129, %masked_sort3A_2126 : vector<16xf32>
        %masked_sort3A_2131 = arith.constant dense<true> : vector<16xi1>
        %masked_sort3A_2132, %masked_sort3A_2133, %masked_sort3A_2134 = tpu.sort %min3A_2130, %iota3A masked %masked_sort3A_2131 : (vector<16xf32>, vector<16xi32>, vector<16xi1>) -> (vector<16xi1>, vector<16xf32>, vector<16xi32>)
        %swap3A_2135 = arith.constant 0 : index
        %swap3A_2136 = tpu.vector_load %arg8[%swap3A_2135] {strides = array<i32>} : memref<16xf32, #tpu.memory_space<vmem>>, vector<16xf32>,
        tpu.vector_store %arg8[%swap3A_2135], %masked_sort3A_2133 {strides = array<i32>} : memref<16xf32, #tpu.memory_space<vmem>>, vector<16xf32>,
        %masked_sort3A_2137 = arith.constant dense<true> : vector<16xi1>
        %masked_sort3A_2138, %masked_sort3A_2139, %masked_sort3A_2140 = tpu.sort %get3A_2004, %iota3A masked %masked_sort3A_2137 {descending = true} : (vector<16xf32>, vector<16xi32>, vector<16xi1>) -> (vector<16xi1>, vector<16xf32>, vector<16xi32>)
        %get3A_2141 = arith.constant 0 : index
        %get3A_2142 = tpu.vector_load %arg8[%get3A_2141] {strides = array<i32>} : memref<16xf32, #tpu.memory_space<vmem>>, vector<16xf32>,
        %min3A_2143 = arith.minimumf %get3A_2142, %masked_sort3A_2139 : vector<16xf32>
        %masked_sort3A_2144 = arith.constant dense<true> : vector<16xi1>
        %masked_sort3A_2145, %masked_sort3A_2146, %masked_sort3A_2147 = tpu.sort %min3A_2143, %iota3A masked %masked_sort3A_2144 : (vector<16xf32>, vector<16xi32>, vector<16xi1>) -> (vector<16xi1>, vector<16xf32>, vector<16xi32>)
        %swap3A_2148 = arith.constant 0 : index
        %swap3A_2149 = tpu.vector_load %arg8[%swap3A_2148] {strides = array<i32>} : memref<16xf32, #tpu.memory_space<vmem>>, vector<16xf32>,
        tpu.vector_store %arg8[%swap3A_2148], %masked_sort3A_2146 {strides = array<i32>} : memref<16xf32, #tpu.memory_space<vmem>>, vector<16xf32>,
        %masked_sort3A_2150 = arith.constant dense<true> : vector<16xi1>
        %masked_sort3A_2151, %masked_sort3A_2152, %masked_sort3A_2153 = tpu.sort %get3A_2006, %iota3A masked %masked_sort3A_2150 {descending = true} : (vector<16xf32>, vector<16xi32>, vector<16xi1>) -> (vector<16xi1>, vector<16xf32>, vector<16xi32>)
        %get3A_2154 = arith.constant 0 : index
        %get3A_2155 = tpu.vector_load %arg8[%get3A_2154] {strides = array<i32>} : memref<16xf32, #tpu.memory_space<vmem>>, vector<16xf32>,
        %min3A_2156 = arith.minimumf %get3A_2155, %masked_sort3A_2152 : vector<16xf32>
        %masked_sort3A_2157 = arith.constant dense<true> : vector<16xi1>
        %masked_sort3A_2158, %masked_sort3A_2159, %masked_sort3A_2160 = tpu.sort %min3A_2156, %iota3A masked %masked_sort3A_2157 : (vector<16xf32>, vector<16xi32>, vector<16xi1>) -> (vector<16xi1>, vector<16xf32>, vector<16xi32>)
        %swap3A_2161 = arith.constant 0 : index
        %swap3A_2162 = tpu.vector_load %arg8[%swap3A_2161] {strides = array<i32>} : memref<16xf32, #tpu.memory_space<vmem>>, vector<16xf32>,
        tpu.vector_store %arg8[%swap3A_2161], %masked_sort3A_2159 {strides = array<i32>} : memref<16xf32, #tpu.memory_space<vmem>>, vector<16xf32>,
        %masked_sort3A_2163 = arith.constant dense<true> : vector<16xi1>
        %masked_sort3A_2164, %masked_sort3A_2165, %masked_sort3A_2166 = tpu.sort %get3A_2008, %iota3A masked %masked_sort3A_2163 {descending = true} : (vector<16xf32>, vector<16xi32>, vector<16xi1>) -> (vector<16xi1>, vector<16xf32>, vector<16xi32>)
        %get3A_2167 = arith.constant 0 : index
        %get3A_2168 = tpu.vector_load %arg8[%get3A_2167] {strides = array<i32>} : memref<16xf32, #tpu.memory_space<vmem>>, vector<16xf32>,
        %min3A_2169 = arith.minimumf %get3A_2168, %masked_sort3A_2165 : vector<16xf32>
        %masked_sort3A_2170 = arith.constant dense<true> : vector<16xi1>
        %masked_sort3A_2171, %masked_sort3A_2172, %masked_sort3A_2173 = tpu.sort %min3A_2169, %iota3A masked %masked_sort3A_2170 : (vector<16xf32>, vector<16xi32>, vector<16xi1>) -> (vector<16xi1>, vector<16xf32>, vector<16xi32>)
        %swap3A_2174 = arith.constant 0 : index
        %swap3A_2175 = tpu.vector_load %arg8[%swap3A_2174] {strides = array<i32>} : memref<16xf32, #tpu.memory_space<vmem>>, vector<16xf32>,
        tpu.vector_store %arg8[%swap3A_2174], %masked_sort3A_2172 {strides = array<i32>} : memref<16xf32, #tpu.memory_space<vmem>>, vector<16xf32>,
        %masked_sort3A_2176 = arith.constant dense<true> : vector<16xi1>
        %masked_sort3A_2177, %masked_sort3A_2178, %masked_sort3A_2179 = tpu.sort %get3A_2010, %iota3A masked %masked_sort3A_2176 {descending = true} : (vector<16xf32>, vector<16xi32>, vector<16xi1>) -> (vector<16xi1>, vector<16xf32>, vector<16xi32>)
        %get3A_2180 = arith.constant 0 : index
        %get3A_2181 = tpu.vector_load %arg8[%get3A_2180] {strides = array<i32>} : memref<16xf32, #tpu.memory_space<vmem>>, vector<16xf32>,
        %min3A_2182 = arith.minimumf %get3A_2181, %masked_sort3A_2178 : vector<16xf32>
        %masked_sort3A_2183 = arith.constant dense<true> : vector<16xi1>
        %masked_sort3A_2184, %masked_sort3A_2185, %masked_sort3A_2186 = tpu.sort %min3A_2182, %iota3A masked %masked_sort3A_2183 : (vector<16xf32>, vector<16xi32>, vector<16xi1>) -> (vector<16xi1>, vector<16xf32>, vector<16xi32>)
        %swap3A_2187 = arith.constant 0 : index
        %swap3A_2188 = tpu.vector_load %arg8[%swap3A_2187] {strides = array<i32>} : memref<16xf32, #tpu.memory_space<vmem>>, vector<16xf32>,
        tpu.vector_store %arg8[%swap3A_2187], %masked_sort3A_2185 {strides = array<i32>} : memref<16xf32, #tpu.memory_space<vmem>>, vector<16xf32>,
        %masked_sort3A_2189 = arith.constant dense<true> : vector<16xi1>
        %masked_sort3A_2190, %masked_sort3A_2191, %masked_sort3A_2192 = tpu.sort %get3A_2012, %iota3A masked %masked_sort3A_2189 {descending = true} : (vector<16xf32>, vector<16xi32>, vector<16xi1>) -> (vector<16xi1>, vector<16xf32>, vector<16xi32>)
        %get3A_2193 = arith.constant 0 : index
        %get3A_2194 = tpu.vector_load %arg8[%get3A_2193] {strides = array<i32>} : memref<16xf32, #tpu.memory_space<vmem>>, vector<16xf32>,
        %min3A_2195 = arith.minimumf %get3A_2194, %masked_sort3A_2191 : vector<16xf32>
        %masked_sort3A_2196 = arith.constant dense<true> : vector<16xi1>
        %masked_sort3A_2197, %masked_sort3A_2198, %masked_sort3A_2199 = tpu.sort %min3A_2195, %iota3A masked %masked_sort3A_2196 : (vector<16xf32>, vector<16xi32>, vector<16xi1>) -> (vector<16xi1>, vector<16xf32>, vector<16xi32>)
        %swap3A_2200 = arith.constant 0 : index
        %swap3A_2201 = tpu.vector_load %arg8[%swap3A_2200] {strides = array<i32>} : memref<16xf32, #tpu.memory_space<vmem>>, vector<16xf32>,
        tpu.vector_store %arg8[%swap3A_2200], %masked_sort3A_2198 {strides = array<i32>} : memref<16xf32, #tpu.memory_space<vmem>>, vector<16xf32>,
        %masked_sort3A_2202 = arith.constant dense<true> : vector<16xi1>
        %masked_sort3A_2203, %masked_sort3A_2204, %masked_sort3A_2205 = tpu.sort %get3A_2014, %iota3A masked %masked_sort3A_2202 {descending = true} : (vector<16xf32>, vector<16xi32>, vector<16xi1>) -> (vector<16xi1>, vector<16xf32>, vector<16xi32>)
        %get3A_2206 = arith.constant 0 : index
        %get3A_2207 = tpu.vector_load %arg8[%get3A_2206] {strides = array<i32>} : memref<16xf32, #tpu.memory_space<vmem>>, vector<16xf32>,
        %min3A_2208 = arith.minimumf %get3A_2207, %masked_sort3A_2204 : vector<16xf32>
        %masked_sort3A_2209 = arith.constant dense<true> : vector<16xi1>
        %masked_sort3A_2210, %masked_sort3A_2211, %masked_sort3A_2212 = tpu.sort %min3A_2208, %iota3A masked %masked_sort3A_2209 : (vector<16xf32>, vector<16xi32>, vector<16xi1>) -> (vector<16xi1>, vector<16xf32>, vector<16xi32>)
        %swap3A_2213 = arith.constant 0 : index
        %swap3A_2214 = tpu.vector_load %arg8[%swap3A_2213] {strides = array<i32>} : memref<16xf32, #tpu.memory_space<vmem>>, vector<16xf32>,
        tpu.vector_store %arg8[%swap3A_2213], %masked_sort3A_2211 {strides = array<i32>} : memref<16xf32, #tpu.memory_space<vmem>>, vector<16xf32>,
      } else {
      }
      %get3A_2034 = arith.constant 2176 : index
      %get3A_2035 = tpu.vector_load %arg6[%get3A_2034] {strides = array<i32>} : memref<2304xf32, #tpu.memory_space<vmem>>, vector<16xf32>,
      %get3A_2036 = arith.constant 2192 : index
      %get3A_2037 = tpu.vector_load %arg6[%get3A_2036] {strides = array<i32>} : memref<2304xf32, #tpu.memory_space<vmem>>, vector<16xf32>,
      %get3A_2038 = arith.constant 2208 : index
      %get3A_2039 = tpu.vector_load %arg6[%get3A_2038] {strides = array<i32>} : memref<2304xf32, #tpu.memory_space<vmem>>, vector<16xf32>,
      %get3A_2040 = arith.constant 2224 : index
      %get3A_2041 = tpu.vector_load %arg6[%get3A_2040] {strides = array<i32>} : memref<2304xf32, #tpu.memory_space<vmem>>, vector<16xf32>,
      %get3A_2042 = arith.constant 2240 : index
      %get3A_2043 = tpu.vector_load %arg6[%get3A_2042] {strides = array<i32>} : memref<2304xf32, #tpu.memory_space<vmem>>, vector<16xf32>,
      %get3A_2044 = arith.constant 2256 : index
      %get3A_2045 = tpu.vector_load %arg6[%get3A_2044] {strides = array<i32>} : memref<2304xf32, #tpu.memory_space<vmem>>, vector<16xf32>,
      %get3A_2046 = arith.constant 2272 : index
      %get3A_2047 = tpu.vector_load %arg6[%get3A_2046] {strides = array<i32>} : memref<2304xf32, #tpu.memory_space<vmem>>, vector<16xf32>,
      %get3A_2048 = arith.constant 2288 : index
      %get3A_2049 = tpu.vector_load %arg6[%get3A_2048] {strides = array<i32>} : memref<2304xf32, #tpu.memory_space<vmem>>, vector<16xf32>,
      %min3A_2050 = arith.minimumf %get3A_2035, %get3A_2037 : vector<16xf32>
      %min3A_2051 = arith.minimumf %min3A_2050, %get3A_2039 : vector<16xf32>
      %min3A_2052 = arith.minimumf %min3A_2051, %get3A_2041 : vector<16xf32>
      %min3A_2053 = arith.minimumf %min3A_2052, %get3A_2043 : vector<16xf32>
      %min3A_2054 = arith.minimumf %min3A_2053, %get3A_2045 : vector<16xf32>
      %min3A_2055 = arith.minimumf %min3A_2054, %get3A_2047 : vector<16xf32>
      %min3A_2056 = arith.minimumf %min3A_2055, %get3A_2049 : vector<16xf32>
      %le3A_2057 = vector.broadcast %reduce_max3A_1143 : f32 to vector<16xf32>
      %le3A_2058 = arith.cmpf ole, %min3A_2056, %le3A_2057 : vector<16xf32>
      %convert_element_type3A_2059 = arith.extui %le3A_2058 : vector<16xi1> to vector<16xi32>
      %reduce_sum3A_2060 = arith.constant true
      %reduce_sum3A_2061 = vector.broadcast %reduce_sum3A_2060 : i1 to vector<16xi1>
      %reduce_sum3A_2062 = tpu.scan <sum>, %convert_element_type3A_2059 masked %reduce_sum3A_2061 : vector<16xi32>, vector<16xi1> -> vector<16xi32>
      %reduce_sum3A_2063 = vector.extract %reduce_sum3A_2062[15] : i32 from vector<16xi32>
      %gt3A_2064 = arith.constant 0 : i32
      %gt3A_2065 = arith.cmpi sgt, %reduce_sum3A_2063, %gt3A_2064 : i32
      %convert_element_type3A_2066 = arith.extui %gt3A_2065 : i1 to i32
      %cond3A_2067 = arith.constant 0 : i32
      %cond3A_2068 = arith.cmpi ne, %convert_element_type3A_2066, %cond3A_2067 : i32
      scf.if %cond3A_2068 {
        %masked_sort3A_2111 = arith.constant dense<true> : vector<16xi1>
        %masked_sort3A_2112, %masked_sort3A_2113, %masked_sort3A_2114 = tpu.sort %get3A_2035, %iota3A masked %masked_sort3A_2111 {descending = true} : (vector<16xf32>, vector<16xi32>, vector<16xi1>) -> (vector<16xi1>, vector<16xf32>, vector<16xi32>)
        %get3A_2115 = arith.constant 0 : index
        %get3A_2116 = tpu.vector_load %arg8[%get3A_2115] {strides = array<i32>} : memref<16xf32, #tpu.memory_space<vmem>>, vector<16xf32>,
        %min3A_2117 = arith.minimumf %get3A_2116, %masked_sort3A_2113 : vector<16xf32>
        %masked_sort3A_2118 = arith.constant dense<true> : vector<16xi1>
        %masked_sort3A_2119, %masked_sort3A_2120, %masked_sort3A_2121 = tpu.sort %min3A_2117, %iota3A masked %masked_sort3A_2118 : (vector<16xf32>, vector<16xi32>, vector<16xi1>) -> (vector<16xi1>, vector<16xf32>, vector<16xi32>)
        %swap3A_2122 = arith.constant 0 : index
        %swap3A_2123 = tpu.vector_load %arg8[%swap3A_2122] {strides = array<i32>} : memref<16xf32, #tpu.memory_space<vmem>>, vector<16xf32>,
        tpu.vector_store %arg8[%swap3A_2122], %masked_sort3A_2120 {strides = array<i32>} : memref<16xf32, #tpu.memory_space<vmem>>, vector<16xf32>,
        %masked_sort3A_2124 = arith.constant dense<true> : vector<16xi1>
        %masked_sort3A_2125, %masked_sort3A_2126, %masked_sort3A_2127 = tpu.sort %get3A_2037, %iota3A masked %masked_sort3A_2124 {descending = true} : (vector<16xf32>, vector<16xi32>, vector<16xi1>) -> (vector<16xi1>, vector<16xf32>, vector<16xi32>)
        %get3A_2128 = arith.constant 0 : index
        %get3A_2129 = tpu.vector_load %arg8[%get3A_2128] {strides = array<i32>} : memref<16xf32, #tpu.memory_space<vmem>>, vector<16xf32>,
        %min3A_2130 = arith.minimumf %get3A_2129, %masked_sort3A_2126 : vector<16xf32>
        %masked_sort3A_2131 = arith.constant dense<true> : vector<16xi1>
        %masked_sort3A_2132, %masked_sort3A_2133, %masked_sort3A_2134 = tpu.sort %min3A_2130, %iota3A masked %masked_sort3A_2131 : (vector<16xf32>, vector<16xi32>, vector<16xi1>) -> (vector<16xi1>, vector<16xf32>, vector<16xi32>)
        %swap3A_2135 = arith.constant 0 : index
        %swap3A_2136 = tpu.vector_load %arg8[%swap3A_2135] {strides = array<i32>} : memref<16xf32, #tpu.memory_space<vmem>>, vector<16xf32>,
        tpu.vector_store %arg8[%swap3A_2135], %masked_sort3A_2133 {strides = array<i32>} : memref<16xf32, #tpu.memory_space<vmem>>, vector<16xf32>,
        %masked_sort3A_2137 = arith.constant dense<true> : vector<16xi1>
        %masked_sort3A_2138, %masked_sort3A_2139, %masked_sort3A_2140 = tpu.sort %get3A_2039, %iota3A masked %masked_sort3A_2137 {descending = true} : (vector<16xf32>, vector<16xi32>, vector<16xi1>) -> (vector<16xi1>, vector<16xf32>, vector<16xi32>)
        %get3A_2141 = arith.constant 0 : index
        %get3A_2142 = tpu.vector_load %arg8[%get3A_2141] {strides = array<i32>} : memref<16xf32, #tpu.memory_space<vmem>>, vector<16xf32>,
        %min3A_2143 = arith.minimumf %get3A_2142, %masked_sort3A_2139 : vector<16xf32>
        %masked_sort3A_2144 = arith.constant dense<true> : vector<16xi1>
        %masked_sort3A_2145, %masked_sort3A_2146, %masked_sort3A_2147 = tpu.sort %min3A_2143, %iota3A masked %masked_sort3A_2144 : (vector<16xf32>, vector<16xi32>, vector<16xi1>) -> (vector<16xi1>, vector<16xf32>, vector<16xi32>)
        %swap3A_2148 = arith.constant 0 : index
        %swap3A_2149 = tpu.vector_load %arg8[%swap3A_2148] {strides = array<i32>} : memref<16xf32, #tpu.memory_space<vmem>>, vector<16xf32>,
        tpu.vector_store %arg8[%swap3A_2148], %masked_sort3A_2146 {strides = array<i32>} : memref<16xf32, #tpu.memory_space<vmem>>, vector<16xf32>,
        %masked_sort3A_2150 = arith.constant dense<true> : vector<16xi1>
        %masked_sort3A_2151, %masked_sort3A_2152, %masked_sort3A_2153 = tpu.sort %get3A_2041, %iota3A masked %masked_sort3A_2150 {descending = true} : (vector<16xf32>, vector<16xi32>, vector<16xi1>) -> (vector<16xi1>, vector<16xf32>, vector<16xi32>)
        %get3A_2154 = arith.constant 0 : index
        %get3A_2155 = tpu.vector_load %arg8[%get3A_2154] {strides = array<i32>} : memref<16xf32, #tpu.memory_space<vmem>>, vector<16xf32>,
        %min3A_2156 = arith.minimumf %get3A_2155, %masked_sort3A_2152 : vector<16xf32>
        %masked_sort3A_2157 = arith.constant dense<true> : vector<16xi1>
        %masked_sort3A_2158, %masked_sort3A_2159, %masked_sort3A_2160 = tpu.sort %min3A_2156, %iota3A masked %masked_sort3A_2157 : (vector<16xf32>, vector<16xi32>, vector<16xi1>) -> (vector<16xi1>, vector<16xf32>, vector<16xi32>)
        %swap3A_2161 = arith.constant 0 : index
        %swap3A_2162 = tpu.vector_load %arg8[%swap3A_2161] {strides = array<i32>} : memref<16xf32, #tpu.memory_space<vmem>>, vector<16xf32>,
        tpu.vector_store %arg8[%swap3A_2161], %masked_sort3A_2159 {strides = array<i32>} : memref<16xf32, #tpu.memory_space<vmem>>, vector<16xf32>,
        %masked_sort3A_2163 = arith.constant dense<true> : vector<16xi1>
        %masked_sort3A_2164, %masked_sort3A_2165, %masked_sort3A_2166 = tpu.sort %get3A_2043, %iota3A masked %masked_sort3A_2163 {descending = true} : (vector<16xf32>, vector<16xi32>, vector<16xi1>) -> (vector<16xi1>, vector<16xf32>, vector<16xi32>)
        %get3A_2167 = arith.constant 0 : index
        %get3A_2168 = tpu.vector_load %arg8[%get3A_2167] {strides = array<i32>} : memref<16xf32, #tpu.memory_space<vmem>>, vector<16xf32>,
        %min3A_2169 = arith.minimumf %get3A_2168, %masked_sort3A_2165 : vector<16xf32>
        %masked_sort3A_2170 = arith.constant dense<true> : vector<16xi1>
        %masked_sort3A_2171, %masked_sort3A_2172, %masked_sort3A_2173 = tpu.sort %min3A_2169, %iota3A masked %masked_sort3A_2170 : (vector<16xf32>, vector<16xi32>, vector<16xi1>) -> (vector<16xi1>, vector<16xf32>, vector<16xi32>)
        %swap3A_2174 = arith.constant 0 : index
        %swap3A_2175 = tpu.vector_load %arg8[%swap3A_2174] {strides = array<i32>} : memref<16xf32, #tpu.memory_space<vmem>>, vector<16xf32>,
        tpu.vector_store %arg8[%swap3A_2174], %masked_sort3A_2172 {strides = array<i32>} : memref<16xf32, #tpu.memory_space<vmem>>, vector<16xf32>,
        %masked_sort3A_2176 = arith.constant dense<true> : vector<16xi1>
        %masked_sort3A_2177, %masked_sort3A_2178, %masked_sort3A_2179 = tpu.sort %get3A_2045, %iota3A masked %masked_sort3A_2176 {descending = true} : (vector<16xf32>, vector<16xi32>, vector<16xi1>) -> (vector<16xi1>, vector<16xf32>, vector<16xi32>)
        %get3A_2180 = arith.constant 0 : index
        %get3A_2181 = tpu.vector_load %arg8[%get3A_2180] {strides = array<i32>} : memref<16xf32, #tpu.memory_space<vmem>>, vector<16xf32>,
        %min3A_2182 = arith.minimumf %get3A_2181, %masked_sort3A_2178 : vector<16xf32>
        %masked_sort3A_2183 = arith.constant dense<true> : vector<16xi1>
        %masked_sort3A_2184, %masked_sort3A_2185, %masked_sort3A_2186 = tpu.sort %min3A_2182, %iota3A masked %masked_sort3A_2183 : (vector<16xf32>, vector<16xi32>, vector<16xi1>) -> (vector<16xi1>, vector<16xf32>, vector<16xi32>)
        %swap3A_2187 = arith.constant 0 : index
        %swap3A_2188 = tpu.vector_load %arg8[%swap3A_2187] {strides = array<i32>} : memref<16xf32, #tpu.memory_space<vmem>>, vector<16xf32>,
        tpu.vector_store %arg8[%swap3A_2187], %masked_sort3A_2185 {strides = array<i32>} : memref<16xf32, #tpu.memory_space<vmem>>, vector<16xf32>,
        %masked_sort3A_2189 = arith.constant dense<true> : vector<16xi1>
        %masked_sort3A_2190, %masked_sort3A_2191, %masked_sort3A_2192 = tpu.sort %get3A_2047, %iota3A masked %masked_sort3A_2189 {descending = true} : (vector<16xf32>, vector<16xi32>, vector<16xi1>) -> (vector<16xi1>, vector<16xf32>, vector<16xi32>)
        %get3A_2193 = arith.constant 0 : index
        %get3A_2194 = tpu.vector_load %arg8[%get3A_2193] {strides = array<i32>} : memref<16xf32, #tpu.memory_space<vmem>>, vector<16xf32>,
        %min3A_2195 = arith.minimumf %get3A_2194, %masked_sort3A_2191 : vector<16xf32>
        %masked_sort3A_2196 = arith.constant dense<true> : vector<16xi1>
        %masked_sort3A_2197, %masked_sort3A_2198, %masked_sort3A_2199 = tpu.sort %min3A_2195, %iota3A masked %masked_sort3A_2196 : (vector<16xf32>, vector<16xi32>, vector<16xi1>) -> (vector<16xi1>, vector<16xf32>, vector<16xi32>)
        %swap3A_2200 = arith.constant 0 : index
        %swap3A_2201 = tpu.vector_load %arg8[%swap3A_2200] {strides = array<i32>} : memref<16xf32, #tpu.memory_space<vmem>>, vector<16xf32>,
        tpu.vector_store %arg8[%swap3A_2200], %masked_sort3A_2198 {strides = array<i32>} : memref<16xf32, #tpu.memory_space<vmem>>, vector<16xf32>,
        %masked_sort3A_2202 = arith.constant dense<true> : vector<16xi1>
        %masked_sort3A_2203, %masked_sort3A_2204, %masked_sort3A_2205 = tpu.sort %get3A_2049, %iota3A masked %masked_sort3A_2202 {descending = true} : (vector<16xf32>, vector<16xi32>, vector<16xi1>) -> (vector<16xi1>, vector<16xf32>, vector<16xi32>)
        %get3A_2206 = arith.constant 0 : index
        %get3A_2207 = tpu.vector_load %arg8[%get3A_2206] {strides = array<i32>} : memref<16xf32, #tpu.memory_space<vmem>>, vector<16xf32>,
        %min3A_2208 = arith.minimumf %get3A_2207, %masked_sort3A_2204 : vector<16xf32>
        %masked_sort3A_2209 = arith.constant dense<true> : vector<16xi1>
        %masked_sort3A_2210, %masked_sort3A_2211, %masked_sort3A_2212 = tpu.sort %min3A_2208, %iota3A masked %masked_sort3A_2209 : (vector<16xf32>, vector<16xi32>, vector<16xi1>) -> (vector<16xi1>, vector<16xf32>, vector<16xi32>)
        %swap3A_2213 = arith.constant 0 : index
        %swap3A_2214 = tpu.vector_load %arg8[%swap3A_2213] {strides = array<i32>} : memref<16xf32, #tpu.memory_space<vmem>>, vector<16xf32>,
        tpu.vector_store %arg8[%swap3A_2213], %masked_sort3A_2211 {strides = array<i32>} : memref<16xf32, #tpu.memory_space<vmem>>, vector<16xf32>,
      } else {
      }
      %get3A_2069 = arith.constant 0 : index
      %get3A_2070 = tpu.vector_load %arg8[%get3A_2069] {strides = array<i32>} : memref<16xf32, #tpu.memory_space<vmem>>, vector<16xf32>,
      %max3A = arith.constant 9.99999996E-13 : f32
      %max3A_2071 = vector.broadcast %max3A : f32 to vector<16xf32>
      %max3A_2072 = arith.maximumf %get3A_2070, %max3A_2071 : vector<16xf32>
      %bitcast3A = vector.bitcast %max3A_2072 : vector<16xf32> to vector<16xi32>
      %shift_right_logical3A = arith.constant 1 : i32
      %shift_right_logical3A_2073 = vector.broadcast %shift_right_logical3A : i32 to vector<16xi32>
      %shift_right_logical3A_2074 = arith.shrui %bitcast3A, %shift_right_logical3A_2073 : vector<16xi32>
      %sub3A = arith.constant 1597463007 : i32
      %sub3A_2075 = vector.broadcast %sub3A : i32 to vector<16xi32>
      %sub3A_2076 = arith.subi %sub3A_2075, %shift_right_logical3A_2074 : vector<16xi32>
      %bitcast3A_2077 = vector.bitcast %sub3A_2076 : vector<16xi32> to vector<16xf32>
      %mul3A_2078 = arith.constant 5.000000e-01 : f32
      %mul3A_2079 = vector.broadcast %mul3A_2078 : f32 to vector<16xf32>
      %mul3A_2080 = arith.mulf %mul3A_2079, %max3A_2072 : vector<16xf32>
      %mul3A_2081 = arith.mulf %mul3A_2080, %bitcast3A_2077 : vector<16xf32>
      %mul3A_2082 = arith.mulf %mul3A_2081, %bitcast3A_2077 : vector<16xf32>
      %sub3A_2083 = arith.constant 1.500000e+00 : f32
      %sub3A_2084 = vector.broadcast %sub3A_2083 : f32 to vector<16xf32>
      %sub3A_2085 = arith.subf %sub3A_2084, %mul3A_2082 : vector<16xf32>
      %mul3A_2086 = arith.mulf %bitcast3A_2077, %sub3A_2085 : vector<16xf32>
      %mul3A_2087 = arith.constant 5.000000e-01 : f32
      %mul3A_2088 = vector.broadcast %mul3A_2087 : f32 to vector<16xf32>
      %mul3A_2089 = arith.mulf %mul3A_2088, %max3A_2072 : vector<16xf32>
      %mul3A_2090 = arith.mulf %mul3A_2089, %mul3A_2086 : vector<16xf32>
      %mul3A_2091 = arith.mulf %mul3A_2090, %mul3A_2086 : vector<16xf32>
      %sub3A_2092 = arith.constant 1.500000e+00 : f32
      %sub3A_2093 = vector.broadcast %sub3A_2092 : f32 to vector<16xf32>
      %sub3A_2094 = arith.subf %sub3A_2093, %mul3A_2091 : vector<16xf32>
      %mul3A_2095 = arith.mulf %mul3A_2086, %sub3A_2094 : vector<16xf32>
      %mul3A_2096 = arith.constant 5.000000e-01 : f32
      %mul3A_2097 = vector.broadcast %mul3A_2096 : f32 to vector<16xf32>
      %mul3A_2098 = arith.mulf %mul3A_2097, %max3A_2072 : vector<16xf32>
      %mul3A_2099 = arith.mulf %mul3A_2098, %mul3A_2095 : vector<16xf32>
      %mul3A_2100 = arith.mulf %mul3A_2099, %mul3A_2095 : vector<16xf32>
      %sub3A_2101 = arith.constant 1.500000e+00 : f32
      %sub3A_2102 = vector.broadcast %sub3A_2101 : f32 to vector<16xf32>
      %sub3A_2103 = arith.subf %sub3A_2102, %mul3A_2100 : vector<16xf32>
      %mul3A_2104 = arith.mulf %mul3A_2095, %sub3A_2103 : vector<16xf32>
      %mul3A_2105 = arith.mulf %max3A_2072, %mul3A_2104 : vector<16xf32>
      %mul3A_2106 = arith.constant 16 : i32
      %mul3A_2107 = arith.muli %scan3A_409, %mul3A_2106 : i32
      %swap3A_2108 = arith.index_cast %mul3A_2107 : i32 to index
      %swap3A_2109 = tpu.vector_load %arg7[%swap3A_2108] {strides = array<i32>} : memref<256xf32, #tpu.memory_space<vmem>>, vector<16xf32>,
      tpu.vector_store %arg7[%swap3A_2108], %mul3A_2105 {strides = array<i32>} : memref<256xf32, #tpu.memory_space<vmem>>, vector<16xf32>,
      %scan3A_2110 = arith.constant 0 : i32
      scf.yield %scan3A_2110 : i32
    }
    %scan3A_406 = arith.constant 16 : i32
    %mul3A_407 = arith.constant 16 : i32
    %mul3A_408 = arith.muli %mul3A_2, %mul3A_407 : i32
    "tpu.region"() ({
      %run_scoped3A = tpu.sem_alloc : memref<!tpu.dma_semaphore, #tpu.memory_space<semaphore_mem>>
      %dma_start3A_409 = tpu.memref_slice %arg4[%mul3A_408] : memref<8192xf32, #tpu.memory_space<hbm>> -> memref<256xf32, #tpu.memory_space<hbm>>
      %dma_start3A_410 = tpu.memref_slice %arg4[%mul3A_408] : memref<8192xf32, #tpu.memory_space<hbm>> -> memref<256xf32, #tpu.memory_space<hbm>>
      tpu.enqueue_dma source(%arg7 : memref<256xf32, #tpu.memory_space<vmem>>) target(%dma_start3A_410 : memref<256xf32, #tpu.memory_space<hbm>>) target_semaphore(%run_scoped3A : memref<!tpu.dma_semaphore, #tpu.memory_space<semaphore_mem>>)
      %dma_wait3A_411 = tpu.memref_slice %arg4[%mul3A_408] : memref<8192xf32, #tpu.memory_space<hbm>> -> memref<256xf32, #tpu.memory_space<hbm>>
      %dma_wait3A_412 = tpu.memref_slice %arg4[%mul3A_408] : memref<8192xf32, #tpu.memory_space<hbm>> -> memref<256xf32, #tpu.memory_space<hbm>>
      tpu.wait_dma2 semaphore(%run_scoped3A : memref<!tpu.dma_semaphore, #tpu.memory_space<semaphore_mem>>) src(%arg7 : memref<256xf32, #tpu.memory_space<vmem>>) dst(%dma_wait3A_412 : memref<256xf32, #tpu.memory_space<hbm>>)
      tpu.yield
    }) : () -> ()
    return
  }
}

module attributes {stable_mosaic.version = 14 : i64} {
  func.func @_phase1_kernel(%arg0: i32, %arg1: i32, %arg2: memref<256x128xf32, #tpu.memory_space<vmem>>, %arg3: memref<4096x128xf32, #tpu.memory_space<vmem>>, %arg4: memref<256x4096xf32, #tpu.memory_space<vmem>>, %arg5: memref<1x256x16xf32, #tpu.memory_space<vmem>>, %arg6: memref<1x4096xf32, #tpu.memory_space<vmem>>) attributes {dimension_semantics = [#tpu.dimension_semantics<parallel>, #tpu.dimension_semantics<parallel>], iteration_bounds = array<i64: 25, 2>, scalar_prefetch = 0 : i64, scratch_operands = 1 : i64, tpu.core_type = #tpu.core_type<tc>, window_params = [{transform_indices = @transform_0, window_bounds = array<i64: 256, 128>}, {transform_indices = @transform_1, window_bounds = array<i64: 4096, 128>}, {transform_indices = @transform_2, window_bounds = array<i64: 256, 4096>}, {transform_indices = @transform_3, window_bounds = array<i64: 1, 256, 16>}]} {
    %get3A = arith.constant 0 : index
    %get3A_0 = arith.constant 0 : index
    %get3A_1 = vector.load %arg2[%get3A, %get3A_0] : memref<256x128xf32, #tpu.memory_space<vmem>>, vector<256x128xf32>
    %get3A_2 = arith.constant 0 : index
    %get3A_3 = arith.constant 0 : index
    %get3A_4 = vector.load %arg3[%get3A_2, %get3A_3] : memref<4096x128xf32, #tpu.memory_space<vmem>>, vector<4096x128xf32>
    %eq3A = arith.constant 0 : i32
    %eq3A_5 = arith.cmpi eq, %arg1, %eq3A : i32
    %convert_element_type3A = arith.extui %eq3A_5 : i1 to i32
    %cond3A = arith.constant 0 : i32
    %cond3A_6 = arith.cmpi ne, %convert_element_type3A, %cond3A : i32
    scf.if %cond3A_6 {
      %broadcast_in_dim3A_94 = arith.constant 1.000000e+00 : f32
      %broadcast_in_dim3A_95 = vector.broadcast %broadcast_in_dim3A_94 : f32 to vector<1x128xf32>
      %mul3A_96 = arith.mulf %get3A_4, %get3A_4 : vector<4096x128xf32>
      %dot_general3A_97 = arith.constant dense<0.000000e+00> : vector<1x4096xf32>
      %dot_general3A_98 = tpu.matmul %broadcast_in_dim3A_95, %mul3A_96, %dot_general3A_97 {dimension_numbers = #tpu.dot_dimension_numbers<[1], [1], [0], [0], [0, 0, 1, 0], [], []>, transpose_lhs_hint = false} : vector<1x128xf32>, vector<4096x128xf32>, vector<1x4096xf32> -> vector<1x4096xf32>
      %swap3A_99 = arith.constant 0 : index
      %swap3A_100 = arith.constant 0 : index
      %swap3A_101 = vector.load %arg6[%swap3A_99, %swap3A_100] : memref<1x4096xf32, #tpu.memory_space<vmem>>, vector<1x4096xf32>
      tpu.vector_store %arg6[%swap3A_99, %swap3A_100], %dot_general3A_98 {strides = array<i32>} : memref<1x4096xf32, #tpu.memory_space<vmem>>, vector<1x4096xf32>,
    } else {
    }
    %get3A_7 = arith.constant 0 : index
    %get3A_8 = arith.constant 0 : index
    %get3A_9 = vector.load %arg6[%get3A_7, %get3A_8] : memref<1x4096xf32, #tpu.memory_space<vmem>>, vector<1x4096xf32>
    %mul3A = arith.mulf %get3A_1, %get3A_1 : vector<256x128xf32>
    %reduce_sum3A = arith.constant dense<0.000000e+00> : vector<256xf32>
    %reduce_sum3A_10 = vector.multi_reduction <add>, %mul3A, %reduce_sum3A [1] : vector<256x128xf32> to vector<256xf32>
    %broadcast_in_dim3A = vector.shape_cast %reduce_sum3A_10 : vector<256xf32> to vector<256x1xf32>
    %dot_general3A = arith.constant dense<0.000000e+00> : vector<256x4096xf32>
    %dot_general3A_11 = tpu.matmul %get3A_1, %get3A_4, %dot_general3A {dimension_numbers = #tpu.dot_dimension_numbers<[1], [1], [0], [0], [0, 0, 1, 0], [], []>, transpose_lhs_hint = false} : vector<256x128xf32>, vector<4096x128xf32>, vector<256x4096xf32> -> vector<256x4096xf32>
    %mul3A_12 = arith.constant 2.000000e+00 : f32
    %mul3A_13 = vector.broadcast %mul3A_12 : f32 to vector<256x4096xf32>
    %mul3A_14 = arith.mulf %mul3A_13, %dot_general3A_11 : vector<256x4096xf32>
    %sub3A = vector.broadcast %get3A_9 : vector<1x4096xf32> to vector<256x4096xf32>
    %sub3A_15 = arith.subf %sub3A, %mul3A_14 : vector<256x4096xf32>
    %add3A = vector.broadcast %broadcast_in_dim3A : vector<256x1xf32> to vector<256x4096xf32>
    %add3A_16 = arith.addf %add3A, %sub3A_15 : vector<256x4096xf32>
    %ge3A = arith.constant 24 : i32
    %ge3A_17 = arith.cmpi sge, %arg0, %ge3A : i32
    %convert_element_type3A_18 = arith.extui %ge3A_17 : i1 to i32
    %cond3A_19 = arith.constant 0 : i32
    %cond3A_20 = arith.cmpi ne, %convert_element_type3A_18, %cond3A_19 : i32
    scf.if %cond3A_20 {
      %iota3A = tpu.iota {dimensions = array<i32: 1>} : vector<256x4096xi32>
      %mul3A_94 = arith.constant 4096 : i32
      %mul3A_95 = arith.muli %arg0, %mul3A_94 : i32
      %add3A_96 = vector.broadcast %mul3A_95 : i32 to vector<256x4096xi32>
      %add3A_97 = arith.addi %iota3A, %add3A_96 : vector<256x4096xi32>
      %lt3A_98 = arith.constant 100000 : i32
      %lt3A_99 = vector.broadcast %lt3A_98 : i32 to vector<256x4096xi32>
      %lt3A_100 = arith.cmpi slt, %add3A_97, %lt3A_99 : vector<256x4096xi32>
      %jit3A = arith.constant 1.000000e+30 : f32
      %broadcast_in_dim3A_101 = vector.broadcast %jit3A : f32 to vector<256x4096xf32>
      %select_n3A = arith.select %lt3A_100, %add3A_16, %broadcast_in_dim3A_101 : vector<256x4096xi1>, vector<256x4096xf32>
      %swap3A_102 = arith.constant 0 : index
      %swap3A_103 = arith.constant 0 : index
      %swap3A_104 = vector.load %arg4[%swap3A_102, %swap3A_103] : memref<256x4096xf32, #tpu.memory_space<vmem>>, vector<256x4096xf32>
      tpu.vector_store %arg4[%swap3A_102, %swap3A_103], %select_n3A {strides = array<i32>} : memref<256x4096xf32, #tpu.memory_space<vmem>>, vector<256x4096xf32>,
    } else {
    }
    %lt3A = arith.constant 24 : i32
    %lt3A_21 = arith.cmpi slt, %arg0, %lt3A : i32
    %convert_element_type3A_22 = arith.extui %lt3A_21 : i1 to i32
    %cond3A_23 = arith.constant 0 : i32
    %cond3A_24 = arith.cmpi ne, %convert_element_type3A_22, %cond3A_23 : i32
    scf.if %cond3A_24 {
      %swap3A_94 = arith.constant 0 : index
      %swap3A_95 = arith.constant 0 : index
      %swap3A_96 = vector.load %arg4[%swap3A_94, %swap3A_95] : memref<256x4096xf32, #tpu.memory_space<vmem>>, vector<256x4096xf32>
      tpu.vector_store %arg4[%swap3A_94, %swap3A_95], %add3A_16 {strides = array<i32>} : memref<256x4096xf32, #tpu.memory_space<vmem>>, vector<256x4096xf32>,
    } else {
    }
    %get3A_25 = arith.constant 0 : index
    %get3A_26 = arith.constant 0 : index
    %get3A_27 = vector.load %arg4[%get3A_25, %get3A_26] : memref<256x4096xf32, #tpu.memory_space<vmem>>, vector<256x4096xf32>
    %slice3A = vector.extract_strided_slice %get3A_27 {offsets = [0, 0], sizes = [256, 256], strides = [1, 1]} : vector<256x4096xf32> to vector<256x256xf32>
    %reduce_min3A = arith.constant dense<0x7F800000> : vector<256xf32>
    %reduce_min3A_28 = vector.multi_reduction <minimumf>, %slice3A, %reduce_min3A [1] : vector<256x256xf32> to vector<256xf32>
    %broadcast_in_dim3A_29 = vector.shape_cast %reduce_min3A_28 : vector<256xf32> to vector<256x1xf32>
    %slice3A_30 = vector.extract_strided_slice %get3A_27 {offsets = [0, 256], sizes = [256, 256], strides = [1, 1]} : vector<256x4096xf32> to vector<256x256xf32>
    %reduce_min3A_31 = arith.constant dense<0x7F800000> : vector<256xf32>
    %reduce_min3A_32 = vector.multi_reduction <minimumf>, %slice3A_30, %reduce_min3A_31 [1] : vector<256x256xf32> to vector<256xf32>
    %broadcast_in_dim3A_33 = vector.shape_cast %reduce_min3A_32 : vector<256xf32> to vector<256x1xf32>
    %slice3A_34 = vector.extract_strided_slice %get3A_27 {offsets = [0, 512], sizes = [256, 256], strides = [1, 1]} : vector<256x4096xf32> to vector<256x256xf32>
    %reduce_min3A_35 = arith.constant dense<0x7F800000> : vector<256xf32>
    %reduce_min3A_36 = vector.multi_reduction <minimumf>, %slice3A_34, %reduce_min3A_35 [1] : vector<256x256xf32> to vector<256xf32>
    %broadcast_in_dim3A_37 = vector.shape_cast %reduce_min3A_36 : vector<256xf32> to vector<256x1xf32>
    %slice3A_38 = vector.extract_strided_slice %get3A_27 {offsets = [0, 768], sizes = [256, 256], strides = [1, 1]} : vector<256x4096xf32> to vector<256x256xf32>
    %reduce_min3A_39 = arith.constant dense<0x7F800000> : vector<256xf32>
    %reduce_min3A_40 = vector.multi_reduction <minimumf>, %slice3A_38, %reduce_min3A_39 [1] : vector<256x256xf32> to vector<256xf32>
    %broadcast_in_dim3A_41 = vector.shape_cast %reduce_min3A_40 : vector<256xf32> to vector<256x1xf32>
    %slice3A_42 = vector.extract_strided_slice %get3A_27 {offsets = [0, 1024], sizes = [256, 256], strides = [1, 1]} : vector<256x4096xf32> to vector<256x256xf32>
    %reduce_min3A_43 = arith.constant dense<0x7F800000> : vector<256xf32>
    %reduce_min3A_44 = vector.multi_reduction <minimumf>, %slice3A_42, %reduce_min3A_43 [1] : vector<256x256xf32> to vector<256xf32>
    %broadcast_in_dim3A_45 = vector.shape_cast %reduce_min3A_44 : vector<256xf32> to vector<256x1xf32>
    %slice3A_46 = vector.extract_strided_slice %get3A_27 {offsets = [0, 1280], sizes = [256, 256], strides = [1, 1]} : vector<256x4096xf32> to vector<256x256xf32>
    %reduce_min3A_47 = arith.constant dense<0x7F800000> : vector<256xf32>
    %reduce_min3A_48 = vector.multi_reduction <minimumf>, %slice3A_46, %reduce_min3A_47 [1] : vector<256x256xf32> to vector<256xf32>
    %broadcast_in_dim3A_49 = vector.shape_cast %reduce_min3A_48 : vector<256xf32> to vector<256x1xf32>
    %slice3A_50 = vector.extract_strided_slice %get3A_27 {offsets = [0, 1536], sizes = [256, 256], strides = [1, 1]} : vector<256x4096xf32> to vector<256x256xf32>
    %reduce_min3A_51 = arith.constant dense<0x7F800000> : vector<256xf32>
    %reduce_min3A_52 = vector.multi_reduction <minimumf>, %slice3A_50, %reduce_min3A_51 [1] : vector<256x256xf32> to vector<256xf32>
    %broadcast_in_dim3A_53 = vector.shape_cast %reduce_min3A_52 : vector<256xf32> to vector<256x1xf32>
    %slice3A_54 = vector.extract_strided_slice %get3A_27 {offsets = [0, 1792], sizes = [256, 256], strides = [1, 1]} : vector<256x4096xf32> to vector<256x256xf32>
    %reduce_min3A_55 = arith.constant dense<0x7F800000> : vector<256xf32>
    %reduce_min3A_56 = vector.multi_reduction <minimumf>, %slice3A_54, %reduce_min3A_55 [1] : vector<256x256xf32> to vector<256xf32>
    %broadcast_in_dim3A_57 = vector.shape_cast %reduce_min3A_56 : vector<256xf32> to vector<256x1xf32>
    %slice3A_58 = vector.extract_strided_slice %get3A_27 {offsets = [0, 2048], sizes = [256, 256], strides = [1, 1]} : vector<256x4096xf32> to vector<256x256xf32>
    %reduce_min3A_59 = arith.constant dense<0x7F800000> : vector<256xf32>
    %reduce_min3A_60 = vector.multi_reduction <minimumf>, %slice3A_58, %reduce_min3A_59 [1] : vector<256x256xf32> to vector<256xf32>
    %broadcast_in_dim3A_61 = vector.shape_cast %reduce_min3A_60 : vector<256xf32> to vector<256x1xf32>
    %slice3A_62 = vector.extract_strided_slice %get3A_27 {offsets = [0, 2304], sizes = [256, 256], strides = [1, 1]} : vector<256x4096xf32> to vector<256x256xf32>
    %reduce_min3A_63 = arith.constant dense<0x7F800000> : vector<256xf32>
    %reduce_min3A_64 = vector.multi_reduction <minimumf>, %slice3A_62, %reduce_min3A_63 [1] : vector<256x256xf32> to vector<256xf32>
    %broadcast_in_dim3A_65 = vector.shape_cast %reduce_min3A_64 : vector<256xf32> to vector<256x1xf32>
    %slice3A_66 = vector.extract_strided_slice %get3A_27 {offsets = [0, 2560], sizes = [256, 256], strides = [1, 1]} : vector<256x4096xf32> to vector<256x256xf32>
    %reduce_min3A_67 = arith.constant dense<0x7F800000> : vector<256xf32>
    %reduce_min3A_68 = vector.multi_reduction <minimumf>, %slice3A_66, %reduce_min3A_67 [1] : vector<256x256xf32> to vector<256xf32>
    %broadcast_in_dim3A_69 = vector.shape_cast %reduce_min3A_68 : vector<256xf32> to vector<256x1xf32>
    %slice3A_70 = vector.extract_strided_slice %get3A_27 {offsets = [0, 2816], sizes = [256, 256], strides = [1, 1]} : vector<256x4096xf32> to vector<256x256xf32>
    %reduce_min3A_71 = arith.constant dense<0x7F800000> : vector<256xf32>
    %reduce_min3A_72 = vector.multi_reduction <minimumf>, %slice3A_70, %reduce_min3A_71 [1] : vector<256x256xf32> to vector<256xf32>
    %broadcast_in_dim3A_73 = vector.shape_cast %reduce_min3A_72 : vector<256xf32> to vector<256x1xf32>
    %slice3A_74 = vector.extract_strided_slice %get3A_27 {offsets = [0, 3072], sizes = [256, 256], strides = [1, 1]} : vector<256x4096xf32> to vector<256x256xf32>
    %reduce_min3A_75 = arith.constant dense<0x7F800000> : vector<256xf32>
    %reduce_min3A_76 = vector.multi_reduction <minimumf>, %slice3A_74, %reduce_min3A_75 [1] : vector<256x256xf32> to vector<256xf32>
    %broadcast_in_dim3A_77 = vector.shape_cast %reduce_min3A_76 : vector<256xf32> to vector<256x1xf32>
    %slice3A_78 = vector.extract_strided_slice %get3A_27 {offsets = [0, 3328], sizes = [256, 256], strides = [1, 1]} : vector<256x4096xf32> to vector<256x256xf32>
    %reduce_min3A_79 = arith.constant dense<0x7F800000> : vector<256xf32>
    %reduce_min3A_80 = vector.multi_reduction <minimumf>, %slice3A_78, %reduce_min3A_79 [1] : vector<256x256xf32> to vector<256xf32>
    %broadcast_in_dim3A_81 = vector.shape_cast %reduce_min3A_80 : vector<256xf32> to vector<256x1xf32>
    %slice3A_82 = vector.extract_strided_slice %get3A_27 {offsets = [0, 3584], sizes = [256, 256], strides = [1, 1]} : vector<256x4096xf32> to vector<256x256xf32>
    %reduce_min3A_83 = arith.constant dense<0x7F800000> : vector<256xf32>
    %reduce_min3A_84 = vector.multi_reduction <minimumf>, %slice3A_82, %reduce_min3A_83 [1] : vector<256x256xf32> to vector<256xf32>
    %broadcast_in_dim3A_85 = vector.shape_cast %reduce_min3A_84 : vector<256xf32> to vector<256x1xf32>
    %slice3A_86 = vector.extract_strided_slice %get3A_27 {offsets = [0, 3840], sizes = [256, 256], strides = [1, 1]} : vector<256x4096xf32> to vector<256x256xf32>
    %reduce_min3A_87 = arith.constant dense<0x7F800000> : vector<256xf32>
    %reduce_min3A_88 = vector.multi_reduction <minimumf>, %slice3A_86, %reduce_min3A_87 [1] : vector<256x256xf32> to vector<256xf32>
    %broadcast_in_dim3A_89 = vector.shape_cast %reduce_min3A_88 : vector<256xf32> to vector<256x1xf32>
    %concatenate3A = tpu.concatenate %broadcast_in_dim3A_29, %broadcast_in_dim3A_33, %broadcast_in_dim3A_37, %broadcast_in_dim3A_41, %broadcast_in_dim3A_45, %broadcast_in_dim3A_49, %broadcast_in_dim3A_53, %broadcast_in_dim3A_57, %broadcast_in_dim3A_61, %broadcast_in_dim3A_65, %broadcast_in_dim3A_69, %broadcast_in_dim3A_73, %broadcast_in_dim3A_77, %broadcast_in_dim3A_81, %broadcast_in_dim3A_85, %broadcast_in_dim3A_89 in 1 : vector<256x1xf32>, vector<256x1xf32>, vector<256x1xf32>, vector<256x1xf32>, vector<256x1xf32>, vector<256x1xf32>, vector<256x1xf32>, vector<256x1xf32>, vector<256x1xf32>, vector<256x1xf32>, vector<256x1xf32>, vector<256x1xf32>, vector<256x1xf32>, vector<256x1xf32>, vector<256x1xf32>, vector<256x1xf32> -> vector<256x16xf32>
    %broadcast_in_dim3A_90 = vector.shape_cast %concatenate3A : vector<256x16xf32> to vector<1x256x16xf32>
    %swap3A = arith.constant 0 : index
    %swap3A_91 = arith.constant 0 : index
    %swap3A_92 = arith.constant 0 : index
    %swap3A_93 = vector.load %arg5[%swap3A, %swap3A_91, %swap3A_92] : memref<1x256x16xf32, #tpu.memory_space<vmem>>, vector<1x256x16xf32>
    tpu.vector_store %arg5[%swap3A, %swap3A_91, %swap3A_92], %broadcast_in_dim3A_90 {strides = array<i32>} : memref<1x256x16xf32, #tpu.memory_space<vmem>>, vector<1x256x16xf32>,
    return
  }
  func.func @transform_0(%arg0: i32, %arg1: i32) -> (i32, i32) {
    %c0_i32 = arith.constant 0 : i32
    %c0_i32_0 = arith.constant 0 : i32
    return %arg1, %c0_i32 : i32, i32
  }
  func.func @transform_1(%arg0: i32, %arg1: i32) -> (i32, i32) {
    %c0_i32 = arith.constant 0 : i32
    %c0_i32_0 = arith.constant 0 : i32
    return %arg0, %c0_i32 : i32, i32
  }
  func.func @transform_2(%arg0: i32, %arg1: i32) -> (i32, i32) {
    %c0_i32 = arith.constant 0 : i32
    return %arg1, %arg0 : i32, i32
  }
  func.func @transform_3(%arg0: i32, %arg1: i32) -> (i32, i32, i32) {
    %c0_i32 = arith.constant 0 : i32
    %c0_i32_0 = arith.constant 0 : i32
    return %arg0, %arg1, %c0_i32 : i32, i32, i32
  }
}

</mosaic_0001>

<sc_bundles>
// kernel: kernel.4.cloned.1.call-start
scs
__scs_entry_jumppad:
0x0: {  	(pc) =	sbr.rel $0x88, $3  }
0x1: {  	(tag) =	ssettag $0x0;
	lr =	simm.s32 $0x1  }
0x2: {  	[smem:$0x3F9F] =	sst lr;
	_ =	strace $0xD0000000  }
0x3: {  	_ = 	snop  }
0x4: {  	_ = 	snop  }
0x5: {  	_ = 	snop  }
0x6: {  	_ = 	snop  }
0x7: {  	_ = 	snop  }
__scs_overlays_trampoline_lowered:
0x8: {  	[smem:$0x3FAE] =	sst s0  }
0x9: {  	[smem:$0x3FAF] =	sst s1  }
0xa: {  	[smem:$0x3FB0] =	sst s2  }
0xb: {  	[smem:$0x3FB1] =	sst s3  }
0xc: {  	[smem:$0x3FB2] =	sst s4  }
0xd: {  	[smem:$0x3FB3] =	sst s5  }
0xe: {  	[smem:$0x3FB4] =	sst s6  }
0xf: {  	[smem:$0x3FB5] =	sst s7  }
0x10: {  	[smem:$0x3FB6] =	sst s8  }
0x11: {  	[smem:$0x3FB7] =	sst s9;
	s0 =	simm.s32 @!p0 $0x0  }
0x12: {  	s1 =	sld [smem:$0x3F9D];
	s0 =	simm.s32 @p0 $0x1  }
0x13: {  	[smem:$0x3FB8] =	sst s0;
	s0 =	simm.s32 @!p1 $0x0  }
0x14: {  	s2 =	sld [smem:$0x3F9C];
	s0 =	simm.s32 @p1 $0x1  }
0x15: {  	[smem:$0x3FB9] =	sst s0;
	s0 =	simm.s32 @!p2 $0x0  }
0x16: {  	s3 =	sld [smem:$0x3FDB];
	s0 =	simm.s32 @p2 $0x1  }
0x17: {  	s4 =	simm.s32 $0x1BF5;
	[smem:$0x3FBB] =	sst s0  }
0x18: {  	s0 =	sld [smem:$0x3F9E];
	_ =	swait.ge [sflag:s4], $0x0  }
0x19: {  	s7 =	sld [smem:$0x3F9F]  }
0x1a: {  	s8 =	sadd.s32 $0xFFFFE003, lr  }
0x1b: {  	s9 =	sadd.s32 $0xFFFFFEF7, lr;
	s5 =	simm.s32 $0xFFFFFFFF;
	p2 =	slt.u32 s8, $0xFFFFF086  }
0x1c: {  	p1 =	slt.u32 s9, $0xF7A;
	s5 =	simm.s32 @!p2 $0x0  }
0x1d: {  	s5 =	simm.s32 @p1 $0x1;
	p0 =	seq.s32 s7, s2  }
0x1e: {  	s7 =	smul.u32 @!p0 $0xF7A, s2;
	p2 =	seq.s32 @!p0 s5, $0x0  }
0x1f: {  	s9 =	smul.u32 $0xF7A, s1;
	s8 =	simm.s32 @!p0 $0x1BF5;
	p2 =	por !p2, p0  }
0x20: {  	[sflag:s8] =	ssyncset.s32 @!p0 $0xFFFFF086;
	s6 =	sadd.s32 @!p0 s3, s7;
	s7 =	simm.s32 @!p0 $0x108  }
0x21: {  	s3 =	sadd.s32 s3, s9;
	s6 =	sadd.s32 @!p0 $0x88, s6;
	s7 =	simm.s32 @p2 $0x1082  }
0x22: {  	[simem:s7], [sflag:s8] =	dma.local @!p0 [hbm:s6], $0xF7A  }
0x23: {  	s9 =	sor.u32 $0xD0000000, s2;
	s6 =	simm.s32 $0x108;
	_ =	swait.ge @!p0 [sflag:s8], $0x0  }
0x24: {  	s3 =	sadd.s32 $0x88, s3;
	s6 =	simm.s32 @!p1 $0x1082;
	[sflag:s4] =	ssyncset.s32 $0xFFFFF086  }
0x25: {  	[simem:s6], [sflag:s4] =	dma.local [hbm:s3], $0xF7A  }
0x26: {  	[smem:$0x3F9F] =	sst s1;
	(tag) =	ssettag s2;
	_ =	strace s9  }
0x27: {  	s1 =	sld [smem:$0x3FAF]  }
0x28: {  	s2 =	sld [smem:$0x3FB0]  }
0x29: {  	s4 =	sld [smem:$0x3FB2]  }
0x2a: {  	p0 =	seq.s32 s5, $0x0;
	s5 =	sld [smem:$0x3FB3]  }
0x2b: {  	s6 =	sld [smem:$0x3FB4]  }
0x2c: {  	s7 =	sld [smem:$0x3FB5]  }
0x2d: {  	s3 =	simm.s32 $0x108;
	s8 =	sld [smem:$0x3FB6]  }
0x2e: {  	s3 =	simm.s32 @!p0 $0x1082;
	s9 =	sld [smem:$0x3FB7]  }
0x2f: {  	lr =	sadd.s32 s0, s3;
	s0 =	sld [smem:$0x3FAE]  }
0x30: {  	s3 =	sld [smem:$0x3FB1]  }
0x31: {  	[smem:$0x3FBA] =	sst s10  }
0x32: {  	s10 =	sld [smem:$0x3FB8];
	_ =	sdelay $0x3  }
0x33: {  	p0 =	seq.s32 s10, $0x1;
	s10 =	sld [smem:$0x3FBA];
	_ =	sdelay $0x3  }
0x34: {  	[smem:$0x3FBA] =	sst s10  }
0x35: {  	s10 =	sld [smem:$0x3FB9];
	_ =	sdelay $0x3  }
0x36: {  	p1 =	seq.s32 s10, $0x1;
	s10 =	sld [smem:$0x3FBA];
	_ =	sdelay $0x3  }
0x37: {  	[smem:$0x3FBA] =	sst s10  }
0x38: {  	s10 =	sld [smem:$0x3FBB]  }
0x39: {  	_ = 	snop;
	(pc) =	sbr.ind lr, $3  }
0x3a: {  	_ = 	snop  }
0x3b: {  	_ = 	snop  }
0x3c: {  	p2 =	seq.s32 s10, $0x1;
	s10 =	sld [smem:$0x3FBA]  }
0x3d: {  	_ =	shalt  }
0x3e: {  	_ =	shalt  }
0x3f: {  	_ =	shalt  }
0x40: {  	_ =	shalt  }
0x41: {  	_ =	shalt  }
0x42: {  	_ =	shalt  }
0x43: {  	_ =	shalt  }
0x44: {  	_ =	shalt  }
0x45: {  	_ =	shalt  }
0x46: {  	_ =	shalt  }
0x47: {  	_ =	shalt  }
0x48: {  	_ =	shalt  }
0x49: {  	_ =	shalt  }
0x4a: {  	_ =	shalt  }
0x4b: {  	_ =	shalt  }
0x4c: {  	_ =	shalt  }
0x4d: {  	_ =	shalt  }
0x4e: {  	_ =	shalt  }
0x4f: {  	_ =	shalt  }
0x50: {  	_ =	shalt  }
0x51: {  	_ =	shalt  }
0x52: {  	_ =	shalt  }
0x53: {  	_ =	shalt  }
0x54: {  	_ =	shalt  }
0x55: {  	_ =	shalt  }
0x56: {  	_ =	shalt  }
0x57: {  	_ =	shalt  }
0x58: {  	_ =	shalt  }
0x59: {  	_ =	shalt  }
0x5a: {  	_ =	shalt  }
0x5b: {  	_ =	shalt  }
0x5c: {  	_ =	shalt  }
0x5d: {  	_ =	shalt  }
0x5e: {  	_ =	shalt  }
0x5f: {  	_ =	shalt  }
0x60: {  	_ =	shalt  }
0x61: {  	_ =	shalt  }
0x62: {  	_ =	shalt  }
0x63: {  	_ =	shalt  }
0x64: {  	_ =	shalt  }
0x65: {  	_ =	shalt  }
0x66: {  	_ =	shalt  }
0x67: {  	_ =	shalt  }
0x68: {  	_ =	shalt  }
0x69: {  	_ =	shalt  }
0x6a: {  	_ =	shalt  }
0x6b: {  	_ =	shalt  }
0x6c: {  	_ =	shalt  }
0x6d: {  	_ =	shalt  }
0x6e: {  	_ =	shalt  }
0x6f: {  	_ =	shalt  }
0x70: {  	_ =	shalt  }
0x71: {  	_ =	shalt  }
0x72: {  	_ =	shalt  }
0x73: {  	_ =	shalt  }
0x74: {  	_ =	shalt  }
0x75: {  	_ =	shalt  }
0x76: {  	_ =	shalt  }
0x77: {  	_ =	shalt  }
0x78: {  	_ =	shalt  }
0x79: {  	_ =	shalt  }
0x7a: {  	_ =	shalt  }
0x7b: {  	_ =	shalt  }
0x7c: {  	_ =	shalt  }
0x7d: {  	_ =	shalt  }
0x7e: {  	_ =	shalt  }
0x7f: {  	_ =	shalt  }
0x80: {  	_ =	shalt  }
0x81: {  	_ =	shalt  }
0x82: {  	_ =	shalt  }
0x83: {  	_ =	shalt  }
0x84: {  	_ =	shalt  }
0x85: {  	_ =	shalt  }
0x86: {  	_ =	shalt  }
0x87: {  	_ =	shalt  }
.Lfunc_end0:
.L_simem_size_0:
called_computation_lowered:
.L_overlay_start_0:
0x88: {  	s2 =	sld [smem:$0x3FD9]  }
0x89: {  	s3 =	sld [smem:$0x3FFE];
	_ =	sdelay $0x1  }
0x8a: {  	s1 =	srdreg.scid  }
0x8b: {  	s0 =	sand.u32 $0x1, s1  }
0x8c: {  	s17 =	sshll.u32 s0, $0xA;
	s2 =	sadd.s32 s3, s2  }
0x8d: {  	s2 =	sadd.s32 s2, s17  }
0x8e: {  	[smem:$0x3FC6] =	sst s2  }
0x8f: {  	_ = 	snop  }
0x90: {  	s2 =	sld [smem:$0x3FD0];
	(tm) =	ssettm $0x1  }
0x91: {  	s18 =	sld [smem:$0x3FFB];
	_ =	sdelay $0x3  }
0x92: {  	_ =	strace s18  }
0x93: {  	s3 =	sld [smem:$0x3FFC];
	_ =	sdelay $0x3  }
0x94: {  	_ =	strace s3  }
0x95: {  	s3 =	sld [smem:$0x3FFD];
	_ =	sdelay $0x3  }
0x96: {  	_ =	strace s3  }
0x97: {  	_ =	strace $0x8FFFFFFF  }
0x98: {  	s19 =	sld [smem:$0x3FDB];
	_ =	sdelay $0x1  }
0x99: {  	s4 =	simm.s32 $_scs_section_size  }
0x9a: {  	s5 =	simm.s32 $_size__tile_overlayer_lowered;
	s6 =	simm.s32 $_tile_overlayer_lowered  }
0x9b: {  	s22 =	simm.s32 $0x1BFF;
	s21 =	sshll.u32 s6, $0x1;
	s3 =	sadd.s32 s4, s19  }
0x9c: {  	s7 =	simm.s32 $0x0;
	s20 =	sshll.u32 s5, $0x1;
	s5 =	sadd.s32 s21, s3  }
0x9d: {  	[timem:s7], [sflag:s22] =	dma.local [hbm:s5], s20  }
0x9e: {  	_ =	swait.ge [sflag:s22], s20  }
0x9f: {  	s4 =	ssub.s32 $0x0, s20;
	[sflag:s22] =	ssyncset.done $0x0  }
0xa0: {  	[sflag:s22] =	ssyncadd.s32 s4;
	_ =	sdelay $0x1  }
0xa1: {  	s23 =	simm.s32 $0x1B8B  }
0xa2: {  	_ =	swait.ge [sflag:s23], $0x1  }
0xa3: {  	[sflag:s23] =	ssyncset.done $0x0  }
0xa4: {  	s25 =	simm.s32 $0x1B8E;
	s24 =	sld [smem:$0x3FFE];
	[sflag:s23] =	ssyncadd.s32 $0xFFFFFFFF  }
0xa5: {  	s26 =	simm.s32 $execute0_lowered;
	[smem:$0x3FD2] =	sst s25  }
0xa6: {  	s5 =	sshll.u32 s26, $0x1;
	_ =	strace $0x80000046;
	[dreg:$0x1] =	wrdreg $0xFFFFFFFF  }
0xa7: {  	s28 =	simm.s32 $_size_execute0_lowered;
	s3 =	sadd.s32 s3, s5;
	[dreg:$0x0] =	wrdreg $0x0  }
0xa8: {  	s5 =	sshll.u32 s28, $0x1;
	[dreg:$0x2] =	wrdreg s3  }
0xa9: {  	[dreg:$0x3] =	wrdreg s5  }
0xaa: {  	[dreg:$0x4] =	wrdreg $0xC0  }
0xab: {  	_ =	task [dreg:s7], $0x5FFFF  }
0xac: {  	[dreg:$0x1] =	wrdreg $0xFFFFFFFF  }
0xad: {  	[dreg:$0x0] =	wrdreg $0x60  }
0xae: {  	[dreg:$0x2] =	wrdreg s24  }
0xaf: {  	[dreg:$0x3] =	wrdreg s2  }
0xb0: {  	[dreg:$0x4] =	wrdreg $0x9  }
0xb1: {  	_ =	task.clear_ibuf [dreg:s7], $0x5FFFF;
	_ =	strace $0x90000046  }
0xb2: {  	s29 =	simm.s32 $0x9;
	_ =	strace $0x80000048  }
0xb3: {  	_ =	swait.ge [sflag:s29], $0x1  }
0xb4: {  	[sflag:s29] =	ssyncadd.s32 $0xFFFFFFFF  }
0xb5: {  	_ =	strace $0x90000048  }
0xb6: {  	_ =	sfence  }
0xb7: {  	s30 =	sld [smem:$0x0];
	_ =	sdelay $0x2  }
0xb8: {  	s31 =	sshll.u32 s1, $0xD;
	s1 =	sshrl.u32 s1, $0x2  }
0xb9: {  	s3 =	sand.u32 $0x4000, s31;
	s1 =	sadd.s32 s1, s30  }
0xba: {  	s0 =	sor.u32 s3, s0;
	s1 =	sshll.u32 s1, $0x11  }
0xbb: {  	s0 =	sor.u32 s1, s0  }
0xbc: {  	s0 =	sadd.s32 $0x8F2B, s0  }
0xbd: {  	[sflag:s0] =	ssyncadd.remote.s32 $0x1  }
0xbe: {  	_ =	sfence.sel $0xFFFF  }
0xbf: {  	[dreg:$0x0] =	wrdreg $0xFFFFFFFF;
	(pc) =	sbr.abs _section_cstart, $3  }
0xc0: {  	[dreg:$0x1] =	wrdreg $0xFFFFFFFF  }
0xc1: {  	_ =	task.clear_ibuf [dreg:s7], $0x2FFFF;
	_ =	strace $0x9FFFFFFF  }
0xc2: {  	(tm) =	ssettm $0x7FFFFFFF  }
0xc3: {  	_ =	shalt  }
tec
execute0_lowered:
.L_overlay_start_1:
0x0: {  	(tag) =	ssettag $0x1  }
0x1: {  	s0 =	rddreg [dreg:$0x0]  }
0x2: {  	s1 =	rddreg [dreg:$0x1]  }
0x3: {  	s2 =	srdreg.scid;
	s8 =	stileid.u32  }
0x4: {  	s26 =	simm.s32 $0x1900;
	s4 =	sand.u32 $0x1, s2;
	s2 =	simm.s32 $0x0  }
0x5: {  	s10 =	simm.s32 $0x1B00;
	s11 =	simm.s32 $0x1C00;
	[smem:$0x7FF] =	sst s2  }
0x6: {  	s12 =	simm.s32 $0x1D00;
	_ =	strace $0x80000047;
	[dreg:$0x3] =	wrdreg s26  }
0x7: {  	s3 =	sshll.u32 s8, $0x6;
	s5 =	sshll.u32 s4, $0x5;
	[dreg:$0x5] =	wrdreg s10  }
0x8: {  	s15 =	ssub.s32 $0x2, s4;
	s5 =	sor.u32 s5, s3;
	[dreg:$0x6] =	wrdreg s11  }
0x9: {  	s3 =	sadd.s32 $0x800, s0;
	s20 =	sshrl.u32 s15, $0x1;
	[dreg:$0x7] =	wrdreg s12  }
0xa: {  	s6 =	sadd.s32 s5, s0;
	s0 =	ssub.s32 s15, s20;
	s15 =	simm.s32 $0x1F00  }
0xb: {  	s13 =	sadd.s32 $0x640800, s6;
	[dreg:$0x9] =	wrdreg s15  }
0xc: {  	s14 =	sadd.s32 $0x640C00, s6;
	[dreg:$0xc] =	wrdreg s13  }
0xd: {  	s7 =	sadd.s32 $0x641400, s6;
	[dreg:$0xd] =	wrdreg s14  }
0xe: {  	s4 =	sshll.u32 s4, $0x4;
	s16 =	sadd.s32 $0x641800, s6;
	[dreg:$0xe] =	wrdreg s7  }
0xf: {  	s20 =	sadd.s32 s1, s5;
	s17 =	sadd.s32 $0x641000, s6;
	[dreg:$0xf] =	wrdreg s16  }
0x10: {  	s1 =	simm.s32 $0x400;
	s18 =	sadd.s32 $0x641C00, s6;
	[dreg:$0x10] =	wrdreg s17  }
0x11: {  	vm0 =	vcmask $0x1F24;
	s5 =	simm.s32 $0x80;
	s19 =	sadd.s32 $0x642000, s6;
	[dreg:$0x11] =	wrdreg s18  }
0x12: {  	vm2 =	vcmask $0x308;
	vm3 =	vcmask $0x70C;
	s9 =	sadd.s32 $0x642400, s6;
	s21 =	sadd.s32 $0x642800, s6;
	[dreg:$0x12] =	wrdreg s19  }
0x13: {  	vm4 =	vcmask $0xB10;
	vm5 =	vcmask $0xF14;
	s22 =	sadd.s32 $0x642C00, s6;
	s23 =	sadd.s32 $0x643400, s6;
	[dreg:$0x13] =	wrdreg s9  }
0x14: {  	v0 =	vlaneseq.u32;
	vm6 =	vcmask $0x1318;
	v26 =	vimm.f32 $1.000000020e+30;
	s24 =	sadd.s32 $0x643000, s6;
	s25 =	sadd.s32 $0x643800, s6;
	[dreg:$0x14] =	wrdreg s21  }
0x15: {  	vm7 =	vcmask $0x171C;
	vm8 =	vcmask $0x1B20;
	v1 =	vor.u32 $0x10, v0;
	s26 =	sadd.s32 $0x645C00, s6;
	s28 =	sadd.s32 $0x645000, s6;
	[dreg:$0x15] =	wrdreg s22  }
0x16: {  	v2 =	vor.u32 $0x20, v0;
	v3 =	vor.u32 $0x30, v0;
	v4 =	vor.u32 $0x40, v0;
	s29 =	sadd.s32 $0x646400, s6;
	s30 =	sadd.s32 $0x646000, s6;
	[dreg:$0x16] =	wrdreg s23  }
0x17: {  	v5 =	vor.u32 $0x50, v0;
	v6 =	vor.u32 $0x60, v0;
	v7 =	vor.u32 $0x70, v0;
	s31 =	sadd.s32 $0x646800, s6;
	s0 =	smax.u32 s0, $0x1;
	[dreg:$0x17] =	wrdreg s24  }
0x18: {  	v8 =	vor.u32 $0x80, v0;
	v9 =	vor.u32 $0x90, v0;
	v10 =	vor.u32 $0xA0, v0;
	[dreg:$0x18] =	wrdreg s25;
	s17 =	sadd.s32 $0x643C00, s6;
	s9 =	simm.s32 $0x1A00  }
0x19: {  	vm1 =	vmmov $0x1;
	v11 =	vor.u32 $0xB0, v0;
	v12 =	vor.u32 $0xC0, v0;
	s18 =	sadd.s32 $0x644400, s6;
	s19 =	sadd.s32 $0x644800, s6;
	s13 =	sshll.u32 s8, $0x5  }
0x1a: {  	v27 =	vimm.s32 $0x0;
	v13 =	vor.u32 $0xD0, v0;
	v14 =	vor.u32 $0xE0, v0;
	s14 =	simm.s32 $0x1E00;
	s22 =	sadd.s32 $0x644C00, s6;
	s23 =	sadd.s32 $0x644000, s6  }
0x1b: {  	v15 =	vor.u32 $0xF0, v0;
	v16 =	vor.u32 $0x100, v0;
	v17 =	vor.u32 $0x110, v0;
	s24 =	sadd.s32 $0x645400, s6;
	s16 =	simm.s32 $0x2000;
	[dreg:$0x4] =	wrdreg s9  }
0x1c: {  	v18 =	vor.u32 $0x120, v0;
	v19 =	vor.u32 $0x130, v0;
	v25 =	vmul.u32 $0xFFFFFFFF, v0;
	s25 =	sadd.s32 $0x645800, s6;
	s21 =	simm.s32 $0x2100;
	[dreg:$0x8] =	wrdreg s14  }
0x1d: {  	v20 =	vor.u32 $0x140, v0;
	v21 =	vor.u32 $0x150, v0;
	v22 =	vor.u32 $0x160, v0;
	s6 =	simm.s32 $0x2;
	s7 =	simm.s32 $0x0;
	[dreg:$0xa] =	wrdreg s16  }
0x1e: {  	v23 =	vor.u32 $0x170, v0;
	v24 =	vor.u32 $0x180, v0;
	v25 =	vadd.s32 $0xF, v25;
	s9 =	sor.u32 s4, s13;
	[dreg:$0xb] =	wrdreg s21;
	s4 =	simm.s32 $0x1  }
.LBB2_1:
0x1f: {  	s8 =	rddreg [dreg:$0xc]  }
0x20: {  	[tilespmem:s2], [sflag:$0x1] =	stream.linear.gather [hbm4b:s8+s2], $0x100, $0x38;
	[tilespmem:$0x2380] =	vst v63  }
0x21: {  	s15 =	rddreg [dreg:$0xd];
	s10 =	simm.s32 $0x100  }
0x22: {  	[tilespmem:s10], [sflag:$0x1] =	stream.linear.gather [hbm4b:s15+s2], $0x100, $0x38;
	[tilespmem:$0x2380] =	vst v63  }
0x23: {  	s16 =	rddreg [dreg:$0x10];
	s21 =	simm.s32 $0x200  }
0x24: {  	[tilespmem:s21], [sflag:$0x1] =	stream.linear.gather [hbm4b:s16+s2], $0x100, $0x38;
	[tilespmem:$0x2380] =	vst v63  }
0x25: {  	s11 =	rddreg [dreg:$0xe];
	s12 =	simm.s32 $0x300  }
0x26: {  	[tilespmem:s12], [sflag:$0x1] =	stream.linear.gather [hbm4b:s11+s2], $0x100, $0x38;
	[tilespmem:$0x2380] =	vst v63  }
0x27: {  	s13 =	rddreg [dreg:$0xf]  }
0x28: {  	[tilespmem:s1], [sflag:$0x1] =	stream.linear.gather [hbm4b:s13+s2], $0x100, $0x38;
	[tilespmem:$0x2380] =	vst v63  }
0x29: {  	s14 =	rddreg [dreg:$0x11];
	s15 =	simm.s32 $0x500  }
0x2a: {  	[tilespmem:s15], [sflag:$0x1] =	stream.linear.gather [hbm4b:s14+s2], $0x100, $0x38;
	[tilespmem:$0x2380] =	vst v63  }
0x2b: {  	s16 =	rddreg [dreg:$0x12];
	s21 =	simm.s32 $0x600  }
0x2c: {  	[tilespmem:s21], [sflag:$0x1] =	stream.linear.gather [hbm4b:s16+s2], $0x100, $0x38;
	[tilespmem:$0x2380] =	vst v63  }
0x2d: {  	s10 =	rddreg [dreg:$0x13];
	s11 =	simm.s32 $0x700  }
0x2e: {  	[tilespmem:s11], [sflag:$0x1] =	stream.linear.gather [hbm4b:s10+s2], $0x100, $0x38;
	[tilespmem:$0x2380] =	vst v63  }
0x2f: {  	s12 =	rddreg [dreg:$0x14];
	s13 =	simm.s32 $0x800  }
0x30: {  	[tilespmem:s13], [sflag:$0x1] =	stream.linear.gather [hbm4b:s12+s2], $0x100, $0x38;
	[tilespmem:$0x2380] =	vst v63  }
0x31: {  	s14 =	rddreg [dreg:$0x15];
	s15 =	simm.s32 $0x900  }
0x32: {  	[tilespmem:s15], [sflag:$0x1] =	stream.linear.gather [hbm4b:s14+s2], $0x100, $0x38;
	[tilespmem:$0x2380] =	vst v63  }
0x33: {  	s16 =	rddreg [dreg:$0x17];
	s21 =	simm.s32 $0xA00  }
0x34: {  	[tilespmem:s21], [sflag:$0x1] =	stream.linear.gather [hbm4b:s16+s2], $0x100, $0x38;
	[tilespmem:$0x2380] =	vst v63  }
0x35: {  	s10 =	rddreg [dreg:$0x16];
	s11 =	simm.s32 $0xB00  }
0x36: {  	[tilespmem:s11], [sflag:$0x1] =	stream.linear.gather [hbm4b:s10+s2], $0x100, $0x38;
	[tilespmem:$0x2380] =	vst v63  }
0x37: {  	s12 =	rddreg [dreg:$0x18];
	s13 =	simm.s32 $0xC00  }
0x38: {  	[tilespmem:s13], [sflag:$0x1] =	stream.linear.gather [hbm4b:s12+s2], $0x100, $0x38;
	[tilespmem:$0x2380] =	vst v63  }
0x39: {  	s14 =	simm.s32 $0xD00  }
0x3a: {  	[tilespmem:s14], [sflag:$0x1] =	stream.linear.gather [hbm4b:s17+s2], $0x100, $0x38;
	[tilespmem:$0x2380] =	vst v63  }
0x3b: {  	s15 =	simm.s32 $0xE00  }
0x3c: {  	[tilespmem:s15], [sflag:$0x1] =	stream.linear.gather [hbm4b:s23+s2], $0x100, $0x38;
	[tilespmem:$0x2380] =	vst v63  }
0x3d: {  	s16 =	simm.s32 $0xF00  }
0x3e: {  	[tilespmem:s16], [sflag:$0x1] =	stream.linear.gather [hbm4b:s18+s2], $0x100, $0x38;
	[tilespmem:$0x2380] =	vst v63  }
0x3f: {  	s21 =	simm.s32 $0x1000  }
0x40: {  	[tilespmem:s21], [sflag:$0x1] =	stream.linear.gather [hbm4b:s19+s2], $0x100, $0x38;
	[tilespmem:$0x2380] =	vst v63  }
0x41: {  	s10 =	simm.s32 $0x1100  }
0x42: {  	[tilespmem:s10], [sflag:$0x1] =	stream.linear.gather [hbm4b:s22+s2], $0x100, $0x38;
	[tilespmem:$0x2380] =	vst v63  }
0x43: {  	s11 =	simm.s32 $0x1200  }
0x44: {  	[tilespmem:s11], [sflag:$0x1] =	stream.linear.gather [hbm4b:s28+s2], $0x100, $0x38;
	[tilespmem:$0x2380] =	vst v63  }
0x45: {  	s12 =	simm.s32 $0x1300  }
0x46: {  	[tilespmem:s12], [sflag:$0x1] =	stream.linear.gather [hbm4b:s24+s2], $0x100, $0x38;
	[tilespmem:$0x2380] =	vst v63  }
0x47: {  	s13 =	simm.s32 $0x1400  }
0x48: {  	[tilespmem:s13], [sflag:$0x1] =	stream.linear.gather [hbm4b:s25+s2], $0x100, $0x38;
	[tilespmem:$0x2380] =	vst v63  }
0x49: {  	s14 =	simm.s32 $0x1500  }
0x4a: {  	[tilespmem:s14], [sflag:$0x1] =	stream.linear.gather [hbm4b:s26+s2], $0x100, $0x38;
	[tilespmem:$0x2380] =	vst v63  }
0x4b: {  	s15 =	simm.s32 $0x1600  }
0x4c: {  	[tilespmem:s15], [sflag:$0x1] =	stream.linear.gather [hbm4b:s30+s2], $0x100, $0x38;
	[tilespmem:$0x2380] =	vst v63  }
0x4d: {  	s16 =	simm.s32 $0x1700  }
0x4e: {  	[tilespmem:s16], [sflag:$0x1] =	stream.linear.gather [hbm4b:s29+s2], $0x100, $0x38;
	[tilespmem:$0x2380] =	vst v63  }
0x4f: {  	s21 =	simm.s32 $0x1800  }
0x50: {  	[tilespmem:s21], [sflag:$0x1] =	stream.linear.gather [hbm4b:s31+s2], $0x100, $0x38;
	[tilespmem:$0x2380] =	vst v63  }
0x51: {  	_ =	swait.ge [sflag:s4], $0x100  }
0x52: {  	[sflag:s4] =	ssyncset.done $0x0  }
0x53: {  	[sflag:s4] =	ssyncadd.s32 $0xFFFFFF00  }
0x54: {  	_ =	swait.ge [sflag:s4], $0x100  }
0x55: {  	[sflag:s4] =	ssyncset.done $0x0  }
0x56: {  	[sflag:s4] =	ssyncadd.s32 $0xFFFFFF00  }
0x57: {  	_ =	swait.ge [sflag:s4], $0x100  }
0x58: {  	[sflag:s4] =	ssyncset.done $0x0  }
0x59: {  	[sflag:s4] =	ssyncadd.s32 $0xFFFFFF00  }
0x5a: {  	_ =	swait.ge [sflag:s4], $0x100  }
0x5b: {  	[sflag:s4] =	ssyncset.done $0x0  }
0x5c: {  	[sflag:s4] =	ssyncadd.s32 $0xFFFFFF00  }
0x5d: {  	_ =	swait.ge [sflag:s4], $0x100  }
0x5e: {  	[sflag:s4] =	ssyncset.done $0x0  }
0x5f: {  	[sflag:s4] =	ssyncadd.s32 $0xFFFFFF00  }
0x60: {  	_ =	swait.ge [sflag:s4], $0x100  }
0x61: {  	[sflag:s4] =	ssyncset.done $0x0  }
0x62: {  	[sflag:s4] =	ssyncadd.s32 $0xFFFFFF00  }
0x63: {  	_ =	swait.ge [sflag:s4], $0x100  }
0x64: {  	[sflag:s4] =	ssyncset.done $0x0  }
0x65: {  	[sflag:s4] =	ssyncadd.s32 $0xFFFFFF00  }
0x66: {  	_ =	swait.ge [sflag:s4], $0x100  }
0x67: {  	[sflag:s4] =	ssyncset.done $0x0  }
0x68: {  	[sflag:s4] =	ssyncadd.s32 $0xFFFFFF00  }
0x69: {  	_ =	swait.ge [sflag:s4], $0x100  }
0x6a: {  	[sflag:s4] =	ssyncset.done $0x0  }
0x6b: {  	[sflag:s4] =	ssyncadd.s32 $0xFFFFFF00  }
0x6c: {  	_ =	swait.ge [sflag:s4], $0x100  }
0x6d: {  	[sflag:s4] =	ssyncset.done $0x0  }
0x6e: {  	[sflag:s4] =	ssyncadd.s32 $0xFFFFFF00  }
0x6f: {  	_ =	swait.ge [sflag:s4], $0x100  }
0x70: {  	[sflag:s4] =	ssyncset.done $0x0  }
0x71: {  	[sflag:s4] =	ssyncadd.s32 $0xFFFFFF00  }
0x72: {  	_ =	swait.ge [sflag:s4], $0x100  }
0x73: {  	[sflag:s4] =	ssyncset.done $0x0  }
0x74: {  	[sflag:s4] =	ssyncadd.s32 $0xFFFFFF00  }
0x75: {  	_ =	swait.ge [sflag:s4], $0x100  }
0x76: {  	[sflag:s4] =	ssyncset.done $0x0  }
0x77: {  	[sflag:s4] =	ssyncadd.s32 $0xFFFFFF00  }
0x78: {  	_ =	swait.ge [sflag:s4], $0x100  }
0x79: {  	[sflag:s4] =	ssyncset.done $0x0  }
0x7a: {  	[sflag:s4] =	ssyncadd.s32 $0xFFFFFF00  }
0x7b: {  	_ =	swait.ge [sflag:s4], $0x100  }
0x7c: {  	[sflag:s4] =	ssyncset.done $0x0  }
0x7d: {  	[sflag:s4] =	ssyncadd.s32 $0xFFFFFF00  }
0x7e: {  	_ =	swait.ge [sflag:s4], $0x100  }
0x7f: {  	[sflag:s4] =	ssyncset.done $0x0  }
0x80: {  	[sflag:s4] =	ssyncadd.s32 $0xFFFFFF00  }
0x81: {  	_ =	swait.ge [sflag:s4], $0x100  }
0x82: {  	[sflag:s4] =	ssyncset.done $0x0  }
0x83: {  	[sflag:s4] =	ssyncadd.s32 $0xFFFFFF00  }
0x84: {  	_ =	swait.ge [sflag:s4], $0x100  }
0x85: {  	[sflag:s4] =	ssyncset.done $0x0  }
0x86: {  	[sflag:s4] =	ssyncadd.s32 $0xFFFFFF00  }
0x87: {  	_ =	swait.ge [sflag:s4], $0x100  }
0x88: {  	[sflag:s4] =	ssyncset.done $0x0  }
0x89: {  	[sflag:s4] =	ssyncadd.s32 $0xFFFFFF00  }
0x8a: {  	_ =	swait.ge [sflag:s4], $0x100  }
0x8b: {  	[sflag:s4] =	ssyncset.done $0x0  }
0x8c: {  	[sflag:s4] =	ssyncadd.s32 $0xFFFFFF00  }
0x8d: {  	_ =	swait.ge [sflag:s4], $0x100  }
0x8e: {  	[sflag:s4] =	ssyncset.done $0x0  }
0x8f: {  	[sflag:s4] =	ssyncadd.s32 $0xFFFFFF00  }
0x90: {  	_ =	swait.ge [sflag:s4], $0x100  }
0x91: {  	[sflag:s4] =	ssyncset.done $0x0  }
0x92: {  	[sflag:s4] =	ssyncadd.s32 $0xFFFFFF00  }
0x93: {  	_ =	swait.ge [sflag:s4], $0x100  }
0x94: {  	[sflag:s4] =	ssyncset.done $0x0  }
0x95: {  	[sflag:s4] =	ssyncadd.s32 $0xFFFFFF00  }
0x96: {  	_ =	swait.ge [sflag:s4], $0x100  }
0x97: {  	[sflag:s4] =	ssyncset.done $0x0  }
0x98: {  	[sflag:s4] =	ssyncadd.s32 $0xFFFFFF00  }
0x99: {  	s8 =	simm.s32 $0x2200;
	_ =	swait.ge [sflag:s4], $0x100  }
0x9a: {  	s10 =	simm.s32 $0x0;
	s11 =	simm.s32 $0x0;
	[sflag:s4] =	ssyncset.done $0x0  }
0x9b: {  	s12 =	simm.s32 $0x0;
	s21 =	smov.u32 s9;
	[sflag:s4] =	ssyncadd.s32 $0xFFFFFF00  }
.LBB2_2:
0x9c: {  	v28 =	vld [tilespmem:s10+$0x0];
	s13 =	sand.u32 $0xF0, s12  }
0x9d: {  	v29 =	vld [tilespmem:s13+$0x100]  }
0x9e: {  	v30 =	vld [tilespmem:s13+$0x200];
	_ =	sdelay $0x2  }
0x9f: {  	(xrf1) =	vsort.ascd.msk.f32 $0xffff, v28, v0  }
0xa0: {  	(xrf1) =	vsort.ascd.msk.f32 $0xffff, v29, v1  }
0xa1: {  	(xrf1) =	vsort.ascd.msk.f32 $0xffff, v30, v2;
	_ =	sdelay $0x8  }
0xa2: {  	v34 =	vld [tilespmem:s13+$0x300]  }
0xa3: {  	v35 =	vld [tilespmem:s13+$0x400]  }
0xa4: {  	v36 =	vld [tilespmem:s13+$0x500]  }
0xa5: {  	v37 =	vld [tilespmem:s13+$0x600];
	v28, v29, _ =	vpop (xrf1)  }
0xa6: {  	v30, v31, _ =	vpop (xrf1)  }
0xa7: {  	v38 =	vld [tilespmem:s13+$0x700];
	v32, v33, _ =	vpop (xrf1);
	(xrf1) =	vsort.ascd.msk.f32 $0xffff, v34, v3  }
0xa8: {  	v51 =	vld [tilespmem:s13+$0x800];
	(xrf1) =	vsort.ascd.msk.f32 $0xffff, v35, v4  }
0xa9: {  	v52 =	vld [tilespmem:s13+$0x900];
	(xrf1) =	vsort.ascd.msk.f32 $0xffff, v36, v5  }
0xaa: {  	v53 =	vld [tilespmem:s13+$0xA00];
	(xrf1) =	vsort.ascd.msk.f32 $0xffff, v37, v6  }
0xab: {  	v37 =	vld [tilespmem:s13+$0xB00]  }
0xac: {  	(xrf1) =	vsort.ascd.msk.f32 $0xffff, v38, v7;
	v54 =	vld [tilespmem:s13+$0xC00]  }
0xad: {  	v55 =	vld [tilespmem:s13+$0xD00];
	(xrf1) =	vsort.ascd.msk.f32 $0xffff, v51, v8  }
0xae: {  	v56 =	vld [tilespmem:s13+$0xE00];
	(xrf1) =	vsort.ascd.msk.f32 $0xffff, v52, v9  }
0xaf: {  	v57 =	vld [tilespmem:s13+$0xF00];
	(xrf1) =	vsort.ascd.msk.f32 $0xffff, v53, v10  }
0xb0: {  	v58 =	vld [tilespmem:s13+$0x1000];
	(xrf1) =	vsort.ascd.msk.f32 $0xffff, v37, v11  }
0xb1: {  	v59 =	vld [tilespmem:s13+$0x1100];
	(xrf1) =	vsort.ascd.msk.f32 $0xffff, v54, v12  }
0xb2: {  	v60 =	vld [tilespmem:s13+$0x1200];
	(xrf1) =	vsort.ascd.msk.f32 $0xffff, v55, v13  }
0xb3: {  	v61 =	vld [tilespmem:s13+$0x1300];
	(xrf1) =	vsort.ascd.msk.f32 $0xffff, v56, v14  }
0xb4: {  	v62 =	vld [tilespmem:s13+$0x1400];
	(xrf1) =	vsort.ascd.msk.f32 $0xffff, v57, v15  }
0xb5: {  	v63 =	vld [tilespmem:s13+$0x1500];
	(xrf1) =	vsort.ascd.msk.f32 $0xffff, v58, v16  }
0xb6: {  	v48 =	vld [tilespmem:s13+$0x1600];
	(xrf1) =	vsort.ascd.msk.f32 $0xffff, v59, v17  }
0xb7: {  	v49 =	vld [tilespmem:s13+$0x1700];
	v39, v40, _ =	vpop (xrf1);
	(xrf1) =	vsort.ascd.msk.f32 $0xffff, v60, v18  }
0xb8: {  	v30 =	vperm.xlane v30, v25;
	v50 =	vld [tilespmem:s13+$0x1800];
	v41, v42, _ =	vpop (xrf1);
	(xrf1) =	vsort.ascd.msk.f32 $0xffff, v61, v19  }
0xb9: {  	v43, v44, _ =	vpop (xrf1);
	(xrf1) =	vsort.ascd.msk.f32 $0xffff, v62, v20  }
0xba: {  	v31 =	vperm.xlane v31, v25;
	vm9 =	vlt.f32 v30, v28;
	(xrf1) =	vsort.ascd.msk.f32 $0xffff, v63, v21  }
0xbb: {  	v28 =	vmin.f32 v28, v30;
	v54 =	vperm.xlane v39, v25;
	v51, v45, _ =	vpop (xrf1);
	(xrf1) =	vsort.ascd.msk.f32 $0xffff, v48, v22  }
0xbc: {  	v29 =	vsel vm9, v31, v29;
	v57 =	vperm.xlane v40, v25;
	v52, v46, _ =	vpop (xrf1);
	(xrf1) =	vsort.ascd.msk.f32 $0xffff, v49, v23  }
0xbd: {  	vm9 =	vlt.f32 v54, v32;
	v32 =	vmin.f32 v32, v54;
	v53, v47, _ =	vpop (xrf1);
	(xrf1) =	vsort.ascd.msk.f32 $0xffff, v50, v24  }
0xbe: {  	v59 =	vperm.xlane v52, v25;
	v55, v56, _ =	vpop (xrf1);
	(xrf1) =	vsort.ascd.msk.f32 $0xffff, v28, v29;
	v28 =	vperm.xlane v43, v25  }
0xbf: {  	v58 =	vperm.xlane v44, v25;
	v30 =	vsel vm9, v57, v33;
	v61 =	vperm.xlane v46, v25  }
0xc0: {  	v29, v31, _ =	vpop (xrf1);
	(xrf1) =	vsort.ascd.msk.f32 $0xffff, v32, v30;
	v30 =	vmin.f32 v51, v59;
	vm9 =	vlt.f32 v28, v41  }
0xc1: {  	v28 =	vmin.f32 v41, v28;
	v41 =	vperm.xlane v56, v25;
	v33 =	vsel vm9, v58, v42  }
0xc2: {  	v60, v34, _ =	vpop (xrf1);
	vm9 =	vlt.f32 v59, v51;
	(xrf1) =	vsort.ascd.msk.f32 $0xffff, v28, v33;
	v28 =	vperm.xlane v55, v25  }
0xc3: {  	v62, v63, _ =	vpop (xrf1);
	v34 =	vperm.xlane v34, v25;
	v42 =	vperm.xlane v60, v25;
	v40 =	vsel vm9, v61, v45  }
0xc4: {  	v44, v43, _ =	vpop (xrf1);
	(xrf1) =	vsort.ascd.msk.f32 $0xffff, v30, v40;
	vm9 =	vlt.f32 v28, v53;
	v28 =	vmin.f32 v53, v28  }
0xc5: {  	v46, v45, _ =	vpop (xrf1);
	v37 =	vsel vm9, v41, v47;
	vm9 =	vlt.f32 v42, v29;
	v29 =	vmin.f32 v29, v42  }
0xc6: {  	v48, v47, _ =	vpop (xrf1);
	(xrf1) =	vsort.ascd.msk.f32 $0xffff, v28, v37;
	v28 =	vperm.xlane v44, v25;
	v49 =	vsel vm9, v34, v31  }
0xc7: {  	v50 =	vperm.xlane v43, v25;
	(xrf1) =	vsort.ascd.msk.f32 $0xffff, v29, v49;
	v29 =	vperm.xlane v48, v25  }
0xc8: {  	v55 =	vperm.xlane v47, v25;
	vm9 =	vlt.f32 v28, v62  }
0xc9: {  	v51, v52, _ =	vpop (xrf1);
	v31 =	vsel vm9, v50, v63;
	vm9 =	vlt.f32 v29, v46  }
0xca: {  	v53, v54, _ =	vpop (xrf1);
	v28 =	vmin.f32 v62, v28;
	v33 =	vsel vm9, v55, v45  }
0xcb: {  	v56, v57, _ =	vpop (xrf1);
	v29 =	vmin.f32 v46, v29;
	(xrf1) =	vsort.ascd.msk.f32 $0xffff, v28, v31;
	v28 =	vperm.xlane v53, v25  }
0xcc: {  	v32 =	vperm.xlane v54, v25;
	v59, v58, _ =	vpop (xrf1)  }
0xcd: {  	v60, v61, _ =	vpop (xrf1);
	v30 =	vperm.xlane v59, v25;
	vm9 =	vlt.f32 v28, v51  }
0xce: {  	(xrf1) =	vsort.ascd.msk.f32 $0xffff, v29, v33;
	v28 =	vmin.f32 v51, v28;
	v32 =	vsel vm9, v32, v52;
	v29, v33, _ =	vpop (xrf1)  }
0xcf: {  	v62, v63, _ =	vpop (xrf1);
	(xrf1) =	vsort.ascd.msk.f32 $0xffff, v28, v32;
	v28 =	vperm.xlane v58, v25  }
0xd0: {  	vm9 =	vlt.f32 v30, v56;
	v29 =	vperm.xlane v29, v25  }
0xd1: {  	v46 =	vmin.f32 v56, v30;
	v47 =	vperm.xlane v33, v25;
	v45, v44, _ =	vpop (xrf1);
	v28 =	vsel vm9, v28, v57  }
0xd2: {  	v31 =	vperm.xlane v45, v25;
	vm9 =	vlt.f32 v29, v60;
	v29 =	vmin.f32 v60, v29  }
0xd3: {  	(xrf1) =	vsort.ascd.msk.f32 $0xffff, v46, v28;
	v28 =	vperm.xlane v44, v25;
	v30 =	vsel vm9, v47, v61  }
0xd4: {  	vm9 =	vlt.f32 v31, v62;
	(xrf1) =	vsort.ascd.msk.f32 $0xffff, v29, v30;
	v29 =	vmin.f32 v62, v31  }
0xd5: {  	v28 =	vsel vm9, v28, v63;
	_ =	sdelay $0x1  }
0xd6: {  	(xrf1) =	vsort.ascd.msk.f32 $0xffff, v29, v28  }
0xd7: {  	v28, v29, _ =	vpop (xrf1)  }
0xd8: {  	v48, v49, _ =	vpop (xrf1)  }
0xd9: {  	v51, v50, _ =	vpop (xrf1)  }
0xda: {  	v53, v52, _ =	vpop (xrf1)  }
0xdb: {  	v32 =	vperm.xlane v51, v25;
	v55, v54, _ =	vpop (xrf1)  }
0xdc: {  	v33 =	vperm.xlane v50, v25;
	v36 =	vperm.xlane v55, v25  }
0xdd: {  	v56, v57, _ =	vpop (xrf1);
	vm9 =	vlt.f32 v32, v48;
	v60 =	vperm.xlane v54, v25  }
0xde: {  	v59, v58, _ =	vpop (xrf1);
	v31 =	vsel vm9, v33, v49;
	vm9 =	vlt.f32 v36, v53;
	v34 =	vmin.f32 v53, v36  }
0xdf: {  	v30 =	vmin.f32 v48, v32;
	v61, v62, _ =	vpop (xrf1);
	v63 =	vperm.xlane v59, v25;
	v32 =	vsel vm9, v60, v52  }
0xe0: {  	(xrf1) =	vsort.ascd.msk.f32 $0xffff, v30, v31;
	v46 =	vperm.xlane v58, v25;
	v44, v45, _ =	vpop (xrf1)  }
0xe1: {  	v47, v48, _ =	vpop (xrf1);
	(xrf1) =	vsort.ascd.msk.f32 $0xffff, v34, v32;
	vm9 =	vlt.f32 v63, v56  }
0xe2: {  	v30 =	vmin.f32 v56, v63;
	v31 =	vperm.xlane v44, v25;
	v35 =	vsel vm9, v46, v57;
	v32, v34, _ =	vpop (xrf1)  }
0xe3: {  	v51 =	vperm.xlane v45, v25;
	(xrf1) =	vsort.ascd.msk.f32 $0xffff, v30, v35;
	v49, v50, _ =	vpop (xrf1)  }
0xe4: {  	v54 =	vmin.f32 v61, v31;
	vm9 =	vlt.f32 v31, v61;
	v55 =	vperm.xlane v32, v25;
	v52, v53, _ =	vpop (xrf1)  }
0xe5: {  	v30 =	vsel vm9, v51, v62;
	v56 =	vperm.xlane v34, v25;
	v57 =	vperm.xlane v52, v25  }
0xe6: {  	(xrf1) =	vsort.ascd.msk.f32 $0xffff, v54, v30;
	vm9 =	vlt.f32 v55, v47;
	v58 =	vperm.xlane v53, v25  }
0xe7: {  	v31 =	vmin.f32 v47, v55;
	v32 =	vsel vm9, v56, v48;
	vm9 =	vlt.f32 v57, v49  }
0xe8: {  	(xrf1) =	vsort.ascd.msk.f32 $0xffff, v31, v32;
	v59 =	vmin.f32 v49, v57;
	v30 =	vsel vm9, v58, v50  }
0xe9: {  	(xrf1) =	vsort.ascd.msk.f32 $0xffff, v59, v30;
	_ =	sdelay $0x7  }
0xea: {  	v30, v31, _ =	vpop (xrf1)  }
0xeb: {  	v60, v61, _ =	vpop (xrf1)  }
0xec: {  	v32 =	vperm.xlane v60, v25;
	v62, v63, _ =	vpop (xrf1)  }
0xed: {  	v33 =	vperm.xlane v61, v25;
	v43, v42, _ =	vpop (xrf1)  }
0xee: {  	vm9 =	vlt.f32 v32, v30;
	v36 =	vperm.xlane v43, v25  }
0xef: {  	v30 =	vmin.f32 v30, v32;
	v31 =	vsel vm9, v33, v31;
	v46 =	vperm.xlane v42, v25;
	v44, v45, _ =	vpop (xrf1)  }
0xf0: {  	(xrf1) =	vsort.ascd.msk.f32 $0xffff, v30, v31;
	vm9 =	vlt.f32 v36, v62;
	v47, v48, _ =	vpop (xrf1)  }
0xf1: {  	v49 =	vmin.f32 v62, v36;
	v50 =	vsel vm9, v46, v63;
	v51 =	vperm.xlane v47, v25  }
0xf2: {  	(xrf1) =	vsort.ascd.msk.f32 $0xffff, v49, v50;
	v52 =	vperm.xlane v48, v25  }
0xf3: {  	vm9 =	vlt.f32 v51, v44  }
0xf4: {  	v53 =	vmin.f32 v44, v51;
	v30 =	vsel vm9, v52, v45  }
0xf5: {  	(xrf1) =	vsort.ascd.msk.f32 $0xffff, v53, v30;
	_ =	sdelay $0x9  }
0xf6: {  	v30, v31, _ =	vpop (xrf1)  }
0xf7: {  	v54, v33, _ =	vpop (xrf1)  }
0xf8: {  	v32 =	vperm.xlane v54, v25  }
0xf9: {  	v28 =	vperm.xlane v28, v25;
	v33 =	vperm.xlane v33, v25  }
0xfa: {  	v29 =	vperm.xlane v29, v25;
	vm9 =	vlt.f32 v32, v30;
	v55, v56, _ =	vpop (xrf1)  }
0xfb: {  	v30 =	vmin.f32 v30, v32;
	v31 =	vsel vm9, v33, v31;
	vm9 =	vlt.f32 v28, v55  }
0xfc: {  	(xrf1) =	vsort.ascd.msk.f32 $0xffff, v30, v31;
	v28 =	vmin.f32 v55, v28;
	v29 =	vsel vm9, v29, v56  }
0xfd: {  	(xrf1) =	vsort.ascd.msk.f32 $0xffff, v28, v29;
	_ =	sdelay $0xc  }
0xfe: {  	v28, v29, _ =	vpop (xrf1)  }
0xff: {  	v30, v31, _ =	vpop (xrf1)  }
0x100: {  	v30 =	vperm.xlane v30, v25  }
0x101: {  	v31 =	vperm.xlane v31, v25  }
0x102: {  	vm9 =	vlt.f32 v30, v28  }
0x103: {  	v28 =	vmin.f32 v28, v30;
	v29 =	vsel vm9, v31, v29  }
0x104: {  	(xrf1) =	vsort.ascd.msk.f32 $0xffff, v28, v29;
	_ =	sdelay $0xd  }
0x105: {  	v28, v29, _ =	vpop (xrf1)  }
0x106: {  	v28 =	vsel vm0, $0xF149F2CA, v28;
	v57 =	vnsel vm1, $0xFFFFFFFF, v29  }
0x107: {  	(xrf0) =	vmax.scan.msk.f32 $0xffff, v28;
	v28 =	vxor.u32 $0x80000000, v57  }
0x108: {  	(xrf0) =	vmax.scan.msk.u32 $0xffff, v28;
	_ =	sdelay $0x4  }
0x109: {  	v28, _, _ =	vpop (xrf0)  }
0x10a: {  	v59 =	vsel vm2, $0xFFFFFFFF, v29;
	v58, _, _ =	vpop (xrf0)  }
0x10b: {  	v60 =	vxor.u32 $0x80000000, v59;
	(v2sf) =	vpush v58, $0xF  }
0x10c: {  	(xrf0) =	vmax.scan.msk.u32 $0xffff, v60;
	_ =	sdelay $0x4  }
0x10d: {  	v61 =	vsel vm3, $0xFFFFFFFF, v29  }
0x10e: {  	v30 =	vxor.u32 $0x80000000, v61;
	v62, _, _ =	vpop (xrf0)  }
0x10f: {  	(xrf0) =	vmax.scan.msk.u32 $0xffff, v30;
	(v2sf) =	vpush v62, $0xF;
	_ =	sdelay $0x4  }
0x110: {  	v63 =	vsel vm4, $0xFFFFFFFF, v29  }
0x111: {  	v30 =	vxor.u32 $0x80000000, v63;
	v33, _, _ =	vpop (xrf0)  }
0x112: {  	s15 =	sshrl.u32 s21, $0x3;
	(xrf0) =	vmax.scan.msk.u32 $0xffff, v30;
	s14 =	spop (v2sf);
	(v2sf) =	vpush v33, $0xF  }
0x113: {  	s13 =	smul.u32 $0xC8000, s15  }
0x114: {  	s15 =	sshll.u32 s14, $0xB  }
0x115: {  	s14 =	sand.u32 $0x380, s11;
	s15 =	sadd.s32 s13, s15  }
0x116: {  	v34 =	vsel vm5, $0xFFFFFFFF, v29;
	s15 =	sor.u32 s14, s15  }
0x117: {  	v30 =	vxor.u32 $0x80000000, v34;
	s15 =	sshrl.u32 s15, $0x3  }
0x118: {  	s16 =	rddreg [dreg:$0x3];
	v35, _, _ =	vpop (xrf0);
	(xrf0) =	vmax.scan.msk.u32 $0xffff, v30;
	s15 =	sadd.s32 s3, s15  }
0x119: {  	(v2sf) =	vpush v35, $0xF;
	[tilespmem:s16], [sflag:$0x1] =	stream.strided.gather [hbm4b:s15+s5], $0x100, s1, s5, $0x38;
	[tilespmem:$0x2380] =	vst v63  }
0x11a: {  	s16 =	spop (v2sf)  }
0x11b: {  	s15 =	sshll.u32 s16, $0xB  }
0x11c: {  	s15 =	sadd.s32 s13, s15  }
0x11d: {  	s15 =	sor.u32 s14, s15  }
0x11e: {  	s15 =	sshrl.u32 s15, $0x3  }
0x11f: {  	v36 =	vsel vm6, $0xFFFFFFFF, v29;
	s16 =	rddreg [dreg:$0x4];
	v30, _, _ =	vpop (xrf0);
	s15 =	sadd.s32 s3, s15  }
0x120: {  	v37 =	vxor.u32 $0x80000000, v36;
	(v2sf) =	vpush v30, $0xF;
	[tilespmem:s16], [sflag:$0x1] =	stream.strided.gather [hbm4b:s15+s5], $0x100, s1, s5, $0x38;
	[tilespmem:$0x2380] =	vst v63  }
0x121: {  	(xrf0) =	vmax.scan.msk.u32 $0xffff, v37;
	s16 =	spop (v2sf)  }
0x122: {  	s15 =	sshll.u32 s16, $0xB  }
0x123: {  	s15 =	sadd.s32 s13, s15  }
0x124: {  	s15 =	sor.u32 s14, s15  }
0x125: {  	s15 =	sshrl.u32 s15, $0x3  }
0x126: {  	v38 =	vsel vm7, $0xFFFFFFFF, v29;
	s16 =	rddreg [dreg:$0x5];
	s15 =	sadd.s32 s3, s15  }
0x127: {  	v30 =	vxor.u32 $0x80000000, v38;
	v39, _, _ =	vpop (xrf0);
	[tilespmem:s16], [sflag:$0x1] =	stream.strided.gather [hbm4b:s15+s5], $0x100, s1, s5, $0x38;
	[tilespmem:$0x2380] =	vst v63  }
0x128: {  	(xrf0) =	vmax.scan.msk.u32 $0xffff, v30;
	(v2sf) =	vpush v39, $0xF;
	s16 =	spop (v2sf)  }
0x129: {  	s15 =	sshll.u32 s16, $0xB  }
0x12a: {  	s15 =	sadd.s32 s13, s15  }
0x12b: {  	s15 =	sor.u32 s14, s15  }
0x12c: {  	s15 =	sshrl.u32 s15, $0x3  }
0x12d: {  	v40 =	vsel vm8, $0xFFFFFFFF, v29;
	s16 =	rddreg [dreg:$0x6];
	s15 =	sadd.s32 s3, s15  }
0x12e: {  	v30 =	vxor.u32 $0x80000000, v40;
	v41, _, _ =	vpop (xrf0);
	[tilespmem:s16], [sflag:$0x1] =	stream.strided.gather [hbm4b:s15+s5], $0x100, s1, s5, $0x38;
	[tilespmem:$0x2380] =	vst v63  }
0x12f: {  	(xrf0) =	vmax.scan.msk.u32 $0xffff, v30;
	s16 =	spop (v2sf);
	(v2sf) =	vpush v41, $0xF;
	_ =	sdelay $0x1  }
0x130: {  	s15 =	sshll.u32 s16, $0xB  }
0x131: {  	s15 =	sadd.s32 s13, s15  }
0x132: {  	v29 =	vsel vm0, $0xFFFFFFFF, v29;
	s15 =	sor.u32 s14, s15  }
0x133: {  	v29 =	vxor.u32 $0x80000000, v29;
	s15 =	sshrl.u32 s15, $0x3  }
0x134: {  	v30, _, _ =	vpop (xrf0);
	(xrf0) =	vmax.scan.msk.u32 $0xffff, v29;
	s16 =	rddreg [dreg:$0x7];
	s15 =	sadd.s32 s3, s15  }
0x135: {  	(v2sf) =	vpush v30, $0xF;
	[tilespmem:s16], [sflag:$0x1] =	stream.strided.gather [hbm4b:s15+s5], $0x100, s1, s5, $0x38;
	[tilespmem:$0x2380] =	vst v63  }
0x136: {  	s16 =	spop (v2sf)  }
0x137: {  	s15 =	sshll.u32 s16, $0xB  }
0x138: {  	s15 =	sadd.s32 s13, s15  }
0x139: {  	s15 =	sor.u32 s14, s15  }
0x13a: {  	s15 =	sshrl.u32 s15, $0x3  }
0x13b: {  	v29, _, _ =	vpop (xrf0);
	s16 =	rddreg [dreg:$0x8];
	s15 =	sadd.s32 s3, s15  }
0x13c: {  	(v2sf) =	vpush v29, $0xF;
	[tilespmem:s16], [sflag:$0x1] =	stream.strided.gather [hbm4b:s15+s5], $0x100, s1, s5, $0x38;
	[tilespmem:$0x2380] =	vst v63  }
0x13d: {  	s16 =	spop (v2sf)  }
0x13e: {  	s15 =	sshll.u32 s16, $0xB  }
0x13f: {  	s15 =	sadd.s32 s13, s15  }
0x140: {  	s15 =	sor.u32 s14, s15  }
0x141: {  	s15 =	sshrl.u32 s15, $0x3  }
0x142: {  	s16 =	rddreg [dreg:$0x9];
	s15 =	sadd.s32 s3, s15  }
0x143: {  	[tilespmem:s16], [sflag:$0x1] =	stream.strided.gather [hbm4b:s15+s5], $0x100, s1, s5, $0x38;
	[tilespmem:$0x2380] =	vst v63  }
0x144: {  	s16 =	spop (v2sf)  }
0x145: {  	s15 =	sshll.u32 s16, $0xB  }
0x146: {  	s15 =	sadd.s32 s13, s15  }
0x147: {  	s15 =	sor.u32 s14, s15  }
0x148: {  	s15 =	sshrl.u32 s15, $0x3  }
0x149: {  	s16 =	rddreg [dreg:$0xa];
	s15 =	sadd.s32 s3, s15  }
0x14a: {  	[tilespmem:s16], [sflag:$0x1] =	stream.strided.gather [hbm4b:s15+s5], $0x100, s1, s5, $0x38;
	[tilespmem:$0x2380] =	vst v63  }
0x14b: {  	s16 =	spop (v2sf)  }
0x14c: {  	s15 =	sshll.u32 s16, $0xB  }
0x14d: {  	s13 =	sadd.s32 s13, s15  }
0x14e: {  	s13 =	sor.u32 s14, s13  }
0x14f: {  	s13 =	sshrl.u32 s13, $0x3  }
0x150: {  	s16 =	rddreg [dreg:$0xb];
	s13 =	sadd.s32 s3, s13  }
0x151: {  	[tilespmem:s16], [sflag:$0x1] =	stream.strided.gather [hbm4b:s13+s5], $0x100, s1, s5, $0x38;
	[tilespmem:$0x2380] =	vst v63  }
0x152: {  	_ =	swait.ge [sflag:s4], $0x100  }
0x153: {  	[sflag:s4] =	ssyncset.done $0x0  }
0x154: {  	[sflag:s4] =	ssyncadd.s32 $0xFFFFFF00  }
0x155: {  	_ =	swait.ge [sflag:s4], $0x100  }
0x156: {  	[sflag:s4] =	ssyncset.done $0x0  }
0x157: {  	[sflag:s4] =	ssyncadd.s32 $0xFFFFFF00  }
0x158: {  	_ =	swait.ge [sflag:s4], $0x100  }
0x159: {  	[sflag:s4] =	ssyncset.done $0x0  }
0x15a: {  	[sflag:s4] =	ssyncadd.s32 $0xFFFFFF00  }
0x15b: {  	_ =	swait.ge [sflag:s4], $0x100  }
0x15c: {  	[sflag:s4] =	ssyncset.done $0x0  }
0x15d: {  	[sflag:s4] =	ssyncadd.s32 $0xFFFFFF00  }
0x15e: {  	_ =	swait.ge [sflag:s4], $0x100  }
0x15f: {  	[sflag:s4] =	ssyncset.done $0x0  }
0x160: {  	[sflag:s4] =	ssyncadd.s32 $0xFFFFFF00  }
0x161: {  	_ =	swait.ge [sflag:s4], $0x100  }
0x162: {  	[sflag:s4] =	ssyncset.done $0x0  }
0x163: {  	[sflag:s4] =	ssyncadd.s32 $0xFFFFFF00  }
0x164: {  	_ =	swait.ge [sflag:s4], $0x100  }
0x165: {  	[sflag:s4] =	ssyncset.done $0x0  }
0x166: {  	[sflag:s4] =	ssyncadd.s32 $0xFFFFFF00  }
0x167: {  	_ =	swait.ge [sflag:s4], $0x100  }
0x168: {  	[sflag:s4] =	ssyncset.done $0x0  }
0x169: {  	[sflag:s4] =	ssyncadd.s32 $0xFFFFFF00  }
0x16a: {  	_ =	swait.ge [sflag:s4], $0x100  }
0x16b: {  	[sflag:s4] =	ssyncset.done $0x0  }
0x16c: {  	[sflag:s4] =	ssyncadd.s32 $0xFFFFFF00  }
0x16d: {  	v29 =	vld [tilespmem:$0x1900]  }
0x16e: {  	v30 =	vld [tilespmem:$0x1910]  }
0x16f: {  	v31 =	vld [tilespmem:$0x1920]  }
0x170: {  	v32 =	vld [tilespmem:$0x1930]  }
0x171: {  	v33 =	vld [tilespmem:$0x1940]  }
0x172: {  	v34 =	vld [tilespmem:$0x1950]  }
0x173: {  	v35 =	vld [tilespmem:$0x1960];
	v42 =	vmin.f32 v29, v30  }
0x174: {  	v37 =	vld [tilespmem:$0x1970];
	v36 =	vmin.f32 v42, v31  }
0x175: {  	v36 =	vmin.f32 v36, v32  }
0x176: {  	v36 =	vmin.f32 v36, v33  }
0x177: {  	v36 =	vmin.f32 v36, v34  }
0x178: {  	v28 =	vbroadcast v28, $0xF;
	v36 =	vmin.f32 v36, v35  }
0x179: {  	v36 =	vmin.f32 v36, v37  }
0x17a: {  	vm9 =	vle.f32 v36, v28  }
0x17b: {  	v36 =	vsel vm9, $0x1, v27  }
0x17c: {  	(xrf0) =	vadd.scan.msk.s32 $0xffff, v36;
	_ =	sdelay $0x5  }
0x17d: {  	v36, _, _ =	vpop (xrf0)  }
0x17e: {  	(v2sf) =	vpush v36, $0xF;
	_ =	sdelay $0xe  }
0x17f: {  	s14 =	spop (v2sf)  }
0x180: {  	p1 =	slt.s32 s14, $0x1  }
0x181: {  	v36 =	vlaneseq.u32 @!p1  }
0x182: {  	(xrf1) =	vsort.dscd.msk.f32 @!p1 $0xffff, v29, v36;
	_ =	sdelay $0xd  }
0x183: {  	v29, _, _ =	vpop @!p1 (xrf1)  }
0x184: {  	v29 =	vmin.f32 @!p1 v29, $1.000000020e+30  }
0x185: {  	(xrf1) =	vsort.ascd.msk.f32 @!p1 $0xffff, v29, v36  }
0x186: {  	(xrf1) =	vsort.dscd.msk.f32 @!p1 $0xffff, v30, v36;
	_ =	sdelay $0xc  }
0x187: {  	v29, _, _ =	vpop @!p1 (xrf1)  }
0x188: {  	v30, _, _ =	vpop @!p1 (xrf1)  }
0x189: {  	v29 =	vmin.f32 @!p1 v29, v30  }
0x18a: {  	(xrf1) =	vsort.ascd.msk.f32 @!p1 $0xffff, v29, v36  }
0x18b: {  	(xrf1) =	vsort.dscd.msk.f32 @!p1 $0xffff, v31, v36;
	_ =	sdelay $0xc  }
0x18c: {  	v29, _, _ =	vpop @!p1 (xrf1)  }
0x18d: {  	v30, _, _ =	vpop @!p1 (xrf1)  }
0x18e: {  	v29 =	vmin.f32 @!p1 v29, v30  }
0x18f: {  	(xrf1) =	vsort.ascd.msk.f32 @!p1 $0xffff, v29, v36  }
0x190: {  	(xrf1) =	vsort.dscd.msk.f32 @!p1 $0xffff, v32, v36;
	_ =	sdelay $0xc  }
0x191: {  	v29, _, _ =	vpop @!p1 (xrf1)  }
0x192: {  	v30, _, _ =	vpop @!p1 (xrf1)  }
0x193: {  	v29 =	vmin.f32 @!p1 v29, v30  }
0x194: {  	(xrf1) =	vsort.ascd.msk.f32 @!p1 $0xffff, v29, v36  }
0x195: {  	(xrf1) =	vsort.dscd.msk.f32 @!p1 $0xffff, v33, v36;
	_ =	sdelay $0xc  }
0x196: {  	v29, _, _ =	vpop @!p1 (xrf1)  }
0x197: {  	v30, _, _ =	vpop @!p1 (xrf1)  }
0x198: {  	v29 =	vmin.f32 @!p1 v29, v30  }
0x199: {  	(xrf1) =	vsort.ascd.msk.f32 @!p1 $0xffff, v29, v36  }
0x19a: {  	(xrf1) =	vsort.dscd.msk.f32 @!p1 $0xffff, v34, v36;
	_ =	sdelay $0xa  }
0x19b: {  	v30 =	vld [tilespmem:$0x1990]  }
0x19c: {  	v29 =	vld [tilespmem:$0x1980]  }
0x19d: {  	v32 =	vld [tilespmem:$0x19A0];
	v31, _, _ =	vpop @!p1 (xrf1)  }
0x19e: {  	v34 =	vld [tilespmem:$0x19B0];
	v33, _, _ =	vpop @!p1 (xrf1)  }
0x19f: {  	v31 =	vmin.f32 @!p1 v31, v33;
	v33 =	vld [tilespmem:$0x19C0]  }
0x1a0: {  	(xrf1) =	vsort.ascd.msk.f32 @!p1 $0xffff, v31, v36;
	v31 =	vld [tilespmem:$0x19D0]  }
0x1a1: {  	v43 =	vmin.f32 v29, v30;
	(xrf1) =	vsort.dscd.msk.f32 @!p1 $0xffff, v35, v36;
	v35 =	vld [tilespmem:$0x19E0]  }
0x1a2: {  	v39 =	vld [tilespmem:$0x19F0];
	v38 =	vmin.f32 v43, v32  }
0x1a3: {  	v38 =	vmin.f32 v38, v34  }
0x1a4: {  	v38 =	vmin.f32 v38, v33  }
0x1a5: {  	v38 =	vmin.f32 v38, v31  }
0x1a6: {  	v38 =	vmin.f32 v38, v35  }
0x1a7: {  	v38 =	vmin.f32 v38, v39  }
0x1a8: {  	vm9 =	vle.f32 v38, v28  }
0x1a9: {  	v38 =	vsel vm9, $0x1, v27  }
0x1aa: {  	(xrf0) =	vadd.scan.msk.s32 $0xffff, v38;
	_ =	sdelay $0x3  }
0x1ab: {  	v38, _, _ =	vpop @!p1 (xrf1)  }
0x1ac: {  	v40, _, _ =	vpop @!p1 (xrf1)  }
0x1ad: {  	v38 =	vmin.f32 @!p1 v38, v40;
	v44, _, _ =	vpop (xrf0)  }
0x1ae: {  	(xrf1) =	vsort.ascd.msk.f32 @!p1 $0xffff, v38, v36;
	(v2sf) =	vpush v44, $0xF  }
0x1af: {  	(xrf1) =	vsort.dscd.msk.f32 @!p1 $0xffff, v37, v36;
	_ =	sdelay $0xc  }
0x1b0: {  	v37, _, _ =	vpop @!p1 (xrf1)  }
0x1b1: {  	v38, _, _ =	vpop @!p1 (xrf1);
	s15 =	spop (v2sf)  }
0x1b2: {  	v37 =	vmin.f32 @!p1 v37, v38;
	p2 =	slt.s32 s15, $0x1  }
0x1b3: {  	(xrf1) =	vsort.ascd.msk.f32 @!p1 $0xffff, v37, v36;
	v36 =	vlaneseq.u32 @!p2  }
0x1b4: {  	(xrf1) =	vsort.dscd.msk.f32 @!p2 $0xffff, v29, v36;
	_ =	sdelay $0xc  }
0x1b5: {  	v29, _, _ =	vpop @!p1 (xrf1)  }
0x1b6: {  	v37 =	vpsel p1, $0x7149F2CA, v29;
	v38, _, _ =	vpop @!p2 (xrf1)  }
0x1b7: {  	v38 =	vmin.f32 @!p2 v37, v38  }
0x1b8: {  	(xrf1) =	vsort.ascd.msk.f32 @!p2 $0xffff, v38, v36  }
0x1b9: {  	(xrf1) =	vsort.dscd.msk.f32 @!p2 $0xffff, v30, v36;
	_ =	sdelay $0xc  }
0x1ba: {  	v30, _, _ =	vpop @!p2 (xrf1)  }
0x1bb: {  	v38, _, _ =	vpop @!p2 (xrf1)  }
0x1bc: {  	v30 =	vmin.f32 @!p2 v30, v38  }
0x1bd: {  	(xrf1) =	vsort.ascd.msk.f32 @!p2 $0xffff, v30, v36  }
0x1be: {  	(xrf1) =	vsort.dscd.msk.f32 @!p2 $0xffff, v32, v36;
	_ =	sdelay $0xc  }
0x1bf: {  	v30, _, _ =	vpop @!p2 (xrf1)  }
0x1c0: {  	v32, _, _ =	vpop @!p2 (xrf1)  }
0x1c1: {  	v30 =	vmin.f32 @!p2 v30, v32  }
0x1c2: {  	(xrf1) =	vsort.ascd.msk.f32 @!p2 $0xffff, v30, v36  }
0x1c3: {  	(xrf1) =	vsort.dscd.msk.f32 @!p2 $0xffff, v34, v36;
	_ =	sdelay $0xc  }
0x1c4: {  	v30, _, _ =	vpop @!p2 (xrf1)  }
0x1c5: {  	v32, _, _ =	vpop @!p2 (xrf1)  }
0x1c6: {  	v30 =	vmin.f32 @!p2 v30, v32  }
0x1c7: {  	(xrf1) =	vsort.ascd.msk.f32 @!p2 $0xffff, v30, v36  }
0x1c8: {  	(xrf1) =	vsort.dscd.msk.f32 @!p2 $0xffff, v33, v36;
	_ =	sdelay $0xc  }
0x1c9: {  	v30, _, _ =	vpop @!p2 (xrf1)  }
0x1ca: {  	v32, _, _ =	vpop @!p2 (xrf1)  }
0x1cb: {  	v30 =	vmin.f32 @!p2 v30, v32  }
0x1cc: {  	(xrf1) =	vsort.ascd.msk.f32 @!p2 $0xffff, v30, v36  }
0x1cd: {  	(xrf1) =	vsort.dscd.msk.f32 @!p2 $0xffff, v31, v36;
	_ =	sdelay $0xa  }
0x1ce: {  	v30 =	vld [tilespmem:$0x1A00]  }
0x1cf: {  	v31 =	vld [tilespmem:$0x1A10]  }
0x1d0: {  	v33 =	vld [tilespmem:$0x1A20];
	v32, _, _ =	vpop @!p2 (xrf1)  }
0x1d1: {  	v38 =	vld [tilespmem:$0x1A30];
	v34, _, _ =	vpop @!p2 (xrf1)  }
0x1d2: {  	v32 =	vmin.f32 @!p2 v32, v34;
	v34 =	vld [tilespmem:$0x1A40]  }
0x1d3: {  	(xrf1) =	vsort.ascd.msk.f32 @!p2 $0xffff, v32, v36;
	v32 =	vld [tilespmem:$0x1A50]  }
0x1d4: {  	v45 =	vmin.f32 v30, v31;
	(xrf1) =	vsort.dscd.msk.f32 @!p2 $0xffff, v35, v36;
	v35 =	vld [tilespmem:$0x1A60]  }
0x1d5: {  	v41 =	vld [tilespmem:$0x1A70];
	v40 =	vmin.f32 v45, v33  }
0x1d6: {  	v40 =	vmin.f32 v40, v38  }
0x1d7: {  	v40 =	vmin.f32 v40, v34  }
0x1d8: {  	v40 =	vmin.f32 v40, v32  }
0x1d9: {  	v40 =	vmin.f32 v40, v35  }
0x1da: {  	v40 =	vmin.f32 v40, v41  }
0x1db: {  	vm9 =	vle.f32 v40, v28  }
0x1dc: {  	v40 =	vsel vm9, $0x1, v27  }
0x1dd: {  	(xrf0) =	vadd.scan.msk.s32 $0xffff, v40;
	_ =	sdelay $0x3  }
0x1de: {  	v40, _, _ =	vpop @!p2 (xrf1)  }
0x1df: {  	v42, _, _ =	vpop @!p2 (xrf1)  }
0x1e0: {  	v40 =	vmin.f32 @!p2 v40, v42;
	v46, _, _ =	vpop (xrf0)  }
0x1e1: {  	(xrf1) =	vsort.ascd.msk.f32 @!p2 $0xffff, v40, v36;
	(v2sf) =	vpush v46, $0xF  }
0x1e2: {  	(xrf1) =	vsort.dscd.msk.f32 @!p2 $0xffff, v39, v36;
	_ =	sdelay $0xc  }
0x1e3: {  	v39, _, _ =	vpop @!p2 (xrf1)  }
0x1e4: {  	v40, _, _ =	vpop @!p2 (xrf1);
	s16 =	spop (v2sf)  }
0x1e5: {  	v39 =	vmin.f32 @!p2 v39, v40;
	p0 =	slt.s32 s16, $0x1  }
0x1e6: {  	(xrf1) =	vsort.ascd.msk.f32 @!p2 $0xffff, v39, v36;
	v36 =	vlaneseq.u32 @!p0  }
0x1e7: {  	(xrf1) =	vsort.dscd.msk.f32 @!p0 $0xffff, v30, v36;
	_ =	sdelay $0xc  }
0x1e8: {  	v30, _, _ =	vpop @!p2 (xrf1)  }
0x1e9: {  	v37 =	vpsel p2, v37, v30;
	v39, _, _ =	vpop @!p0 (xrf1)  }
0x1ea: {  	v39 =	vmin.f32 @!p0 v37, v39  }
0x1eb: {  	(xrf1) =	vsort.ascd.msk.f32 @!p0 $0xffff, v39, v36  }
0x1ec: {  	(xrf1) =	vsort.dscd.msk.f32 @!p0 $0xffff, v31, v36;
	_ =	sdelay $0xc  }
0x1ed: {  	v31, _, _ =	vpop @!p0 (xrf1)  }
0x1ee: {  	v39, _, _ =	vpop @!p0 (xrf1)  }
0x1ef: {  	v31 =	vmin.f32 @!p0 v31, v39  }
0x1f0: {  	(xrf1) =	vsort.ascd.msk.f32 @!p0 $0xffff, v31, v36  }
0x1f1: {  	(xrf1) =	vsort.dscd.msk.f32 @!p0 $0xffff, v33, v36;
	_ =	sdelay $0xc  }
0x1f2: {  	v31, _, _ =	vpop @!p0 (xrf1)  }
0x1f3: {  	v33, _, _ =	vpop @!p0 (xrf1)  }
0x1f4: {  	v31 =	vmin.f32 @!p0 v31, v33  }
0x1f5: {  	(xrf1) =	vsort.ascd.msk.f32 @!p0 $0xffff, v31, v36  }
0x1f6: {  	(xrf1) =	vsort.dscd.msk.f32 @!p0 $0xffff, v38, v36;
	_ =	sdelay $0xc  }
0x1f7: {  	v31, _, _ =	vpop @!p0 (xrf1)  }
0x1f8: {  	v33, _, _ =	vpop @!p0 (xrf1)  }
0x1f9: {  	v31 =	vmin.f32 @!p0 v31, v33  }
0x1fa: {  	(xrf1) =	vsort.ascd.msk.f32 @!p0 $0xffff, v31, v36  }
0x1fb: {  	(xrf1) =	vsort.dscd.msk.f32 @!p0 $0xffff, v34, v36;
	_ =	sdelay $0xc  }
0x1fc: {  	v31, _, _ =	vpop @!p0 (xrf1)  }
0x1fd: {  	v33, _, _ =	vpop @!p0 (xrf1)  }
0x1fe: {  	v31 =	vmin.f32 @!p0 v31, v33  }
0x1ff: {  	(xrf1) =	vsort.ascd.msk.f32 @!p0 $0xffff, v31, v36  }
0x200: {  	(xrf1) =	vsort.dscd.msk.f32 @!p0 $0xffff, v32, v36;
	_ =	sdelay $0xa  }
0x201: {  	v31 =	vld [tilespmem:$0x1A80]  }
0x202: {  	v32 =	vld [tilespmem:$0x1A90]  }
0x203: {  	v34 =	vld [tilespmem:$0x1AA0];
	v33, _, _ =	vpop @!p0 (xrf1)  }
0x204: {  	v39 =	vld [tilespmem:$0x1AB0];
	v38, _, _ =	vpop @!p0 (xrf1)  }
0x205: {  	v33 =	vmin.f32 @!p0 v33, v38;
	v38 =	vld [tilespmem:$0x1AC0]  }
0x206: {  	(xrf1) =	vsort.ascd.msk.f32 @!p0 $0xffff, v33, v36;
	v33 =	vld [tilespmem:$0x1AD0]  }
0x207: {  	v47 =	vmin.f32 v31, v32;
	(xrf1) =	vsort.dscd.msk.f32 @!p0 $0xffff, v35, v36;
	v35 =	vld [tilespmem:$0x1AE0]  }
0x208: {  	v42 =	vld [tilespmem:$0x1AF0];
	v40 =	vmin.f32 v47, v34  }
0x209: {  	v40 =	vmin.f32 v40, v39  }
0x20a: {  	v40 =	vmin.f32 v40, v38  }
0x20b: {  	v40 =	vmin.f32 v40, v33  }
0x20c: {  	v40 =	vmin.f32 v40, v35  }
0x20d: {  	v40 =	vmin.f32 v40, v42  }
0x20e: {  	vm9 =	vle.f32 v40, v28  }
0x20f: {  	v40 =	vsel vm9, $0x1, v27  }
0x210: {  	(xrf0) =	vadd.scan.msk.s32 $0xffff, v40;
	_ =	sdelay $0x3  }
0x211: {  	v40, _, _ =	vpop @!p0 (xrf1)  }
0x212: {  	v43, _, _ =	vpop @!p0 (xrf1)  }
0x213: {  	v40 =	vmin.f32 @!p0 v40, v43;
	v48, _, _ =	vpop (xrf0)  }
0x214: {  	(xrf1) =	vsort.ascd.msk.f32 @!p0 $0xffff, v40, v36;
	(v2sf) =	vpush v48, $0xF  }
0x215: {  	(xrf1) =	vsort.dscd.msk.f32 @!p0 $0xffff, v41, v36;
	_ =	sdelay $0xc  }
0x216: {  	v40, _, _ =	vpop @!p0 (xrf1)  }
0x217: {  	v41, _, _ =	vpop @!p0 (xrf1);
	s14 =	spop (v2sf)  }
0x218: {  	v40 =	vmin.f32 @!p0 v40, v41;
	p3 =	slt.s32 s14, $0x1  }
0x219: {  	(xrf1) =	vsort.ascd.msk.f32 @!p0 $0xffff, v40, v36;
	v36 =	vlaneseq.u32 @!p3  }
0x21a: {  	(xrf1) =	vsort.dscd.msk.f32 @!p3 $0xffff, v31, v36;
	_ =	sdelay $0xc  }
0x21b: {  	v31, _, _ =	vpop @!p0 (xrf1)  }
0x21c: {  	v37 =	vpsel p0, v37, v31;
	v40, _, _ =	vpop @!p3 (xrf1)  }
0x21d: {  	v40 =	vmin.f32 @!p3 v37, v40  }
0x21e: {  	(xrf1) =	vsort.ascd.msk.f32 @!p3 $0xffff, v40, v36  }
0x21f: {  	(xrf1) =	vsort.dscd.msk.f32 @!p3 $0xffff, v32, v36;
	_ =	sdelay $0xc  }
0x220: {  	v32, _, _ =	vpop @!p3 (xrf1)  }
0x221: {  	v40, _, _ =	vpop @!p3 (xrf1)  }
0x222: {  	v32 =	vmin.f32 @!p3 v32, v40  }
0x223: {  	(xrf1) =	vsort.ascd.msk.f32 @!p3 $0xffff, v32, v36  }
0x224: {  	(xrf1) =	vsort.dscd.msk.f32 @!p3 $0xffff, v34, v36;
	_ =	sdelay $0xc  }
0x225: {  	v32, _, _ =	vpop @!p3 (xrf1)  }
0x226: {  	v34, _, _ =	vpop @!p3 (xrf1)  }
0x227: {  	v32 =	vmin.f32 @!p3 v32, v34  }
0x228: {  	(xrf1) =	vsort.ascd.msk.f32 @!p3 $0xffff, v32, v36  }
0x229: {  	(xrf1) =	vsort.dscd.msk.f32 @!p3 $0xffff, v39, v36;
	_ =	sdelay $0xc  }
0x22a: {  	v32, _, _ =	vpop @!p3 (xrf1)  }
0x22b: {  	v34, _, _ =	vpop @!p3 (xrf1)  }
0x22c: {  	v32 =	vmin.f32 @!p3 v32, v34  }
0x22d: {  	(xrf1) =	vsort.ascd.msk.f32 @!p3 $0xffff, v32, v36  }
0x22e: {  	(xrf1) =	vsort.dscd.msk.f32 @!p3 $0xffff, v38, v36;
	_ =	sdelay $0xc  }
0x22f: {  	v32, _, _ =	vpop @!p3 (xrf1)  }
0x230: {  	v34, _, _ =	vpop @!p3 (xrf1)  }
0x231: {  	v32 =	vmin.f32 @!p3 v32, v34  }
0x232: {  	(xrf1) =	vsort.ascd.msk.f32 @!p3 $0xffff, v32, v36  }
0x233: {  	(xrf1) =	vsort.dscd.msk.f32 @!p3 $0xffff, v33, v36;
	_ =	sdelay $0xa  }
0x234: {  	v32 =	vld [tilespmem:$0x1B00]  }
0x235: {  	v33 =	vld [tilespmem:$0x1B10]  }
0x236: {  	v38 =	vld [tilespmem:$0x1B20];
	v34, _, _ =	vpop @!p3 (xrf1)  }
0x237: {  	v40 =	vld [tilespmem:$0x1B30];
	v39, _, _ =	vpop @!p3 (xrf1)  }
0x238: {  	v34 =	vmin.f32 @!p3 v34, v39;
	v39 =	vld [tilespmem:$0x1B40]  }
0x239: {  	(xrf1) =	vsort.ascd.msk.f32 @!p3 $0xffff, v34, v36;
	v34 =	vld [tilespmem:$0x1B50]  }
0x23a: {  	v49 =	vmin.f32 v32, v33;
	(xrf1) =	vsort.dscd.msk.f32 @!p3 $0xffff, v35, v36;
	v35 =	vld [tilespmem:$0x1B60]  }
0x23b: {  	v43 =	vld [tilespmem:$0x1B70];
	v41 =	vmin.f32 v49, v38  }
0x23c: {  	v41 =	vmin.f32 v41, v40  }
0x23d: {  	v41 =	vmin.f32 v41, v39  }
0x23e: {  	v41 =	vmin.f32 v41, v34  }
0x23f: {  	v41 =	vmin.f32 v41, v35  }
0x240: {  	v41 =	vmin.f32 v41, v43  }
0x241: {  	vm9 =	vle.f32 v41, v28  }
0x242: {  	v41 =	vsel vm9, $0x1, v27  }
0x243: {  	(xrf0) =	vadd.scan.msk.s32 $0xffff, v41;
	_ =	sdelay $0x3  }
0x244: {  	v41, _, _ =	vpop @!p3 (xrf1)  }
0x245: {  	v44, _, _ =	vpop @!p3 (xrf1)  }
0x246: {  	v41 =	vmin.f32 @!p3 v41, v44;
	v50, _, _ =	vpop (xrf0)  }
0x247: {  	(xrf1) =	vsort.ascd.msk.f32 @!p3 $0xffff, v41, v36;
	(v2sf) =	vpush v50, $0xF  }
0x248: {  	(xrf1) =	vsort.dscd.msk.f32 @!p3 $0xffff, v42, v36;
	_ =	sdelay $0xc  }
0x249: {  	v41, _, _ =	vpop @!p3 (xrf1)  }
0x24a: {  	v42, _, _ =	vpop @!p3 (xrf1);
	s15 =	spop (v2sf)  }
0x24b: {  	v41 =	vmin.f32 @!p3 v41, v42;
	p4 =	slt.s32 s15, $0x1  }
0x24c: {  	(xrf1) =	vsort.ascd.msk.f32 @!p3 $0xffff, v41, v36;
	v36 =	vlaneseq.u32 @!p4  }
0x24d: {  	(xrf1) =	vsort.dscd.msk.f32 @!p4 $0xffff, v32, v36;
	_ =	sdelay $0xc  }
0x24e: {  	v32, _, _ =	vpop @!p3 (xrf1)  }
0x24f: {  	v37 =	vpsel p3, v37, v32;
	v41, _, _ =	vpop @!p4 (xrf1)  }
0x250: {  	v41 =	vmin.f32 @!p4 v37, v41  }
0x251: {  	(xrf1) =	vsort.ascd.msk.f32 @!p4 $0xffff, v41, v36  }
0x252: {  	(xrf1) =	vsort.dscd.msk.f32 @!p4 $0xffff, v33, v36;
	_ =	sdelay $0xc  }
0x253: {  	v33, _, _ =	vpop @!p4 (xrf1)  }
0x254: {  	v41, _, _ =	vpop @!p4 (xrf1)  }
0x255: {  	v33 =	vmin.f32 @!p4 v33, v41  }
0x256: {  	(xrf1) =	vsort.ascd.msk.f32 @!p4 $0xffff, v33, v36  }
0x257: {  	(xrf1) =	vsort.dscd.msk.f32 @!p4 $0xffff, v38, v36;
	_ =	sdelay $0xc  }
0x258: {  	v33, _, _ =	vpop @!p4 (xrf1)  }
0x259: {  	v38, _, _ =	vpop @!p4 (xrf1)  }
0x25a: {  	v33 =	vmin.f32 @!p4 v33, v38  }
0x25b: {  	(xrf1) =	vsort.ascd.msk.f32 @!p4 $0xffff, v33, v36  }
0x25c: {  	(xrf1) =	vsort.dscd.msk.f32 @!p4 $0xffff, v40, v36;
	_ =	sdelay $0xc  }
0x25d: {  	v33, _, _ =	vpop @!p4 (xrf1)  }
0x25e: {  	v38, _, _ =	vpop @!p4 (xrf1)  }
0x25f: {  	v33 =	vmin.f32 @!p4 v33, v38  }
0x260: {  	(xrf1) =	vsort.ascd.msk.f32 @!p4 $0xffff, v33, v36  }
0x261: {  	(xrf1) =	vsort.dscd.msk.f32 @!p4 $0xffff, v39, v36;
	_ =	sdelay $0xc  }
0x262: {  	v33, _, _ =	vpop @!p4 (xrf1)  }
0x263: {  	v38, _, _ =	vpop @!p4 (xrf1)  }
0x264: {  	v33 =	vmin.f32 @!p4 v33, v38  }
0x265: {  	(xrf1) =	vsort.ascd.msk.f32 @!p4 $0xffff, v33, v36  }
0x266: {  	(xrf1) =	vsort.dscd.msk.f32 @!p4 $0xffff, v34, v36;
	_ =	sdelay $0xa  }
0x267: {  	v33 =	vld [tilespmem:$0x1B80]  }
0x268: {  	v34 =	vld [tilespmem:$0x1B90]  }
0x269: {  	v39 =	vld [tilespmem:$0x1BA0];
	v38, _, _ =	vpop @!p4 (xrf1)  }
0x26a: {  	v41 =	vld [tilespmem:$0x1BB0];
	v40, _, _ =	vpop @!p4 (xrf1)  }
0x26b: {  	v38 =	vmin.f32 @!p4 v38, v40;
	v40 =	vld [tilespmem:$0x1BC0]  }
0x26c: {  	(xrf1) =	vsort.ascd.msk.f32 @!p4 $0xffff, v38, v36;
	v38 =	vld [tilespmem:$0x1BD0]  }
0x26d: {  	v51 =	vmin.f32 v33, v34;
	(xrf1) =	vsort.dscd.msk.f32 @!p4 $0xffff, v35, v36;
	v35 =	vld [tilespmem:$0x1BE0]  }
0x26e: {  	v44 =	vld [tilespmem:$0x1BF0];
	v42 =	vmin.f32 v51, v39  }
0x26f: {  	v42 =	vmin.f32 v42, v41  }
0x270: {  	v42 =	vmin.f32 v42, v40  }
0x271: {  	v42 =	vmin.f32 v42, v38  }
0x272: {  	v42 =	vmin.f32 v42, v35  }
0x273: {  	v42 =	vmin.f32 v42, v44  }
0x274: {  	vm9 =	vle.f32 v42, v28  }
0x275: {  	v42 =	vsel vm9, $0x1, v27  }
0x276: {  	(xrf0) =	vadd.scan.msk.s32 $0xffff, v42;
	_ =	sdelay $0x3  }
0x277: {  	v42, _, _ =	vpop @!p4 (xrf1)  }
0x278: {  	v45, _, _ =	vpop @!p4 (xrf1)  }
0x279: {  	v42 =	vmin.f32 @!p4 v42, v45;
	v52, _, _ =	vpop (xrf0)  }
0x27a: {  	(xrf1) =	vsort.ascd.msk.f32 @!p4 $0xffff, v42, v36;
	(v2sf) =	vpush v52, $0xF  }
0x27b: {  	(xrf1) =	vsort.dscd.msk.f32 @!p4 $0xffff, v43, v36;
	_ =	sdelay $0xc  }
0x27c: {  	v42, _, _ =	vpop @!p4 (xrf1)  }
0x27d: {  	v43, _, _ =	vpop @!p4 (xrf1);
	s16 =	spop (v2sf)  }
0x27e: {  	v42 =	vmin.f32 @!p4 v42, v43;
	p5 =	slt.s32 s16, $0x1  }
0x27f: {  	(xrf1) =	vsort.ascd.msk.f32 @!p4 $0xffff, v42, v36;
	v36 =	vlaneseq.u32 @!p5  }
0x280: {  	(xrf1) =	vsort.dscd.msk.f32 @!p5 $0xffff, v33, v36;
	_ =	sdelay $0xc  }
0x281: {  	v33, _, _ =	vpop @!p4 (xrf1)  }
0x282: {  	v37 =	vpsel p4, v37, v33;
	v42, _, _ =	vpop @!p5 (xrf1)  }
0x283: {  	v42 =	vmin.f32 @!p5 v37, v42  }
0x284: {  	(xrf1) =	vsort.ascd.msk.f32 @!p5 $0xffff, v42, v36  }
0x285: {  	(xrf1) =	vsort.dscd.msk.f32 @!p5 $0xffff, v34, v36;
	_ =	sdelay $0xc  }
0x286: {  	v34, _, _ =	vpop @!p5 (xrf1)  }
0x287: {  	v42, _, _ =	vpop @!p5 (xrf1)  }
0x288: {  	v34 =	vmin.f32 @!p5 v34, v42  }
0x289: {  	(xrf1) =	vsort.ascd.msk.f32 @!p5 $0xffff, v34, v36  }
0x28a: {  	(xrf1) =	vsort.dscd.msk.f32 @!p5 $0xffff, v39, v36;
	_ =	sdelay $0xc  }
0x28b: {  	v34, _, _ =	vpop @!p5 (xrf1)  }
0x28c: {  	v39, _, _ =	vpop @!p5 (xrf1)  }
0x28d: {  	v34 =	vmin.f32 @!p5 v34, v39  }
0x28e: {  	(xrf1) =	vsort.ascd.msk.f32 @!p5 $0xffff, v34, v36  }
0x28f: {  	(xrf1) =	vsort.dscd.msk.f32 @!p5 $0xffff, v41, v36;
	_ =	sdelay $0xc  }
0x290: {  	v34, _, _ =	vpop @!p5 (xrf1)  }
0x291: {  	v39, _, _ =	vpop @!p5 (xrf1)  }
0x292: {  	v34 =	vmin.f32 @!p5 v34, v39  }
0x293: {  	(xrf1) =	vsort.ascd.msk.f32 @!p5 $0xffff, v34, v36  }
0x294: {  	(xrf1) =	vsort.dscd.msk.f32 @!p5 $0xffff, v40, v36;
	_ =	sdelay $0xc  }
0x295: {  	v34, _, _ =	vpop @!p5 (xrf1)  }
0x296: {  	v39, _, _ =	vpop @!p5 (xrf1)  }
0x297: {  	v34 =	vmin.f32 @!p5 v34, v39  }
0x298: {  	(xrf1) =	vsort.ascd.msk.f32 @!p5 $0xffff, v34, v36  }
0x299: {  	(xrf1) =	vsort.dscd.msk.f32 @!p5 $0xffff, v38, v36;
	_ =	sdelay $0xa  }
0x29a: {  	v34 =	vld [tilespmem:$0x1C00]  }
0x29b: {  	v38 =	vld [tilespmem:$0x1C10]  }
0x29c: {  	v40 =	vld [tilespmem:$0x1C20];
	v39, _, _ =	vpop @!p5 (xrf1)  }
0x29d: {  	v42 =	vld [tilespmem:$0x1C30];
	v41, _, _ =	vpop @!p5 (xrf1)  }
0x29e: {  	v39 =	vmin.f32 @!p5 v39, v41;
	v41 =	vld [tilespmem:$0x1C40]  }
0x29f: {  	(xrf1) =	vsort.ascd.msk.f32 @!p5 $0xffff, v39, v36;
	v39 =	vld [tilespmem:$0x1C50]  }
0x2a0: {  	v53 =	vmin.f32 v34, v38;
	(xrf1) =	vsort.dscd.msk.f32 @!p5 $0xffff, v35, v36;
	v35 =	vld [tilespmem:$0x1C60]  }
0x2a1: {  	v45 =	vld [tilespmem:$0x1C70];
	v43 =	vmin.f32 v53, v40  }
0x2a2: {  	v43 =	vmin.f32 v43, v42  }
0x2a3: {  	v43 =	vmin.f32 v43, v41  }
0x2a4: {  	v43 =	vmin.f32 v43, v39  }
0x2a5: {  	v43 =	vmin.f32 v43, v35  }
0x2a6: {  	v43 =	vmin.f32 v43, v45  }
0x2a7: {  	vm9 =	vle.f32 v43, v28  }
0x2a8: {  	v43 =	vsel vm9, $0x1, v27  }
0x2a9: {  	(xrf0) =	vadd.scan.msk.s32 $0xffff, v43;
	_ =	sdelay $0x3  }
0x2aa: {  	v43, _, _ =	vpop @!p5 (xrf1)  }
0x2ab: {  	v46, _, _ =	vpop @!p5 (xrf1)  }
0x2ac: {  	v43 =	vmin.f32 @!p5 v43, v46;
	v54, _, _ =	vpop (xrf0)  }
0x2ad: {  	(xrf1) =	vsort.ascd.msk.f32 @!p5 $0xffff, v43, v36;
	(v2sf) =	vpush v54, $0xF  }
0x2ae: {  	(xrf1) =	vsort.dscd.msk.f32 @!p5 $0xffff, v44, v36;
	_ =	sdelay $0xc  }
0x2af: {  	v43, _, _ =	vpop @!p5 (xrf1)  }
0x2b0: {  	v44, _, _ =	vpop @!p5 (xrf1);
	s14 =	spop (v2sf)  }
0x2b1: {  	v43 =	vmin.f32 @!p5 v43, v44;
	p6 =	slt.s32 s14, $0x1  }
0x2b2: {  	(xrf1) =	vsort.ascd.msk.f32 @!p5 $0xffff, v43, v36;
	v36 =	vlaneseq.u32 @!p6  }
0x2b3: {  	(xrf1) =	vsort.dscd.msk.f32 @!p6 $0xffff, v34, v36;
	_ =	sdelay $0xc  }
0x2b4: {  	v34, _, _ =	vpop @!p5 (xrf1)  }
0x2b5: {  	v37 =	vpsel p5, v37, v34;
	v43, _, _ =	vpop @!p6 (xrf1)  }
0x2b6: {  	v43 =	vmin.f32 @!p6 v37, v43  }
0x2b7: {  	(xrf1) =	vsort.ascd.msk.f32 @!p6 $0xffff, v43, v36  }
0x2b8: {  	(xrf1) =	vsort.dscd.msk.f32 @!p6 $0xffff, v38, v36;
	_ =	sdelay $0xc  }
0x2b9: {  	v38, _, _ =	vpop @!p6 (xrf1)  }
0x2ba: {  	v43, _, _ =	vpop @!p6 (xrf1)  }
0x2bb: {  	v38 =	vmin.f32 @!p6 v38, v43  }
0x2bc: {  	(xrf1) =	vsort.ascd.msk.f32 @!p6 $0xffff, v38, v36  }
0x2bd: {  	(xrf1) =	vsort.dscd.msk.f32 @!p6 $0xffff, v40, v36;
	_ =	sdelay $0xc  }
0x2be: {  	v38, _, _ =	vpop @!p6 (xrf1)  }
0x2bf: {  	v40, _, _ =	vpop @!p6 (xrf1)  }
0x2c0: {  	v38 =	vmin.f32 @!p6 v38, v40  }
0x2c1: {  	(xrf1) =	vsort.ascd.msk.f32 @!p6 $0xffff, v38, v36  }
0x2c2: {  	(xrf1) =	vsort.dscd.msk.f32 @!p6 $0xffff, v42, v36;
	_ =	sdelay $0xc  }
0x2c3: {  	v38, _, _ =	vpop @!p6 (xrf1)  }
0x2c4: {  	v40, _, _ =	vpop @!p6 (xrf1)  }
0x2c5: {  	v38 =	vmin.f32 @!p6 v38, v40  }
0x2c6: {  	(xrf1) =	vsort.ascd.msk.f32 @!p6 $0xffff, v38, v36  }
0x2c7: {  	(xrf1) =	vsort.dscd.msk.f32 @!p6 $0xffff, v41, v36;
	_ =	sdelay $0xc  }
0x2c8: {  	v38, _, _ =	vpop @!p6 (xrf1)  }
0x2c9: {  	v40, _, _ =	vpop @!p6 (xrf1)  }
0x2ca: {  	v38 =	vmin.f32 @!p6 v38, v40  }
0x2cb: {  	(xrf1) =	vsort.ascd.msk.f32 @!p6 $0xffff, v38, v36  }
0x2cc: {  	(xrf1) =	vsort.dscd.msk.f32 @!p6 $0xffff, v39, v36;
	_ =	sdelay $0xc  }
0x2cd: {  	v38, _, _ =	vpop @!p6 (xrf1)  }
0x2ce: {  	v39, _, _ =	vpop @!p6 (xrf1)  }
0x2cf: {  	v38 =	vmin.f32 @!p6 v38, v39  }
0x2d0: {  	(xrf1) =	vsort.ascd.msk.f32 @!p6 $0xffff, v38, v36  }
0x2d1: {  	(xrf1) =	vsort.dscd.msk.f32 @!p6 $0xffff, v35, v36;
	_ =	sdelay $0x8  }
0x2d2: {  	[tilespmem:$0x2300] =	vst v26  }
0x2d3: {  	[tilespmem:$0x2300] =	vst @!p1 v29  }
0x2d4: {  	[tilespmem:$0x2300] =	vst @!p2 v30  }
0x2d5: {  	[tilespmem:$0x2300] =	vst @!p0 v31;
	v31 =	vld [tilespmem:$0x1C80]  }
0x2d6: {  	[tilespmem:$0x2300] =	vst @!p3 v32;
	v32 =	vld [tilespmem:$0x1C90];
	v35, _, _ =	vpop @!p6 (xrf1)  }
0x2d7: {  	[tilespmem:$0x2300] =	vst @!p4 v33;
	v33 =	vld [tilespmem:$0x1CA0];
	v38, _, _ =	vpop @!p6 (xrf1)  }
0x2d8: {  	[tilespmem:$0x2300] =	vst @!p5 v34;
	v34 =	vld [tilespmem:$0x1CB0];
	v35 =	vmin.f32 @!p6 v35, v38  }
0x2d9: {  	(xrf1) =	vsort.ascd.msk.f32 @!p6 $0xffff, v35, v36;
	v35 =	vld [tilespmem:$0x1CC0]  }
0x2da: {  	v38 =	vld [tilespmem:$0x1CD0]  }
0x2db: {  	v55 =	vmin.f32 v31, v32;
	v39 =	vld [tilespmem:$0x1CE0];
	(xrf1) =	vsort.dscd.msk.f32 @!p6 $0xffff, v45, v36  }
0x2dc: {  	v41 =	vld [tilespmem:$0x1CF0];
	v40 =	vmin.f32 v55, v33  }
0x2dd: {  	v40 =	vmin.f32 v40, v34  }
0x2de: {  	v40 =	vmin.f32 v40, v35  }
0x2df: {  	v40 =	vmin.f32 v40, v38  }
0x2e0: {  	v40 =	vmin.f32 v40, v39  }
0x2e1: {  	v40 =	vmin.f32 v40, v41  }
0x2e2: {  	vm9 =	vle.f32 v40, v28  }
0x2e3: {  	v40 =	vsel vm9, $0x1, v27  }
0x2e4: {  	(xrf0) =	vadd.scan.msk.s32 $0xffff, v40;
	_ =	sdelay $0x3  }
0x2e5: {  	s13 =	simm.s32 @!p6 $0x0;
	v29, _, _ =	vpop @!p6 (xrf1)  }
0x2e6: {  	s13 =	simm.s32 @p6 $0x1;
	v30, _, _ =	vpop @!p6 (xrf1)  }
0x2e7: {  	[smem:$0x7F8] =	sst s13;
	v40, _, _ =	vpop (xrf0)  }
0x2e8: {  	(v2sf) =	vpush v40, $0xF;
	_ =	sdelay $0xe  }
0x2e9: {  	s15 =	spop (v2sf)  }
0x2ea: {  	v29 =	vmin.f32 @!p6 v29, v30;
	p0 =	slt.s32 s15, $0x1  }
0x2eb: {  	(xrf1) =	vsort.ascd.msk.f32 @!p6 $0xffff, v29, v36;
	v30 =	vlaneseq.u32 @!p0  }
0x2ec: {  	(xrf1) =	vsort.dscd.msk.f32 @!p0 $0xffff, v31, v30;
	_ =	sdelay $0xc  }
0x2ed: {  	v29, _, _ =	vpop @!p6 (xrf1)  }
0x2ee: {  	v31 =	vpsel p6, v37, v29;
	v36, _, _ =	vpop @!p0 (xrf1)  }
0x2ef: {  	v36 =	vmin.f32 @!p0 v31, v36  }
0x2f0: {  	(xrf1) =	vsort.ascd.msk.f32 @!p0 $0xffff, v36, v30  }
0x2f1: {  	(xrf1) =	vsort.dscd.msk.f32 @!p0 $0xffff, v32, v30;
	_ =	sdelay $0xc  }
0x2f2: {  	v32, _, _ =	vpop @!p0 (xrf1)  }
0x2f3: {  	v36, _, _ =	vpop @!p0 (xrf1)  }
0x2f4: {  	v32 =	vmin.f32 @!p0 v32, v36  }
0x2f5: {  	(xrf1) =	vsort.ascd.msk.f32 @!p0 $0xffff, v32, v30  }
0x2f6: {  	(xrf1) =	vsort.dscd.msk.f32 @!p0 $0xffff, v33, v30;
	_ =	sdelay $0xc  }
0x2f7: {  	v32, _, _ =	vpop @!p0 (xrf1)  }
0x2f8: {  	v33, _, _ =	vpop @!p0 (xrf1)  }
0x2f9: {  	v32 =	vmin.f32 @!p0 v32, v33  }
0x2fa: {  	(xrf1) =	vsort.ascd.msk.f32 @!p0 $0xffff, v32, v30  }
0x2fb: {  	(xrf1) =	vsort.dscd.msk.f32 @!p0 $0xffff, v34, v30;
	_ =	sdelay $0xc  }
0x2fc: {  	v32, _, _ =	vpop @!p0 (xrf1)  }
0x2fd: {  	v33, _, _ =	vpop @!p0 (xrf1)  }
0x2fe: {  	v32 =	vmin.f32 @!p0 v32, v33  }
0x2ff: {  	(xrf1) =	vsort.ascd.msk.f32 @!p0 $0xffff, v32, v30  }
0x300: {  	(xrf1) =	vsort.dscd.msk.f32 @!p0 $0xffff, v35, v30;
	_ =	sdelay $0xc  }
0x301: {  	v32, _, _ =	vpop @!p0 (xrf1)  }
0x302: {  	v33, _, _ =	vpop @!p0 (xrf1)  }
0x303: {  	v32 =	vmin.f32 @!p0 v32, v33  }
0x304: {  	(xrf1) =	vsort.ascd.msk.f32 @!p0 $0xffff, v32, v30  }
0x305: {  	(xrf1) =	vsort.dscd.msk.f32 @!p0 $0xffff, v38, v30;
	_ =	sdelay $0xa  }
0x306: {  	v33 =	vld [tilespmem:$0x1D10]  }
0x307: {  	v32 =	vld [tilespmem:$0x1D00]  }
0x308: {  	v35 =	vld [tilespmem:$0x1D20];
	v34, _, _ =	vpop @!p0 (xrf1)  }
0x309: {  	v37 =	vld [tilespmem:$0x1D30];
	v36, _, _ =	vpop @!p0 (xrf1)  }
0x30a: {  	v34 =	vmin.f32 @!p0 v34, v36;
	v36 =	vld [tilespmem:$0x1D40]  }
0x30b: {  	(xrf1) =	vsort.ascd.msk.f32 @!p0 $0xffff, v34, v30;
	v34 =	vld [tilespmem:$0x1D50]  }
0x30c: {  	v38 =	vld [tilespmem:$0x1D60];
	v56 =	vmin.f32 v32, v33;
	(xrf1) =	vsort.dscd.msk.f32 @!p0 $0xffff, v39, v30  }
0x30d: {  	v40 =	vld [tilespmem:$0x1D70];
	v39 =	vmin.f32 v56, v35  }
0x30e: {  	v39 =	vmin.f32 v39, v37  }
0x30f: {  	v39 =	vmin.f32 v39, v36  }
0x310: {  	v39 =	vmin.f32 v39, v34  }
0x311: {  	v39 =	vmin.f32 v39, v38  }
0x312: {  	v39 =	vmin.f32 v39, v40  }
0x313: {  	vm9 =	vle.f32 v39, v28  }
0x314: {  	v39 =	vsel vm9, $0x1, v27  }
0x315: {  	(xrf0) =	vadd.scan.msk.s32 $0xffff, v39;
	_ =	sdelay $0x3  }
0x316: {  	v39, _, _ =	vpop @!p0 (xrf1)  }
0x317: {  	v42, _, _ =	vpop @!p0 (xrf1)  }
0x318: {  	v39 =	vmin.f32 @!p0 v39, v42;
	v57, _, _ =	vpop (xrf0)  }
0x319: {  	(xrf1) =	vsort.ascd.msk.f32 @!p0 $0xffff, v39, v30;
	(v2sf) =	vpush v57, $0xF  }
0x31a: {  	(xrf1) =	vsort.dscd.msk.f32 @!p0 $0xffff, v41, v30;
	_ =	sdelay $0xc  }
0x31b: {  	v39, _, _ =	vpop @!p0 (xrf1)  }
0x31c: {  	v41, _, _ =	vpop @!p0 (xrf1);
	s16 =	spop (v2sf)  }
0x31d: {  	v39 =	vmin.f32 @!p0 v39, v41;
	p1 =	slt.s32 s16, $0x1  }
0x31e: {  	(xrf1) =	vsort.ascd.msk.f32 @!p0 $0xffff, v39, v30;
	v39 =	vlaneseq.u32 @!p1  }
0x31f: {  	(xrf1) =	vsort.dscd.msk.f32 @!p1 $0xffff, v32, v39;
	_ =	sdelay $0xc  }
0x320: {  	v30, _, _ =	vpop @!p0 (xrf1)  }
0x321: {  	v32 =	vpsel p0, v31, v30;
	v31, _, _ =	vpop @!p1 (xrf1)  }
0x322: {  	v31 =	vmin.f32 @!p1 v32, v31  }
0x323: {  	(xrf1) =	vsort.ascd.msk.f32 @!p1 $0xffff, v31, v39  }
0x324: {  	(xrf1) =	vsort.dscd.msk.f32 @!p1 $0xffff, v33, v39;
	_ =	sdelay $0xc  }
0x325: {  	v31, _, _ =	vpop @!p1 (xrf1)  }
0x326: {  	v33, _, _ =	vpop @!p1 (xrf1)  }
0x327: {  	v31 =	vmin.f32 @!p1 v31, v33  }
0x328: {  	(xrf1) =	vsort.ascd.msk.f32 @!p1 $0xffff, v31, v39  }
0x329: {  	(xrf1) =	vsort.dscd.msk.f32 @!p1 $0xffff, v35, v39;
	_ =	sdelay $0xc  }
0x32a: {  	v31, _, _ =	vpop @!p1 (xrf1)  }
0x32b: {  	v33, _, _ =	vpop @!p1 (xrf1)  }
0x32c: {  	v31 =	vmin.f32 @!p1 v31, v33  }
0x32d: {  	(xrf1) =	vsort.ascd.msk.f32 @!p1 $0xffff, v31, v39  }
0x32e: {  	(xrf1) =	vsort.dscd.msk.f32 @!p1 $0xffff, v37, v39;
	_ =	sdelay $0xc  }
0x32f: {  	v31, _, _ =	vpop @!p1 (xrf1)  }
0x330: {  	v33, _, _ =	vpop @!p1 (xrf1)  }
0x331: {  	v31 =	vmin.f32 @!p1 v31, v33  }
0x332: {  	(xrf1) =	vsort.ascd.msk.f32 @!p1 $0xffff, v31, v39  }
0x333: {  	(xrf1) =	vsort.dscd.msk.f32 @!p1 $0xffff, v36, v39;
	_ =	sdelay $0xc  }
0x334: {  	v31, _, _ =	vpop @!p1 (xrf1)  }
0x335: {  	v33, _, _ =	vpop @!p1 (xrf1)  }
0x336: {  	v31 =	vmin.f32 @!p1 v31, v33  }
0x337: {  	(xrf1) =	vsort.ascd.msk.f32 @!p1 $0xffff, v31, v39  }
0x338: {  	(xrf1) =	vsort.dscd.msk.f32 @!p1 $0xffff, v34, v39;
	_ =	sdelay $0xa  }
0x339: {  	v33 =	vld [tilespmem:$0x1D90]  }
0x33a: {  	v31 =	vld [tilespmem:$0x1D80]  }
0x33b: {  	v35 =	vld [tilespmem:$0x1DA0];
	v34, _, _ =	vpop @!p1 (xrf1)  }
0x33c: {  	v37 =	vld [tilespmem:$0x1DB0];
	v36, _, _ =	vpop @!p1 (xrf1)  }
0x33d: {  	v34 =	vmin.f32 @!p1 v34, v36;
	v36 =	vld [tilespmem:$0x1DC0]  }
0x33e: {  	(xrf1) =	vsort.ascd.msk.f32 @!p1 $0xffff, v34, v39;
	v34 =	vld [tilespmem:$0x1DD0]  }
0x33f: {  	v58 =	vmin.f32 v31, v33;
	(xrf1) =	vsort.dscd.msk.f32 @!p1 $0xffff, v38, v39;
	v38 =	vld [tilespmem:$0x1DE0]  }
0x340: {  	v42 =	vld [tilespmem:$0x1DF0];
	v41 =	vmin.f32 v58, v35  }
0x341: {  	v41 =	vmin.f32 v41, v37  }
0x342: {  	v41 =	vmin.f32 v41, v36  }
0x343: {  	v41 =	vmin.f32 v41, v34  }
0x344: {  	v41 =	vmin.f32 v41, v38  }
0x345: {  	v41 =	vmin.f32 v41, v42  }
0x346: {  	vm9 =	vle.f32 v41, v28  }
0x347: {  	v41 =	vsel vm9, $0x1, v27  }
0x348: {  	(xrf0) =	vadd.scan.msk.s32 $0xffff, v41;
	_ =	sdelay $0x3  }
0x349: {  	v41, _, _ =	vpop @!p1 (xrf1)  }
0x34a: {  	v43, _, _ =	vpop @!p1 (xrf1)  }
0x34b: {  	v41 =	vmin.f32 @!p1 v41, v43;
	v59, _, _ =	vpop (xrf0)  }
0x34c: {  	(xrf1) =	vsort.ascd.msk.f32 @!p1 $0xffff, v41, v39;
	(v2sf) =	vpush v59, $0xF  }
0x34d: {  	(xrf1) =	vsort.dscd.msk.f32 @!p1 $0xffff, v40, v39;
	_ =	sdelay $0xb  }
0x34e: {  	s13 =	simm.s32 @!p0 $0x0  }
0x34f: {  	s13 =	simm.s32 @p0 $0x1;
	v40, _, _ =	vpop @!p1 (xrf1)  }
0x350: {  	[smem:$0x7F9] =	sst s13;
	s13 =	simm.s32 @!p1 $0x0;
	v41, _, _ =	vpop @!p1 (xrf1);
	s14 =	spop (v2sf)  }
0x351: {  	s13 =	simm.s32 @p1 $0x1;
	p0 =	por p1, p1;
	v40 =	vmin.f32 @!p1 v40, v41;
	p1 =	slt.s32 s14, $0x1  }
0x352: {  	(xrf1) =	vsort.ascd.msk.f32 @!p0 $0xffff, v40, v39;
	v39 =	vlaneseq.u32 @!p1  }
0x353: {  	(xrf1) =	vsort.dscd.msk.f32 @!p1 $0xffff, v31, v39;
	_ =	sdelay $0xc  }
0x354: {  	v31, _, _ =	vpop @!p0 (xrf1)  }
0x355: {  	v40 =	vpsel p0, v32, v31;
	v32, _, _ =	vpop @!p1 (xrf1)  }
0x356: {  	v32 =	vmin.f32 @!p1 v40, v32  }
0x357: {  	(xrf1) =	vsort.ascd.msk.f32 @!p1 $0xffff, v32, v39  }
0x358: {  	(xrf1) =	vsort.dscd.msk.f32 @!p1 $0xffff, v33, v39;
	_ =	sdelay $0xc  }
0x359: {  	v32, _, _ =	vpop @!p1 (xrf1)  }
0x35a: {  	v33, _, _ =	vpop @!p1 (xrf1)  }
0x35b: {  	v32 =	vmin.f32 @!p1 v32, v33  }
0x35c: {  	(xrf1) =	vsort.ascd.msk.f32 @!p1 $0xffff, v32, v39  }
0x35d: {  	(xrf1) =	vsort.dscd.msk.f32 @!p1 $0xffff, v35, v39;
	_ =	sdelay $0xc  }
0x35e: {  	v32, _, _ =	vpop @!p1 (xrf1)  }
0x35f: {  	v33, _, _ =	vpop @!p1 (xrf1)  }
0x360: {  	v32 =	vmin.f32 @!p1 v32, v33  }
0x361: {  	(xrf1) =	vsort.ascd.msk.f32 @!p1 $0xffff, v32, v39  }
0x362: {  	(xrf1) =	vsort.dscd.msk.f32 @!p1 $0xffff, v37, v39;
	_ =	sdelay $0xc  }
0x363: {  	v32, _, _ =	vpop @!p1 (xrf1)  }
0x364: {  	v33, _, _ =	vpop @!p1 (xrf1)  }
0x365: {  	v32 =	vmin.f32 @!p1 v32, v33  }
0x366: {  	(xrf1) =	vsort.ascd.msk.f32 @!p1 $0xffff, v32, v39  }
0x367: {  	(xrf1) =	vsort.dscd.msk.f32 @!p1 $0xffff, v36, v39;
	_ =	sdelay $0xc  }
0x368: {  	v32, _, _ =	vpop @!p1 (xrf1)  }
0x369: {  	v33, _, _ =	vpop @!p1 (xrf1)  }
0x36a: {  	v32 =	vmin.f32 @!p1 v32, v33  }
0x36b: {  	(xrf1) =	vsort.ascd.msk.f32 @!p1 $0xffff, v32, v39  }
0x36c: {  	(xrf1) =	vsort.dscd.msk.f32 @!p1 $0xffff, v34, v39;
	_ =	sdelay $0xa  }
0x36d: {  	v33 =	vld [tilespmem:$0x1E10]  }
0x36e: {  	v32 =	vld [tilespmem:$0x1E00]  }
0x36f: {  	v35 =	vld [tilespmem:$0x1E20];
	v34, _, _ =	vpop @!p1 (xrf1)  }
0x370: {  	v37 =	vld [tilespmem:$0x1E30];
	v36, _, _ =	vpop @!p1 (xrf1)  }
0x371: {  	v34 =	vmin.f32 @!p1 v34, v36;
	v36 =	vld [tilespmem:$0x1E40]  }
0x372: {  	(xrf1) =	vsort.ascd.msk.f32 @!p1 $0xffff, v34, v39;
	v34 =	vld [tilespmem:$0x1E50]  }
0x373: {  	v60 =	vmin.f32 v32, v33;
	(xrf1) =	vsort.dscd.msk.f32 @!p1 $0xffff, v38, v39;
	v38 =	vld [tilespmem:$0x1E60]  }
0x374: {  	v43 =	vld [tilespmem:$0x1E70];
	v41 =	vmin.f32 v60, v35  }
0x375: {  	v41 =	vmin.f32 v41, v37  }
0x376: {  	v41 =	vmin.f32 v41, v36  }
0x377: {  	v41 =	vmin.f32 v41, v34  }
0x378: {  	v41 =	vmin.f32 v41, v38  }
0x379: {  	v41 =	vmin.f32 v41, v43  }
0x37a: {  	vm9 =	vle.f32 v41, v28  }
0x37b: {  	v41 =	vsel vm9, $0x1, v27  }
0x37c: {  	(xrf0) =	vadd.scan.msk.s32 $0xffff, v41;
	_ =	sdelay $0x3  }
0x37d: {  	v41, _, _ =	vpop @!p1 (xrf1)  }
0x37e: {  	v44, _, _ =	vpop @!p1 (xrf1)  }
0x37f: {  	v41 =	vmin.f32 @!p1 v41, v44;
	v61, _, _ =	vpop (xrf0)  }
0x380: {  	(xrf1) =	vsort.ascd.msk.f32 @!p1 $0xffff, v41, v39;
	(v2sf) =	vpush v61, $0xF  }
0x381: {  	(xrf1) =	vsort.dscd.msk.f32 @!p1 $0xffff, v42, v39;
	_ =	sdelay $0xc  }
0x382: {  	v41, _, _ =	vpop @!p1 (xrf1)  }
0x383: {  	[smem:$0x7FA] =	sst s13;
	s13 =	simm.s32 @!p1 $0x0;
	v42, _, _ =	vpop @!p1 (xrf1);
	s15 =	spop (v2sf)  }
0x384: {  	s13 =	simm.s32 @p1 $0x1;
	p0 =	por p1, p1;
	v41 =	vmin.f32 @!p1 v41, v42;
	p1 =	slt.s32 s15, $0x1  }
0x385: {  	(xrf1) =	vsort.ascd.msk.f32 @!p0 $0xffff, v41, v39;
	v39 =	vlaneseq.u32 @!p1  }
0x386: {  	(xrf1) =	vsort.dscd.msk.f32 @!p1 $0xffff, v32, v39;
	_ =	sdelay $0xc  }
0x387: {  	v32, _, _ =	vpop @!p0 (xrf1)  }
0x388: {  	v40 =	vpsel p0, v40, v32;
	v41, _, _ =	vpop @!p1 (xrf1)  }
0x389: {  	v41 =	vmin.f32 @!p1 v40, v41  }
0x38a: {  	(xrf1) =	vsort.ascd.msk.f32 @!p1 $0xffff, v41, v39  }
0x38b: {  	(xrf1) =	vsort.dscd.msk.f32 @!p1 $0xffff, v33, v39;
	_ =	sdelay $0xc  }
0x38c: {  	v33, _, _ =	vpop @!p1 (xrf1)  }
0x38d: {  	v41, _, _ =	vpop @!p1 (xrf1)  }
0x38e: {  	v33 =	vmin.f32 @!p1 v33, v41  }
0x38f: {  	(xrf1) =	vsort.ascd.msk.f32 @!p1 $0xffff, v33, v39  }
0x390: {  	(xrf1) =	vsort.dscd.msk.f32 @!p1 $0xffff, v35, v39;
	_ =	sdelay $0xc  }
0x391: {  	v33, _, _ =	vpop @!p1 (xrf1)  }
0x392: {  	v35, _, _ =	vpop @!p1 (xrf1)  }
0x393: {  	v33 =	vmin.f32 @!p1 v33, v35  }
0x394: {  	(xrf1) =	vsort.ascd.msk.f32 @!p1 $0xffff, v33, v39  }
0x395: {  	(xrf1) =	vsort.dscd.msk.f32 @!p1 $0xffff, v37, v39;
	_ =	sdelay $0xc  }
0x396: {  	v33, _, _ =	vpop @!p1 (xrf1)  }
0x397: {  	v35, _, _ =	vpop @!p1 (xrf1)  }
0x398: {  	v33 =	vmin.f32 @!p1 v33, v35  }
0x399: {  	(xrf1) =	vsort.ascd.msk.f32 @!p1 $0xffff, v33, v39  }
0x39a: {  	(xrf1) =	vsort.dscd.msk.f32 @!p1 $0xffff, v36, v39;
	_ =	sdelay $0xc  }
0x39b: {  	v33, _, _ =	vpop @!p1 (xrf1)  }
0x39c: {  	v35, _, _ =	vpop @!p1 (xrf1)  }
0x39d: {  	v33 =	vmin.f32 @!p1 v33, v35  }
0x39e: {  	(xrf1) =	vsort.ascd.msk.f32 @!p1 $0xffff, v33, v39  }
0x39f: {  	(xrf1) =	vsort.dscd.msk.f32 @!p1 $0xffff, v34, v39;
	_ =	sdelay $0xa  }
0x3a0: {  	v33 =	vld [tilespmem:$0x1E80]  }
0x3a1: {  	v34 =	vld [tilespmem:$0x1E90]  }
0x3a2: {  	v36 =	vld [tilespmem:$0x1EA0];
	v35, _, _ =	vpop @!p1 (xrf1)  }
0x3a3: {  	v41 =	vld [tilespmem:$0x1EB0];
	v37, _, _ =	vpop @!p1 (xrf1)  }
0x3a4: {  	v35 =	vmin.f32 @!p1 v35, v37;
	v37 =	vld [tilespmem:$0x1EC0]  }
0x3a5: {  	(xrf1) =	vsort.ascd.msk.f32 @!p1 $0xffff, v35, v39;
	v35 =	vld [tilespmem:$0x1ED0]  }
0x3a6: {  	v62 =	vmin.f32 v33, v34;
	(xrf1) =	vsort.dscd.msk.f32 @!p1 $0xffff, v38, v39;
	v38 =	vld [tilespmem:$0x1EE0]  }
0x3a7: {  	v44 =	vld [tilespmem:$0x1EF0];
	v42 =	vmin.f32 v62, v36  }
0x3a8: {  	v42 =	vmin.f32 v42, v41  }
0x3a9: {  	v42 =	vmin.f32 v42, v37  }
0x3aa: {  	v42 =	vmin.f32 v42, v35  }
0x3ab: {  	v42 =	vmin.f32 v42, v38  }
0x3ac: {  	v42 =	vmin.f32 v42, v44  }
0x3ad: {  	vm9 =	vle.f32 v42, v28  }
0x3ae: {  	v42 =	vsel vm9, $0x1, v27  }
0x3af: {  	(xrf0) =	vadd.scan.msk.s32 $0xffff, v42;
	_ =	sdelay $0x3  }
0x3b0: {  	v42, _, _ =	vpop @!p1 (xrf1)  }
0x3b1: {  	v45, _, _ =	vpop @!p1 (xrf1)  }
0x3b2: {  	v42 =	vmin.f32 @!p1 v42, v45;
	v63, _, _ =	vpop (xrf0)  }
0x3b3: {  	(xrf1) =	vsort.ascd.msk.f32 @!p1 $0xffff, v42, v39;
	(v2sf) =	vpush v63, $0xF  }
0x3b4: {  	(xrf1) =	vsort.dscd.msk.f32 @!p1 $0xffff, v43, v39;
	_ =	sdelay $0xc  }
0x3b5: {  	v42, _, _ =	vpop @!p1 (xrf1)  }
0x3b6: {  	[smem:$0x7FB] =	sst s13;
	s13 =	simm.s32 @!p1 $0x0;
	v43, _, _ =	vpop @!p1 (xrf1);
	s16 =	spop (v2sf)  }
0x3b7: {  	s13 =	simm.s32 @p1 $0x1;
	p0 =	por p1, p1;
	v42 =	vmin.f32 @!p1 v42, v43;
	p1 =	slt.s32 s16, $0x1  }
0x3b8: {  	(xrf1) =	vsort.ascd.msk.f32 @!p0 $0xffff, v42, v39;
	v39 =	vlaneseq.u32 @!p1  }
0x3b9: {  	(xrf1) =	vsort.dscd.msk.f32 @!p1 $0xffff, v33, v39;
	_ =	sdelay $0xc  }
0x3ba: {  	v33, _, _ =	vpop @!p0 (xrf1)  }
0x3bb: {  	v40 =	vpsel p0, v40, v33;
	v42, _, _ =	vpop @!p1 (xrf1)  }
0x3bc: {  	v42 =	vmin.f32 @!p1 v40, v42  }
0x3bd: {  	(xrf1) =	vsort.ascd.msk.f32 @!p1 $0xffff, v42, v39  }
0x3be: {  	(xrf1) =	vsort.dscd.msk.f32 @!p1 $0xffff, v34, v39;
	_ =	sdelay $0xc  }
0x3bf: {  	v34, _, _ =	vpop @!p1 (xrf1)  }
0x3c0: {  	v42, _, _ =	vpop @!p1 (xrf1)  }
0x3c1: {  	v34 =	vmin.f32 @!p1 v34, v42  }
0x3c2: {  	(xrf1) =	vsort.ascd.msk.f32 @!p1 $0xffff, v34, v39  }
0x3c3: {  	(xrf1) =	vsort.dscd.msk.f32 @!p1 $0xffff, v36, v39;
	_ =	sdelay $0xc  }
0x3c4: {  	v34, _, _ =	vpop @!p1 (xrf1)  }
0x3c5: {  	v36, _, _ =	vpop @!p1 (xrf1)  }
0x3c6: {  	v34 =	vmin.f32 @!p1 v34, v36  }
0x3c7: {  	(xrf1) =	vsort.ascd.msk.f32 @!p1 $0xffff, v34, v39  }
0x3c8: {  	(xrf1) =	vsort.dscd.msk.f32 @!p1 $0xffff, v41, v39;
	_ =	sdelay $0xc  }
0x3c9: {  	v34, _, _ =	vpop @!p1 (xrf1)  }
0x3ca: {  	v36, _, _ =	vpop @!p1 (xrf1)  }
0x3cb: {  	v34 =	vmin.f32 @!p1 v34, v36  }
0x3cc: {  	(xrf1) =	vsort.ascd.msk.f32 @!p1 $0xffff, v34, v39  }
0x3cd: {  	(xrf1) =	vsort.dscd.msk.f32 @!p1 $0xffff, v37, v39;
	_ =	sdelay $0xc  }
0x3ce: {  	v34, _, _ =	vpop @!p1 (xrf1)  }
0x3cf: {  	v36, _, _ =	vpop @!p1 (xrf1)  }
0x3d0: {  	v34 =	vmin.f32 @!p1 v34, v36  }
0x3d1: {  	(xrf1) =	vsort.ascd.msk.f32 @!p1 $0xffff, v34, v39  }
0x3d2: {  	(xrf1) =	vsort.dscd.msk.f32 @!p1 $0xffff, v35, v39;
	_ =	sdelay $0xa  }
0x3d3: {  	v34 =	vld [tilespmem:$0x1F00]  }
0x3d4: {  	v35 =	vld [tilespmem:$0x1F10]  }
0x3d5: {  	v37 =	vld [tilespmem:$0x1F20];
	v36, _, _ =	vpop @!p1 (xrf1)  }
0x3d6: {  	v42 =	vld [tilespmem:$0x1F30];
	v41, _, _ =	vpop @!p1 (xrf1)  }
0x3d7: {  	v36 =	vmin.f32 @!p1 v36, v41;
	v41 =	vld [tilespmem:$0x1F40]  }
0x3d8: {  	(xrf1) =	vsort.ascd.msk.f32 @!p1 $0xffff, v36, v39;
	v36 =	vld [tilespmem:$0x1F50]  }
0x3d9: {  	v48 =	vmin.f32 v34, v35;
	(xrf1) =	vsort.dscd.msk.f32 @!p1 $0xffff, v38, v39;
	v38 =	vld [tilespmem:$0x1F60]  }
0x3da: {  	v45 =	vld [tilespmem:$0x1F70];
	v43 =	vmin.f32 v48, v37  }
0x3db: {  	v43 =	vmin.f32 v43, v42  }
0x3dc: {  	v43 =	vmin.f32 v43, v41  }
0x3dd: {  	v43 =	vmin.f32 v43, v36  }
0x3de: {  	v43 =	vmin.f32 v43, v38  }
0x3df: {  	v43 =	vmin.f32 v43, v45  }
0x3e0: {  	vm9 =	vle.f32 v43, v28  }
0x3e1: {  	v43 =	vsel vm9, $0x1, v27  }
0x3e2: {  	(xrf0) =	vadd.scan.msk.s32 $0xffff, v43;
	_ =	sdelay $0x3  }
0x3e3: {  	v43, _, _ =	vpop @!p1 (xrf1)  }
0x3e4: {  	v46, _, _ =	vpop @!p1 (xrf1)  }
0x3e5: {  	v43 =	vmin.f32 @!p1 v43, v46;
	v49, _, _ =	vpop (xrf0)  }
0x3e6: {  	(xrf1) =	vsort.ascd.msk.f32 @!p1 $0xffff, v43, v39;
	(v2sf) =	vpush v49, $0xF  }
0x3e7: {  	(xrf1) =	vsort.dscd.msk.f32 @!p1 $0xffff, v44, v39;
	_ =	sdelay $0xc  }
0x3e8: {  	v43, _, _ =	vpop @!p1 (xrf1)  }
0x3e9: {  	v44, _, _ =	vpop @!p1 (xrf1);
	s14 =	spop (v2sf)  }
0x3ea: {  	v43 =	vmin.f32 @!p1 v43, v44;
	p6 =	slt.s32 s14, $0x1  }
0x3eb: {  	(xrf1) =	vsort.ascd.msk.f32 @!p1 $0xffff, v43, v39;
	v39 =	vlaneseq.u32 @!p6  }
0x3ec: {  	(xrf1) =	vsort.dscd.msk.f32 @!p6 $0xffff, v34, v39;
	_ =	sdelay $0xc  }
0x3ed: {  	v34, _, _ =	vpop @!p1 (xrf1)  }
0x3ee: {  	v40 =	vpsel p1, v40, v34;
	v43, _, _ =	vpop @!p6 (xrf1)  }
0x3ef: {  	v43 =	vmin.f32 @!p6 v40, v43  }
0x3f0: {  	(xrf1) =	vsort.ascd.msk.f32 @!p6 $0xffff, v43, v39  }
0x3f1: {  	(xrf1) =	vsort.dscd.msk.f32 @!p6 $0xffff, v35, v39;
	_ =	sdelay $0xc  }
0x3f2: {  	v35, _, _ =	vpop @!p6 (xrf1)  }
0x3f3: {  	v43, _, _ =	vpop @!p6 (xrf1)  }
0x3f4: {  	v35 =	vmin.f32 @!p6 v35, v43  }
0x3f5: {  	(xrf1) =	vsort.ascd.msk.f32 @!p6 $0xffff, v35, v39  }
0x3f6: {  	(xrf1) =	vsort.dscd.msk.f32 @!p6 $0xffff, v37, v39;
	_ =	sdelay $0xc  }
0x3f7: {  	v35, _, _ =	vpop @!p6 (xrf1)  }
0x3f8: {  	v37, _, _ =	vpop @!p6 (xrf1)  }
0x3f9: {  	v35 =	vmin.f32 @!p6 v35, v37  }
0x3fa: {  	(xrf1) =	vsort.ascd.msk.f32 @!p6 $0xffff, v35, v39  }
0x3fb: {  	(xrf1) =	vsort.dscd.msk.f32 @!p6 $0xffff, v42, v39;
	_ =	sdelay $0xc  }
0x3fc: {  	v35, _, _ =	vpop @!p6 (xrf1)  }
0x3fd: {  	v37, _, _ =	vpop @!p6 (xrf1)  }
0x3fe: {  	v35 =	vmin.f32 @!p6 v35, v37  }
0x3ff: {  	(xrf1) =	vsort.ascd.msk.f32 @!p6 $0xffff, v35, v39  }
0x400: {  	(xrf1) =	vsort.dscd.msk.f32 @!p6 $0xffff, v41, v39;
	_ =	sdelay $0xc  }
0x401: {  	v35, _, _ =	vpop @!p6 (xrf1)  }
0x402: {  	v37, _, _ =	vpop @!p6 (xrf1)  }
0x403: {  	v35 =	vmin.f32 @!p6 v35, v37  }
0x404: {  	(xrf1) =	vsort.ascd.msk.f32 @!p6 $0xffff, v35, v39  }
0x405: {  	(xrf1) =	vsort.dscd.msk.f32 @!p6 $0xffff, v36, v39;
	_ =	sdelay $0xa  }
0x406: {  	v35 =	vld [tilespmem:$0x1F80]  }
0x407: {  	v36 =	vld [tilespmem:$0x1F90]  }
0x408: {  	v41 =	vld [tilespmem:$0x1FA0];
	v37, _, _ =	vpop @!p6 (xrf1)  }
0x409: {  	v43 =	vld [tilespmem:$0x1FB0];
	v42, _, _ =	vpop @!p6 (xrf1)  }
0x40a: {  	v37 =	vmin.f32 @!p6 v37, v42;
	v42 =	vld [tilespmem:$0x1FC0]  }
0x40b: {  	(xrf1) =	vsort.ascd.msk.f32 @!p6 $0xffff, v37, v39;
	v37 =	vld [tilespmem:$0x1FD0]  }
0x40c: {  	v50 =	vmin.f32 v35, v36;
	(xrf1) =	vsort.dscd.msk.f32 @!p6 $0xffff, v38, v39;
	v38 =	vld [tilespmem:$0x1FE0]  }
0x40d: {  	v46 =	vld [tilespmem:$0x1FF0];
	v44 =	vmin.f32 v50, v41  }
0x40e: {  	v44 =	vmin.f32 v44, v43  }
0x40f: {  	v44 =	vmin.f32 v44, v42  }
0x410: {  	v44 =	vmin.f32 v44, v37  }
0x411: {  	v44 =	vmin.f32 v44, v38  }
0x412: {  	v44 =	vmin.f32 v44, v46  }
0x413: {  	vm9 =	vle.f32 v44, v28  }
0x414: {  	v44 =	vsel vm9, $0x1, v27  }
0x415: {  	(xrf0) =	vadd.scan.msk.s32 $0xffff, v44;
	_ =	sdelay $0x3  }
0x416: {  	v44, _, _ =	vpop @!p6 (xrf1)  }
0x417: {  	v47, _, _ =	vpop @!p6 (xrf1)  }
0x418: {  	v44 =	vmin.f32 @!p6 v44, v47;
	v51, _, _ =	vpop (xrf0)  }
0x419: {  	(xrf1) =	vsort.ascd.msk.f32 @!p6 $0xffff, v44, v39;
	(v2sf) =	vpush v51, $0xF  }
0x41a: {  	(xrf1) =	vsort.dscd.msk.f32 @!p6 $0xffff, v45, v39;
	_ =	sdelay $0xc  }
0x41b: {  	v44, _, _ =	vpop @!p6 (xrf1)  }
0x41c: {  	v45, _, _ =	vpop @!p6 (xrf1);
	s15 =	spop (v2sf)  }
0x41d: {  	v44 =	vmin.f32 @!p6 v44, v45;
	p4 =	slt.s32 s15, $0x1  }
0x41e: {  	(xrf1) =	vsort.ascd.msk.f32 @!p6 $0xffff, v44, v39;
	v39 =	vlaneseq.u32 @!p4  }
0x41f: {  	(xrf1) =	vsort.dscd.msk.f32 @!p4 $0xffff, v35, v39;
	_ =	sdelay $0xc  }
0x420: {  	v35, _, _ =	vpop @!p6 (xrf1)  }
0x421: {  	v40 =	vpsel p6, v40, v35;
	v44, _, _ =	vpop @!p4 (xrf1)  }
0x422: {  	v44 =	vmin.f32 @!p4 v40, v44  }
0x423: {  	(xrf1) =	vsort.ascd.msk.f32 @!p4 $0xffff, v44, v39  }
0x424: {  	(xrf1) =	vsort.dscd.msk.f32 @!p4 $0xffff, v36, v39;
	_ =	sdelay $0xc  }
0x425: {  	v36, _, _ =	vpop @!p4 (xrf1)  }
0x426: {  	v44, _, _ =	vpop @!p4 (xrf1)  }
0x427: {  	v36 =	vmin.f32 @!p4 v36, v44  }
0x428: {  	(xrf1) =	vsort.ascd.msk.f32 @!p4 $0xffff, v36, v39  }
0x429: {  	(xrf1) =	vsort.dscd.msk.f32 @!p4 $0xffff, v41, v39;
	_ =	sdelay $0xc  }
0x42a: {  	v36, _, _ =	vpop @!p4 (xrf1)  }
0x42b: {  	v41, _, _ =	vpop @!p4 (xrf1)  }
0x42c: {  	v36 =	vmin.f32 @!p4 v36, v41  }
0x42d: {  	(xrf1) =	vsort.ascd.msk.f32 @!p4 $0xffff, v36, v39  }
0x42e: {  	(xrf1) =	vsort.dscd.msk.f32 @!p4 $0xffff, v43, v39;
	_ =	sdelay $0xc  }
0x42f: {  	v36, _, _ =	vpop @!p4 (xrf1)  }
0x430: {  	v41, _, _ =	vpop @!p4 (xrf1)  }
0x431: {  	v36 =	vmin.f32 @!p4 v36, v41  }
0x432: {  	(xrf1) =	vsort.ascd.msk.f32 @!p4 $0xffff, v36, v39  }
0x433: {  	(xrf1) =	vsort.dscd.msk.f32 @!p4 $0xffff, v42, v39;
	_ =	sdelay $0xc  }
0x434: {  	v36, _, _ =	vpop @!p4 (xrf1)  }
0x435: {  	v41, _, _ =	vpop @!p4 (xrf1)  }
0x436: {  	v36 =	vmin.f32 @!p4 v36, v41  }
0x437: {  	(xrf1) =	vsort.ascd.msk.f32 @!p4 $0xffff, v36, v39  }
0x438: {  	(xrf1) =	vsort.dscd.msk.f32 @!p4 $0xffff, v37, v39;
	_ =	sdelay $0xa  }
0x439: {  	v36 =	vld [tilespmem:$0x2000]  }
0x43a: {  	v37 =	vld [tilespmem:$0x2010]  }
0x43b: {  	v42 =	vld [tilespmem:$0x2020];
	v41, _, _ =	vpop @!p4 (xrf1)  }
0x43c: {  	v44 =	vld [tilespmem:$0x2030];
	v43, _, _ =	vpop @!p4 (xrf1)  }
0x43d: {  	v41 =	vmin.f32 @!p4 v41, v43;
	v43 =	vld [tilespmem:$0x2040]  }
0x43e: {  	(xrf1) =	vsort.ascd.msk.f32 @!p4 $0xffff, v41, v39;
	v41 =	vld [tilespmem:$0x2050]  }
0x43f: {  	v52 =	vmin.f32 v36, v37;
	(xrf1) =	vsort.dscd.msk.f32 @!p4 $0xffff, v38, v39;
	v38 =	vld [tilespmem:$0x2060]  }
0x440: {  	v47 =	vld [tilespmem:$0x2070];
	v45 =	vmin.f32 v52, v42  }
0x441: {  	v45 =	vmin.f32 v45, v44  }
0x442: {  	v45 =	vmin.f32 v45, v43  }
0x443: {  	v45 =	vmin.f32 v45, v41  }
0x444: {  	v45 =	vmin.f32 v45, v38  }
0x445: {  	v45 =	vmin.f32 v45, v47  }
0x446: {  	vm9 =	vle.f32 v45, v28  }
0x447: {  	v45 =	vsel vm9, $0x1, v27  }
0x448: {  	(xrf0) =	vadd.scan.msk.s32 $0xffff, v45;
	_ =	sdelay $0x3  }
0x449: {  	v45, _, _ =	vpop @!p4 (xrf1)  }
0x44a: {  	v48, _, _ =	vpop @!p4 (xrf1)  }
0x44b: {  	v45 =	vmin.f32 @!p4 v45, v48;
	v53, _, _ =	vpop (xrf0)  }
0x44c: {  	(xrf1) =	vsort.ascd.msk.f32 @!p4 $0xffff, v45, v39;
	(v2sf) =	vpush v53, $0xF  }
0x44d: {  	(xrf1) =	vsort.dscd.msk.f32 @!p4 $0xffff, v46, v39;
	_ =	sdelay $0xc  }
0x44e: {  	v45, _, _ =	vpop @!p4 (xrf1)  }
0x44f: {  	v46, _, _ =	vpop @!p4 (xrf1);
	s16 =	spop (v2sf)  }
0x450: {  	v45 =	vmin.f32 @!p4 v45, v46;
	p3 =	slt.s32 s16, $0x1  }
0x451: {  	(xrf1) =	vsort.ascd.msk.f32 @!p4 $0xffff, v45, v39;
	v39 =	vlaneseq.u32 @!p3  }
0x452: {  	(xrf1) =	vsort.dscd.msk.f32 @!p3 $0xffff, v36, v39;
	_ =	sdelay $0xc  }
0x453: {  	v36, _, _ =	vpop @!p4 (xrf1)  }
0x454: {  	v40 =	vpsel p4, v40, v36;
	v45, _, _ =	vpop @!p3 (xrf1)  }
0x455: {  	v45 =	vmin.f32 @!p3 v40, v45  }
0x456: {  	(xrf1) =	vsort.ascd.msk.f32 @!p3 $0xffff, v45, v39  }
0x457: {  	(xrf1) =	vsort.dscd.msk.f32 @!p3 $0xffff, v37, v39;
	_ =	sdelay $0xc  }
0x458: {  	v37, _, _ =	vpop @!p3 (xrf1)  }
0x459: {  	v45, _, _ =	vpop @!p3 (xrf1)  }
0x45a: {  	v37 =	vmin.f32 @!p3 v37, v45  }
0x45b: {  	(xrf1) =	vsort.ascd.msk.f32 @!p3 $0xffff, v37, v39  }
0x45c: {  	(xrf1) =	vsort.dscd.msk.f32 @!p3 $0xffff, v42, v39;
	_ =	sdelay $0xc  }
0x45d: {  	v37, _, _ =	vpop @!p3 (xrf1)  }
0x45e: {  	v42, _, _ =	vpop @!p3 (xrf1)  }
0x45f: {  	v37 =	vmin.f32 @!p3 v37, v42  }
0x460: {  	(xrf1) =	vsort.ascd.msk.f32 @!p3 $0xffff, v37, v39  }
0x461: {  	(xrf1) =	vsort.dscd.msk.f32 @!p3 $0xffff, v44, v39;
	_ =	sdelay $0xc  }
0x462: {  	v37, _, _ =	vpop @!p3 (xrf1)  }
0x463: {  	v42, _, _ =	vpop @!p3 (xrf1)  }
0x464: {  	v37 =	vmin.f32 @!p3 v37, v42  }
0x465: {  	(xrf1) =	vsort.ascd.msk.f32 @!p3 $0xffff, v37, v39  }
0x466: {  	(xrf1) =	vsort.dscd.msk.f32 @!p3 $0xffff, v43, v39;
	_ =	sdelay $0xc  }
0x467: {  	v37, _, _ =	vpop @!p3 (xrf1)  }
0x468: {  	v42, _, _ =	vpop @!p3 (xrf1)  }
0x469: {  	v37 =	vmin.f32 @!p3 v37, v42  }
0x46a: {  	(xrf1) =	vsort.ascd.msk.f32 @!p3 $0xffff, v37, v39  }
0x46b: {  	(xrf1) =	vsort.dscd.msk.f32 @!p3 $0xffff, v41, v39;
	_ =	sdelay $0xa  }
0x46c: {  	v37 =	vld [tilespmem:$0x2080]  }
0x46d: {  	v41 =	vld [tilespmem:$0x2090]  }
0x46e: {  	v43 =	vld [tilespmem:$0x20A0];
	v42, _, _ =	vpop @!p3 (xrf1)  }
0x46f: {  	v45 =	vld [tilespmem:$0x20B0];
	v44, _, _ =	vpop @!p3 (xrf1)  }
0x470: {  	v42 =	vmin.f32 @!p3 v42, v44;
	v44 =	vld [tilespmem:$0x20C0]  }
0x471: {  	(xrf1) =	vsort.ascd.msk.f32 @!p3 $0xffff, v42, v39;
	v42 =	vld [tilespmem:$0x20D0]  }
0x472: {  	v54 =	vmin.f32 v37, v41;
	(xrf1) =	vsort.dscd.msk.f32 @!p3 $0xffff, v38, v39;
	v38 =	vld [tilespmem:$0x20E0]  }
0x473: {  	v48 =	vld [tilespmem:$0x20F0];
	v46 =	vmin.f32 v54, v43  }
0x474: {  	v46 =	vmin.f32 v46, v45  }
0x475: {  	v46 =	vmin.f32 v46, v44  }
0x476: {  	v46 =	vmin.f32 v46, v42  }
0x477: {  	v46 =	vmin.f32 v46, v38  }
0x478: {  	v46 =	vmin.f32 v46, v48  }
0x479: {  	vm9 =	vle.f32 v46, v28  }
0x47a: {  	v46 =	vsel vm9, $0x1, v27  }
0x47b: {  	(xrf0) =	vadd.scan.msk.s32 $0xffff, v46;
	_ =	sdelay $0x3  }
0x47c: {  	v46, _, _ =	vpop @!p3 (xrf1)  }
0x47d: {  	v49, _, _ =	vpop @!p3 (xrf1)  }
0x47e: {  	v46 =	vmin.f32 @!p3 v46, v49;
	v55, _, _ =	vpop (xrf0)  }
0x47f: {  	(xrf1) =	vsort.ascd.msk.f32 @!p3 $0xffff, v46, v39;
	(v2sf) =	vpush v55, $0xF  }
0x480: {  	(xrf1) =	vsort.dscd.msk.f32 @!p3 $0xffff, v47, v39;
	_ =	sdelay $0xc  }
0x481: {  	v46, _, _ =	vpop @!p3 (xrf1)  }
0x482: {  	v47, _, _ =	vpop @!p3 (xrf1);
	s14 =	spop (v2sf)  }
0x483: {  	v46 =	vmin.f32 @!p3 v46, v47;
	p2 =	slt.s32 s14, $0x1  }
0x484: {  	(xrf1) =	vsort.ascd.msk.f32 @!p3 $0xffff, v46, v39;
	v39 =	vlaneseq.u32 @!p2  }
0x485: {  	(xrf1) =	vsort.dscd.msk.f32 @!p2 $0xffff, v37, v39;
	_ =	sdelay $0xc  }
0x486: {  	v37, _, _ =	vpop @!p3 (xrf1)  }
0x487: {  	v40 =	vpsel p3, v40, v37;
	v46, _, _ =	vpop @!p2 (xrf1)  }
0x488: {  	v46 =	vmin.f32 @!p2 v40, v46  }
0x489: {  	(xrf1) =	vsort.ascd.msk.f32 @!p2 $0xffff, v46, v39  }
0x48a: {  	(xrf1) =	vsort.dscd.msk.f32 @!p2 $0xffff, v41, v39;
	_ =	sdelay $0xc  }
0x48b: {  	v41, _, _ =	vpop @!p2 (xrf1)  }
0x48c: {  	v46, _, _ =	vpop @!p2 (xrf1)  }
0x48d: {  	v41 =	vmin.f32 @!p2 v41, v46  }
0x48e: {  	(xrf1) =	vsort.ascd.msk.f32 @!p2 $0xffff, v41, v39  }
0x48f: {  	(xrf1) =	vsort.dscd.msk.f32 @!p2 $0xffff, v43, v39;
	_ =	sdelay $0xc  }
0x490: {  	v41, _, _ =	vpop @!p2 (xrf1)  }
0x491: {  	v43, _, _ =	vpop @!p2 (xrf1)  }
0x492: {  	v41 =	vmin.f32 @!p2 v41, v43  }
0x493: {  	(xrf1) =	vsort.ascd.msk.f32 @!p2 $0xffff, v41, v39  }
0x494: {  	(xrf1) =	vsort.dscd.msk.f32 @!p2 $0xffff, v45, v39;
	_ =	sdelay $0xc  }
0x495: {  	v41, _, _ =	vpop @!p2 (xrf1)  }
0x496: {  	v43, _, _ =	vpop @!p2 (xrf1)  }
0x497: {  	v41 =	vmin.f32 @!p2 v41, v43  }
0x498: {  	(xrf1) =	vsort.ascd.msk.f32 @!p2 $0xffff, v41, v39  }
0x499: {  	(xrf1) =	vsort.dscd.msk.f32 @!p2 $0xffff, v44, v39;
	_ =	sdelay $0xc  }
0x49a: {  	v41, _, _ =	vpop @!p2 (xrf1)  }
0x49b: {  	v43, _, _ =	vpop @!p2 (xrf1)  }
0x49c: {  	v41 =	vmin.f32 @!p2 v41, v43  }
0x49d: {  	(xrf1) =	vsort.ascd.msk.f32 @!p2 $0xffff, v41, v39  }
0x49e: {  	(xrf1) =	vsort.dscd.msk.f32 @!p2 $0xffff, v42, v39;
	_ =	sdelay $0xa  }
0x49f: {  	v41 =	vld [tilespmem:$0x2100]  }
0x4a0: {  	v42 =	vld [tilespmem:$0x2110]  }
0x4a1: {  	v44 =	vld [tilespmem:$0x2120];
	v43, _, _ =	vpop @!p2 (xrf1)  }
0x4a2: {  	v46 =	vld [tilespmem:$0x2130];
	v45, _, _ =	vpop @!p2 (xrf1)  }
0x4a3: {  	v43 =	vmin.f32 @!p2 v43, v45;
	v45 =	vld [tilespmem:$0x2140]  }
0x4a4: {  	(xrf1) =	vsort.ascd.msk.f32 @!p2 $0xffff, v43, v39;
	v43 =	vld [tilespmem:$0x2150]  }
0x4a5: {  	v47 =	vld [tilespmem:$0x2160];
	v56 =	vmin.f32 v41, v42;
	(xrf1) =	vsort.dscd.msk.f32 @!p2 $0xffff, v38, v39  }
0x4a6: {  	v49 =	vld [tilespmem:$0x2170];
	v38 =	vmin.f32 v56, v44  }
0x4a7: {  	v38 =	vmin.f32 v38, v46  }
0x4a8: {  	v38 =	vmin.f32 v38, v45  }
0x4a9: {  	v38 =	vmin.f32 v38, v43  }
0x4aa: {  	v38 =	vmin.f32 v38, v47  }
0x4ab: {  	v38 =	vmin.f32 v38, v49  }
0x4ac: {  	vm9 =	vle.f32 v38, v28  }
0x4ad: {  	v38 =	vsel vm9, $0x1, v27  }
0x4ae: {  	(xrf0) =	vadd.scan.msk.s32 $0xffff, v38;
	_ =	sdelay $0x3  }
0x4af: {  	v38, _, _ =	vpop @!p2 (xrf1)  }
0x4b0: {  	v50, _, _ =	vpop @!p2 (xrf1)  }
0x4b1: {  	v38 =	vmin.f32 @!p2 v38, v50;
	v57, _, _ =	vpop (xrf0)  }
0x4b2: {  	(xrf1) =	vsort.ascd.msk.f32 @!p2 $0xffff, v38, v39;
	(v2sf) =	vpush v57, $0xF  }
0x4b3: {  	(xrf1) =	vsort.dscd.msk.f32 @!p2 $0xffff, v48, v39;
	_ =	sdelay $0xc  }
0x4b4: {  	v38, _, _ =	vpop @!p2 (xrf1)  }
0x4b5: {  	[smem:$0x7FC] =	sst s13;
	s13 =	simm.s32 @!p1 $0x0;
	v48, _, _ =	vpop @!p2 (xrf1);
	s15 =	spop (v2sf)  }
0x4b6: {  	s13 =	simm.s32 @p1 $0x1;
	v38 =	vmin.f32 @!p2 v38, v48;
	p1 =	slt.s32 s15, $0x1  }
0x4b7: {  	(xrf1) =	vsort.ascd.msk.f32 @!p2 $0xffff, v38, v39;
	v39 =	vlaneseq.u32 @!p1  }
0x4b8: {  	(xrf1) =	vsort.dscd.msk.f32 @!p1 $0xffff, v41, v39;
	_ =	sdelay $0xc  }
0x4b9: {  	v38, _, _ =	vpop @!p2 (xrf1)  }
0x4ba: {  	v40 =	vpsel p2, v40, v38;
	v41, _, _ =	vpop @!p1 (xrf1)  }
0x4bb: {  	v41 =	vmin.f32 @!p1 v40, v41  }
0x4bc: {  	(xrf1) =	vsort.ascd.msk.f32 @!p1 $0xffff, v41, v39  }
0x4bd: {  	(xrf1) =	vsort.dscd.msk.f32 @!p1 $0xffff, v42, v39;
	_ =	sdelay $0xc  }
0x4be: {  	v41, _, _ =	vpop @!p1 (xrf1)  }
0x4bf: {  	v42, _, _ =	vpop @!p1 (xrf1)  }
0x4c0: {  	v41 =	vmin.f32 @!p1 v41, v42  }
0x4c1: {  	(xrf1) =	vsort.ascd.msk.f32 @!p1 $0xffff, v41, v39  }
0x4c2: {  	(xrf1) =	vsort.dscd.msk.f32 @!p1 $0xffff, v44, v39;
	_ =	sdelay $0xc  }
0x4c3: {  	v41, _, _ =	vpop @!p1 (xrf1)  }
0x4c4: {  	v42, _, _ =	vpop @!p1 (xrf1)  }
0x4c5: {  	v41 =	vmin.f32 @!p1 v41, v42  }
0x4c6: {  	(xrf1) =	vsort.ascd.msk.f32 @!p1 $0xffff, v41, v39  }
0x4c7: {  	(xrf1) =	vsort.dscd.msk.f32 @!p1 $0xffff, v46, v39;
	_ =	sdelay $0xc  }
0x4c8: {  	v41, _, _ =	vpop @!p1 (xrf1)  }
0x4c9: {  	v42, _, _ =	vpop @!p1 (xrf1)  }
0x4ca: {  	v41 =	vmin.f32 @!p1 v41, v42  }
0x4cb: {  	(xrf1) =	vsort.ascd.msk.f32 @!p1 $0xffff, v41, v39  }
0x4cc: {  	(xrf1) =	vsort.dscd.msk.f32 @!p1 $0xffff, v45, v39;
	_ =	sdelay $0xc  }
0x4cd: {  	v41, _, _ =	vpop @!p1 (xrf1)  }
0x4ce: {  	v42, _, _ =	vpop @!p1 (xrf1)  }
0x4cf: {  	v41 =	vmin.f32 @!p1 v41, v42  }
0x4d0: {  	(xrf1) =	vsort.ascd.msk.f32 @!p1 $0xffff, v41, v39  }
0x4d1: {  	(xrf1) =	vsort.dscd.msk.f32 @!p1 $0xffff, v43, v39;
	_ =	sdelay $0xa  }
0x4d2: {  	v42 =	vld [tilespmem:$0x2190]  }
0x4d3: {  	v41 =	vld [tilespmem:$0x2180]  }
0x4d4: {  	v44 =	vld [tilespmem:$0x21A0];
	v43, _, _ =	vpop @!p1 (xrf1)  }
0x4d5: {  	v46 =	vld [tilespmem:$0x21B0];
	v45, _, _ =	vpop @!p1 (xrf1)  }
0x4d6: {  	v43 =	vmin.f32 @!p1 v43, v45;
	v45 =	vld [tilespmem:$0x21C0]  }
0x4d7: {  	(xrf1) =	vsort.ascd.msk.f32 @!p1 $0xffff, v43, v39;
	v43 =	vld [tilespmem:$0x21D0]  }
0x4d8: {  	v58 =	vmin.f32 v41, v42;
	(xrf1) =	vsort.dscd.msk.f32 @!p1 $0xffff, v47, v39;
	v47 =	vld [tilespmem:$0x21E0]  }
0x4d9: {  	v50 =	vld [tilespmem:$0x21F0];
	v48 =	vmin.f32 v58, v44  }
0x4da: {  	v48 =	vmin.f32 v48, v46  }
0x4db: {  	v48 =	vmin.f32 v48, v45  }
0x4dc: {  	v48 =	vmin.f32 v48, v43  }
0x4dd: {  	v48 =	vmin.f32 v48, v47  }
0x4de: {  	v48 =	vmin.f32 v48, v50  }
0x4df: {  	vm9 =	vle.f32 v48, v28  }
0x4e0: {  	v28 =	vsel vm9, $0x1, v27  }
0x4e1: {  	(xrf0) =	vadd.scan.msk.s32 $0xffff, v28;
	_ =	sdelay $0x3  }
0x4e2: {  	v28, _, _ =	vpop @!p1 (xrf1)  }
0x4e3: {  	v48, _, _ =	vpop @!p1 (xrf1)  }
0x4e4: {  	v28 =	vmin.f32 @!p1 v28, v48;
	v59, _, _ =	vpop (xrf0)  }
0x4e5: {  	(xrf1) =	vsort.ascd.msk.f32 @!p1 $0xffff, v28, v39;
	(v2sf) =	vpush v59, $0xF  }
0x4e6: {  	(xrf1) =	vsort.dscd.msk.f32 @!p1 $0xffff, v49, v39;
	_ =	sdelay $0xc  }
0x4e7: {  	v28, _, _ =	vpop @!p1 (xrf1)  }
0x4e8: {  	v48, _, _ =	vpop @!p1 (xrf1);
	s16 =	spop (v2sf)  }
0x4e9: {  	v28 =	vmin.f32 @!p1 v28, v48;
	p0 =	slt.s32 s16, $0x1  }
0x4ea: {  	(xrf1) =	vsort.ascd.msk.f32 @!p1 $0xffff, v28, v39;
	v28 =	vlaneseq.u32 @!p0  }
0x4eb: {  	(xrf1) =	vsort.dscd.msk.f32 @!p0 $0xffff, v41, v28;
	_ =	sdelay $0xc  }
0x4ec: {  	v39, _, _ =	vpop @!p1 (xrf1)  }
0x4ed: {  	v40 =	vpsel p1, v40, v39;
	v41, _, _ =	vpop @!p0 (xrf1)  }
0x4ee: {  	v41 =	vmin.f32 @!p0 v40, v41  }
0x4ef: {  	(xrf1) =	vsort.ascd.msk.f32 @!p0 $0xffff, v41, v28  }
0x4f0: {  	(xrf1) =	vsort.dscd.msk.f32 @!p0 $0xffff, v42, v28;
	_ =	sdelay $0xc  }
0x4f1: {  	v41, _, _ =	vpop @!p0 (xrf1)  }
0x4f2: {  	v42, _, _ =	vpop @!p0 (xrf1)  }
0x4f3: {  	v41 =	vmin.f32 @!p0 v41, v42  }
0x4f4: {  	(xrf1) =	vsort.ascd.msk.f32 @!p0 $0xffff, v41, v28  }
0x4f5: {  	(xrf1) =	vsort.dscd.msk.f32 @!p0 $0xffff, v44, v28;
	_ =	sdelay $0xc  }
0x4f6: {  	v41, _, _ =	vpop @!p0 (xrf1)  }
0x4f7: {  	v42, _, _ =	vpop @!p0 (xrf1)  }
0x4f8: {  	v41 =	vmin.f32 @!p0 v41, v42  }
0x4f9: {  	(xrf1) =	vsort.ascd.msk.f32 @!p0 $0xffff, v41, v28  }
0x4fa: {  	(xrf1) =	vsort.dscd.msk.f32 @!p0 $0xffff, v46, v28;
	_ =	sdelay $0xc  }
0x4fb: {  	v41, _, _ =	vpop @!p0 (xrf1)  }
0x4fc: {  	v42, _, _ =	vpop @!p0 (xrf1)  }
0x4fd: {  	v41 =	vmin.f32 @!p0 v41, v42  }
0x4fe: {  	(xrf1) =	vsort.ascd.msk.f32 @!p0 $0xffff, v41, v28  }
0x4ff: {  	(xrf1) =	vsort.dscd.msk.f32 @!p0 $0xffff, v45, v28;
	_ =	sdelay $0xc  }
0x500: {  	v41, _, _ =	vpop @!p0 (xrf1)  }
0x501: {  	v42, _, _ =	vpop @!p0 (xrf1)  }
0x502: {  	v41 =	vmin.f32 @!p0 v41, v42  }
0x503: {  	(xrf1) =	vsort.ascd.msk.f32 @!p0 $0xffff, v41, v28  }
0x504: {  	(xrf1) =	vsort.dscd.msk.f32 @!p0 $0xffff, v43, v28;
	_ =	sdelay $0xc  }
0x505: {  	v41, _, _ =	vpop @!p0 (xrf1)  }
0x506: {  	v42, _, _ =	vpop @!p0 (xrf1)  }
0x507: {  	v41 =	vmin.f32 @!p0 v41, v42  }
0x508: {  	(xrf1) =	vsort.ascd.msk.f32 @!p0 $0xffff, v41, v28  }
0x509: {  	(xrf1) =	vsort.dscd.msk.f32 @!p0 $0xffff, v47, v28;
	_ =	sdelay $0xc  }
0x50a: {  	v41, _, _ =	vpop @!p0 (xrf1)  }
0x50b: {  	v42, _, _ =	vpop @!p0 (xrf1)  }
0x50c: {  	v41 =	vmin.f32 @!p0 v41, v42  }
0x50d: {  	(xrf1) =	vsort.ascd.msk.f32 @!p0 $0xffff, v41, v28  }
0x50e: {  	(xrf1) =	vsort.dscd.msk.f32 @!p0 $0xffff, v50, v28;
	_ =	sdelay $0xc  }
0x50f: {  	v41, _, _ =	vpop @!p0 (xrf1)  }
0x510: {  	v42, _, _ =	vpop @!p0 (xrf1)  }
0x511: {  	v41 =	vmin.f32 @!p0 v41, v42  }
0x512: {  	(xrf1) =	vsort.ascd.msk.f32 @!p0 $0xffff, v41, v28;
	_ =	sdelay $0xd  }
0x513: {  	v28, _, _ =	vpop @!p0 (xrf1)  }
0x514: {  	v40 =	vpsel p0, v40, v28  }
0x515: {  	v40 =	vmax.f32 v40, $9.999999960e-13  }
0x516: {  	v60 =	vshrl.u32 v40, $0x1;
	v61 =	vmul.f32 $5.000000000e-01, v40  }
0x517: {  	v41 =	vsub.s32 $0x5F3759DF, v60  }
0x518: {  	v62 =	vmul.f32 v41, v61;
	_ =	sdelay $0x1  }
0x519: {  	v43 =	vmul.f32 v41, v62;
	_ =	sdelay $0x1  }
0x51a: {  	v43 =	vsub.f32 $1.500000000e+00, v43  }
0x51b: {  	[smem:$0x7FD] =	sst s13  }
0x51c: {  	s14 =	sld [smem:$0x7F8];
	v41 =	vmul.f32 v41, v43  }
0x51d: {  	s15 =	sld [smem:$0x7F9]  }
0x51e: {  	s16 =	sld [smem:$0x7FA];
	v43 =	vmul.f32 v41, v61  }
0x51f: {  	p5 =	seq.s32 s14, $0x1;
	s14 =	sld [smem:$0x7FB]  }
0x520: {  	[tilespmem:$0x2300] =	vst @!p5 v29;
	p5 =	seq.s32 s15, $0x1;
	s15 =	sld [smem:$0x7FC];
	v43 =	vmul.f32 v43, v41  }
0x521: {  	[tilespmem:$0x2300] =	vst @!p5 v30;
	p5 =	seq.s32 s16, $0x1;
	s16 =	sld [smem:$0x7FD]  }
0x522: {  	[tilespmem:$0x2300] =	vst @!p5 v31;
	p5 =	seq.s32 s14, $0x1;
	v43 =	vsub.f32 $1.500000000e+00, v43  }
0x523: {  	[tilespmem:$0x2300] =	vst @!p5 v32;
	p5 =	seq.s32 s15, $0x1  }
0x524: {  	[tilespmem:$0x2300] =	vst @!p5 v33;
	p5 =	seq.s32 s16, $0x1;
	v29 =	vmul.f32 v43, v41  }
0x525: {  	[tilespmem:$0x2300] =	vst @!p5 v34  }
0x526: {  	[tilespmem:$0x2300] =	vst @!p6 v35;
	v63 =	vmul.f32 v29, v61  }
0x527: {  	[tilespmem:$0x2300] =	vst @!p4 v36  }
0x528: {  	[tilespmem:$0x2300] =	vst @!p3 v37;
	v30 =	vmul.f32 v63, v29  }
0x529: {  	[tilespmem:$0x2300] =	vst @!p2 v38  }
0x52a: {  	s12 =	sadd.s32 $0x10, s12;
	[tilespmem:$0x2300] =	vst @!p1 v39;
	v30 =	vsub.f32 $1.500000000e+00, v30  }
0x52b: {  	[tilespmem:$0x2300] =	vst @!p0 v28;
	p0 =	sne.s32 s12, $0x100  }
.Ltmp0:
0x52c: {  	v29 =	vmul.f32 v30, v29;
	(pc) =	sbr.rel @p0 .LBB2_2-.Ltmp0, $4  }
0x52d: {  	_ = 	snop  }
0x52e: {  	v29 =	vmul.f32 v29, v40  }
0x52f: {  	s10 =	sadd.s32 $0x10, s10  }
0x530: {  	s21 =	sadd.s32 $0x1, s21;
	s11 =	sadd.s32 $0x80, s11;
	[tilespmem:s8+$0x0] =	vst v29;
	s8 =	sadd.s32 $0x10, s8  }
0x531: {  	s7 =	sadd.s32 $0x1, s7  }
0x532: {  	p0 =	sne.s32 s7, s0  }
.Ltmp1:
0x533: {  	s8 =	simm.s32 $0x2200;
	(pc) =	sbr.rel @p0 .LBB2_1-.Ltmp1, $4  }
0x534: {  	[hbm4b:s20+s2] =	stream.linear.scatter [tilespmem:s8], [sflag:$0x2], $0x100, $0x38;
	[tilespmem:$0x2380] =	vst v63  }
0x535: {  	_ =	swait.ge [sflag:s6], $0x100  }
0x536: {  	[sflag:s6] =	ssyncset.done $0x0  }
0x537: {  	[sflag:s6] =	ssyncadd.s32 $0xFFFFFF00  }
0x538: {  	_ =	sfence.sel $0x180000  }
0x539: {  	[bflag:$0x0] =	sbarrier.arrive $0xFFFF  }
0x53a: {  	_ =	strace $0x90000047  }
0x53b: {  	s0 =	stileid.u32;
	[bflag:$0x2] =	sbarrier.arrive $0xFFFF  }
0x53c: {  	p0 =	sne.s32 s0, $0x0;
	s0 =	rddreg [dreg:$0x2]  }
0x53d: {  	s0 =	sadd.s32 @!p0 $0x100000, s0  }
0x53e: {  	[sflag:s0] =	ssyncadd.tile.s32 @!p0 $0x1;
	_ =	shalt  }
.Lfunc_end2:
_tile_overlayer_lowered:
.L_overlay_start_2:
0x53f: {  	(tag) =	ssettag $0x2  }
0x540: {  	s0 =	rddreg [dreg:$0x0];
	s2 =	stileid.u32  }
0x541: {  	s1 =	rddreg [dreg:$0x1];
	p0 =	sne.s32 s2, $0x0  }
0x542: {  	s3 =	rddreg [dreg:$0x2];
	[bflag:$0x3] =	sbarrier.arrive $0xFFFF;
	s2 =	simm.s32 @!p0 $0x1C02  }
0x543: {  	[timem:s3], [sflag:s2] =	dma.local @!p0 [hbm:s0], s1  }
0x544: {  	s0 =	simm.s32 @!p0 $0x2  }
0x545: {  	_ =	swait.ge @!p0 [sflag:s0], s1  }
0x546: {  	s1 =	ssub.s32 @!p0 $0x0, s1;
	[sflag:s0] =	ssyncset.done @!p0 $0x0  }
0x547: {  	[sflag:s0] =	ssyncadd.s32 @!p0 s1  }
0x548: {  	[bflag:$0x3] =	sbarrier.arrive $0xFFFF  }
0x549: {  	_ =	shalt  }

</sc_bundles>
